<compile_context>
chip_gen: v7x
topology: tpu7x:2x2x1
jax: 0.10.2.dev20260603
libtpu: 0.0.44.dev20260713+nightly
codegen_flags: <defaults>
</compile_context>

<pallas_src>
import functools

import jax
import jax.numpy as jnp
from jax import lax
from jax.experimental import pallas as pl
from jax.experimental.pallas import tpu as pltpu
from jax.experimental.pallas import tpu_sc as plsc

NC = 2
NS = 16
NW = NC * NS
CHUNK = 64
NBUF = 5



def _relu_body(x_ref, o_ref):
    o_ref[...] = jnp.maximum(x_ref[...], 0.0)


def _row_block(n):
    for b in (1000, 800, 512, 400, 256, 200, 128, 80, 40, 8):
        if n % b == 0:
            return b
    return n


@functools.lru_cache(maxsize=None)
def _make_relu(n, d):
    rb = _row_block(n)
    return pl.pallas_call(
        _relu_body,
        grid=(n // rb,),
        in_specs=[pl.BlockSpec((rb, d), lambda i: (i, 0))],
        out_specs=pl.BlockSpec((rb, d), lambda i: (i, 0)),
        out_shape=jax.ShapeDtypeStruct((n, d), jnp.float32),
    )


def _mlp_body(x_ref, p0_ref, p1_ref, w_ref, b_ref, o_ref, *, scale):
    h = x_ref[...] + p0_ref[0] + p1_ref[0]
    acc = jnp.dot(h, w_ref[...], preferred_element_type=jnp.float32)
    acc = scale * (acc + b_ref[...])
    o_ref[...] = jnp.maximum(acc, 0.0)


@functools.lru_cache(maxsize=None)
def _make_mlp(n, npad, d, scale):
    rb = _row_block(n)
    return pl.pallas_call(
        functools.partial(_mlp_body, scale=scale),
        grid=(n // rb,),
        in_specs=[
            pl.BlockSpec((rb, d), lambda i: (i, 0)),
            pl.BlockSpec((1, rb, d), lambda i: (0, i, 0)),
            pl.BlockSpec((1, rb, d), lambda i: (1, i, 0)),
            pl.BlockSpec((d, d), lambda i: (0, 0)),
            pl.BlockSpec((1, d), lambda i: (0, 0)),
        ],
        out_specs=pl.BlockSpec((rb, d), lambda i: (i, 0)),
        out_shape=jax.ShapeDtypeStruct((n, d), jnp.float32),
    )



G = 10


@functools.lru_cache(maxsize=None)
def _make_sc_scatter(n, npad, d, c):
    rows_per_tile = npad // NS
    nslab = c // G
    npair = nslab // 2
    mesh = plsc.VectorSubcoreMesh(core_axis_name="c", subcore_axis_name="s")

    @functools.partial(
        pl.kernel,
        out_type=jax.ShapeDtypeStruct((NC, npad, d), jnp.float32),
        mesh=mesh,
        scratch_types=(
            [pltpu.VMEM((G, CHUNK), jnp.int32),
             pltpu.VMEM((G, CHUNK), jnp.int32),
             pltpu.VMEM((G, CHUNK), jnp.int32),
             pltpu.VMEM((G, CHUNK), jnp.int32),
             pltpu.VMEM_SHARED((npad, d), jnp.float32)]
            + [pltpu.VMEM((CHUNK, d), jnp.float32) for _ in range(NBUF)]
            + [pltpu.SemaphoreType.DMA for _ in range(NBUF)]
            + [pltpu.SemaphoreType.DMA, pltpu.SemaphoreType.DMA]
        ),
    )
    def sc_scatter(r_hbm, src_hbm, dst_hbm, zeros_hbm, out_hbm,
                   sa_src, sa_dst, sb_src, sb_dst, agg_sh, *bufs_and_sems):
        rows = bufs_and_sems[:NBUF]
        gsem = bufs_and_sems[NBUF:2 * NBUF]
        isem = bufs_and_sems[2 * NBUF:]
        srcs = (sa_src, sb_src)
        dsts = (sa_dst, sb_dst)
        cid = lax.axis_index("c")
        sid = lax.axis_index("s")
        wid = cid * NS + sid
        stripe = pl.ds(sid * rows_per_tile, rows_per_tile)
        pltpu.sync_copy(zeros_hbm, agg_sh.at[stripe])
        plsc.subcore_barrier()

        def fetch_slab(s, par, sync):
            if sync:
                pltpu.sync_copy(src_hbm.at[wid, s], srcs[par])
                pltpu.sync_copy(dst_hbm.at[wid, s], dsts[par])
            else:
                pltpu.async_copy(src_hbm.at[wid, s], srcs[par], isem[par])
                pltpu.async_copy(dst_hbm.at[wid, s], dsts[par], isem[par])

        def wait_slab(s, par):
            pltpu.make_async_copy(src_hbm.at[wid, s], srcs[par],
                                  isem[par]).wait()
            pltpu.make_async_copy(dst_hbm.at[wid, s], dsts[par],
                                  isem[par]).wait()

        def do_slab(s, par, last):
            for jj in range(G):
                t = jj % NBUF
                if jj == G - NBUF and not last:
                    wait_slab(s + 1, 1 - par)
                pltpu.make_async_copy(r_hbm.at[srcs[par].at[jj]],
                                      rows[t], gsem[t]).wait()
                pltpu.sync_copy(rows[t], agg_sh.at[dsts[par].at[jj]],
                                add=True)
                if jj < G - NBUF:
                    pltpu.async_copy(r_hbm.at[srcs[par].at[jj + NBUF]],
                                     rows[t], gsem[t])
                elif not last:
                    pltpu.async_copy(
                        r_hbm.at[srcs[1 - par].at[jj + NBUF - G]],
                        rows[t], gsem[t])

        fetch_slab(0, 0, True)
        fetch_slab(1, 1, False)
        for t in range(NBUF):
            pltpu.async_copy(r_hbm.at[sa_src.at[t]], rows[t], gsem[t])

        def pair(k, carry):
            s = 2 * k
            do_slab(s, 0, False)
            fetch_slab(s + 2, 0, False)
            do_slab(s + 1, 1, False)
            fetch_slab(s + 3, 1, False)
            return carry

        lax.fori_loop(0, npair - 1, pair, 0)
        do_slab(nslab - 2, 0, False)
        do_slab(nslab - 1, 1, True)

        plsc.subcore_barrier()
        pltpu.sync_copy(agg_sh.at[stripe], out_hbm.at[cid, stripe])

    return sc_scatter


def kernel(x, edge_index, W1, b1, W2, b2):
    n, d = x.shape
    e = edge_index.shape[1]
    src = edge_index[0].astype(jnp.int32)
    dst = edge_index[1].astype(jnp.int32)

    c = -(-e // (NW * CHUNK))
    c = ((c + 2 * G - 1) // (2 * G)) * (2 * G)
    ep = NW * c * CHUNK
    npad = ((n + 127) // 128) * 128
    if npad == n:
        npad += 128
    pad = ep - e
    pad_src = jnp.arange(pad, dtype=jnp.int32) % n
    pad_dst = n + jnp.arange(pad, dtype=jnp.int32) % (npad - n)
    src3 = jnp.concatenate([src, pad_src]).reshape(NW, c // G, G, CHUNK)
    dst3 = jnp.concatenate([dst, pad_dst]).reshape(NW, c // G, G, CHUNK)
    zeros = jnp.zeros((npad // NS, d), jnp.float32)

    relu = _make_relu(n, d)
    sc_scatter = _make_sc_scatter(n, npad, d, c)
    mlp1 = _make_mlp(n, npad, d, 1.0)
    mlp2 = _make_mlp(n, npad, d, 2.0)
    b1r = b1.reshape(1, d)
    b2r = b2.reshape(1, d)

    r1 = relu(x)
    p = sc_scatter(r1, src3, dst3, zeros)
    out1 = mlp1(x, p, p, W1, b1r)
    q = sc_scatter(out1, src3, dst3, zeros)
    out = mlp2(out1, q, q, W2, b2r)
    return out

# --- scband reference (transcript-rebuilt; emitter-appended) ---
"""Pipeline reference for scband-gnnblock-22110491640099 (READ-ONLY COPY).

The authoritative reference and input builder live on the scoring server;
editing this copy changes nothing except your own understanding.
"""

import jax, jax.numpy as jnp
import numpy as np


def _gine_conv(x, edge_index, W, b, eps=0.0):
    # GINE-style conv (no edge_attr, as called in GNNBlock.forward):
    # message = relu(x_j); aggregate = scatter-add over dst; update = MLP((1+eps)*x + agg)
    src = edge_index[0]
    dst = edge_index[1]
    msg = jax.nn.relu(jnp.take(x, src, axis=0))
    agg = jnp.zeros((x.shape[0], x.shape[1]), dtype=x.dtype).at[dst].add(msg)
    h = (1.0 + eps) * x + agg
    return h @ W + b


def setup_inputs(seed: int = 0) -> dict:
    key = jax.random.key(seed)
    k1, k2, k3, k4, k5, k6 = jax.random.split(key, 6)
    N, D = 10000, 128
    E = 320000
    x = jax.random.normal(k1, (N, D), dtype=jnp.float32)
    edge_index = jax.random.randint(k2, (2, E), 0, N, dtype=jnp.int64)
    s = 1.0 / np.sqrt(D)
    W1 = jax.random.uniform(k3, (D, D), dtype=jnp.float32, minval=-s, maxval=s)
    b1 = jax.random.uniform(k4, (D,), dtype=jnp.float32, minval=-s, maxval=s)
    W2 = jax.random.uniform(k5, (D, D), dtype=jnp.float32, minval=-s, maxval=s)
    b2 = jax.random.uniform(k6, (D,), dtype=jnp.float32, minval=-s, maxval=s)
    return {"x": x, "edge_index": edge_index, "W1": W1, "b1": b1, "W2": W2, "b2": b2}


def reference(x, edge_index, W1, b1, W2, b2):
    out = jax.nn.relu(_gine_conv(x, edge_index, W1, b1))
    out = _gine_conv(out, edge_index, W2, b2)
    # shortcut is identity (inp_dim == expansion*out_dim, stride==1): out += shortcut(out) -> 2*out
    out = out + out
    out = jax.nn.relu(out)
    return out

if __name__ == "__main__":
    import jax
    _d = setup_inputs()
    print(jax.jit(kernel)(*tuple(_d.values())))

</pallas_src>

<mosaic_0001>
#map = affine_map<(d0, d1) -> (0, 0)>
#map1 = affine_map<(d0, d1) -> (0, 0, 0, 0)>
#map2 = affine_map<(d0, d1) -> (0, 0, 0)>
module attributes {stable_mosaic.version = 14 : i64} {
  func.func @sc_scatter(%arg0: i32, %arg1: i32, %arg2: memref<10000x128xf32, #tpu.memory_space<hbm>>, %arg3: memref<32x16x10x64xi32, #tpu.memory_space<hbm>>, %arg4: memref<32x16x10x64xi32, #tpu.memory_space<hbm>>, %arg5: memref<632x128xf32, #tpu.memory_space<hbm>>, %arg6: memref<2x10112x128xf32, #tpu.memory_space<hbm>>, %arg7: memref<10x64xi32, #tpu.memory_space<vmem>>, %arg8: memref<10x64xi32, #tpu.memory_space<vmem>>, %arg9: memref<10x64xi32, #tpu.memory_space<vmem>>, %arg10: memref<10x64xi32, #tpu.memory_space<vmem>>, %arg11: memref<10112x128xf32, #tpu.memory_space<vmem_shared>>, %arg12: memref<64x128xf32, #tpu.memory_space<vmem>>, %arg13: memref<64x128xf32, #tpu.memory_space<vmem>>, %arg14: memref<64x128xf32, #tpu.memory_space<vmem>>, %arg15: memref<64x128xf32, #tpu.memory_space<vmem>>, %arg16: memref<64x128xf32, #tpu.memory_space<vmem>>, %arg17: memref<!tpu.dma_semaphore, #tpu.memory_space<semaphore_mem>>, %arg18: memref<!tpu.dma_semaphore, #tpu.memory_space<semaphore_mem>>, %arg19: memref<!tpu.dma_semaphore, #tpu.memory_space<semaphore_mem>>, %arg20: memref<!tpu.dma_semaphore, #tpu.memory_space<semaphore_mem>>, %arg21: memref<!tpu.dma_semaphore, #tpu.memory_space<semaphore_mem>>, %arg22: memref<!tpu.dma_semaphore, #tpu.memory_space<semaphore_mem>>, %arg23: memref<!tpu.dma_semaphore, #tpu.memory_space<semaphore_mem>>) attributes {dimension_semantics = [#tpu.dimension_semantics<core_parallel>, #tpu.dimension_semantics<subcore_parallel>], iteration_bounds = array<i64: 2, 16>, scalar_prefetch = 0 : i64, scratch_operands = 17 : i64, tpu.core_type = #tpu.core_type<sc_vector_subcore>, window_params = [{transform_indices = #map}, {transform_indices = #map1}, {transform_indices = #map1}, {transform_indices = #map}, {transform_indices = #map2}]} {
    %mul3A = arith.constant 16 : i32
    %mul3A_0 = arith.muli %arg0, %mul3A : i32
    %add3A = arith.addi %mul3A_0, %arg1 : i32
    %mul3A_1 = arith.constant 632 : i32
    %mul3A_2 = arith.muli %arg1, %mul3A_1 : i32
    "tpu.region"() ({
      %run_scoped3A_344 = tpu.sem_alloc : memref<!tpu.dma_semaphore, #tpu.memory_space<semaphore_mem>>
      %dma_start3A_345 = arith.constant 0 : i32
      %dma_start3A_346 = tpu.memref_slice %arg11[%mul3A_2, %dma_start3A_345] : memref<10112x128xf32, #tpu.memory_space<vmem_shared>> -> memref<632x128xf32, #tpu.memory_space<vmem_shared>>
      tpu.enqueue_dma source(%arg5 : memref<632x128xf32, #tpu.memory_space<hbm>>) target(%dma_start3A_346 : memref<632x128xf32, #tpu.memory_space<vmem_shared>>) target_semaphore(%run_scoped3A_344 : memref<!tpu.dma_semaphore, #tpu.memory_space<semaphore_mem>>)
      %dma_wait3A_347 = arith.constant 0 : i32
      %dma_wait3A_348 = tpu.memref_slice %arg11[%mul3A_2, %dma_wait3A_347] : memref<10112x128xf32, #tpu.memory_space<vmem_shared>> -> memref<632x128xf32, #tpu.memory_space<vmem_shared>>
      tpu.wait_dma2 semaphore(%run_scoped3A_344 : memref<!tpu.dma_semaphore, #tpu.memory_space<semaphore_mem>>) src(%arg5 : memref<632x128xf32, #tpu.memory_space<hbm>>) dst(%dma_wait3A_348 : memref<632x128xf32, #tpu.memory_space<vmem_shared>>)
      tpu.yield
    }) : () -> ()
    %barrier3A = arith.constant 0 : index
    tpu.barrier barrier_id(%barrier3A)
    %run_scoped3A = arith.constant 0 : i32
    "tpu.region"() ({
      %run_scoped3A_344 = tpu.sem_alloc : memref<!tpu.dma_semaphore, #tpu.memory_space<semaphore_mem>>
      %dma_start3A_345 = arith.constant 0 : i32
      %dma_start3A_346 = arith.constant 0 : i32
      %dma_start3A_347 = tpu.memref_slice %arg3[%add3A, %run_scoped3A, %dma_start3A_345, %dma_start3A_346] : memref<32x16x10x64xi32, #tpu.memory_space<hbm>> -> memref<1x1x10x64xi32, #tpu.memory_space<hbm>>
      %dma_start3A_348 = tpu.memref_squeeze %dma_start3A_347 : memref<1x1x10x64xi32, #tpu.memory_space<hbm>> -> memref<10x64xi32, #tpu.memory_space<hbm>>
      %dma_start3A_349 = arith.constant 0 : i32
      %dma_start3A_350 = arith.constant 0 : i32
      %dma_start3A_351 = tpu.memref_slice %arg3[%add3A, %run_scoped3A, %dma_start3A_349, %dma_start3A_350] : memref<32x16x10x64xi32, #tpu.memory_space<hbm>> -> memref<1x1x10x64xi32, #tpu.memory_space<hbm>>
      %dma_start3A_352 = tpu.memref_squeeze %dma_start3A_351 : memref<1x1x10x64xi32, #tpu.memory_space<hbm>> -> memref<10x64xi32, #tpu.memory_space<hbm>>
      tpu.enqueue_dma source(%dma_start3A_352 : memref<10x64xi32, #tpu.memory_space<hbm>>) target(%arg7 : memref<10x64xi32, #tpu.memory_space<vmem>>) target_semaphore(%run_scoped3A_344 : memref<!tpu.dma_semaphore, #tpu.memory_space<semaphore_mem>>)
      %dma_wait3A_353 = arith.constant 0 : i32
      %dma_wait3A_354 = arith.constant 0 : i32
      %dma_wait3A_355 = tpu.memref_slice %arg3[%add3A, %run_scoped3A, %dma_wait3A_353, %dma_wait3A_354] : memref<32x16x10x64xi32, #tpu.memory_space<hbm>> -> memref<1x1x10x64xi32, #tpu.memory_space<hbm>>
      %dma_wait3A_356 = tpu.memref_squeeze %dma_wait3A_355 : memref<1x1x10x64xi32, #tpu.memory_space<hbm>> -> memref<10x64xi32, #tpu.memory_space<hbm>>
      %dma_wait3A_357 = arith.constant 0 : i32
      %dma_wait3A_358 = arith.constant 0 : i32
      %dma_wait3A_359 = tpu.memref_slice %arg3[%add3A, %run_scoped3A, %dma_wait3A_357, %dma_wait3A_358] : memref<32x16x10x64xi32, #tpu.memory_space<hbm>> -> memref<1x1x10x64xi32, #tpu.memory_space<hbm>>
      %dma_wait3A_360 = tpu.memref_squeeze %dma_wait3A_359 : memref<1x1x10x64xi32, #tpu.memory_space<hbm>> -> memref<10x64xi32, #tpu.memory_space<hbm>>
      tpu.wait_dma2 semaphore(%run_scoped3A_344 : memref<!tpu.dma_semaphore, #tpu.memory_space<semaphore_mem>>) src(%dma_wait3A_360 : memref<10x64xi32, #tpu.memory_space<hbm>>) dst(%arg7 : memref<10x64xi32, #tpu.memory_space<vmem>>)
      tpu.yield
    }) : () -> ()
    %run_scoped3A_3 = arith.constant 0 : i32
    "tpu.region"() ({
      %run_scoped3A_344 = tpu.sem_alloc : memref<!tpu.dma_semaphore, #tpu.memory_space<semaphore_mem>>
      %dma_start3A_345 = arith.constant 0 : i32
      %dma_start3A_346 = arith.constant 0 : i32
      %dma_start3A_347 = tpu.memref_slice %arg4[%add3A, %run_scoped3A_3, %dma_start3A_345, %dma_start3A_346] : memref<32x16x10x64xi32, #tpu.memory_space<hbm>> -> memref<1x1x10x64xi32, #tpu.memory_space<hbm>>
      %dma_start3A_348 = tpu.memref_squeeze %dma_start3A_347 : memref<1x1x10x64xi32, #tpu.memory_space<hbm>> -> memref<10x64xi32, #tpu.memory_space<hbm>>
      %dma_start3A_349 = arith.constant 0 : i32
      %dma_start3A_350 = arith.constant 0 : i32
      %dma_start3A_351 = tpu.memref_slice %arg4[%add3A, %run_scoped3A_3, %dma_start3A_349, %dma_start3A_350] : memref<32x16x10x64xi32, #tpu.memory_space<hbm>> -> memref<1x1x10x64xi32, #tpu.memory_space<hbm>>
      %dma_start3A_352 = tpu.memref_squeeze %dma_start3A_351 : memref<1x1x10x64xi32, #tpu.memory_space<hbm>> -> memref<10x64xi32, #tpu.memory_space<hbm>>
      tpu.enqueue_dma source(%dma_start3A_352 : memref<10x64xi32, #tpu.memory_space<hbm>>) target(%arg8 : memref<10x64xi32, #tpu.memory_space<vmem>>) target_semaphore(%run_scoped3A_344 : memref<!tpu.dma_semaphore, #tpu.memory_space<semaphore_mem>>)
      %dma_wait3A_353 = arith.constant 0 : i32
      %dma_wait3A_354 = arith.constant 0 : i32
      %dma_wait3A_355 = tpu.memref_slice %arg4[%add3A, %run_scoped3A_3, %dma_wait3A_353, %dma_wait3A_354] : memref<32x16x10x64xi32, #tpu.memory_space<hbm>> -> memref<1x1x10x64xi32, #tpu.memory_space<hbm>>
      %dma_wait3A_356 = tpu.memref_squeeze %dma_wait3A_355 : memref<1x1x10x64xi32, #tpu.memory_space<hbm>> -> memref<10x64xi32, #tpu.memory_space<hbm>>
      %dma_wait3A_357 = arith.constant 0 : i32
      %dma_wait3A_358 = arith.constant 0 : i32
      %dma_wait3A_359 = tpu.memref_slice %arg4[%add3A, %run_scoped3A_3, %dma_wait3A_357, %dma_wait3A_358] : memref<32x16x10x64xi32, #tpu.memory_space<hbm>> -> memref<1x1x10x64xi32, #tpu.memory_space<hbm>>
      %dma_wait3A_360 = tpu.memref_squeeze %dma_wait3A_359 : memref<1x1x10x64xi32, #tpu.memory_space<hbm>> -> memref<10x64xi32, #tpu.memory_space<hbm>>
      tpu.wait_dma2 semaphore(%run_scoped3A_344 : memref<!tpu.dma_semaphore, #tpu.memory_space<semaphore_mem>>) src(%dma_wait3A_360 : memref<10x64xi32, #tpu.memory_space<hbm>>) dst(%arg8 : memref<10x64xi32, #tpu.memory_space<vmem>>)
      tpu.yield
    }) : () -> ()
    %dma_start3A = arith.constant 1 : i32
    %dma_start3A_4 = arith.constant 0 : i32
    %dma_start3A_5 = arith.constant 0 : i32
    %dma_start3A_6 = tpu.memref_slice %arg3[%add3A, %dma_start3A, %dma_start3A_4, %dma_start3A_5] : memref<32x16x10x64xi32, #tpu.memory_space<hbm>> -> memref<1x1x10x64xi32, #tpu.memory_space<hbm>>
    %dma_start3A_7 = tpu.memref_squeeze %dma_start3A_6 : memref<1x1x10x64xi32, #tpu.memory_space<hbm>> -> memref<10x64xi32, #tpu.memory_space<hbm>>
    %dma_start3A_8 = arith.constant 0 : i32
    %dma_start3A_9 = arith.constant 0 : i32
    %dma_start3A_10 = tpu.memref_slice %arg3[%add3A, %dma_start3A, %dma_start3A_8, %dma_start3A_9] : memref<32x16x10x64xi32, #tpu.memory_space<hbm>> -> memref<1x1x10x64xi32, #tpu.memory_space<hbm>>
    %dma_start3A_11 = tpu.memref_squeeze %dma_start3A_10 : memref<1x1x10x64xi32, #tpu.memory_space<hbm>> -> memref<10x64xi32, #tpu.memory_space<hbm>>
    tpu.enqueue_dma source(%dma_start3A_11 : memref<10x64xi32, #tpu.memory_space<hbm>>) target(%arg9 : memref<10x64xi32, #tpu.memory_space<vmem>>) target_semaphore(%arg23 : memref<!tpu.dma_semaphore, #tpu.memory_space<semaphore_mem>>)
    %dma_start3A_12 = arith.constant 1 : i32
    %dma_start3A_13 = arith.constant 0 : i32
    %dma_start3A_14 = arith.constant 0 : i32
    %dma_start3A_15 = tpu.memref_slice %arg4[%add3A, %dma_start3A_12, %dma_start3A_13, %dma_start3A_14] : memref<32x16x10x64xi32, #tpu.memory_space<hbm>> -> memref<1x1x10x64xi32, #tpu.memory_space<hbm>>
    %dma_start3A_16 = tpu.memref_squeeze %dma_start3A_15 : memref<1x1x10x64xi32, #tpu.memory_space<hbm>> -> memref<10x64xi32, #tpu.memory_space<hbm>>
    %dma_start3A_17 = arith.constant 0 : i32
    %dma_start3A_18 = arith.constant 0 : i32
    %dma_start3A_19 = tpu.memref_slice %arg4[%add3A, %dma_start3A_12, %dma_start3A_17, %dma_start3A_18] : memref<32x16x10x64xi32, #tpu.memory_space<hbm>> -> memref<1x1x10x64xi32, #tpu.memory_space<hbm>>
    %dma_start3A_20 = tpu.memref_squeeze %dma_start3A_19 : memref<1x1x10x64xi32, #tpu.memory_space<hbm>> -> memref<10x64xi32, #tpu.memory_space<hbm>>
    tpu.enqueue_dma source(%dma_start3A_20 : memref<10x64xi32, #tpu.memory_space<hbm>>) target(%arg10 : memref<10x64xi32, #tpu.memory_space<vmem>>) target_semaphore(%arg23 : memref<!tpu.dma_semaphore, #tpu.memory_space<semaphore_mem>>)
    %dma_start3A_21 = arith.constant 0 : i32
    %dma_start3A_22 = arith.constant 0 : i32
    %dma_start3A_23 = tpu.memref_slice %arg7[%dma_start3A_21, %dma_start3A_22] : memref<10x64xi32, #tpu.memory_space<vmem>> -> memref<1x64xi32, #tpu.memory_space<vmem>>
    %dma_start3A_24 = tpu.memref_squeeze %dma_start3A_23 : memref<1x64xi32, #tpu.memory_space<vmem>> -> memref<64xi32, #tpu.memory_space<vmem>>
    %dma_start3A_25 = arith.constant 0 : i32
    %dma_start3A_26 = arith.constant 0 : i32
    %dma_start3A_27 = tpu.memref_slice %arg2[%dma_start3A_25, %dma_start3A_26] : memref<10000x128xf32, #tpu.memory_space<hbm>> -> memref<10000x128xf32, #tpu.memory_space<hbm>>
    tpu.enqueue_indirect_dma source(%dma_start3A_27 : memref<10000x128xf32, #tpu.memory_space<hbm>>) target(%arg12 : memref<64x128xf32, #tpu.memory_space<vmem>>) offsets(%dma_start3A_24 : memref<64xi32, #tpu.memory_space<vmem>>) semaphore(%arg17 : memref<!tpu.dma_semaphore, #tpu.memory_space<semaphore_mem>>)
    %dma_start3A_28 = arith.constant 1 : i32
    %dma_start3A_29 = arith.constant 0 : i32
    %dma_start3A_30 = tpu.memref_slice %arg7[%dma_start3A_28, %dma_start3A_29] : memref<10x64xi32, #tpu.memory_space<vmem>> -> memref<1x64xi32, #tpu.memory_space<vmem>>
    %dma_start3A_31 = tpu.memref_squeeze %dma_start3A_30 : memref<1x64xi32, #tpu.memory_space<vmem>> -> memref<64xi32, #tpu.memory_space<vmem>>
    %dma_start3A_32 = arith.constant 0 : i32
    %dma_start3A_33 = arith.constant 0 : i32
    %dma_start3A_34 = tpu.memref_slice %arg2[%dma_start3A_32, %dma_start3A_33] : memref<10000x128xf32, #tpu.memory_space<hbm>> -> memref<10000x128xf32, #tpu.memory_space<hbm>>
    tpu.enqueue_indirect_dma source(%dma_start3A_34 : memref<10000x128xf32, #tpu.memory_space<hbm>>) target(%arg13 : memref<64x128xf32, #tpu.memory_space<vmem>>) offsets(%dma_start3A_31 : memref<64xi32, #tpu.memory_space<vmem>>) semaphore(%arg18 : memref<!tpu.dma_semaphore, #tpu.memory_space<semaphore_mem>>)
    %dma_start3A_35 = arith.constant 2 : i32
    %dma_start3A_36 = arith.constant 0 : i32
    %dma_start3A_37 = tpu.memref_slice %arg7[%dma_start3A_35, %dma_start3A_36] : memref<10x64xi32, #tpu.memory_space<vmem>> -> memref<1x64xi32, #tpu.memory_space<vmem>>
    %dma_start3A_38 = tpu.memref_squeeze %dma_start3A_37 : memref<1x64xi32, #tpu.memory_space<vmem>> -> memref<64xi32, #tpu.memory_space<vmem>>
    %dma_start3A_39 = arith.constant 0 : i32
    %dma_start3A_40 = arith.constant 0 : i32
    %dma_start3A_41 = tpu.memref_slice %arg2[%dma_start3A_39, %dma_start3A_40] : memref<10000x128xf32, #tpu.memory_space<hbm>> -> memref<10000x128xf32, #tpu.memory_space<hbm>>
    tpu.enqueue_indirect_dma source(%dma_start3A_41 : memref<10000x128xf32, #tpu.memory_space<hbm>>) target(%arg14 : memref<64x128xf32, #tpu.memory_space<vmem>>) offsets(%dma_start3A_38 : memref<64xi32, #tpu.memory_space<vmem>>) semaphore(%arg19 : memref<!tpu.dma_semaphore, #tpu.memory_space<semaphore_mem>>)
    %dma_start3A_42 = arith.constant 3 : i32
    %dma_start3A_43 = arith.constant 0 : i32
    %dma_start3A_44 = tpu.memref_slice %arg7[%dma_start3A_42, %dma_start3A_43] : memref<10x64xi32, #tpu.memory_space<vmem>> -> memref<1x64xi32, #tpu.memory_space<vmem>>
    %dma_start3A_45 = tpu.memref_squeeze %dma_start3A_44 : memref<1x64xi32, #tpu.memory_space<vmem>> -> memref<64xi32, #tpu.memory_space<vmem>>
    %dma_start3A_46 = arith.constant 0 : i32
    %dma_start3A_47 = arith.constant 0 : i32
    %dma_start3A_48 = tpu.memref_slice %arg2[%dma_start3A_46, %dma_start3A_47] : memref<10000x128xf32, #tpu.memory_space<hbm>> -> memref<10000x128xf32, #tpu.memory_space<hbm>>
    tpu.enqueue_indirect_dma source(%dma_start3A_48 : memref<10000x128xf32, #tpu.memory_space<hbm>>) target(%arg15 : memref<64x128xf32, #tpu.memory_space<vmem>>) offsets(%dma_start3A_45 : memref<64xi32, #tpu.memory_space<vmem>>) semaphore(%arg20 : memref<!tpu.dma_semaphore, #tpu.memory_space<semaphore_mem>>)
    %dma_start3A_49 = arith.constant 4 : i32
    %dma_start3A_50 = arith.constant 0 : i32
    %dma_start3A_51 = tpu.memref_slice %arg7[%dma_start3A_49, %dma_start3A_50] : memref<10x64xi32, #tpu.memory_space<vmem>> -> memref<1x64xi32, #tpu.memory_space<vmem>>
    %dma_start3A_52 = tpu.memref_squeeze %dma_start3A_51 : memref<1x64xi32, #tpu.memory_space<vmem>> -> memref<64xi32, #tpu.memory_space<vmem>>
    %dma_start3A_53 = arith.constant 0 : i32
    %dma_start3A_54 = arith.constant 0 : i32
    %dma_start3A_55 = tpu.memref_slice %arg2[%dma_start3A_53, %dma_start3A_54] : memref<10000x128xf32, #tpu.memory_space<hbm>> -> memref<10000x128xf32, #tpu.memory_space<hbm>>
    tpu.enqueue_indirect_dma source(%dma_start3A_55 : memref<10000x128xf32, #tpu.memory_space<hbm>>) target(%arg16 : memref<64x128xf32, #tpu.memory_space<vmem>>) offsets(%dma_start3A_52 : memref<64xi32, #tpu.memory_space<vmem>>) semaphore(%arg21 : memref<!tpu.dma_semaphore, #tpu.memory_space<semaphore_mem>>)
    %scan3A = arith.constant 0 : i32
    %scan3A_56 = arith.constant 0 : i32
    %scan3A_57 = arith.constant 7 : i32
    %scan3A_58 = arith.addi %scan3A_56, %scan3A_57 : i32
    %scan3A_59 = arith.constant 1 : i32
    scf.for %scan3A_344 = %scan3A_56 to %scan3A_58 step %scan3A_59  : i32 {
      %mul3A_345 = arith.constant 2 : i32
      %mul3A_346 = arith.muli %mul3A_345, %scan3A_344 : i32
      %dma_wait3A_347 = arith.constant 0 : i32
      %dma_wait3A_348 = arith.constant 0 : i32
      %dma_wait3A_349 = tpu.memref_slice %arg7[%dma_wait3A_347, %dma_wait3A_348] : memref<10x64xi32, #tpu.memory_space<vmem>> -> memref<1x64xi32, #tpu.memory_space<vmem>>
      %dma_wait3A_350 = tpu.memref_squeeze %dma_wait3A_349 : memref<1x64xi32, #tpu.memory_space<vmem>> -> memref<64xi32, #tpu.memory_space<vmem>>
      %dma_wait3A_351 = arith.constant 0 : i32
      %dma_wait3A_352 = arith.constant 0 : i32
      %dma_wait3A_353 = tpu.memref_slice %arg2[%dma_wait3A_351, %dma_wait3A_352] : memref<10000x128xf32, #tpu.memory_space<hbm>> -> memref<10000x128xf32, #tpu.memory_space<hbm>>
      tpu.wait_indirect_dma semaphore(%arg17 : memref<!tpu.dma_semaphore, #tpu.memory_space<semaphore_mem>>) src(%dma_wait3A_353 : memref<10000x128xf32, #tpu.memory_space<hbm>>) dst(%arg12 : memref<64x128xf32, #tpu.memory_space<vmem>>)
      %run_scoped3A_354 = arith.constant 0 : i32
      "tpu.region"() ({
        %run_scoped3A_721 = tpu.sem_alloc : memref<!tpu.dma_semaphore, #tpu.memory_space<semaphore_mem>>
        %dma_start3A_722 = arith.constant 0 : i32
        %dma_start3A_723 = tpu.memref_slice %arg8[%run_scoped3A_354, %dma_start3A_722] : memref<10x64xi32, #tpu.memory_space<vmem>> -> memref<1x64xi32, #tpu.memory_space<vmem>>
        %dma_start3A_724 = tpu.memref_squeeze %dma_start3A_723 : memref<1x64xi32, #tpu.memory_space<vmem>> -> memref<64xi32, #tpu.memory_space<vmem>>
        %dma_start3A_725 = arith.constant 0 : i32
        %dma_start3A_726 = arith.constant 0 : i32
        %dma_start3A_727 = tpu.memref_slice %arg11[%dma_start3A_725, %dma_start3A_726] : memref<10112x128xf32, #tpu.memory_space<vmem_shared>> -> memref<10112x128xf32, #tpu.memory_space<vmem_shared>>
        tpu.enqueue_indirect_dma source(%arg12 : memref<64x128xf32, #tpu.memory_space<vmem>>) target(%dma_start3A_727 : memref<10112x128xf32, #tpu.memory_space<vmem_shared>>) offsets(%dma_start3A_724 : memref<64xi32, #tpu.memory_space<vmem>>) semaphore(%run_scoped3A_721 : memref<!tpu.dma_semaphore, #tpu.memory_space<semaphore_mem>>) {add = true}
        %dma_wait3A_728 = arith.constant 0 : i32
        %dma_wait3A_729 = tpu.memref_slice %arg8[%run_scoped3A_354, %dma_wait3A_728] : memref<10x64xi32, #tpu.memory_space<vmem>> -> memref<1x64xi32, #tpu.memory_space<vmem>>
        %dma_wait3A_730 = tpu.memref_squeeze %dma_wait3A_729 : memref<1x64xi32, #tpu.memory_space<vmem>> -> memref<64xi32, #tpu.memory_space<vmem>>
        %dma_wait3A_731 = arith.constant 0 : i32
        %dma_wait3A_732 = arith.constant 0 : i32
        %dma_wait3A_733 = tpu.memref_slice %arg11[%dma_wait3A_731, %dma_wait3A_732] : memref<10112x128xf32, #tpu.memory_space<vmem_shared>> -> memref<10112x128xf32, #tpu.memory_space<vmem_shared>>
        tpu.wait_indirect_dma semaphore(%run_scoped3A_721 : memref<!tpu.dma_semaphore, #tpu.memory_space<semaphore_mem>>) src(%arg12 : memref<64x128xf32, #tpu.memory_space<vmem>>) dst(%dma_wait3A_733 : memref<10112x128xf32, #tpu.memory_space<vmem_shared>>)
        tpu.yield
      }) : () -> ()
      %dma_start3A_355 = arith.constant 5 : i32
      %dma_start3A_356 = arith.constant 0 : i32
      %dma_start3A_357 = tpu.memref_slice %arg7[%dma_start3A_355, %dma_start3A_356] : memref<10x64xi32, #tpu.memory_space<vmem>> -> memref<1x64xi32, #tpu.memory_space<vmem>>
      %dma_start3A_358 = tpu.memref_squeeze %dma_start3A_357 : memref<1x64xi32, #tpu.memory_space<vmem>> -> memref<64xi32, #tpu.memory_space<vmem>>
      %dma_start3A_359 = arith.constant 0 : i32
      %dma_start3A_360 = arith.constant 0 : i32
      %dma_start3A_361 = tpu.memref_slice %arg2[%dma_start3A_359, %dma_start3A_360] : memref<10000x128xf32, #tpu.memory_space<hbm>> -> memref<10000x128xf32, #tpu.memory_space<hbm>>
      tpu.enqueue_indirect_dma source(%dma_start3A_361 : memref<10000x128xf32, #tpu.memory_space<hbm>>) target(%arg12 : memref<64x128xf32, #tpu.memory_space<vmem>>) offsets(%dma_start3A_358 : memref<64xi32, #tpu.memory_space<vmem>>) semaphore(%arg17 : memref<!tpu.dma_semaphore, #tpu.memory_space<semaphore_mem>>)
      %dma_wait3A_362 = arith.constant 1 : i32
      %dma_wait3A_363 = arith.constant 0 : i32
      %dma_wait3A_364 = tpu.memref_slice %arg7[%dma_wait3A_362, %dma_wait3A_363] : memref<10x64xi32, #tpu.memory_space<vmem>> -> memref<1x64xi32, #tpu.memory_space<vmem>>
      %dma_wait3A_365 = tpu.memref_squeeze %dma_wait3A_364 : memref<1x64xi32, #tpu.memory_space<vmem>> -> memref<64xi32, #tpu.memory_space<vmem>>
      %dma_wait3A_366 = arith.constant 0 : i32
      %dma_wait3A_367 = arith.constant 0 : i32
      %dma_wait3A_368 = tpu.memref_slice %arg2[%dma_wait3A_366, %dma_wait3A_367] : memref<10000x128xf32, #tpu.memory_space<hbm>> -> memref<10000x128xf32, #tpu.memory_space<hbm>>
      tpu.wait_indirect_dma semaphore(%arg18 : memref<!tpu.dma_semaphore, #tpu.memory_space<semaphore_mem>>) src(%dma_wait3A_368 : memref<10000x128xf32, #tpu.memory_space<hbm>>) dst(%arg13 : memref<64x128xf32, #tpu.memory_space<vmem>>)
      %run_scoped3A_369 = arith.constant 1 : i32
      "tpu.region"() ({
        %run_scoped3A_721 = tpu.sem_alloc : memref<!tpu.dma_semaphore, #tpu.memory_space<semaphore_mem>>
        %dma_start3A_722 = arith.constant 0 : i32
        %dma_start3A_723 = tpu.memref_slice %arg8[%run_scoped3A_369, %dma_start3A_722] : memref<10x64xi32, #tpu.memory_space<vmem>> -> memref<1x64xi32, #tpu.memory_space<vmem>>
        %dma_start3A_724 = tpu.memref_squeeze %dma_start3A_723 : memref<1x64xi32, #tpu.memory_space<vmem>> -> memref<64xi32, #tpu.memory_space<vmem>>
        %dma_start3A_725 = arith.constant 0 : i32
        %dma_start3A_726 = arith.constant 0 : i32
        %dma_start3A_727 = tpu.memref_slice %arg11[%dma_start3A_725, %dma_start3A_726] : memref<10112x128xf32, #tpu.memory_space<vmem_shared>> -> memref<10112x128xf32, #tpu.memory_space<vmem_shared>>
        tpu.enqueue_indirect_dma source(%arg13 : memref<64x128xf32, #tpu.memory_space<vmem>>) target(%dma_start3A_727 : memref<10112x128xf32, #tpu.memory_space<vmem_shared>>) offsets(%dma_start3A_724 : memref<64xi32, #tpu.memory_space<vmem>>) semaphore(%run_scoped3A_721 : memref<!tpu.dma_semaphore, #tpu.memory_space<semaphore_mem>>) {add = true}
        %dma_wait3A_728 = arith.constant 0 : i32
        %dma_wait3A_729 = tpu.memref_slice %arg8[%run_scoped3A_369, %dma_wait3A_728] : memref<10x64xi32, #tpu.memory_space<vmem>> -> memref<1x64xi32, #tpu.memory_space<vmem>>
        %dma_wait3A_730 = tpu.memref_squeeze %dma_wait3A_729 : memref<1x64xi32, #tpu.memory_space<vmem>> -> memref<64xi32, #tpu.memory_space<vmem>>
        %dma_wait3A_731 = arith.constant 0 : i32
        %dma_wait3A_732 = arith.constant 0 : i32
        %dma_wait3A_733 = tpu.memref_slice %arg11[%dma_wait3A_731, %dma_wait3A_732] : memref<10112x128xf32, #tpu.memory_space<vmem_shared>> -> memref<10112x128xf32, #tpu.memory_space<vmem_shared>>
        tpu.wait_indirect_dma semaphore(%run_scoped3A_721 : memref<!tpu.dma_semaphore, #tpu.memory_space<semaphore_mem>>) src(%arg13 : memref<64x128xf32, #tpu.memory_space<vmem>>) dst(%dma_wait3A_733 : memref<10112x128xf32, #tpu.memory_space<vmem_shared>>)
        tpu.yield
      }) : () -> ()
      %dma_start3A_370 = arith.constant 6 : i32
      %dma_start3A_371 = arith.constant 0 : i32
      %dma_start3A_372 = tpu.memref_slice %arg7[%dma_start3A_370, %dma_start3A_371] : memref<10x64xi32, #tpu.memory_space<vmem>> -> memref<1x64xi32, #tpu.memory_space<vmem>>
      %dma_start3A_373 = tpu.memref_squeeze %dma_start3A_372 : memref<1x64xi32, #tpu.memory_space<vmem>> -> memref<64xi32, #tpu.memory_space<vmem>>
      %dma_start3A_374 = arith.constant 0 : i32
      %dma_start3A_375 = arith.constant 0 : i32
      %dma_start3A_376 = tpu.memref_slice %arg2[%dma_start3A_374, %dma_start3A_375] : memref<10000x128xf32, #tpu.memory_space<hbm>> -> memref<10000x128xf32, #tpu.memory_space<hbm>>
      tpu.enqueue_indirect_dma source(%dma_start3A_376 : memref<10000x128xf32, #tpu.memory_space<hbm>>) target(%arg13 : memref<64x128xf32, #tpu.memory_space<vmem>>) offsets(%dma_start3A_373 : memref<64xi32, #tpu.memory_space<vmem>>) semaphore(%arg18 : memref<!tpu.dma_semaphore, #tpu.memory_space<semaphore_mem>>)
      %dma_wait3A_377 = arith.constant 2 : i32
      %dma_wait3A_378 = arith.constant 0 : i32
      %dma_wait3A_379 = tpu.memref_slice %arg7[%dma_wait3A_377, %dma_wait3A_378] : memref<10x64xi32, #tpu.memory_space<vmem>> -> memref<1x64xi32, #tpu.memory_space<vmem>>
      %dma_wait3A_380 = tpu.memref_squeeze %dma_wait3A_379 : memref<1x64xi32, #tpu.memory_space<vmem>> -> memref<64xi32, #tpu.memory_space<vmem>>
      %dma_wait3A_381 = arith.constant 0 : i32
      %dma_wait3A_382 = arith.constant 0 : i32
      %dma_wait3A_383 = tpu.memref_slice %arg2[%dma_wait3A_381, %dma_wait3A_382] : memref<10000x128xf32, #tpu.memory_space<hbm>> -> memref<10000x128xf32, #tpu.memory_space<hbm>>
      tpu.wait_indirect_dma semaphore(%arg19 : memref<!tpu.dma_semaphore, #tpu.memory_space<semaphore_mem>>) src(%dma_wait3A_383 : memref<10000x128xf32, #tpu.memory_space<hbm>>) dst(%arg14 : memref<64x128xf32, #tpu.memory_space<vmem>>)
      %run_scoped3A_384 = arith.constant 2 : i32
      "tpu.region"() ({
        %run_scoped3A_721 = tpu.sem_alloc : memref<!tpu.dma_semaphore, #tpu.memory_space<semaphore_mem>>
        %dma_start3A_722 = arith.constant 0 : i32
        %dma_start3A_723 = tpu.memref_slice %arg8[%run_scoped3A_384, %dma_start3A_722] : memref<10x64xi32, #tpu.memory_space<vmem>> -> memref<1x64xi32, #tpu.memory_space<vmem>>
        %dma_start3A_724 = tpu.memref_squeeze %dma_start3A_723 : memref<1x64xi32, #tpu.memory_space<vmem>> -> memref<64xi32, #tpu.memory_space<vmem>>
        %dma_start3A_725 = arith.constant 0 : i32
        %dma_start3A_726 = arith.constant 0 : i32
        %dma_start3A_727 = tpu.memref_slice %arg11[%dma_start3A_725, %dma_start3A_726] : memref<10112x128xf32, #tpu.memory_space<vmem_shared>> -> memref<10112x128xf32, #tpu.memory_space<vmem_shared>>
        tpu.enqueue_indirect_dma source(%arg14 : memref<64x128xf32, #tpu.memory_space<vmem>>) target(%dma_start3A_727 : memref<10112x128xf32, #tpu.memory_space<vmem_shared>>) offsets(%dma_start3A_724 : memref<64xi32, #tpu.memory_space<vmem>>) semaphore(%run_scoped3A_721 : memref<!tpu.dma_semaphore, #tpu.memory_space<semaphore_mem>>) {add = true}
        %dma_wait3A_728 = arith.constant 0 : i32
        %dma_wait3A_729 = tpu.memref_slice %arg8[%run_scoped3A_384, %dma_wait3A_728] : memref<10x64xi32, #tpu.memory_space<vmem>> -> memref<1x64xi32, #tpu.memory_space<vmem>>
        %dma_wait3A_730 = tpu.memref_squeeze %dma_wait3A_729 : memref<1x64xi32, #tpu.memory_space<vmem>> -> memref<64xi32, #tpu.memory_space<vmem>>
        %dma_wait3A_731 = arith.constant 0 : i32
        %dma_wait3A_732 = arith.constant 0 : i32
        %dma_wait3A_733 = tpu.memref_slice %arg11[%dma_wait3A_731, %dma_wait3A_732] : memref<10112x128xf32, #tpu.memory_space<vmem_shared>> -> memref<10112x128xf32, #tpu.memory_space<vmem_shared>>
        tpu.wait_indirect_dma semaphore(%run_scoped3A_721 : memref<!tpu.dma_semaphore, #tpu.memory_space<semaphore_mem>>) src(%arg14 : memref<64x128xf32, #tpu.memory_space<vmem>>) dst(%dma_wait3A_733 : memref<10112x128xf32, #tpu.memory_space<vmem_shared>>)
        tpu.yield
      }) : () -> ()
      %dma_start3A_385 = arith.constant 7 : i32
      %dma_start3A_386 = arith.constant 0 : i32
      %dma_start3A_387 = tpu.memref_slice %arg7[%dma_start3A_385, %dma_start3A_386] : memref<10x64xi32, #tpu.memory_space<vmem>> -> memref<1x64xi32, #tpu.memory_space<vmem>>
      %dma_start3A_388 = tpu.memref_squeeze %dma_start3A_387 : memref<1x64xi32, #tpu.memory_space<vmem>> -> memref<64xi32, #tpu.memory_space<vmem>>
      %dma_start3A_389 = arith.constant 0 : i32
      %dma_start3A_390 = arith.constant 0 : i32
      %dma_start3A_391 = tpu.memref_slice %arg2[%dma_start3A_389, %dma_start3A_390] : memref<10000x128xf32, #tpu.memory_space<hbm>> -> memref<10000x128xf32, #tpu.memory_space<hbm>>
      tpu.enqueue_indirect_dma source(%dma_start3A_391 : memref<10000x128xf32, #tpu.memory_space<hbm>>) target(%arg14 : memref<64x128xf32, #tpu.memory_space<vmem>>) offsets(%dma_start3A_388 : memref<64xi32, #tpu.memory_space<vmem>>) semaphore(%arg19 : memref<!tpu.dma_semaphore, #tpu.memory_space<semaphore_mem>>)
      %dma_wait3A_392 = arith.constant 3 : i32
      %dma_wait3A_393 = arith.constant 0 : i32
      %dma_wait3A_394 = tpu.memref_slice %arg7[%dma_wait3A_392, %dma_wait3A_393] : memref<10x64xi32, #tpu.memory_space<vmem>> -> memref<1x64xi32, #tpu.memory_space<vmem>>
      %dma_wait3A_395 = tpu.memref_squeeze %dma_wait3A_394 : memref<1x64xi32, #tpu.memory_space<vmem>> -> memref<64xi32, #tpu.memory_space<vmem>>
      %dma_wait3A_396 = arith.constant 0 : i32
      %dma_wait3A_397 = arith.constant 0 : i32
      %dma_wait3A_398 = tpu.memref_slice %arg2[%dma_wait3A_396, %dma_wait3A_397] : memref<10000x128xf32, #tpu.memory_space<hbm>> -> memref<10000x128xf32, #tpu.memory_space<hbm>>
      tpu.wait_indirect_dma semaphore(%arg20 : memref<!tpu.dma_semaphore, #tpu.memory_space<semaphore_mem>>) src(%dma_wait3A_398 : memref<10000x128xf32, #tpu.memory_space<hbm>>) dst(%arg15 : memref<64x128xf32, #tpu.memory_space<vmem>>)
      %run_scoped3A_399 = arith.constant 3 : i32
      "tpu.region"() ({
        %run_scoped3A_721 = tpu.sem_alloc : memref<!tpu.dma_semaphore, #tpu.memory_space<semaphore_mem>>
        %dma_start3A_722 = arith.constant 0 : i32
        %dma_start3A_723 = tpu.memref_slice %arg8[%run_scoped3A_399, %dma_start3A_722] : memref<10x64xi32, #tpu.memory_space<vmem>> -> memref<1x64xi32, #tpu.memory_space<vmem>>
        %dma_start3A_724 = tpu.memref_squeeze %dma_start3A_723 : memref<1x64xi32, #tpu.memory_space<vmem>> -> memref<64xi32, #tpu.memory_space<vmem>>
        %dma_start3A_725 = arith.constant 0 : i32
        %dma_start3A_726 = arith.constant 0 : i32
        %dma_start3A_727 = tpu.memref_slice %arg11[%dma_start3A_725, %dma_start3A_726] : memref<10112x128xf32, #tpu.memory_space<vmem_shared>> -> memref<10112x128xf32, #tpu.memory_space<vmem_shared>>
        tpu.enqueue_indirect_dma source(%arg15 : memref<64x128xf32, #tpu.memory_space<vmem>>) target(%dma_start3A_727 : memref<10112x128xf32, #tpu.memory_space<vmem_shared>>) offsets(%dma_start3A_724 : memref<64xi32, #tpu.memory_space<vmem>>) semaphore(%run_scoped3A_721 : memref<!tpu.dma_semaphore, #tpu.memory_space<semaphore_mem>>) {add = true}
        %dma_wait3A_728 = arith.constant 0 : i32
        %dma_wait3A_729 = tpu.memref_slice %arg8[%run_scoped3A_399, %dma_wait3A_728] : memref<10x64xi32, #tpu.memory_space<vmem>> -> memref<1x64xi32, #tpu.memory_space<vmem>>
        %dma_wait3A_730 = tpu.memref_squeeze %dma_wait3A_729 : memref<1x64xi32, #tpu.memory_space<vmem>> -> memref<64xi32, #tpu.memory_space<vmem>>
        %dma_wait3A_731 = arith.constant 0 : i32
        %dma_wait3A_732 = arith.constant 0 : i32
        %dma_wait3A_733 = tpu.memref_slice %arg11[%dma_wait3A_731, %dma_wait3A_732] : memref<10112x128xf32, #tpu.memory_space<vmem_shared>> -> memref<10112x128xf32, #tpu.memory_space<vmem_shared>>
        tpu.wait_indirect_dma semaphore(%run_scoped3A_721 : memref<!tpu.dma_semaphore, #tpu.memory_space<semaphore_mem>>) src(%arg15 : memref<64x128xf32, #tpu.memory_space<vmem>>) dst(%dma_wait3A_733 : memref<10112x128xf32, #tpu.memory_space<vmem_shared>>)
        tpu.yield
      }) : () -> ()
      %dma_start3A_400 = arith.constant 8 : i32
      %dma_start3A_401 = arith.constant 0 : i32
      %dma_start3A_402 = tpu.memref_slice %arg7[%dma_start3A_400, %dma_start3A_401] : memref<10x64xi32, #tpu.memory_space<vmem>> -> memref<1x64xi32, #tpu.memory_space<vmem>>
      %dma_start3A_403 = tpu.memref_squeeze %dma_start3A_402 : memref<1x64xi32, #tpu.memory_space<vmem>> -> memref<64xi32, #tpu.memory_space<vmem>>
      %dma_start3A_404 = arith.constant 0 : i32
      %dma_start3A_405 = arith.constant 0 : i32
      %dma_start3A_406 = tpu.memref_slice %arg2[%dma_start3A_404, %dma_start3A_405] : memref<10000x128xf32, #tpu.memory_space<hbm>> -> memref<10000x128xf32, #tpu.memory_space<hbm>>
      tpu.enqueue_indirect_dma source(%dma_start3A_406 : memref<10000x128xf32, #tpu.memory_space<hbm>>) target(%arg15 : memref<64x128xf32, #tpu.memory_space<vmem>>) offsets(%dma_start3A_403 : memref<64xi32, #tpu.memory_space<vmem>>) semaphore(%arg20 : memref<!tpu.dma_semaphore, #tpu.memory_space<semaphore_mem>>)
      %dma_wait3A_407 = arith.constant 4 : i32
      %dma_wait3A_408 = arith.constant 0 : i32
      %dma_wait3A_409 = tpu.memref_slice %arg7[%dma_wait3A_407, %dma_wait3A_408] : memref<10x64xi32, #tpu.memory_space<vmem>> -> memref<1x64xi32, #tpu.memory_space<vmem>>
      %dma_wait3A_410 = tpu.memref_squeeze %dma_wait3A_409 : memref<1x64xi32, #tpu.memory_space<vmem>> -> memref<64xi32, #tpu.memory_space<vmem>>
      %dma_wait3A_411 = arith.constant 0 : i32
      %dma_wait3A_412 = arith.constant 0 : i32
      %dma_wait3A_413 = tpu.memref_slice %arg2[%dma_wait3A_411, %dma_wait3A_412] : memref<10000x128xf32, #tpu.memory_space<hbm>> -> memref<10000x128xf32, #tpu.memory_space<hbm>>
      tpu.wait_indirect_dma semaphore(%arg21 : memref<!tpu.dma_semaphore, #tpu.memory_space<semaphore_mem>>) src(%dma_wait3A_413 : memref<10000x128xf32, #tpu.memory_space<hbm>>) dst(%arg16 : memref<64x128xf32, #tpu.memory_space<vmem>>)
      %run_scoped3A_414 = arith.constant 4 : i32
      "tpu.region"() ({
        %run_scoped3A_721 = tpu.sem_alloc : memref<!tpu.dma_semaphore, #tpu.memory_space<semaphore_mem>>
        %dma_start3A_722 = arith.constant 0 : i32
        %dma_start3A_723 = tpu.memref_slice %arg8[%run_scoped3A_414, %dma_start3A_722] : memref<10x64xi32, #tpu.memory_space<vmem>> -> memref<1x64xi32, #tpu.memory_space<vmem>>
        %dma_start3A_724 = tpu.memref_squeeze %dma_start3A_723 : memref<1x64xi32, #tpu.memory_space<vmem>> -> memref<64xi32, #tpu.memory_space<vmem>>
        %dma_start3A_725 = arith.constant 0 : i32
        %dma_start3A_726 = arith.constant 0 : i32
        %dma_start3A_727 = tpu.memref_slice %arg11[%dma_start3A_725, %dma_start3A_726] : memref<10112x128xf32, #tpu.memory_space<vmem_shared>> -> memref<10112x128xf32, #tpu.memory_space<vmem_shared>>
        tpu.enqueue_indirect_dma source(%arg16 : memref<64x128xf32, #tpu.memory_space<vmem>>) target(%dma_start3A_727 : memref<10112x128xf32, #tpu.memory_space<vmem_shared>>) offsets(%dma_start3A_724 : memref<64xi32, #tpu.memory_space<vmem>>) semaphore(%run_scoped3A_721 : memref<!tpu.dma_semaphore, #tpu.memory_space<semaphore_mem>>) {add = true}
        %dma_wait3A_728 = arith.constant 0 : i32
        %dma_wait3A_729 = tpu.memref_slice %arg8[%run_scoped3A_414, %dma_wait3A_728] : memref<10x64xi32, #tpu.memory_space<vmem>> -> memref<1x64xi32, #tpu.memory_space<vmem>>
        %dma_wait3A_730 = tpu.memref_squeeze %dma_wait3A_729 : memref<1x64xi32, #tpu.memory_space<vmem>> -> memref<64xi32, #tpu.memory_space<vmem>>
        %dma_wait3A_731 = arith.constant 0 : i32
        %dma_wait3A_732 = arith.constant 0 : i32
        %dma_wait3A_733 = tpu.memref_slice %arg11[%dma_wait3A_731, %dma_wait3A_732] : memref<10112x128xf32, #tpu.memory_space<vmem_shared>> -> memref<10112x128xf32, #tpu.memory_space<vmem_shared>>
        tpu.wait_indirect_dma semaphore(%run_scoped3A_721 : memref<!tpu.dma_semaphore, #tpu.memory_space<semaphore_mem>>) src(%arg16 : memref<64x128xf32, #tpu.memory_space<vmem>>) dst(%dma_wait3A_733 : memref<10112x128xf32, #tpu.memory_space<vmem_shared>>)
        tpu.yield
      }) : () -> ()
      %dma_start3A_415 = arith.constant 9 : i32
      %dma_start3A_416 = arith.constant 0 : i32
      %dma_start3A_417 = tpu.memref_slice %arg7[%dma_start3A_415, %dma_start3A_416] : memref<10x64xi32, #tpu.memory_space<vmem>> -> memref<1x64xi32, #tpu.memory_space<vmem>>
      %dma_start3A_418 = tpu.memref_squeeze %dma_start3A_417 : memref<1x64xi32, #tpu.memory_space<vmem>> -> memref<64xi32, #tpu.memory_space<vmem>>
      %dma_start3A_419 = arith.constant 0 : i32
      %dma_start3A_420 = arith.constant 0 : i32
      %dma_start3A_421 = tpu.memref_slice %arg2[%dma_start3A_419, %dma_start3A_420] : memref<10000x128xf32, #tpu.memory_space<hbm>> -> memref<10000x128xf32, #tpu.memory_space<hbm>>
      tpu.enqueue_indirect_dma source(%dma_start3A_421 : memref<10000x128xf32, #tpu.memory_space<hbm>>) target(%arg16 : memref<64x128xf32, #tpu.memory_space<vmem>>) offsets(%dma_start3A_418 : memref<64xi32, #tpu.memory_space<vmem>>) semaphore(%arg21 : memref<!tpu.dma_semaphore, #tpu.memory_space<semaphore_mem>>)
      %add3A_422 = arith.constant 1 : i32
      %add3A_423 = arith.addi %mul3A_346, %add3A_422 : i32
      %dma_wait3A_424 = arith.constant 0 : i32
      %dma_wait3A_425 = arith.constant 0 : i32
      %dma_wait3A_426 = tpu.memref_slice %arg3[%add3A, %add3A_423, %dma_wait3A_424, %dma_wait3A_425] : memref<32x16x10x64xi32, #tpu.memory_space<hbm>> -> memref<1x1x10x64xi32, #tpu.memory_space<hbm>>
      %dma_wait3A_427 = tpu.memref_squeeze %dma_wait3A_426 : memref<1x1x10x64xi32, #tpu.memory_space<hbm>> -> memref<10x64xi32, #tpu.memory_space<hbm>>
      %dma_wait3A_428 = arith.constant 0 : i32
      %dma_wait3A_429 = arith.constant 0 : i32
      %dma_wait3A_430 = tpu.memref_slice %arg3[%add3A, %add3A_423, %dma_wait3A_428, %dma_wait3A_429] : memref<32x16x10x64xi32, #tpu.memory_space<hbm>> -> memref<1x1x10x64xi32, #tpu.memory_space<hbm>>
      %dma_wait3A_431 = tpu.memref_squeeze %dma_wait3A_430 : memref<1x1x10x64xi32, #tpu.memory_space<hbm>> -> memref<10x64xi32, #tpu.memory_space<hbm>>
      tpu.wait_dma2 semaphore(%arg23 : memref<!tpu.dma_semaphore, #tpu.memory_space<semaphore_mem>>) src(%dma_wait3A_431 : memref<10x64xi32, #tpu.memory_space<hbm>>) dst(%arg9 : memref<10x64xi32, #tpu.memory_space<vmem>>)
      %dma_wait3A_432 = arith.constant 0 : i32
      %dma_wait3A_433 = arith.constant 0 : i32
      %dma_wait3A_434 = tpu.memref_slice %arg4[%add3A, %add3A_423, %dma_wait3A_432, %dma_wait3A_433] : memref<32x16x10x64xi32, #tpu.memory_space<hbm>> -> memref<1x1x10x64xi32, #tpu.memory_space<hbm>>
      %dma_wait3A_435 = tpu.memref_squeeze %dma_wait3A_434 : memref<1x1x10x64xi32, #tpu.memory_space<hbm>> -> memref<10x64xi32, #tpu.memory_space<hbm>>
      %dma_wait3A_436 = arith.constant 0 : i32
      %dma_wait3A_437 = arith.constant 0 : i32
      %dma_wait3A_438 = tpu.memref_slice %arg4[%add3A, %add3A_423, %dma_wait3A_436, %dma_wait3A_437] : memref<32x16x10x64xi32, #tpu.memory_space<hbm>> -> memref<1x1x10x64xi32, #tpu.memory_space<hbm>>
      %dma_wait3A_439 = tpu.memref_squeeze %dma_wait3A_438 : memref<1x1x10x64xi32, #tpu.memory_space<hbm>> -> memref<10x64xi32, #tpu.memory_space<hbm>>
      tpu.wait_dma2 semaphore(%arg23 : memref<!tpu.dma_semaphore, #tpu.memory_space<semaphore_mem>>) src(%dma_wait3A_439 : memref<10x64xi32, #tpu.memory_space<hbm>>) dst(%arg10 : memref<10x64xi32, #tpu.memory_space<vmem>>)
      %dma_wait3A_440 = arith.constant 5 : i32
      %dma_wait3A_441 = arith.constant 0 : i32
      %dma_wait3A_442 = tpu.memref_slice %arg7[%dma_wait3A_440, %dma_wait3A_441] : memref<10x64xi32, #tpu.memory_space<vmem>> -> memref<1x64xi32, #tpu.memory_space<vmem>>
      %dma_wait3A_443 = tpu.memref_squeeze %dma_wait3A_442 : memref<1x64xi32, #tpu.memory_space<vmem>> -> memref<64xi32, #tpu.memory_space<vmem>>
      %dma_wait3A_444 = arith.constant 0 : i32
      %dma_wait3A_445 = arith.constant 0 : i32
      %dma_wait3A_446 = tpu.memref_slice %arg2[%dma_wait3A_444, %dma_wait3A_445] : memref<10000x128xf32, #tpu.memory_space<hbm>> -> memref<10000x128xf32, #tpu.memory_space<hbm>>
      tpu.wait_indirect_dma semaphore(%arg17 : memref<!tpu.dma_semaphore, #tpu.memory_space<semaphore_mem>>) src(%dma_wait3A_446 : memref<10000x128xf32, #tpu.memory_space<hbm>>) dst(%arg12 : memref<64x128xf32, #tpu.memory_space<vmem>>)
      %run_scoped3A_447 = arith.constant 5 : i32
      "tpu.region"() ({
        %run_scoped3A_721 = tpu.sem_alloc : memref<!tpu.dma_semaphore, #tpu.memory_space<semaphore_mem>>
        %dma_start3A_722 = arith.constant 0 : i32
        %dma_start3A_723 = tpu.memref_slice %arg8[%run_scoped3A_447, %dma_start3A_722] : memref<10x64xi32, #tpu.memory_space<vmem>> -> memref<1x64xi32, #tpu.memory_space<vmem>>
        %dma_start3A_724 = tpu.memref_squeeze %dma_start3A_723 : memref<1x64xi32, #tpu.memory_space<vmem>> -> memref<64xi32, #tpu.memory_space<vmem>>
        %dma_start3A_725 = arith.constant 0 : i32
        %dma_start3A_726 = arith.constant 0 : i32
        %dma_start3A_727 = tpu.memref_slice %arg11[%dma_start3A_725, %dma_start3A_726] : memref<10112x128xf32, #tpu.memory_space<vmem_shared>> -> memref<10112x128xf32, #tpu.memory_space<vmem_shared>>
        tpu.enqueue_indirect_dma source(%arg12 : memref<64x128xf32, #tpu.memory_space<vmem>>) target(%dma_start3A_727 : memref<10112x128xf32, #tpu.memory_space<vmem_shared>>) offsets(%dma_start3A_724 : memref<64xi32, #tpu.memory_space<vmem>>) semaphore(%run_scoped3A_721 : memref<!tpu.dma_semaphore, #tpu.memory_space<semaphore_mem>>) {add = true}
        %dma_wait3A_728 = arith.constant 0 : i32
        %dma_wait3A_729 = tpu.memref_slice %arg8[%run_scoped3A_447, %dma_wait3A_728] : memref<10x64xi32, #tpu.memory_space<vmem>> -> memref<1x64xi32, #tpu.memory_space<vmem>>
        %dma_wait3A_730 = tpu.memref_squeeze %dma_wait3A_729 : memref<1x64xi32, #tpu.memory_space<vmem>> -> memref<64xi32, #tpu.memory_space<vmem>>
        %dma_wait3A_731 = arith.constant 0 : i32
        %dma_wait3A_732 = arith.constant 0 : i32
        %dma_wait3A_733 = tpu.memref_slice %arg11[%dma_wait3A_731, %dma_wait3A_732] : memref<10112x128xf32, #tpu.memory_space<vmem_shared>> -> memref<10112x128xf32, #tpu.memory_space<vmem_shared>>
        tpu.wait_indirect_dma semaphore(%run_scoped3A_721 : memref<!tpu.dma_semaphore, #tpu.memory_space<semaphore_mem>>) src(%arg12 : memref<64x128xf32, #tpu.memory_space<vmem>>) dst(%dma_wait3A_733 : memref<10112x128xf32, #tpu.memory_space<vmem_shared>>)
        tpu.yield
      }) : () -> ()
      %dma_start3A_448 = arith.constant 0 : i32
      %dma_start3A_449 = arith.constant 0 : i32
      %dma_start3A_450 = tpu.memref_slice %arg9[%dma_start3A_448, %dma_start3A_449] : memref<10x64xi32, #tpu.memory_space<vmem>> -> memref<1x64xi32, #tpu.memory_space<vmem>>
      %dma_start3A_451 = tpu.memref_squeeze %dma_start3A_450 : memref<1x64xi32, #tpu.memory_space<vmem>> -> memref<64xi32, #tpu.memory_space<vmem>>
      %dma_start3A_452 = arith.constant 0 : i32
      %dma_start3A_453 = arith.constant 0 : i32
      %dma_start3A_454 = tpu.memref_slice %arg2[%dma_start3A_452, %dma_start3A_453] : memref<10000x128xf32, #tpu.memory_space<hbm>> -> memref<10000x128xf32, #tpu.memory_space<hbm>>
      tpu.enqueue_indirect_dma source(%dma_start3A_454 : memref<10000x128xf32, #tpu.memory_space<hbm>>) target(%arg12 : memref<64x128xf32, #tpu.memory_space<vmem>>) offsets(%dma_start3A_451 : memref<64xi32, #tpu.memory_space<vmem>>) semaphore(%arg17 : memref<!tpu.dma_semaphore, #tpu.memory_space<semaphore_mem>>)
      %dma_wait3A_455 = arith.constant 6 : i32
      %dma_wait3A_456 = arith.constant 0 : i32
      %dma_wait3A_457 = tpu.memref_slice %arg7[%dma_wait3A_455, %dma_wait3A_456] : memref<10x64xi32, #tpu.memory_space<vmem>> -> memref<1x64xi32, #tpu.memory_space<vmem>>
      %dma_wait3A_458 = tpu.memref_squeeze %dma_wait3A_457 : memref<1x64xi32, #tpu.memory_space<vmem>> -> memref<64xi32, #tpu.memory_space<vmem>>
      %dma_wait3A_459 = arith.constant 0 : i32
      %dma_wait3A_460 = arith.constant 0 : i32
      %dma_wait3A_461 = tpu.memref_slice %arg2[%dma_wait3A_459, %dma_wait3A_460] : memref<10000x128xf32, #tpu.memory_space<hbm>> -> memref<10000x128xf32, #tpu.memory_space<hbm>>
      tpu.wait_indirect_dma semaphore(%arg18 : memref<!tpu.dma_semaphore, #tpu.memory_space<semaphore_mem>>) src(%dma_wait3A_461 : memref<10000x128xf32, #tpu.memory_space<hbm>>) dst(%arg13 : memref<64x128xf32, #tpu.memory_space<vmem>>)
      %run_scoped3A_462 = arith.constant 6 : i32
      "tpu.region"() ({
        %run_scoped3A_721 = tpu.sem_alloc : memref<!tpu.dma_semaphore, #tpu.memory_space<semaphore_mem>>
        %dma_start3A_722 = arith.constant 0 : i32
        %dma_start3A_723 = tpu.memref_slice %arg8[%run_scoped3A_462, %dma_start3A_722] : memref<10x64xi32, #tpu.memory_space<vmem>> -> memref<1x64xi32, #tpu.memory_space<vmem>>
        %dma_start3A_724 = tpu.memref_squeeze %dma_start3A_723 : memref<1x64xi32, #tpu.memory_space<vmem>> -> memref<64xi32, #tpu.memory_space<vmem>>
        %dma_start3A_725 = arith.constant 0 : i32
        %dma_start3A_726 = arith.constant 0 : i32
        %dma_start3A_727 = tpu.memref_slice %arg11[%dma_start3A_725, %dma_start3A_726] : memref<10112x128xf32, #tpu.memory_space<vmem_shared>> -> memref<10112x128xf32, #tpu.memory_space<vmem_shared>>
        tpu.enqueue_indirect_dma source(%arg13 : memref<64x128xf32, #tpu.memory_space<vmem>>) target(%dma_start3A_727 : memref<10112x128xf32, #tpu.memory_space<vmem_shared>>) offsets(%dma_start3A_724 : memref<64xi32, #tpu.memory_space<vmem>>) semaphore(%run_scoped3A_721 : memref<!tpu.dma_semaphore, #tpu.memory_space<semaphore_mem>>) {add = true}
        %dma_wait3A_728 = arith.constant 0 : i32
        %dma_wait3A_729 = tpu.memref_slice %arg8[%run_scoped3A_462, %dma_wait3A_728] : memref<10x64xi32, #tpu.memory_space<vmem>> -> memref<1x64xi32, #tpu.memory_space<vmem>>
        %dma_wait3A_730 = tpu.memref_squeeze %dma_wait3A_729 : memref<1x64xi32, #tpu.memory_space<vmem>> -> memref<64xi32, #tpu.memory_space<vmem>>
        %dma_wait3A_731 = arith.constant 0 : i32
        %dma_wait3A_732 = arith.constant 0 : i32
        %dma_wait3A_733 = tpu.memref_slice %arg11[%dma_wait3A_731, %dma_wait3A_732] : memref<10112x128xf32, #tpu.memory_space<vmem_shared>> -> memref<10112x128xf32, #tpu.memory_space<vmem_shared>>
        tpu.wait_indirect_dma semaphore(%run_scoped3A_721 : memref<!tpu.dma_semaphore, #tpu.memory_space<semaphore_mem>>) src(%arg13 : memref<64x128xf32, #tpu.memory_space<vmem>>) dst(%dma_wait3A_733 : memref<10112x128xf32, #tpu.memory_space<vmem_shared>>)
        tpu.yield
      }) : () -> ()
      %dma_start3A_463 = arith.constant 1 : i32
      %dma_start3A_464 = arith.constant 0 : i32
      %dma_start3A_465 = tpu.memref_slice %arg9[%dma_start3A_463, %dma_start3A_464] : memref<10x64xi32, #tpu.memory_space<vmem>> -> memref<1x64xi32, #tpu.memory_space<vmem>>
      %dma_start3A_466 = tpu.memref_squeeze %dma_start3A_465 : memref<1x64xi32, #tpu.memory_space<vmem>> -> memref<64xi32, #tpu.memory_space<vmem>>
      %dma_start3A_467 = arith.constant 0 : i32
      %dma_start3A_468 = arith.constant 0 : i32
      %dma_start3A_469 = tpu.memref_slice %arg2[%dma_start3A_467, %dma_start3A_468] : memref<10000x128xf32, #tpu.memory_space<hbm>> -> memref<10000x128xf32, #tpu.memory_space<hbm>>
      tpu.enqueue_indirect_dma source(%dma_start3A_469 : memref<10000x128xf32, #tpu.memory_space<hbm>>) target(%arg13 : memref<64x128xf32, #tpu.memory_space<vmem>>) offsets(%dma_start3A_466 : memref<64xi32, #tpu.memory_space<vmem>>) semaphore(%arg18 : memref<!tpu.dma_semaphore, #tpu.memory_space<semaphore_mem>>)
      %dma_wait3A_470 = arith.constant 7 : i32
      %dma_wait3A_471 = arith.constant 0 : i32
      %dma_wait3A_472 = tpu.memref_slice %arg7[%dma_wait3A_470, %dma_wait3A_471] : memref<10x64xi32, #tpu.memory_space<vmem>> -> memref<1x64xi32, #tpu.memory_space<vmem>>
      %dma_wait3A_473 = tpu.memref_squeeze %dma_wait3A_472 : memref<1x64xi32, #tpu.memory_space<vmem>> -> memref<64xi32, #tpu.memory_space<vmem>>
      %dma_wait3A_474 = arith.constant 0 : i32
      %dma_wait3A_475 = arith.constant 0 : i32
      %dma_wait3A_476 = tpu.memref_slice %arg2[%dma_wait3A_474, %dma_wait3A_475] : memref<10000x128xf32, #tpu.memory_space<hbm>> -> memref<10000x128xf32, #tpu.memory_space<hbm>>
      tpu.wait_indirect_dma semaphore(%arg19 : memref<!tpu.dma_semaphore, #tpu.memory_space<semaphore_mem>>) src(%dma_wait3A_476 : memref<10000x128xf32, #tpu.memory_space<hbm>>) dst(%arg14 : memref<64x128xf32, #tpu.memory_space<vmem>>)
      %run_scoped3A_477 = arith.constant 7 : i32
      "tpu.region"() ({
        %run_scoped3A_721 = tpu.sem_alloc : memref<!tpu.dma_semaphore, #tpu.memory_space<semaphore_mem>>
        %dma_start3A_722 = arith.constant 0 : i32
        %dma_start3A_723 = tpu.memref_slice %arg8[%run_scoped3A_477, %dma_start3A_722] : memref<10x64xi32, #tpu.memory_space<vmem>> -> memref<1x64xi32, #tpu.memory_space<vmem>>
        %dma_start3A_724 = tpu.memref_squeeze %dma_start3A_723 : memref<1x64xi32, #tpu.memory_space<vmem>> -> memref<64xi32, #tpu.memory_space<vmem>>
        %dma_start3A_725 = arith.constant 0 : i32
        %dma_start3A_726 = arith.constant 0 : i32
        %dma_start3A_727 = tpu.memref_slice %arg11[%dma_start3A_725, %dma_start3A_726] : memref<10112x128xf32, #tpu.memory_space<vmem_shared>> -> memref<10112x128xf32, #tpu.memory_space<vmem_shared>>
        tpu.enqueue_indirect_dma source(%arg14 : memref<64x128xf32, #tpu.memory_space<vmem>>) target(%dma_start3A_727 : memref<10112x128xf32, #tpu.memory_space<vmem_shared>>) offsets(%dma_start3A_724 : memref<64xi32, #tpu.memory_space<vmem>>) semaphore(%run_scoped3A_721 : memref<!tpu.dma_semaphore, #tpu.memory_space<semaphore_mem>>) {add = true}
        %dma_wait3A_728 = arith.constant 0 : i32
        %dma_wait3A_729 = tpu.memref_slice %arg8[%run_scoped3A_477, %dma_wait3A_728] : memref<10x64xi32, #tpu.memory_space<vmem>> -> memref<1x64xi32, #tpu.memory_space<vmem>>
        %dma_wait3A_730 = tpu.memref_squeeze %dma_wait3A_729 : memref<1x64xi32, #tpu.memory_space<vmem>> -> memref<64xi32, #tpu.memory_space<vmem>>
        %dma_wait3A_731 = arith.constant 0 : i32
        %dma_wait3A_732 = arith.constant 0 : i32
        %dma_wait3A_733 = tpu.memref_slice %arg11[%dma_wait3A_731, %dma_wait3A_732] : memref<10112x128xf32, #tpu.memory_space<vmem_shared>> -> memref<10112x128xf32, #tpu.memory_space<vmem_shared>>
        tpu.wait_indirect_dma semaphore(%run_scoped3A_721 : memref<!tpu.dma_semaphore, #tpu.memory_space<semaphore_mem>>) src(%arg14 : memref<64x128xf32, #tpu.memory_space<vmem>>) dst(%dma_wait3A_733 : memref<10112x128xf32, #tpu.memory_space<vmem_shared>>)
        tpu.yield
      }) : () -> ()
      %dma_start3A_478 = arith.constant 2 : i32
      %dma_start3A_479 = arith.constant 0 : i32
      %dma_start3A_480 = tpu.memref_slice %arg9[%dma_start3A_478, %dma_start3A_479] : memref<10x64xi32, #tpu.memory_space<vmem>> -> memref<1x64xi32, #tpu.memory_space<vmem>>
      %dma_start3A_481 = tpu.memref_squeeze %dma_start3A_480 : memref<1x64xi32, #tpu.memory_space<vmem>> -> memref<64xi32, #tpu.memory_space<vmem>>
      %dma_start3A_482 = arith.constant 0 : i32
      %dma_start3A_483 = arith.constant 0 : i32
      %dma_start3A_484 = tpu.memref_slice %arg2[%dma_start3A_482, %dma_start3A_483] : memref<10000x128xf32, #tpu.memory_space<hbm>> -> memref<10000x128xf32, #tpu.memory_space<hbm>>
      tpu.enqueue_indirect_dma source(%dma_start3A_484 : memref<10000x128xf32, #tpu.memory_space<hbm>>) target(%arg14 : memref<64x128xf32, #tpu.memory_space<vmem>>) offsets(%dma_start3A_481 : memref<64xi32, #tpu.memory_space<vmem>>) semaphore(%arg19 : memref<!tpu.dma_semaphore, #tpu.memory_space<semaphore_mem>>)
      %dma_wait3A_485 = arith.constant 8 : i32
      %dma_wait3A_486 = arith.constant 0 : i32
      %dma_wait3A_487 = tpu.memref_slice %arg7[%dma_wait3A_485, %dma_wait3A_486] : memref<10x64xi32, #tpu.memory_space<vmem>> -> memref<1x64xi32, #tpu.memory_space<vmem>>
      %dma_wait3A_488 = tpu.memref_squeeze %dma_wait3A_487 : memref<1x64xi32, #tpu.memory_space<vmem>> -> memref<64xi32, #tpu.memory_space<vmem>>
      %dma_wait3A_489 = arith.constant 0 : i32
      %dma_wait3A_490 = arith.constant 0 : i32
      %dma_wait3A_491 = tpu.memref_slice %arg2[%dma_wait3A_489, %dma_wait3A_490] : memref<10000x128xf32, #tpu.memory_space<hbm>> -> memref<10000x128xf32, #tpu.memory_space<hbm>>
      tpu.wait_indirect_dma semaphore(%arg20 : memref<!tpu.dma_semaphore, #tpu.memory_space<semaphore_mem>>) src(%dma_wait3A_491 : memref<10000x128xf32, #tpu.memory_space<hbm>>) dst(%arg15 : memref<64x128xf32, #tpu.memory_space<vmem>>)
      %run_scoped3A_492 = arith.constant 8 : i32
      "tpu.region"() ({
        %run_scoped3A_721 = tpu.sem_alloc : memref<!tpu.dma_semaphore, #tpu.memory_space<semaphore_mem>>
        %dma_start3A_722 = arith.constant 0 : i32
        %dma_start3A_723 = tpu.memref_slice %arg8[%run_scoped3A_492, %dma_start3A_722] : memref<10x64xi32, #tpu.memory_space<vmem>> -> memref<1x64xi32, #tpu.memory_space<vmem>>
        %dma_start3A_724 = tpu.memref_squeeze %dma_start3A_723 : memref<1x64xi32, #tpu.memory_space<vmem>> -> memref<64xi32, #tpu.memory_space<vmem>>
        %dma_start3A_725 = arith.constant 0 : i32
        %dma_start3A_726 = arith.constant 0 : i32
        %dma_start3A_727 = tpu.memref_slice %arg11[%dma_start3A_725, %dma_start3A_726] : memref<10112x128xf32, #tpu.memory_space<vmem_shared>> -> memref<10112x128xf32, #tpu.memory_space<vmem_shared>>
        tpu.enqueue_indirect_dma source(%arg15 : memref<64x128xf32, #tpu.memory_space<vmem>>) target(%dma_start3A_727 : memref<10112x128xf32, #tpu.memory_space<vmem_shared>>) offsets(%dma_start3A_724 : memref<64xi32, #tpu.memory_space<vmem>>) semaphore(%run_scoped3A_721 : memref<!tpu.dma_semaphore, #tpu.memory_space<semaphore_mem>>) {add = true}
        %dma_wait3A_728 = arith.constant 0 : i32
        %dma_wait3A_729 = tpu.memref_slice %arg8[%run_scoped3A_492, %dma_wait3A_728] : memref<10x64xi32, #tpu.memory_space<vmem>> -> memref<1x64xi32, #tpu.memory_space<vmem>>
        %dma_wait3A_730 = tpu.memref_squeeze %dma_wait3A_729 : memref<1x64xi32, #tpu.memory_space<vmem>> -> memref<64xi32, #tpu.memory_space<vmem>>
        %dma_wait3A_731 = arith.constant 0 : i32
        %dma_wait3A_732 = arith.constant 0 : i32
        %dma_wait3A_733 = tpu.memref_slice %arg11[%dma_wait3A_731, %dma_wait3A_732] : memref<10112x128xf32, #tpu.memory_space<vmem_shared>> -> memref<10112x128xf32, #tpu.memory_space<vmem_shared>>
        tpu.wait_indirect_dma semaphore(%run_scoped3A_721 : memref<!tpu.dma_semaphore, #tpu.memory_space<semaphore_mem>>) src(%arg15 : memref<64x128xf32, #tpu.memory_space<vmem>>) dst(%dma_wait3A_733 : memref<10112x128xf32, #tpu.memory_space<vmem_shared>>)
        tpu.yield
      }) : () -> ()
      %dma_start3A_493 = arith.constant 3 : i32
      %dma_start3A_494 = arith.constant 0 : i32
      %dma_start3A_495 = tpu.memref_slice %arg9[%dma_start3A_493, %dma_start3A_494] : memref<10x64xi32, #tpu.memory_space<vmem>> -> memref<1x64xi32, #tpu.memory_space<vmem>>
      %dma_start3A_496 = tpu.memref_squeeze %dma_start3A_495 : memref<1x64xi32, #tpu.memory_space<vmem>> -> memref<64xi32, #tpu.memory_space<vmem>>
      %dma_start3A_497 = arith.constant 0 : i32
      %dma_start3A_498 = arith.constant 0 : i32
      %dma_start3A_499 = tpu.memref_slice %arg2[%dma_start3A_497, %dma_start3A_498] : memref<10000x128xf32, #tpu.memory_space<hbm>> -> memref<10000x128xf32, #tpu.memory_space<hbm>>
      tpu.enqueue_indirect_dma source(%dma_start3A_499 : memref<10000x128xf32, #tpu.memory_space<hbm>>) target(%arg15 : memref<64x128xf32, #tpu.memory_space<vmem>>) offsets(%dma_start3A_496 : memref<64xi32, #tpu.memory_space<vmem>>) semaphore(%arg20 : memref<!tpu.dma_semaphore, #tpu.memory_space<semaphore_mem>>)
      %dma_wait3A_500 = arith.constant 9 : i32
      %dma_wait3A_501 = arith.constant 0 : i32
      %dma_wait3A_502 = tpu.memref_slice %arg7[%dma_wait3A_500, %dma_wait3A_501] : memref<10x64xi32, #tpu.memory_space<vmem>> -> memref<1x64xi32, #tpu.memory_space<vmem>>
      %dma_wait3A_503 = tpu.memref_squeeze %dma_wait3A_502 : memref<1x64xi32, #tpu.memory_space<vmem>> -> memref<64xi32, #tpu.memory_space<vmem>>
      %dma_wait3A_504 = arith.constant 0 : i32
      %dma_wait3A_505 = arith.constant 0 : i32
      %dma_wait3A_506 = tpu.memref_slice %arg2[%dma_wait3A_504, %dma_wait3A_505] : memref<10000x128xf32, #tpu.memory_space<hbm>> -> memref<10000x128xf32, #tpu.memory_space<hbm>>
      tpu.wait_indirect_dma semaphore(%arg21 : memref<!tpu.dma_semaphore, #tpu.memory_space<semaphore_mem>>) src(%dma_wait3A_506 : memref<10000x128xf32, #tpu.memory_space<hbm>>) dst(%arg16 : memref<64x128xf32, #tpu.memory_space<vmem>>)
      %run_scoped3A_507 = arith.constant 9 : i32
      "tpu.region"() ({
        %run_scoped3A_721 = tpu.sem_alloc : memref<!tpu.dma_semaphore, #tpu.memory_space<semaphore_mem>>
        %dma_start3A_722 = arith.constant 0 : i32
        %dma_start3A_723 = tpu.memref_slice %arg8[%run_scoped3A_507, %dma_start3A_722] : memref<10x64xi32, #tpu.memory_space<vmem>> -> memref<1x64xi32, #tpu.memory_space<vmem>>
        %dma_start3A_724 = tpu.memref_squeeze %dma_start3A_723 : memref<1x64xi32, #tpu.memory_space<vmem>> -> memref<64xi32, #tpu.memory_space<vmem>>
        %dma_start3A_725 = arith.constant 0 : i32
        %dma_start3A_726 = arith.constant 0 : i32
        %dma_start3A_727 = tpu.memref_slice %arg11[%dma_start3A_725, %dma_start3A_726] : memref<10112x128xf32, #tpu.memory_space<vmem_shared>> -> memref<10112x128xf32, #tpu.memory_space<vmem_shared>>
        tpu.enqueue_indirect_dma source(%arg16 : memref<64x128xf32, #tpu.memory_space<vmem>>) target(%dma_start3A_727 : memref<10112x128xf32, #tpu.memory_space<vmem_shared>>) offsets(%dma_start3A_724 : memref<64xi32, #tpu.memory_space<vmem>>) semaphore(%run_scoped3A_721 : memref<!tpu.dma_semaphore, #tpu.memory_space<semaphore_mem>>) {add = true}
        %dma_wait3A_728 = arith.constant 0 : i32
        %dma_wait3A_729 = tpu.memref_slice %arg8[%run_scoped3A_507, %dma_wait3A_728] : memref<10x64xi32, #tpu.memory_space<vmem>> -> memref<1x64xi32, #tpu.memory_space<vmem>>
        %dma_wait3A_730 = tpu.memref_squeeze %dma_wait3A_729 : memref<1x64xi32, #tpu.memory_space<vmem>> -> memref<64xi32, #tpu.memory_space<vmem>>
        %dma_wait3A_731 = arith.constant 0 : i32
        %dma_wait3A_732 = arith.constant 0 : i32
        %dma_wait3A_733 = tpu.memref_slice %arg11[%dma_wait3A_731, %dma_wait3A_732] : memref<10112x128xf32, #tpu.memory_space<vmem_shared>> -> memref<10112x128xf32, #tpu.memory_space<vmem_shared>>
        tpu.wait_indirect_dma semaphore(%run_scoped3A_721 : memref<!tpu.dma_semaphore, #tpu.memory_space<semaphore_mem>>) src(%arg16 : memref<64x128xf32, #tpu.memory_space<vmem>>) dst(%dma_wait3A_733 : memref<10112x128xf32, #tpu.memory_space<vmem_shared>>)
        tpu.yield
      }) : () -> ()
      %dma_start3A_508 = arith.constant 4 : i32
      %dma_start3A_509 = arith.constant 0 : i32
      %dma_start3A_510 = tpu.memref_slice %arg9[%dma_start3A_508, %dma_start3A_509] : memref<10x64xi32, #tpu.memory_space<vmem>> -> memref<1x64xi32, #tpu.memory_space<vmem>>
      %dma_start3A_511 = tpu.memref_squeeze %dma_start3A_510 : memref<1x64xi32, #tpu.memory_space<vmem>> -> memref<64xi32, #tpu.memory_space<vmem>>
      %dma_start3A_512 = arith.constant 0 : i32
      %dma_start3A_513 = arith.constant 0 : i32
      %dma_start3A_514 = tpu.memref_slice %arg2[%dma_start3A_512, %dma_start3A_513] : memref<10000x128xf32, #tpu.memory_space<hbm>> -> memref<10000x128xf32, #tpu.memory_space<hbm>>
      tpu.enqueue_indirect_dma source(%dma_start3A_514 : memref<10000x128xf32, #tpu.memory_space<hbm>>) target(%arg16 : memref<64x128xf32, #tpu.memory_space<vmem>>) offsets(%dma_start3A_511 : memref<64xi32, #tpu.memory_space<vmem>>) semaphore(%arg21 : memref<!tpu.dma_semaphore, #tpu.memory_space<semaphore_mem>>)
      %add3A_515 = arith.constant 2 : i32
      %add3A_516 = arith.addi %mul3A_346, %add3A_515 : i32
      %dma_start3A_517 = arith.constant 0 : i32
      %dma_start3A_518 = arith.constant 0 : i32
      %dma_start3A_519 = tpu.memref_slice %arg3[%add3A, %add3A_516, %dma_start3A_517, %dma_start3A_518] : memref<32x16x10x64xi32, #tpu.memory_space<hbm>> -> memref<1x1x10x64xi32, #tpu.memory_space<hbm>>
      %dma_start3A_520 = tpu.memref_squeeze %dma_start3A_519 : memref<1x1x10x64xi32, #tpu.memory_space<hbm>> -> memref<10x64xi32, #tpu.memory_space<hbm>>
      %dma_start3A_521 = arith.constant 0 : i32
      %dma_start3A_522 = arith.constant 0 : i32
      %dma_start3A_523 = tpu.memref_slice %arg3[%add3A, %add3A_516, %dma_start3A_521, %dma_start3A_522] : memref<32x16x10x64xi32, #tpu.memory_space<hbm>> -> memref<1x1x10x64xi32, #tpu.memory_space<hbm>>
      %dma_start3A_524 = tpu.memref_squeeze %dma_start3A_523 : memref<1x1x10x64xi32, #tpu.memory_space<hbm>> -> memref<10x64xi32, #tpu.memory_space<hbm>>
      tpu.enqueue_dma source(%dma_start3A_524 : memref<10x64xi32, #tpu.memory_space<hbm>>) target(%arg7 : memref<10x64xi32, #tpu.memory_space<vmem>>) target_semaphore(%arg22 : memref<!tpu.dma_semaphore, #tpu.memory_space<semaphore_mem>>)
      %dma_start3A_525 = arith.constant 0 : i32
      %dma_start3A_526 = arith.constant 0 : i32
      %dma_start3A_527 = tpu.memref_slice %arg4[%add3A, %add3A_516, %dma_start3A_525, %dma_start3A_526] : memref<32x16x10x64xi32, #tpu.memory_space<hbm>> -> memref<1x1x10x64xi32, #tpu.memory_space<hbm>>
      %dma_start3A_528 = tpu.memref_squeeze %dma_start3A_527 : memref<1x1x10x64xi32, #tpu.memory_space<hbm>> -> memref<10x64xi32, #tpu.memory_space<hbm>>
      %dma_start3A_529 = arith.constant 0 : i32
      %dma_start3A_530 = arith.constant 0 : i32
      %dma_start3A_531 = tpu.memref_slice %arg4[%add3A, %add3A_516, %dma_start3A_529, %dma_start3A_530] : memref<32x16x10x64xi32, #tpu.memory_space<hbm>> -> memref<1x1x10x64xi32, #tpu.memory_space<hbm>>
      %dma_start3A_532 = tpu.memref_squeeze %dma_start3A_531 : memref<1x1x10x64xi32, #tpu.memory_space<hbm>> -> memref<10x64xi32, #tpu.memory_space<hbm>>
      tpu.enqueue_dma source(%dma_start3A_532 : memref<10x64xi32, #tpu.memory_space<hbm>>) target(%arg8 : memref<10x64xi32, #tpu.memory_space<vmem>>) target_semaphore(%arg22 : memref<!tpu.dma_semaphore, #tpu.memory_space<semaphore_mem>>)
      %add3A_533 = arith.constant 1 : i32
      %add3A_534 = arith.addi %mul3A_346, %add3A_533 : i32
      %dma_wait3A_535 = arith.constant 0 : i32
      %dma_wait3A_536 = arith.constant 0 : i32
      %dma_wait3A_537 = tpu.memref_slice %arg9[%dma_wait3A_535, %dma_wait3A_536] : memref<10x64xi32, #tpu.memory_space<vmem>> -> memref<1x64xi32, #tpu.memory_space<vmem>>
      %dma_wait3A_538 = tpu.memref_squeeze %dma_wait3A_537 : memref<1x64xi32, #tpu.memory_space<vmem>> -> memref<64xi32, #tpu.memory_space<vmem>>
      %dma_wait3A_539 = arith.constant 0 : i32
      %dma_wait3A_540 = arith.constant 0 : i32
      %dma_wait3A_541 = tpu.memref_slice %arg2[%dma_wait3A_539, %dma_wait3A_540] : memref<10000x128xf32, #tpu.memory_space<hbm>> -> memref<10000x128xf32, #tpu.memory_space<hbm>>
      tpu.wait_indirect_dma semaphore(%arg17 : memref<!tpu.dma_semaphore, #tpu.memory_space<semaphore_mem>>) src(%dma_wait3A_541 : memref<10000x128xf32, #tpu.memory_space<hbm>>) dst(%arg12 : memref<64x128xf32, #tpu.memory_space<vmem>>)
      %run_scoped3A_542 = arith.constant 0 : i32
      "tpu.region"() ({
        %run_scoped3A_721 = tpu.sem_alloc : memref<!tpu.dma_semaphore, #tpu.memory_space<semaphore_mem>>
        %dma_start3A_722 = arith.constant 0 : i32
        %dma_start3A_723 = tpu.memref_slice %arg10[%run_scoped3A_542, %dma_start3A_722] : memref<10x64xi32, #tpu.memory_space<vmem>> -> memref<1x64xi32, #tpu.memory_space<vmem>>
        %dma_start3A_724 = tpu.memref_squeeze %dma_start3A_723 : memref<1x64xi32, #tpu.memory_space<vmem>> -> memref<64xi32, #tpu.memory_space<vmem>>
        %dma_start3A_725 = arith.constant 0 : i32
        %dma_start3A_726 = arith.constant 0 : i32
        %dma_start3A_727 = tpu.memref_slice %arg11[%dma_start3A_725, %dma_start3A_726] : memref<10112x128xf32, #tpu.memory_space<vmem_shared>> -> memref<10112x128xf32, #tpu.memory_space<vmem_shared>>
        tpu.enqueue_indirect_dma source(%arg12 : memref<64x128xf32, #tpu.memory_space<vmem>>) target(%dma_start3A_727 : memref<10112x128xf32, #tpu.memory_space<vmem_shared>>) offsets(%dma_start3A_724 : memref<64xi32, #tpu.memory_space<vmem>>) semaphore(%run_scoped3A_721 : memref<!tpu.dma_semaphore, #tpu.memory_space<semaphore_mem>>) {add = true}
        %dma_wait3A_728 = arith.constant 0 : i32
        %dma_wait3A_729 = tpu.memref_slice %arg10[%run_scoped3A_542, %dma_wait3A_728] : memref<10x64xi32, #tpu.memory_space<vmem>> -> memref<1x64xi32, #tpu.memory_space<vmem>>
        %dma_wait3A_730 = tpu.memref_squeeze %dma_wait3A_729 : memref<1x64xi32, #tpu.memory_space<vmem>> -> memref<64xi32, #tpu.memory_space<vmem>>
        %dma_wait3A_731 = arith.constant 0 : i32
        %dma_wait3A_732 = arith.constant 0 : i32
        %dma_wait3A_733 = tpu.memref_slice %arg11[%dma_wait3A_731, %dma_wait3A_732] : memref<10112x128xf32, #tpu.memory_space<vmem_shared>> -> memref<10112x128xf32, #tpu.memory_space<vmem_shared>>
        tpu.wait_indirect_dma semaphore(%run_scoped3A_721 : memref<!tpu.dma_semaphore, #tpu.memory_space<semaphore_mem>>) src(%arg12 : memref<64x128xf32, #tpu.memory_space<vmem>>) dst(%dma_wait3A_733 : memref<10112x128xf32, #tpu.memory_space<vmem_shared>>)
        tpu.yield
      }) : () -> ()
      %dma_start3A_543 = arith.constant 5 : i32
      %dma_start3A_544 = arith.constant 0 : i32
      %dma_start3A_545 = tpu.memref_slice %arg9[%dma_start3A_543, %dma_start3A_544] : memref<10x64xi32, #tpu.memory_space<vmem>> -> memref<1x64xi32, #tpu.memory_space<vmem>>
      %dma_start3A_546 = tpu.memref_squeeze %dma_start3A_545 : memref<1x64xi32, #tpu.memory_space<vmem>> -> memref<64xi32, #tpu.memory_space<vmem>>
      %dma_start3A_547 = arith.constant 0 : i32
      %dma_start3A_548 = arith.constant 0 : i32
      %dma_start3A_549 = tpu.memref_slice %arg2[%dma_start3A_547, %dma_start3A_548] : memref<10000x128xf32, #tpu.memory_space<hbm>> -> memref<10000x128xf32, #tpu.memory_space<hbm>>
      tpu.enqueue_indirect_dma source(%dma_start3A_549 : memref<10000x128xf32, #tpu.memory_space<hbm>>) target(%arg12 : memref<64x128xf32, #tpu.memory_space<vmem>>) offsets(%dma_start3A_546 : memref<64xi32, #tpu.memory_space<vmem>>) semaphore(%arg17 : memref<!tpu.dma_semaphore, #tpu.memory_space<semaphore_mem>>)
      %dma_wait3A_550 = arith.constant 1 : i32
      %dma_wait3A_551 = arith.constant 0 : i32
      %dma_wait3A_552 = tpu.memref_slice %arg9[%dma_wait3A_550, %dma_wait3A_551] : memref<10x64xi32, #tpu.memory_space<vmem>> -> memref<1x64xi32, #tpu.memory_space<vmem>>
      %dma_wait3A_553 = tpu.memref_squeeze %dma_wait3A_552 : memref<1x64xi32, #tpu.memory_space<vmem>> -> memref<64xi32, #tpu.memory_space<vmem>>
      %dma_wait3A_554 = arith.constant 0 : i32
      %dma_wait3A_555 = arith.constant 0 : i32
      %dma_wait3A_556 = tpu.memref_slice %arg2[%dma_wait3A_554, %dma_wait3A_555] : memref<10000x128xf32, #tpu.memory_space<hbm>> -> memref<10000x128xf32, #tpu.memory_space<hbm>>
      tpu.wait_indirect_dma semaphore(%arg18 : memref<!tpu.dma_semaphore, #tpu.memory_space<semaphore_mem>>) src(%dma_wait3A_556 : memref<10000x128xf32, #tpu.memory_space<hbm>>) dst(%arg13 : memref<64x128xf32, #tpu.memory_space<vmem>>)
      %run_scoped3A_557 = arith.constant 1 : i32
      "tpu.region"() ({
        %run_scoped3A_721 = tpu.sem_alloc : memref<!tpu.dma_semaphore, #tpu.memory_space<semaphore_mem>>
        %dma_start3A_722 = arith.constant 0 : i32
        %dma_start3A_723 = tpu.memref_slice %arg10[%run_scoped3A_557, %dma_start3A_722] : memref<10x64xi32, #tpu.memory_space<vmem>> -> memref<1x64xi32, #tpu.memory_space<vmem>>
        %dma_start3A_724 = tpu.memref_squeeze %dma_start3A_723 : memref<1x64xi32, #tpu.memory_space<vmem>> -> memref<64xi32, #tpu.memory_space<vmem>>
        %dma_start3A_725 = arith.constant 0 : i32
        %dma_start3A_726 = arith.constant 0 : i32
        %dma_start3A_727 = tpu.memref_slice %arg11[%dma_start3A_725, %dma_start3A_726] : memref<10112x128xf32, #tpu.memory_space<vmem_shared>> -> memref<10112x128xf32, #tpu.memory_space<vmem_shared>>
        tpu.enqueue_indirect_dma source(%arg13 : memref<64x128xf32, #tpu.memory_space<vmem>>) target(%dma_start3A_727 : memref<10112x128xf32, #tpu.memory_space<vmem_shared>>) offsets(%dma_start3A_724 : memref<64xi32, #tpu.memory_space<vmem>>) semaphore(%run_scoped3A_721 : memref<!tpu.dma_semaphore, #tpu.memory_space<semaphore_mem>>) {add = true}
        %dma_wait3A_728 = arith.constant 0 : i32
        %dma_wait3A_729 = tpu.memref_slice %arg10[%run_scoped3A_557, %dma_wait3A_728] : memref<10x64xi32, #tpu.memory_space<vmem>> -> memref<1x64xi32, #tpu.memory_space<vmem>>
        %dma_wait3A_730 = tpu.memref_squeeze %dma_wait3A_729 : memref<1x64xi32, #tpu.memory_space<vmem>> -> memref<64xi32, #tpu.memory_space<vmem>>
        %dma_wait3A_731 = arith.constant 0 : i32
        %dma_wait3A_732 = arith.constant 0 : i32
        %dma_wait3A_733 = tpu.memref_slice %arg11[%dma_wait3A_731, %dma_wait3A_732] : memref<10112x128xf32, #tpu.memory_space<vmem_shared>> -> memref<10112x128xf32, #tpu.memory_space<vmem_shared>>
        tpu.wait_indirect_dma semaphore(%run_scoped3A_721 : memref<!tpu.dma_semaphore, #tpu.memory_space<semaphore_mem>>) src(%arg13 : memref<64x128xf32, #tpu.memory_space<vmem>>) dst(%dma_wait3A_733 : memref<10112x128xf32, #tpu.memory_space<vmem_shared>>)
        tpu.yield
      }) : () -> ()
      %dma_start3A_558 = arith.constant 6 : i32
      %dma_start3A_559 = arith.constant 0 : i32
      %dma_start3A_560 = tpu.memref_slice %arg9[%dma_start3A_558, %dma_start3A_559] : memref<10x64xi32, #tpu.memory_space<vmem>> -> memref<1x64xi32, #tpu.memory_space<vmem>>
      %dma_start3A_561 = tpu.memref_squeeze %dma_start3A_560 : memref<1x64xi32, #tpu.memory_space<vmem>> -> memref<64xi32, #tpu.memory_space<vmem>>
      %dma_start3A_562 = arith.constant 0 : i32
      %dma_start3A_563 = arith.constant 0 : i32
      %dma_start3A_564 = tpu.memref_slice %arg2[%dma_start3A_562, %dma_start3A_563] : memref<10000x128xf32, #tpu.memory_space<hbm>> -> memref<10000x128xf32, #tpu.memory_space<hbm>>
      tpu.enqueue_indirect_dma source(%dma_start3A_564 : memref<10000x128xf32, #tpu.memory_space<hbm>>) target(%arg13 : memref<64x128xf32, #tpu.memory_space<vmem>>) offsets(%dma_start3A_561 : memref<64xi32, #tpu.memory_space<vmem>>) semaphore(%arg18 : memref<!tpu.dma_semaphore, #tpu.memory_space<semaphore_mem>>)
      %dma_wait3A_565 = arith.constant 2 : i32
      %dma_wait3A_566 = arith.constant 0 : i32
      %dma_wait3A_567 = tpu.memref_slice %arg9[%dma_wait3A_565, %dma_wait3A_566] : memref<10x64xi32, #tpu.memory_space<vmem>> -> memref<1x64xi32, #tpu.memory_space<vmem>>
      %dma_wait3A_568 = tpu.memref_squeeze %dma_wait3A_567 : memref<1x64xi32, #tpu.memory_space<vmem>> -> memref<64xi32, #tpu.memory_space<vmem>>
      %dma_wait3A_569 = arith.constant 0 : i32
      %dma_wait3A_570 = arith.constant 0 : i32
      %dma_wait3A_571 = tpu.memref_slice %arg2[%dma_wait3A_569, %dma_wait3A_570] : memref<10000x128xf32, #tpu.memory_space<hbm>> -> memref<10000x128xf32, #tpu.memory_space<hbm>>
      tpu.wait_indirect_dma semaphore(%arg19 : memref<!tpu.dma_semaphore, #tpu.memory_space<semaphore_mem>>) src(%dma_wait3A_571 : memref<10000x128xf32, #tpu.memory_space<hbm>>) dst(%arg14 : memref<64x128xf32, #tpu.memory_space<vmem>>)
      %run_scoped3A_572 = arith.constant 2 : i32
      "tpu.region"() ({
        %run_scoped3A_721 = tpu.sem_alloc : memref<!tpu.dma_semaphore, #tpu.memory_space<semaphore_mem>>
        %dma_start3A_722 = arith.constant 0 : i32
        %dma_start3A_723 = tpu.memref_slice %arg10[%run_scoped3A_572, %dma_start3A_722] : memref<10x64xi32, #tpu.memory_space<vmem>> -> memref<1x64xi32, #tpu.memory_space<vmem>>
        %dma_start3A_724 = tpu.memref_squeeze %dma_start3A_723 : memref<1x64xi32, #tpu.memory_space<vmem>> -> memref<64xi32, #tpu.memory_space<vmem>>
        %dma_start3A_725 = arith.constant 0 : i32
        %dma_start3A_726 = arith.constant 0 : i32
        %dma_start3A_727 = tpu.memref_slice %arg11[%dma_start3A_725, %dma_start3A_726] : memref<10112x128xf32, #tpu.memory_space<vmem_shared>> -> memref<10112x128xf32, #tpu.memory_space<vmem_shared>>
        tpu.enqueue_indirect_dma source(%arg14 : memref<64x128xf32, #tpu.memory_space<vmem>>) target(%dma_start3A_727 : memref<10112x128xf32, #tpu.memory_space<vmem_shared>>) offsets(%dma_start3A_724 : memref<64xi32, #tpu.memory_space<vmem>>) semaphore(%run_scoped3A_721 : memref<!tpu.dma_semaphore, #tpu.memory_space<semaphore_mem>>) {add = true}
        %dma_wait3A_728 = arith.constant 0 : i32
        %dma_wait3A_729 = tpu.memref_slice %arg10[%run_scoped3A_572, %dma_wait3A_728] : memref<10x64xi32, #tpu.memory_space<vmem>> -> memref<1x64xi32, #tpu.memory_space<vmem>>
        %dma_wait3A_730 = tpu.memref_squeeze %dma_wait3A_729 : memref<1x64xi32, #tpu.memory_space<vmem>> -> memref<64xi32, #tpu.memory_space<vmem>>
        %dma_wait3A_731 = arith.constant 0 : i32
        %dma_wait3A_732 = arith.constant 0 : i32
        %dma_wait3A_733 = tpu.memref_slice %arg11[%dma_wait3A_731, %dma_wait3A_732] : memref<10112x128xf32, #tpu.memory_space<vmem_shared>> -> memref<10112x128xf32, #tpu.memory_space<vmem_shared>>
        tpu.wait_indirect_dma semaphore(%run_scoped3A_721 : memref<!tpu.dma_semaphore, #tpu.memory_space<semaphore_mem>>) src(%arg14 : memref<64x128xf32, #tpu.memory_space<vmem>>) dst(%dma_wait3A_733 : memref<10112x128xf32, #tpu.memory_space<vmem_shared>>)
        tpu.yield
      }) : () -> ()
      %dma_start3A_573 = arith.constant 7 : i32
      %dma_start3A_574 = arith.constant 0 : i32
      %dma_start3A_575 = tpu.memref_slice %arg9[%dma_start3A_573, %dma_start3A_574] : memref<10x64xi32, #tpu.memory_space<vmem>> -> memref<1x64xi32, #tpu.memory_space<vmem>>
      %dma_start3A_576 = tpu.memref_squeeze %dma_start3A_575 : memref<1x64xi32, #tpu.memory_space<vmem>> -> memref<64xi32, #tpu.memory_space<vmem>>
      %dma_start3A_577 = arith.constant 0 : i32
      %dma_start3A_578 = arith.constant 0 : i32
      %dma_start3A_579 = tpu.memref_slice %arg2[%dma_start3A_577, %dma_start3A_578] : memref<10000x128xf32, #tpu.memory_space<hbm>> -> memref<10000x128xf32, #tpu.memory_space<hbm>>
      tpu.enqueue_indirect_dma source(%dma_start3A_579 : memref<10000x128xf32, #tpu.memory_space<hbm>>) target(%arg14 : memref<64x128xf32, #tpu.memory_space<vmem>>) offsets(%dma_start3A_576 : memref<64xi32, #tpu.memory_space<vmem>>) semaphore(%arg19 : memref<!tpu.dma_semaphore, #tpu.memory_space<semaphore_mem>>)
      %dma_wait3A_580 = arith.constant 3 : i32
      %dma_wait3A_581 = arith.constant 0 : i32
      %dma_wait3A_582 = tpu.memref_slice %arg9[%dma_wait3A_580, %dma_wait3A_581] : memref<10x64xi32, #tpu.memory_space<vmem>> -> memref<1x64xi32, #tpu.memory_space<vmem>>
      %dma_wait3A_583 = tpu.memref_squeeze %dma_wait3A_582 : memref<1x64xi32, #tpu.memory_space<vmem>> -> memref<64xi32, #tpu.memory_space<vmem>>
      %dma_wait3A_584 = arith.constant 0 : i32
      %dma_wait3A_585 = arith.constant 0 : i32
      %dma_wait3A_586 = tpu.memref_slice %arg2[%dma_wait3A_584, %dma_wait3A_585] : memref<10000x128xf32, #tpu.memory_space<hbm>> -> memref<10000x128xf32, #tpu.memory_space<hbm>>
      tpu.wait_indirect_dma semaphore(%arg20 : memref<!tpu.dma_semaphore, #tpu.memory_space<semaphore_mem>>) src(%dma_wait3A_586 : memref<10000x128xf32, #tpu.memory_space<hbm>>) dst(%arg15 : memref<64x128xf32, #tpu.memory_space<vmem>>)
      %run_scoped3A_587 = arith.constant 3 : i32
      "tpu.region"() ({
        %run_scoped3A_721 = tpu.sem_alloc : memref<!tpu.dma_semaphore, #tpu.memory_space<semaphore_mem>>
        %dma_start3A_722 = arith.constant 0 : i32
        %dma_start3A_723 = tpu.memref_slice %arg10[%run_scoped3A_587, %dma_start3A_722] : memref<10x64xi32, #tpu.memory_space<vmem>> -> memref<1x64xi32, #tpu.memory_space<vmem>>
        %dma_start3A_724 = tpu.memref_squeeze %dma_start3A_723 : memref<1x64xi32, #tpu.memory_space<vmem>> -> memref<64xi32, #tpu.memory_space<vmem>>
        %dma_start3A_725 = arith.constant 0 : i32
        %dma_start3A_726 = arith.constant 0 : i32
        %dma_start3A_727 = tpu.memref_slice %arg11[%dma_start3A_725, %dma_start3A_726] : memref<10112x128xf32, #tpu.memory_space<vmem_shared>> -> memref<10112x128xf32, #tpu.memory_space<vmem_shared>>
        tpu.enqueue_indirect_dma source(%arg15 : memref<64x128xf32, #tpu.memory_space<vmem>>) target(%dma_start3A_727 : memref<10112x128xf32, #tpu.memory_space<vmem_shared>>) offsets(%dma_start3A_724 : memref<64xi32, #tpu.memory_space<vmem>>) semaphore(%run_scoped3A_721 : memref<!tpu.dma_semaphore, #tpu.memory_space<semaphore_mem>>) {add = true}
        %dma_wait3A_728 = arith.constant 0 : i32
        %dma_wait3A_729 = tpu.memref_slice %arg10[%run_scoped3A_587, %dma_wait3A_728] : memref<10x64xi32, #tpu.memory_space<vmem>> -> memref<1x64xi32, #tpu.memory_space<vmem>>
        %dma_wait3A_730 = tpu.memref_squeeze %dma_wait3A_729 : memref<1x64xi32, #tpu.memory_space<vmem>> -> memref<64xi32, #tpu.memory_space<vmem>>
        %dma_wait3A_731 = arith.constant 0 : i32
        %dma_wait3A_732 = arith.constant 0 : i32
        %dma_wait3A_733 = tpu.memref_slice %arg11[%dma_wait3A_731, %dma_wait3A_732] : memref<10112x128xf32, #tpu.memory_space<vmem_shared>> -> memref<10112x128xf32, #tpu.memory_space<vmem_shared>>
        tpu.wait_indirect_dma semaphore(%run_scoped3A_721 : memref<!tpu.dma_semaphore, #tpu.memory_space<semaphore_mem>>) src(%arg15 : memref<64x128xf32, #tpu.memory_space<vmem>>) dst(%dma_wait3A_733 : memref<10112x128xf32, #tpu.memory_space<vmem_shared>>)
        tpu.yield
      }) : () -> ()
      %dma_start3A_588 = arith.constant 8 : i32
      %dma_start3A_589 = arith.constant 0 : i32
      %dma_start3A_590 = tpu.memref_slice %arg9[%dma_start3A_588, %dma_start3A_589] : memref<10x64xi32, #tpu.memory_space<vmem>> -> memref<1x64xi32, #tpu.memory_space<vmem>>
      %dma_start3A_591 = tpu.memref_squeeze %dma_start3A_590 : memref<1x64xi32, #tpu.memory_space<vmem>> -> memref<64xi32, #tpu.memory_space<vmem>>
      %dma_start3A_592 = arith.constant 0 : i32
      %dma_start3A_593 = arith.constant 0 : i32
      %dma_start3A_594 = tpu.memref_slice %arg2[%dma_start3A_592, %dma_start3A_593] : memref<10000x128xf32, #tpu.memory_space<hbm>> -> memref<10000x128xf32, #tpu.memory_space<hbm>>
      tpu.enqueue_indirect_dma source(%dma_start3A_594 : memref<10000x128xf32, #tpu.memory_space<hbm>>) target(%arg15 : memref<64x128xf32, #tpu.memory_space<vmem>>) offsets(%dma_start3A_591 : memref<64xi32, #tpu.memory_space<vmem>>) semaphore(%arg20 : memref<!tpu.dma_semaphore, #tpu.memory_space<semaphore_mem>>)
      %dma_wait3A_595 = arith.constant 4 : i32
      %dma_wait3A_596 = arith.constant 0 : i32
      %dma_wait3A_597 = tpu.memref_slice %arg9[%dma_wait3A_595, %dma_wait3A_596] : memref<10x64xi32, #tpu.memory_space<vmem>> -> memref<1x64xi32, #tpu.memory_space<vmem>>
      %dma_wait3A_598 = tpu.memref_squeeze %dma_wait3A_597 : memref<1x64xi32, #tpu.memory_space<vmem>> -> memref<64xi32, #tpu.memory_space<vmem>>
      %dma_wait3A_599 = arith.constant 0 : i32
      %dma_wait3A_600 = arith.constant 0 : i32
      %dma_wait3A_601 = tpu.memref_slice %arg2[%dma_wait3A_599, %dma_wait3A_600] : memref<10000x128xf32, #tpu.memory_space<hbm>> -> memref<10000x128xf32, #tpu.memory_space<hbm>>
      tpu.wait_indirect_dma semaphore(%arg21 : memref<!tpu.dma_semaphore, #tpu.memory_space<semaphore_mem>>) src(%dma_wait3A_601 : memref<10000x128xf32, #tpu.memory_space<hbm>>) dst(%arg16 : memref<64x128xf32, #tpu.memory_space<vmem>>)
      %run_scoped3A_602 = arith.constant 4 : i32
      "tpu.region"() ({
        %run_scoped3A_721 = tpu.sem_alloc : memref<!tpu.dma_semaphore, #tpu.memory_space<semaphore_mem>>
        %dma_start3A_722 = arith.constant 0 : i32
        %dma_start3A_723 = tpu.memref_slice %arg10[%run_scoped3A_602, %dma_start3A_722] : memref<10x64xi32, #tpu.memory_space<vmem>> -> memref<1x64xi32, #tpu.memory_space<vmem>>
        %dma_start3A_724 = tpu.memref_squeeze %dma_start3A_723 : memref<1x64xi32, #tpu.memory_space<vmem>> -> memref<64xi32, #tpu.memory_space<vmem>>
        %dma_start3A_725 = arith.constant 0 : i32
        %dma_start3A_726 = arith.constant 0 : i32
        %dma_start3A_727 = tpu.memref_slice %arg11[%dma_start3A_725, %dma_start3A_726] : memref<10112x128xf32, #tpu.memory_space<vmem_shared>> -> memref<10112x128xf32, #tpu.memory_space<vmem_shared>>
        tpu.enqueue_indirect_dma source(%arg16 : memref<64x128xf32, #tpu.memory_space<vmem>>) target(%dma_start3A_727 : memref<10112x128xf32, #tpu.memory_space<vmem_shared>>) offsets(%dma_start3A_724 : memref<64xi32, #tpu.memory_space<vmem>>) semaphore(%run_scoped3A_721 : memref<!tpu.dma_semaphore, #tpu.memory_space<semaphore_mem>>) {add = true}
        %dma_wait3A_728 = arith.constant 0 : i32
        %dma_wait3A_729 = tpu.memref_slice %arg10[%run_scoped3A_602, %dma_wait3A_728] : memref<10x64xi32, #tpu.memory_space<vmem>> -> memref<1x64xi32, #tpu.memory_space<vmem>>
        %dma_wait3A_730 = tpu.memref_squeeze %dma_wait3A_729 : memref<1x64xi32, #tpu.memory_space<vmem>> -> memref<64xi32, #tpu.memory_space<vmem>>
        %dma_wait3A_731 = arith.constant 0 : i32
        %dma_wait3A_732 = arith.constant 0 : i32
        %dma_wait3A_733 = tpu.memref_slice %arg11[%dma_wait3A_731, %dma_wait3A_732] : memref<10112x128xf32, #tpu.memory_space<vmem_shared>> -> memref<10112x128xf32, #tpu.memory_space<vmem_shared>>
        tpu.wait_indirect_dma semaphore(%run_scoped3A_721 : memref<!tpu.dma_semaphore, #tpu.memory_space<semaphore_mem>>) src(%arg16 : memref<64x128xf32, #tpu.memory_space<vmem>>) dst(%dma_wait3A_733 : memref<10112x128xf32, #tpu.memory_space<vmem_shared>>)
        tpu.yield
      }) : () -> ()
      %dma_start3A_603 = arith.constant 9 : i32
      %dma_start3A_604 = arith.constant 0 : i32
      %dma_start3A_605 = tpu.memref_slice %arg9[%dma_start3A_603, %dma_start3A_604] : memref<10x64xi32, #tpu.memory_space<vmem>> -> memref<1x64xi32, #tpu.memory_space<vmem>>
      %dma_start3A_606 = tpu.memref_squeeze %dma_start3A_605 : memref<1x64xi32, #tpu.memory_space<vmem>> -> memref<64xi32, #tpu.memory_space<vmem>>
      %dma_start3A_607 = arith.constant 0 : i32
      %dma_start3A_608 = arith.constant 0 : i32
      %dma_start3A_609 = tpu.memref_slice %arg2[%dma_start3A_607, %dma_start3A_608] : memref<10000x128xf32, #tpu.memory_space<hbm>> -> memref<10000x128xf32, #tpu.memory_space<hbm>>
      tpu.enqueue_indirect_dma source(%dma_start3A_609 : memref<10000x128xf32, #tpu.memory_space<hbm>>) target(%arg16 : memref<64x128xf32, #tpu.memory_space<vmem>>) offsets(%dma_start3A_606 : memref<64xi32, #tpu.memory_space<vmem>>) semaphore(%arg21 : memref<!tpu.dma_semaphore, #tpu.memory_space<semaphore_mem>>)
      %add3A_610 = arith.constant 1 : i32
      %add3A_611 = arith.addi %add3A_534, %add3A_610 : i32
      %dma_wait3A_612 = arith.constant 0 : i32
      %dma_wait3A_613 = arith.constant 0 : i32
      %dma_wait3A_614 = tpu.memref_slice %arg3[%add3A, %add3A_611, %dma_wait3A_612, %dma_wait3A_613] : memref<32x16x10x64xi32, #tpu.memory_space<hbm>> -> memref<1x1x10x64xi32, #tpu.memory_space<hbm>>
      %dma_wait3A_615 = tpu.memref_squeeze %dma_wait3A_614 : memref<1x1x10x64xi32, #tpu.memory_space<hbm>> -> memref<10x64xi32, #tpu.memory_space<hbm>>
      %dma_wait3A_616 = arith.constant 0 : i32
      %dma_wait3A_617 = arith.constant 0 : i32
      %dma_wait3A_618 = tpu.memref_slice %arg3[%add3A, %add3A_611, %dma_wait3A_616, %dma_wait3A_617] : memref<32x16x10x64xi32, #tpu.memory_space<hbm>> -> memref<1x1x10x64xi32, #tpu.memory_space<hbm>>
      %dma_wait3A_619 = tpu.memref_squeeze %dma_wait3A_618 : memref<1x1x10x64xi32, #tpu.memory_space<hbm>> -> memref<10x64xi32, #tpu.memory_space<hbm>>
      tpu.wait_dma2 semaphore(%arg22 : memref<!tpu.dma_semaphore, #tpu.memory_space<semaphore_mem>>) src(%dma_wait3A_619 : memref<10x64xi32, #tpu.memory_space<hbm>>) dst(%arg7 : memref<10x64xi32, #tpu.memory_space<vmem>>)
      %dma_wait3A_620 = arith.constant 0 : i32
      %dma_wait3A_621 = arith.constant 0 : i32
      %dma_wait3A_622 = tpu.memref_slice %arg4[%add3A, %add3A_611, %dma_wait3A_620, %dma_wait3A_621] : memref<32x16x10x64xi32, #tpu.memory_space<hbm>> -> memref<1x1x10x64xi32, #tpu.memory_space<hbm>>
      %dma_wait3A_623 = tpu.memref_squeeze %dma_wait3A_622 : memref<1x1x10x64xi32, #tpu.memory_space<hbm>> -> memref<10x64xi32, #tpu.memory_space<hbm>>
      %dma_wait3A_624 = arith.constant 0 : i32
      %dma_wait3A_625 = arith.constant 0 : i32
      %dma_wait3A_626 = tpu.memref_slice %arg4[%add3A, %add3A_611, %dma_wait3A_624, %dma_wait3A_625] : memref<32x16x10x64xi32, #tpu.memory_space<hbm>> -> memref<1x1x10x64xi32, #tpu.memory_space<hbm>>
      %dma_wait3A_627 = tpu.memref_squeeze %dma_wait3A_626 : memref<1x1x10x64xi32, #tpu.memory_space<hbm>> -> memref<10x64xi32, #tpu.memory_space<hbm>>
      tpu.wait_dma2 semaphore(%arg22 : memref<!tpu.dma_semaphore, #tpu.memory_space<semaphore_mem>>) src(%dma_wait3A_627 : memref<10x64xi32, #tpu.memory_space<hbm>>) dst(%arg8 : memref<10x64xi32, #tpu.memory_space<vmem>>)
      %dma_wait3A_628 = arith.constant 5 : i32
      %dma_wait3A_629 = arith.constant 0 : i32
      %dma_wait3A_630 = tpu.memref_slice %arg9[%dma_wait3A_628, %dma_wait3A_629] : memref<10x64xi32, #tpu.memory_space<vmem>> -> memref<1x64xi32, #tpu.memory_space<vmem>>
      %dma_wait3A_631 = tpu.memref_squeeze %dma_wait3A_630 : memref<1x64xi32, #tpu.memory_space<vmem>> -> memref<64xi32, #tpu.memory_space<vmem>>
      %dma_wait3A_632 = arith.constant 0 : i32
      %dma_wait3A_633 = arith.constant 0 : i32
      %dma_wait3A_634 = tpu.memref_slice %arg2[%dma_wait3A_632, %dma_wait3A_633] : memref<10000x128xf32, #tpu.memory_space<hbm>> -> memref<10000x128xf32, #tpu.memory_space<hbm>>
      tpu.wait_indirect_dma semaphore(%arg17 : memref<!tpu.dma_semaphore, #tpu.memory_space<semaphore_mem>>) src(%dma_wait3A_634 : memref<10000x128xf32, #tpu.memory_space<hbm>>) dst(%arg12 : memref<64x128xf32, #tpu.memory_space<vmem>>)
      %run_scoped3A_635 = arith.constant 5 : i32
      "tpu.region"() ({
        %run_scoped3A_721 = tpu.sem_alloc : memref<!tpu.dma_semaphore, #tpu.memory_space<semaphore_mem>>
        %dma_start3A_722 = arith.constant 0 : i32
        %dma_start3A_723 = tpu.memref_slice %arg10[%run_scoped3A_635, %dma_start3A_722] : memref<10x64xi32, #tpu.memory_space<vmem>> -> memref<1x64xi32, #tpu.memory_space<vmem>>
        %dma_start3A_724 = tpu.memref_squeeze %dma_start3A_723 : memref<1x64xi32, #tpu.memory_space<vmem>> -> memref<64xi32, #tpu.memory_space<vmem>>
        %dma_start3A_725 = arith.constant 0 : i32
        %dma_start3A_726 = arith.constant 0 : i32
        %dma_start3A_727 = tpu.memref_slice %arg11[%dma_start3A_725, %dma_start3A_726] : memref<10112x128xf32, #tpu.memory_space<vmem_shared>> -> memref<10112x128xf32, #tpu.memory_space<vmem_shared>>
        tpu.enqueue_indirect_dma source(%arg12 : memref<64x128xf32, #tpu.memory_space<vmem>>) target(%dma_start3A_727 : memref<10112x128xf32, #tpu.memory_space<vmem_shared>>) offsets(%dma_start3A_724 : memref<64xi32, #tpu.memory_space<vmem>>) semaphore(%run_scoped3A_721 : memref<!tpu.dma_semaphore, #tpu.memory_space<semaphore_mem>>) {add = true}
        %dma_wait3A_728 = arith.constant 0 : i32
        %dma_wait3A_729 = tpu.memref_slice %arg10[%run_scoped3A_635, %dma_wait3A_728] : memref<10x64xi32, #tpu.memory_space<vmem>> -> memref<1x64xi32, #tpu.memory_space<vmem>>
        %dma_wait3A_730 = tpu.memref_squeeze %dma_wait3A_729 : memref<1x64xi32, #tpu.memory_space<vmem>> -> memref<64xi32, #tpu.memory_space<vmem>>
        %dma_wait3A_731 = arith.constant 0 : i32
        %dma_wait3A_732 = arith.constant 0 : i32
        %dma_wait3A_733 = tpu.memref_slice %arg11[%dma_wait3A_731, %dma_wait3A_732] : memref<10112x128xf32, #tpu.memory_space<vmem_shared>> -> memref<10112x128xf32, #tpu.memory_space<vmem_shared>>
        tpu.wait_indirect_dma semaphore(%run_scoped3A_721 : memref<!tpu.dma_semaphore, #tpu.memory_space<semaphore_mem>>) src(%arg12 : memref<64x128xf32, #tpu.memory_space<vmem>>) dst(%dma_wait3A_733 : memref<10112x128xf32, #tpu.memory_space<vmem_shared>>)
        tpu.yield
      }) : () -> ()
      %dma_start3A_636 = arith.constant 0 : i32
      %dma_start3A_637 = arith.constant 0 : i32
      %dma_start3A_638 = tpu.memref_slice %arg7[%dma_start3A_636, %dma_start3A_637] : memref<10x64xi32, #tpu.memory_space<vmem>> -> memref<1x64xi32, #tpu.memory_space<vmem>>
      %dma_start3A_639 = tpu.memref_squeeze %dma_start3A_638 : memref<1x64xi32, #tpu.memory_space<vmem>> -> memref<64xi32, #tpu.memory_space<vmem>>
      %dma_start3A_640 = arith.constant 0 : i32
      %dma_start3A_641 = arith.constant 0 : i32
      %dma_start3A_642 = tpu.memref_slice %arg2[%dma_start3A_640, %dma_start3A_641] : memref<10000x128xf32, #tpu.memory_space<hbm>> -> memref<10000x128xf32, #tpu.memory_space<hbm>>
      tpu.enqueue_indirect_dma source(%dma_start3A_642 : memref<10000x128xf32, #tpu.memory_space<hbm>>) target(%arg12 : memref<64x128xf32, #tpu.memory_space<vmem>>) offsets(%dma_start3A_639 : memref<64xi32, #tpu.memory_space<vmem>>) semaphore(%arg17 : memref<!tpu.dma_semaphore, #tpu.memory_space<semaphore_mem>>)
      %dma_wait3A_643 = arith.constant 6 : i32
      %dma_wait3A_644 = arith.constant 0 : i32
      %dma_wait3A_645 = tpu.memref_slice %arg9[%dma_wait3A_643, %dma_wait3A_644] : memref<10x64xi32, #tpu.memory_space<vmem>> -> memref<1x64xi32, #tpu.memory_space<vmem>>
      %dma_wait3A_646 = tpu.memref_squeeze %dma_wait3A_645 : memref<1x64xi32, #tpu.memory_space<vmem>> -> memref<64xi32, #tpu.memory_space<vmem>>
      %dma_wait3A_647 = arith.constant 0 : i32
      %dma_wait3A_648 = arith.constant 0 : i32
      %dma_wait3A_649 = tpu.memref_slice %arg2[%dma_wait3A_647, %dma_wait3A_648] : memref<10000x128xf32, #tpu.memory_space<hbm>> -> memref<10000x128xf32, #tpu.memory_space<hbm>>
      tpu.wait_indirect_dma semaphore(%arg18 : memref<!tpu.dma_semaphore, #tpu.memory_space<semaphore_mem>>) src(%dma_wait3A_649 : memref<10000x128xf32, #tpu.memory_space<hbm>>) dst(%arg13 : memref<64x128xf32, #tpu.memory_space<vmem>>)
      %run_scoped3A_650 = arith.constant 6 : i32
      "tpu.region"() ({
        %run_scoped3A_721 = tpu.sem_alloc : memref<!tpu.dma_semaphore, #tpu.memory_space<semaphore_mem>>
        %dma_start3A_722 = arith.constant 0 : i32
        %dma_start3A_723 = tpu.memref_slice %arg10[%run_scoped3A_650, %dma_start3A_722] : memref<10x64xi32, #tpu.memory_space<vmem>> -> memref<1x64xi32, #tpu.memory_space<vmem>>
        %dma_start3A_724 = tpu.memref_squeeze %dma_start3A_723 : memref<1x64xi32, #tpu.memory_space<vmem>> -> memref<64xi32, #tpu.memory_space<vmem>>
        %dma_start3A_725 = arith.constant 0 : i32
        %dma_start3A_726 = arith.constant 0 : i32
        %dma_start3A_727 = tpu.memref_slice %arg11[%dma_start3A_725, %dma_start3A_726] : memref<10112x128xf32, #tpu.memory_space<vmem_shared>> -> memref<10112x128xf32, #tpu.memory_space<vmem_shared>>
        tpu.enqueue_indirect_dma source(%arg13 : memref<64x128xf32, #tpu.memory_space<vmem>>) target(%dma_start3A_727 : memref<10112x128xf32, #tpu.memory_space<vmem_shared>>) offsets(%dma_start3A_724 : memref<64xi32, #tpu.memory_space<vmem>>) semaphore(%run_scoped3A_721 : memref<!tpu.dma_semaphore, #tpu.memory_space<semaphore_mem>>) {add = true}
        %dma_wait3A_728 = arith.constant 0 : i32
        %dma_wait3A_729 = tpu.memref_slice %arg10[%run_scoped3A_650, %dma_wait3A_728] : memref<10x64xi32, #tpu.memory_space<vmem>> -> memref<1x64xi32, #tpu.memory_space<vmem>>
        %dma_wait3A_730 = tpu.memref_squeeze %dma_wait3A_729 : memref<1x64xi32, #tpu.memory_space<vmem>> -> memref<64xi32, #tpu.memory_space<vmem>>
        %dma_wait3A_731 = arith.constant 0 : i32
        %dma_wait3A_732 = arith.constant 0 : i32
        %dma_wait3A_733 = tpu.memref_slice %arg11[%dma_wait3A_731, %dma_wait3A_732] : memref<10112x128xf32, #tpu.memory_space<vmem_shared>> -> memref<10112x128xf32, #tpu.memory_space<vmem_shared>>
        tpu.wait_indirect_dma semaphore(%run_scoped3A_721 : memref<!tpu.dma_semaphore, #tpu.memory_space<semaphore_mem>>) src(%arg13 : memref<64x128xf32, #tpu.memory_space<vmem>>) dst(%dma_wait3A_733 : memref<10112x128xf32, #tpu.memory_space<vmem_shared>>)
        tpu.yield
      }) : () -> ()
      %dma_start3A_651 = arith.constant 1 : i32
      %dma_start3A_652 = arith.constant 0 : i32
      %dma_start3A_653 = tpu.memref_slice %arg7[%dma_start3A_651, %dma_start3A_652] : memref<10x64xi32, #tpu.memory_space<vmem>> -> memref<1x64xi32, #tpu.memory_space<vmem>>
      %dma_start3A_654 = tpu.memref_squeeze %dma_start3A_653 : memref<1x64xi32, #tpu.memory_space<vmem>> -> memref<64xi32, #tpu.memory_space<vmem>>
      %dma_start3A_655 = arith.constant 0 : i32
      %dma_start3A_656 = arith.constant 0 : i32
      %dma_start3A_657 = tpu.memref_slice %arg2[%dma_start3A_655, %dma_start3A_656] : memref<10000x128xf32, #tpu.memory_space<hbm>> -> memref<10000x128xf32, #tpu.memory_space<hbm>>
      tpu.enqueue_indirect_dma source(%dma_start3A_657 : memref<10000x128xf32, #tpu.memory_space<hbm>>) target(%arg13 : memref<64x128xf32, #tpu.memory_space<vmem>>) offsets(%dma_start3A_654 : memref<64xi32, #tpu.memory_space<vmem>>) semaphore(%arg18 : memref<!tpu.dma_semaphore, #tpu.memory_space<semaphore_mem>>)
      %dma_wait3A_658 = arith.constant 7 : i32
      %dma_wait3A_659 = arith.constant 0 : i32
      %dma_wait3A_660 = tpu.memref_slice %arg9[%dma_wait3A_658, %dma_wait3A_659] : memref<10x64xi32, #tpu.memory_space<vmem>> -> memref<1x64xi32, #tpu.memory_space<vmem>>
      %dma_wait3A_661 = tpu.memref_squeeze %dma_wait3A_660 : memref<1x64xi32, #tpu.memory_space<vmem>> -> memref<64xi32, #tpu.memory_space<vmem>>
      %dma_wait3A_662 = arith.constant 0 : i32
      %dma_wait3A_663 = arith.constant 0 : i32
      %dma_wait3A_664 = tpu.memref_slice %arg2[%dma_wait3A_662, %dma_wait3A_663] : memref<10000x128xf32, #tpu.memory_space<hbm>> -> memref<10000x128xf32, #tpu.memory_space<hbm>>
      tpu.wait_indirect_dma semaphore(%arg19 : memref<!tpu.dma_semaphore, #tpu.memory_space<semaphore_mem>>) src(%dma_wait3A_664 : memref<10000x128xf32, #tpu.memory_space<hbm>>) dst(%arg14 : memref<64x128xf32, #tpu.memory_space<vmem>>)
      %run_scoped3A_665 = arith.constant 7 : i32
      "tpu.region"() ({
        %run_scoped3A_721 = tpu.sem_alloc : memref<!tpu.dma_semaphore, #tpu.memory_space<semaphore_mem>>
        %dma_start3A_722 = arith.constant 0 : i32
        %dma_start3A_723 = tpu.memref_slice %arg10[%run_scoped3A_665, %dma_start3A_722] : memref<10x64xi32, #tpu.memory_space<vmem>> -> memref<1x64xi32, #tpu.memory_space<vmem>>
        %dma_start3A_724 = tpu.memref_squeeze %dma_start3A_723 : memref<1x64xi32, #tpu.memory_space<vmem>> -> memref<64xi32, #tpu.memory_space<vmem>>
        %dma_start3A_725 = arith.constant 0 : i32
        %dma_start3A_726 = arith.constant 0 : i32
        %dma_start3A_727 = tpu.memref_slice %arg11[%dma_start3A_725, %dma_start3A_726] : memref<10112x128xf32, #tpu.memory_space<vmem_shared>> -> memref<10112x128xf32, #tpu.memory_space<vmem_shared>>
        tpu.enqueue_indirect_dma source(%arg14 : memref<64x128xf32, #tpu.memory_space<vmem>>) target(%dma_start3A_727 : memref<10112x128xf32, #tpu.memory_space<vmem_shared>>) offsets(%dma_start3A_724 : memref<64xi32, #tpu.memory_space<vmem>>) semaphore(%run_scoped3A_721 : memref<!tpu.dma_semaphore, #tpu.memory_space<semaphore_mem>>) {add = true}
        %dma_wait3A_728 = arith.constant 0 : i32
        %dma_wait3A_729 = tpu.memref_slice %arg10[%run_scoped3A_665, %dma_wait3A_728] : memref<10x64xi32, #tpu.memory_space<vmem>> -> memref<1x64xi32, #tpu.memory_space<vmem>>
        %dma_wait3A_730 = tpu.memref_squeeze %dma_wait3A_729 : memref<1x64xi32, #tpu.memory_space<vmem>> -> memref<64xi32, #tpu.memory_space<vmem>>
        %dma_wait3A_731 = arith.constant 0 : i32
        %dma_wait3A_732 = arith.constant 0 : i32
        %dma_wait3A_733 = tpu.memref_slice %arg11[%dma_wait3A_731, %dma_wait3A_732] : memref<10112x128xf32, #tpu.memory_space<vmem_shared>> -> memref<10112x128xf32, #tpu.memory_space<vmem_shared>>
        tpu.wait_indirect_dma semaphore(%run_scoped3A_721 : memref<!tpu.dma_semaphore, #tpu.memory_space<semaphore_mem>>) src(%arg14 : memref<64x128xf32, #tpu.memory_space<vmem>>) dst(%dma_wait3A_733 : memref<10112x128xf32, #tpu.memory_space<vmem_shared>>)
        tpu.yield
      }) : () -> ()
      %dma_start3A_666 = arith.constant 2 : i32
      %dma_start3A_667 = arith.constant 0 : i32
      %dma_start3A_668 = tpu.memref_slice %arg7[%dma_start3A_666, %dma_start3A_667] : memref<10x64xi32, #tpu.memory_space<vmem>> -> memref<1x64xi32, #tpu.memory_space<vmem>>
      %dma_start3A_669 = tpu.memref_squeeze %dma_start3A_668 : memref<1x64xi32, #tpu.memory_space<vmem>> -> memref<64xi32, #tpu.memory_space<vmem>>
      %dma_start3A_670 = arith.constant 0 : i32
      %dma_start3A_671 = arith.constant 0 : i32
      %dma_start3A_672 = tpu.memref_slice %arg2[%dma_start3A_670, %dma_start3A_671] : memref<10000x128xf32, #tpu.memory_space<hbm>> -> memref<10000x128xf32, #tpu.memory_space<hbm>>
      tpu.enqueue_indirect_dma source(%dma_start3A_672 : memref<10000x128xf32, #tpu.memory_space<hbm>>) target(%arg14 : memref<64x128xf32, #tpu.memory_space<vmem>>) offsets(%dma_start3A_669 : memref<64xi32, #tpu.memory_space<vmem>>) semaphore(%arg19 : memref<!tpu.dma_semaphore, #tpu.memory_space<semaphore_mem>>)
      %dma_wait3A_673 = arith.constant 8 : i32
      %dma_wait3A_674 = arith.constant 0 : i32
      %dma_wait3A_675 = tpu.memref_slice %arg9[%dma_wait3A_673, %dma_wait3A_674] : memref<10x64xi32, #tpu.memory_space<vmem>> -> memref<1x64xi32, #tpu.memory_space<vmem>>
      %dma_wait3A_676 = tpu.memref_squeeze %dma_wait3A_675 : memref<1x64xi32, #tpu.memory_space<vmem>> -> memref<64xi32, #tpu.memory_space<vmem>>
      %dma_wait3A_677 = arith.constant 0 : i32
      %dma_wait3A_678 = arith.constant 0 : i32
      %dma_wait3A_679 = tpu.memref_slice %arg2[%dma_wait3A_677, %dma_wait3A_678] : memref<10000x128xf32, #tpu.memory_space<hbm>> -> memref<10000x128xf32, #tpu.memory_space<hbm>>
      tpu.wait_indirect_dma semaphore(%arg20 : memref<!tpu.dma_semaphore, #tpu.memory_space<semaphore_mem>>) src(%dma_wait3A_679 : memref<10000x128xf32, #tpu.memory_space<hbm>>) dst(%arg15 : memref<64x128xf32, #tpu.memory_space<vmem>>)
      %run_scoped3A_680 = arith.constant 8 : i32
      "tpu.region"() ({
        %run_scoped3A_721 = tpu.sem_alloc : memref<!tpu.dma_semaphore, #tpu.memory_space<semaphore_mem>>
        %dma_start3A_722 = arith.constant 0 : i32
        %dma_start3A_723 = tpu.memref_slice %arg10[%run_scoped3A_680, %dma_start3A_722] : memref<10x64xi32, #tpu.memory_space<vmem>> -> memref<1x64xi32, #tpu.memory_space<vmem>>
        %dma_start3A_724 = tpu.memref_squeeze %dma_start3A_723 : memref<1x64xi32, #tpu.memory_space<vmem>> -> memref<64xi32, #tpu.memory_space<vmem>>
        %dma_start3A_725 = arith.constant 0 : i32
        %dma_start3A_726 = arith.constant 0 : i32
        %dma_start3A_727 = tpu.memref_slice %arg11[%dma_start3A_725, %dma_start3A_726] : memref<10112x128xf32, #tpu.memory_space<vmem_shared>> -> memref<10112x128xf32, #tpu.memory_space<vmem_shared>>
        tpu.enqueue_indirect_dma source(%arg15 : memref<64x128xf32, #tpu.memory_space<vmem>>) target(%dma_start3A_727 : memref<10112x128xf32, #tpu.memory_space<vmem_shared>>) offsets(%dma_start3A_724 : memref<64xi32, #tpu.memory_space<vmem>>) semaphore(%run_scoped3A_721 : memref<!tpu.dma_semaphore, #tpu.memory_space<semaphore_mem>>) {add = true}
        %dma_wait3A_728 = arith.constant 0 : i32
        %dma_wait3A_729 = tpu.memref_slice %arg10[%run_scoped3A_680, %dma_wait3A_728] : memref<10x64xi32, #tpu.memory_space<vmem>> -> memref<1x64xi32, #tpu.memory_space<vmem>>
        %dma_wait3A_730 = tpu.memref_squeeze %dma_wait3A_729 : memref<1x64xi32, #tpu.memory_space<vmem>> -> memref<64xi32, #tpu.memory_space<vmem>>
        %dma_wait3A_731 = arith.constant 0 : i32
        %dma_wait3A_732 = arith.constant 0 : i32
        %dma_wait3A_733 = tpu.memref_slice %arg11[%dma_wait3A_731, %dma_wait3A_732] : memref<10112x128xf32, #tpu.memory_space<vmem_shared>> -> memref<10112x128xf32, #tpu.memory_space<vmem_shared>>
        tpu.wait_indirect_dma semaphore(%run_scoped3A_721 : memref<!tpu.dma_semaphore, #tpu.memory_space<semaphore_mem>>) src(%arg15 : memref<64x128xf32, #tpu.memory_space<vmem>>) dst(%dma_wait3A_733 : memref<10112x128xf32, #tpu.memory_space<vmem_shared>>)
        tpu.yield
      }) : () -> ()
      %dma_start3A_681 = arith.constant 3 : i32
      %dma_start3A_682 = arith.constant 0 : i32
      %dma_start3A_683 = tpu.memref_slice %arg7[%dma_start3A_681, %dma_start3A_682] : memref<10x64xi32, #tpu.memory_space<vmem>> -> memref<1x64xi32, #tpu.memory_space<vmem>>
      %dma_start3A_684 = tpu.memref_squeeze %dma_start3A_683 : memref<1x64xi32, #tpu.memory_space<vmem>> -> memref<64xi32, #tpu.memory_space<vmem>>
      %dma_start3A_685 = arith.constant 0 : i32
      %dma_start3A_686 = arith.constant 0 : i32
      %dma_start3A_687 = tpu.memref_slice %arg2[%dma_start3A_685, %dma_start3A_686] : memref<10000x128xf32, #tpu.memory_space<hbm>> -> memref<10000x128xf32, #tpu.memory_space<hbm>>
      tpu.enqueue_indirect_dma source(%dma_start3A_687 : memref<10000x128xf32, #tpu.memory_space<hbm>>) target(%arg15 : memref<64x128xf32, #tpu.memory_space<vmem>>) offsets(%dma_start3A_684 : memref<64xi32, #tpu.memory_space<vmem>>) semaphore(%arg20 : memref<!tpu.dma_semaphore, #tpu.memory_space<semaphore_mem>>)
      %dma_wait3A_688 = arith.constant 9 : i32
      %dma_wait3A_689 = arith.constant 0 : i32
      %dma_wait3A_690 = tpu.memref_slice %arg9[%dma_wait3A_688, %dma_wait3A_689] : memref<10x64xi32, #tpu.memory_space<vmem>> -> memref<1x64xi32, #tpu.memory_space<vmem>>
      %dma_wait3A_691 = tpu.memref_squeeze %dma_wait3A_690 : memref<1x64xi32, #tpu.memory_space<vmem>> -> memref<64xi32, #tpu.memory_space<vmem>>
      %dma_wait3A_692 = arith.constant 0 : i32
      %dma_wait3A_693 = arith.constant 0 : i32
      %dma_wait3A_694 = tpu.memref_slice %arg2[%dma_wait3A_692, %dma_wait3A_693] : memref<10000x128xf32, #tpu.memory_space<hbm>> -> memref<10000x128xf32, #tpu.memory_space<hbm>>
      tpu.wait_indirect_dma semaphore(%arg21 : memref<!tpu.dma_semaphore, #tpu.memory_space<semaphore_mem>>) src(%dma_wait3A_694 : memref<10000x128xf32, #tpu.memory_space<hbm>>) dst(%arg16 : memref<64x128xf32, #tpu.memory_space<vmem>>)
      %run_scoped3A_695 = arith.constant 9 : i32
      "tpu.region"() ({
        %run_scoped3A_721 = tpu.sem_alloc : memref<!tpu.dma_semaphore, #tpu.memory_space<semaphore_mem>>
        %dma_start3A_722 = arith.constant 0 : i32
        %dma_start3A_723 = tpu.memref_slice %arg10[%run_scoped3A_695, %dma_start3A_722] : memref<10x64xi32, #tpu.memory_space<vmem>> -> memref<1x64xi32, #tpu.memory_space<vmem>>
        %dma_start3A_724 = tpu.memref_squeeze %dma_start3A_723 : memref<1x64xi32, #tpu.memory_space<vmem>> -> memref<64xi32, #tpu.memory_space<vmem>>
        %dma_start3A_725 = arith.constant 0 : i32
        %dma_start3A_726 = arith.constant 0 : i32
        %dma_start3A_727 = tpu.memref_slice %arg11[%dma_start3A_725, %dma_start3A_726] : memref<10112x128xf32, #tpu.memory_space<vmem_shared>> -> memref<10112x128xf32, #tpu.memory_space<vmem_shared>>
        tpu.enqueue_indirect_dma source(%arg16 : memref<64x128xf32, #tpu.memory_space<vmem>>) target(%dma_start3A_727 : memref<10112x128xf32, #tpu.memory_space<vmem_shared>>) offsets(%dma_start3A_724 : memref<64xi32, #tpu.memory_space<vmem>>) semaphore(%run_scoped3A_721 : memref<!tpu.dma_semaphore, #tpu.memory_space<semaphore_mem>>) {add = true}
        %dma_wait3A_728 = arith.constant 0 : i32
        %dma_wait3A_729 = tpu.memref_slice %arg10[%run_scoped3A_695, %dma_wait3A_728] : memref<10x64xi32, #tpu.memory_space<vmem>> -> memref<1x64xi32, #tpu.memory_space<vmem>>
        %dma_wait3A_730 = tpu.memref_squeeze %dma_wait3A_729 : memref<1x64xi32, #tpu.memory_space<vmem>> -> memref<64xi32, #tpu.memory_space<vmem>>
        %dma_wait3A_731 = arith.constant 0 : i32
        %dma_wait3A_732 = arith.constant 0 : i32
        %dma_wait3A_733 = tpu.memref_slice %arg11[%dma_wait3A_731, %dma_wait3A_732] : memref<10112x128xf32, #tpu.memory_space<vmem_shared>> -> memref<10112x128xf32, #tpu.memory_space<vmem_shared>>
        tpu.wait_indirect_dma semaphore(%run_scoped3A_721 : memref<!tpu.dma_semaphore, #tpu.memory_space<semaphore_mem>>) src(%arg16 : memref<64x128xf32, #tpu.memory_space<vmem>>) dst(%dma_wait3A_733 : memref<10112x128xf32, #tpu.memory_space<vmem_shared>>)
        tpu.yield
      }) : () -> ()
      %dma_start3A_696 = arith.constant 4 : i32
      %dma_start3A_697 = arith.constant 0 : i32
      %dma_start3A_698 = tpu.memref_slice %arg7[%dma_start3A_696, %dma_start3A_697] : memref<10x64xi32, #tpu.memory_space<vmem>> -> memref<1x64xi32, #tpu.memory_space<vmem>>
      %dma_start3A_699 = tpu.memref_squeeze %dma_start3A_698 : memref<1x64xi32, #tpu.memory_space<vmem>> -> memref<64xi32, #tpu.memory_space<vmem>>
      %dma_start3A_700 = arith.constant 0 : i32
      %dma_start3A_701 = arith.constant 0 : i32
      %dma_start3A_702 = tpu.memref_slice %arg2[%dma_start3A_700, %dma_start3A_701] : memref<10000x128xf32, #tpu.memory_space<hbm>> -> memref<10000x128xf32, #tpu.memory_space<hbm>>
      tpu.enqueue_indirect_dma source(%dma_start3A_702 : memref<10000x128xf32, #tpu.memory_space<hbm>>) target(%arg16 : memref<64x128xf32, #tpu.memory_space<vmem>>) offsets(%dma_start3A_699 : memref<64xi32, #tpu.memory_space<vmem>>) semaphore(%arg21 : memref<!tpu.dma_semaphore, #tpu.memory_space<semaphore_mem>>)
      %add3A_703 = arith.constant 3 : i32
      %add3A_704 = arith.addi %mul3A_346, %add3A_703 : i32
      %dma_start3A_705 = arith.constant 0 : i32
      %dma_start3A_706 = arith.constant 0 : i32
      %dma_start3A_707 = tpu.memref_slice %arg3[%add3A, %add3A_704, %dma_start3A_705, %dma_start3A_706] : memref<32x16x10x64xi32, #tpu.memory_space<hbm>> -> memref<1x1x10x64xi32, #tpu.memory_space<hbm>>
      %dma_start3A_708 = tpu.memref_squeeze %dma_start3A_707 : memref<1x1x10x64xi32, #tpu.memory_space<hbm>> -> memref<10x64xi32, #tpu.memory_space<hbm>>
      %dma_start3A_709 = arith.constant 0 : i32
      %dma_start3A_710 = arith.constant 0 : i32
      %dma_start3A_711 = tpu.memref_slice %arg3[%add3A, %add3A_704, %dma_start3A_709, %dma_start3A_710] : memref<32x16x10x64xi32, #tpu.memory_space<hbm>> -> memref<1x1x10x64xi32, #tpu.memory_space<hbm>>
      %dma_start3A_712 = tpu.memref_squeeze %dma_start3A_711 : memref<1x1x10x64xi32, #tpu.memory_space<hbm>> -> memref<10x64xi32, #tpu.memory_space<hbm>>
      tpu.enqueue_dma source(%dma_start3A_712 : memref<10x64xi32, #tpu.memory_space<hbm>>) target(%arg9 : memref<10x64xi32, #tpu.memory_space<vmem>>) target_semaphore(%arg23 : memref<!tpu.dma_semaphore, #tpu.memory_space<semaphore_mem>>)
      %dma_start3A_713 = arith.constant 0 : i32
      %dma_start3A_714 = arith.constant 0 : i32
      %dma_start3A_715 = tpu.memref_slice %arg4[%add3A, %add3A_704, %dma_start3A_713, %dma_start3A_714] : memref<32x16x10x64xi32, #tpu.memory_space<hbm>> -> memref<1x1x10x64xi32, #tpu.memory_space<hbm>>
      %dma_start3A_716 = tpu.memref_squeeze %dma_start3A_715 : memref<1x1x10x64xi32, #tpu.memory_space<hbm>> -> memref<10x64xi32, #tpu.memory_space<hbm>>
      %dma_start3A_717 = arith.constant 0 : i32
      %dma_start3A_718 = arith.constant 0 : i32
      %dma_start3A_719 = tpu.memref_slice %arg4[%add3A, %add3A_704, %dma_start3A_717, %dma_start3A_718] : memref<32x16x10x64xi32, #tpu.memory_space<hbm>> -> memref<1x1x10x64xi32, #tpu.memory_space<hbm>>
      %dma_start3A_720 = tpu.memref_squeeze %dma_start3A_719 : memref<1x1x10x64xi32, #tpu.memory_space<hbm>> -> memref<10x64xi32, #tpu.memory_space<hbm>>
      tpu.enqueue_dma source(%dma_start3A_720 : memref<10x64xi32, #tpu.memory_space<hbm>>) target(%arg10 : memref<10x64xi32, #tpu.memory_space<vmem>>) target_semaphore(%arg23 : memref<!tpu.dma_semaphore, #tpu.memory_space<semaphore_mem>>)
    }
    %scan3A_60 = arith.constant 7 : i32
    %dma_wait3A = arith.constant 0 : i32
    %dma_wait3A_61 = arith.constant 0 : i32
    %dma_wait3A_62 = tpu.memref_slice %arg7[%dma_wait3A, %dma_wait3A_61] : memref<10x64xi32, #tpu.memory_space<vmem>> -> memref<1x64xi32, #tpu.memory_space<vmem>>
    %dma_wait3A_63 = tpu.memref_squeeze %dma_wait3A_62 : memref<1x64xi32, #tpu.memory_space<vmem>> -> memref<64xi32, #tpu.memory_space<vmem>>
    %dma_wait3A_64 = arith.constant 0 : i32
    %dma_wait3A_65 = arith.constant 0 : i32
    %dma_wait3A_66 = tpu.memref_slice %arg2[%dma_wait3A_64, %dma_wait3A_65] : memref<10000x128xf32, #tpu.memory_space<hbm>> -> memref<10000x128xf32, #tpu.memory_space<hbm>>
    tpu.wait_indirect_dma semaphore(%arg17 : memref<!tpu.dma_semaphore, #tpu.memory_space<semaphore_mem>>) src(%dma_wait3A_66 : memref<10000x128xf32, #tpu.memory_space<hbm>>) dst(%arg12 : memref<64x128xf32, #tpu.memory_space<vmem>>)
    %run_scoped3A_67 = arith.constant 0 : i32
    "tpu.region"() ({
      %run_scoped3A_344 = tpu.sem_alloc : memref<!tpu.dma_semaphore, #tpu.memory_space<semaphore_mem>>
      %dma_start3A_345 = arith.constant 0 : i32
      %dma_start3A_346 = tpu.memref_slice %arg8[%run_scoped3A_67, %dma_start3A_345] : memref<10x64xi32, #tpu.memory_space<vmem>> -> memref<1x64xi32, #tpu.memory_space<vmem>>
      %dma_start3A_347 = tpu.memref_squeeze %dma_start3A_346 : memref<1x64xi32, #tpu.memory_space<vmem>> -> memref<64xi32, #tpu.memory_space<vmem>>
      %dma_start3A_348 = arith.constant 0 : i32
      %dma_start3A_349 = arith.constant 0 : i32
      %dma_start3A_350 = tpu.memref_slice %arg11[%dma_start3A_348, %dma_start3A_349] : memref<10112x128xf32, #tpu.memory_space<vmem_shared>> -> memref<10112x128xf32, #tpu.memory_space<vmem_shared>>
      tpu.enqueue_indirect_dma source(%arg12 : memref<64x128xf32, #tpu.memory_space<vmem>>) target(%dma_start3A_350 : memref<10112x128xf32, #tpu.memory_space<vmem_shared>>) offsets(%dma_start3A_347 : memref<64xi32, #tpu.memory_space<vmem>>) semaphore(%run_scoped3A_344 : memref<!tpu.dma_semaphore, #tpu.memory_space<semaphore_mem>>) {add = true}
      %dma_wait3A_351 = arith.constant 0 : i32
      %dma_wait3A_352 = tpu.memref_slice %arg8[%run_scoped3A_67, %dma_wait3A_351] : memref<10x64xi32, #tpu.memory_space<vmem>> -> memref<1x64xi32, #tpu.memory_space<vmem>>
      %dma_wait3A_353 = tpu.memref_squeeze %dma_wait3A_352 : memref<1x64xi32, #tpu.memory_space<vmem>> -> memref<64xi32, #tpu.memory_space<vmem>>
      %dma_wait3A_354 = arith.constant 0 : i32
      %dma_wait3A_355 = arith.constant 0 : i32
      %dma_wait3A_356 = tpu.memref_slice %arg11[%dma_wait3A_354, %dma_wait3A_355] : memref<10112x128xf32, #tpu.memory_space<vmem_shared>> -> memref<10112x128xf32, #tpu.memory_space<vmem_shared>>
      tpu.wait_indirect_dma semaphore(%run_scoped3A_344 : memref<!tpu.dma_semaphore, #tpu.memory_space<semaphore_mem>>) src(%arg12 : memref<64x128xf32, #tpu.memory_space<vmem>>) dst(%dma_wait3A_356 : memref<10112x128xf32, #tpu.memory_space<vmem_shared>>)
      tpu.yield
    }) : () -> ()
    %dma_start3A_68 = arith.constant 5 : i32
    %dma_start3A_69 = arith.constant 0 : i32
    %dma_start3A_70 = tpu.memref_slice %arg7[%dma_start3A_68, %dma_start3A_69] : memref<10x64xi32, #tpu.memory_space<vmem>> -> memref<1x64xi32, #tpu.memory_space<vmem>>
    %dma_start3A_71 = tpu.memref_squeeze %dma_start3A_70 : memref<1x64xi32, #tpu.memory_space<vmem>> -> memref<64xi32, #tpu.memory_space<vmem>>
    %dma_start3A_72 = arith.constant 0 : i32
    %dma_start3A_73 = arith.constant 0 : i32
    %dma_start3A_74 = tpu.memref_slice %arg2[%dma_start3A_72, %dma_start3A_73] : memref<10000x128xf32, #tpu.memory_space<hbm>> -> memref<10000x128xf32, #tpu.memory_space<hbm>>
    tpu.enqueue_indirect_dma source(%dma_start3A_74 : memref<10000x128xf32, #tpu.memory_space<hbm>>) target(%arg12 : memref<64x128xf32, #tpu.memory_space<vmem>>) offsets(%dma_start3A_71 : memref<64xi32, #tpu.memory_space<vmem>>) semaphore(%arg17 : memref<!tpu.dma_semaphore, #tpu.memory_space<semaphore_mem>>)
    %dma_wait3A_75 = arith.constant 1 : i32
    %dma_wait3A_76 = arith.constant 0 : i32
    %dma_wait3A_77 = tpu.memref_slice %arg7[%dma_wait3A_75, %dma_wait3A_76] : memref<10x64xi32, #tpu.memory_space<vmem>> -> memref<1x64xi32, #tpu.memory_space<vmem>>
    %dma_wait3A_78 = tpu.memref_squeeze %dma_wait3A_77 : memref<1x64xi32, #tpu.memory_space<vmem>> -> memref<64xi32, #tpu.memory_space<vmem>>
    %dma_wait3A_79 = arith.constant 0 : i32
    %dma_wait3A_80 = arith.constant 0 : i32
    %dma_wait3A_81 = tpu.memref_slice %arg2[%dma_wait3A_79, %dma_wait3A_80] : memref<10000x128xf32, #tpu.memory_space<hbm>> -> memref<10000x128xf32, #tpu.memory_space<hbm>>
    tpu.wait_indirect_dma semaphore(%arg18 : memref<!tpu.dma_semaphore, #tpu.memory_space<semaphore_mem>>) src(%dma_wait3A_81 : memref<10000x128xf32, #tpu.memory_space<hbm>>) dst(%arg13 : memref<64x128xf32, #tpu.memory_space<vmem>>)
    %run_scoped3A_82 = arith.constant 1 : i32
    "tpu.region"() ({
      %run_scoped3A_344 = tpu.sem_alloc : memref<!tpu.dma_semaphore, #tpu.memory_space<semaphore_mem>>
      %dma_start3A_345 = arith.constant 0 : i32
      %dma_start3A_346 = tpu.memref_slice %arg8[%run_scoped3A_82, %dma_start3A_345] : memref<10x64xi32, #tpu.memory_space<vmem>> -> memref<1x64xi32, #tpu.memory_space<vmem>>
      %dma_start3A_347 = tpu.memref_squeeze %dma_start3A_346 : memref<1x64xi32, #tpu.memory_space<vmem>> -> memref<64xi32, #tpu.memory_space<vmem>>
      %dma_start3A_348 = arith.constant 0 : i32
      %dma_start3A_349 = arith.constant 0 : i32
      %dma_start3A_350 = tpu.memref_slice %arg11[%dma_start3A_348, %dma_start3A_349] : memref<10112x128xf32, #tpu.memory_space<vmem_shared>> -> memref<10112x128xf32, #tpu.memory_space<vmem_shared>>
      tpu.enqueue_indirect_dma source(%arg13 : memref<64x128xf32, #tpu.memory_space<vmem>>) target(%dma_start3A_350 : memref<10112x128xf32, #tpu.memory_space<vmem_shared>>) offsets(%dma_start3A_347 : memref<64xi32, #tpu.memory_space<vmem>>) semaphore(%run_scoped3A_344 : memref<!tpu.dma_semaphore, #tpu.memory_space<semaphore_mem>>) {add = true}
      %dma_wait3A_351 = arith.constant 0 : i32
      %dma_wait3A_352 = tpu.memref_slice %arg8[%run_scoped3A_82, %dma_wait3A_351] : memref<10x64xi32, #tpu.memory_space<vmem>> -> memref<1x64xi32, #tpu.memory_space<vmem>>
      %dma_wait3A_353 = tpu.memref_squeeze %dma_wait3A_352 : memref<1x64xi32, #tpu.memory_space<vmem>> -> memref<64xi32, #tpu.memory_space<vmem>>
      %dma_wait3A_354 = arith.constant 0 : i32
      %dma_wait3A_355 = arith.constant 0 : i32
      %dma_wait3A_356 = tpu.memref_slice %arg11[%dma_wait3A_354, %dma_wait3A_355] : memref<10112x128xf32, #tpu.memory_space<vmem_shared>> -> memref<10112x128xf32, #tpu.memory_space<vmem_shared>>
      tpu.wait_indirect_dma semaphore(%run_scoped3A_344 : memref<!tpu.dma_semaphore, #tpu.memory_space<semaphore_mem>>) src(%arg13 : memref<64x128xf32, #tpu.memory_space<vmem>>) dst(%dma_wait3A_356 : memref<10112x128xf32, #tpu.memory_space<vmem_shared>>)
      tpu.yield
    }) : () -> ()
    %dma_start3A_83 = arith.constant 6 : i32
    %dma_start3A_84 = arith.constant 0 : i32
    %dma_start3A_85 = tpu.memref_slice %arg7[%dma_start3A_83, %dma_start3A_84] : memref<10x64xi32, #tpu.memory_space<vmem>> -> memref<1x64xi32, #tpu.memory_space<vmem>>
    %dma_start3A_86 = tpu.memref_squeeze %dma_start3A_85 : memref<1x64xi32, #tpu.memory_space<vmem>> -> memref<64xi32, #tpu.memory_space<vmem>>
    %dma_start3A_87 = arith.constant 0 : i32
    %dma_start3A_88 = arith.constant 0 : i32
    %dma_start3A_89 = tpu.memref_slice %arg2[%dma_start3A_87, %dma_start3A_88] : memref<10000x128xf32, #tpu.memory_space<hbm>> -> memref<10000x128xf32, #tpu.memory_space<hbm>>
    tpu.enqueue_indirect_dma source(%dma_start3A_89 : memref<10000x128xf32, #tpu.memory_space<hbm>>) target(%arg13 : memref<64x128xf32, #tpu.memory_space<vmem>>) offsets(%dma_start3A_86 : memref<64xi32, #tpu.memory_space<vmem>>) semaphore(%arg18 : memref<!tpu.dma_semaphore, #tpu.memory_space<semaphore_mem>>)
    %dma_wait3A_90 = arith.constant 2 : i32
    %dma_wait3A_91 = arith.constant 0 : i32
    %dma_wait3A_92 = tpu.memref_slice %arg7[%dma_wait3A_90, %dma_wait3A_91] : memref<10x64xi32, #tpu.memory_space<vmem>> -> memref<1x64xi32, #tpu.memory_space<vmem>>
    %dma_wait3A_93 = tpu.memref_squeeze %dma_wait3A_92 : memref<1x64xi32, #tpu.memory_space<vmem>> -> memref<64xi32, #tpu.memory_space<vmem>>
    %dma_wait3A_94 = arith.constant 0 : i32
    %dma_wait3A_95 = arith.constant 0 : i32
    %dma_wait3A_96 = tpu.memref_slice %arg2[%dma_wait3A_94, %dma_wait3A_95] : memref<10000x128xf32, #tpu.memory_space<hbm>> -> memref<10000x128xf32, #tpu.memory_space<hbm>>
    tpu.wait_indirect_dma semaphore(%arg19 : memref<!tpu.dma_semaphore, #tpu.memory_space<semaphore_mem>>) src(%dma_wait3A_96 : memref<10000x128xf32, #tpu.memory_space<hbm>>) dst(%arg14 : memref<64x128xf32, #tpu.memory_space<vmem>>)
    %run_scoped3A_97 = arith.constant 2 : i32
    "tpu.region"() ({
      %run_scoped3A_344 = tpu.sem_alloc : memref<!tpu.dma_semaphore, #tpu.memory_space<semaphore_mem>>
      %dma_start3A_345 = arith.constant 0 : i32
      %dma_start3A_346 = tpu.memref_slice %arg8[%run_scoped3A_97, %dma_start3A_345] : memref<10x64xi32, #tpu.memory_space<vmem>> -> memref<1x64xi32, #tpu.memory_space<vmem>>
      %dma_start3A_347 = tpu.memref_squeeze %dma_start3A_346 : memref<1x64xi32, #tpu.memory_space<vmem>> -> memref<64xi32, #tpu.memory_space<vmem>>
      %dma_start3A_348 = arith.constant 0 : i32
      %dma_start3A_349 = arith.constant 0 : i32
      %dma_start3A_350 = tpu.memref_slice %arg11[%dma_start3A_348, %dma_start3A_349] : memref<10112x128xf32, #tpu.memory_space<vmem_shared>> -> memref<10112x128xf32, #tpu.memory_space<vmem_shared>>
      tpu.enqueue_indirect_dma source(%arg14 : memref<64x128xf32, #tpu.memory_space<vmem>>) target(%dma_start3A_350 : memref<10112x128xf32, #tpu.memory_space<vmem_shared>>) offsets(%dma_start3A_347 : memref<64xi32, #tpu.memory_space<vmem>>) semaphore(%run_scoped3A_344 : memref<!tpu.dma_semaphore, #tpu.memory_space<semaphore_mem>>) {add = true}
      %dma_wait3A_351 = arith.constant 0 : i32
      %dma_wait3A_352 = tpu.memref_slice %arg8[%run_scoped3A_97, %dma_wait3A_351] : memref<10x64xi32, #tpu.memory_space<vmem>> -> memref<1x64xi32, #tpu.memory_space<vmem>>
      %dma_wait3A_353 = tpu.memref_squeeze %dma_wait3A_352 : memref<1x64xi32, #tpu.memory_space<vmem>> -> memref<64xi32, #tpu.memory_space<vmem>>
      %dma_wait3A_354 = arith.constant 0 : i32
      %dma_wait3A_355 = arith.constant 0 : i32
      %dma_wait3A_356 = tpu.memref_slice %arg11[%dma_wait3A_354, %dma_wait3A_355] : memref<10112x128xf32, #tpu.memory_space<vmem_shared>> -> memref<10112x128xf32, #tpu.memory_space<vmem_shared>>
      tpu.wait_indirect_dma semaphore(%run_scoped3A_344 : memref<!tpu.dma_semaphore, #tpu.memory_space<semaphore_mem>>) src(%arg14 : memref<64x128xf32, #tpu.memory_space<vmem>>) dst(%dma_wait3A_356 : memref<10112x128xf32, #tpu.memory_space<vmem_shared>>)
      tpu.yield
    }) : () -> ()
    %dma_start3A_98 = arith.constant 7 : i32
    %dma_start3A_99 = arith.constant 0 : i32
    %dma_start3A_100 = tpu.memref_slice %arg7[%dma_start3A_98, %dma_start3A_99] : memref<10x64xi32, #tpu.memory_space<vmem>> -> memref<1x64xi32, #tpu.memory_space<vmem>>
    %dma_start3A_101 = tpu.memref_squeeze %dma_start3A_100 : memref<1x64xi32, #tpu.memory_space<vmem>> -> memref<64xi32, #tpu.memory_space<vmem>>
    %dma_start3A_102 = arith.constant 0 : i32
    %dma_start3A_103 = arith.constant 0 : i32
    %dma_start3A_104 = tpu.memref_slice %arg2[%dma_start3A_102, %dma_start3A_103] : memref<10000x128xf32, #tpu.memory_space<hbm>> -> memref<10000x128xf32, #tpu.memory_space<hbm>>
    tpu.enqueue_indirect_dma source(%dma_start3A_104 : memref<10000x128xf32, #tpu.memory_space<hbm>>) target(%arg14 : memref<64x128xf32, #tpu.memory_space<vmem>>) offsets(%dma_start3A_101 : memref<64xi32, #tpu.memory_space<vmem>>) semaphore(%arg19 : memref<!tpu.dma_semaphore, #tpu.memory_space<semaphore_mem>>)
    %dma_wait3A_105 = arith.constant 3 : i32
    %dma_wait3A_106 = arith.constant 0 : i32
    %dma_wait3A_107 = tpu.memref_slice %arg7[%dma_wait3A_105, %dma_wait3A_106] : memref<10x64xi32, #tpu.memory_space<vmem>> -> memref<1x64xi32, #tpu.memory_space<vmem>>
    %dma_wait3A_108 = tpu.memref_squeeze %dma_wait3A_107 : memref<1x64xi32, #tpu.memory_space<vmem>> -> memref<64xi32, #tpu.memory_space<vmem>>
    %dma_wait3A_109 = arith.constant 0 : i32
    %dma_wait3A_110 = arith.constant 0 : i32
    %dma_wait3A_111 = tpu.memref_slice %arg2[%dma_wait3A_109, %dma_wait3A_110] : memref<10000x128xf32, #tpu.memory_space<hbm>> -> memref<10000x128xf32, #tpu.memory_space<hbm>>
    tpu.wait_indirect_dma semaphore(%arg20 : memref<!tpu.dma_semaphore, #tpu.memory_space<semaphore_mem>>) src(%dma_wait3A_111 : memref<10000x128xf32, #tpu.memory_space<hbm>>) dst(%arg15 : memref<64x128xf32, #tpu.memory_space<vmem>>)
    %run_scoped3A_112 = arith.constant 3 : i32
    "tpu.region"() ({
      %run_scoped3A_344 = tpu.sem_alloc : memref<!tpu.dma_semaphore, #tpu.memory_space<semaphore_mem>>
      %dma_start3A_345 = arith.constant 0 : i32
      %dma_start3A_346 = tpu.memref_slice %arg8[%run_scoped3A_112, %dma_start3A_345] : memref<10x64xi32, #tpu.memory_space<vmem>> -> memref<1x64xi32, #tpu.memory_space<vmem>>
      %dma_start3A_347 = tpu.memref_squeeze %dma_start3A_346 : memref<1x64xi32, #tpu.memory_space<vmem>> -> memref<64xi32, #tpu.memory_space<vmem>>
      %dma_start3A_348 = arith.constant 0 : i32
      %dma_start3A_349 = arith.constant 0 : i32
      %dma_start3A_350 = tpu.memref_slice %arg11[%dma_start3A_348, %dma_start3A_349] : memref<10112x128xf32, #tpu.memory_space<vmem_shared>> -> memref<10112x128xf32, #tpu.memory_space<vmem_shared>>
      tpu.enqueue_indirect_dma source(%arg15 : memref<64x128xf32, #tpu.memory_space<vmem>>) target(%dma_start3A_350 : memref<10112x128xf32, #tpu.memory_space<vmem_shared>>) offsets(%dma_start3A_347 : memref<64xi32, #tpu.memory_space<vmem>>) semaphore(%run_scoped3A_344 : memref<!tpu.dma_semaphore, #tpu.memory_space<semaphore_mem>>) {add = true}
      %dma_wait3A_351 = arith.constant 0 : i32
      %dma_wait3A_352 = tpu.memref_slice %arg8[%run_scoped3A_112, %dma_wait3A_351] : memref<10x64xi32, #tpu.memory_space<vmem>> -> memref<1x64xi32, #tpu.memory_space<vmem>>
      %dma_wait3A_353 = tpu.memref_squeeze %dma_wait3A_352 : memref<1x64xi32, #tpu.memory_space<vmem>> -> memref<64xi32, #tpu.memory_space<vmem>>
      %dma_wait3A_354 = arith.constant 0 : i32
      %dma_wait3A_355 = arith.constant 0 : i32
      %dma_wait3A_356 = tpu.memref_slice %arg11[%dma_wait3A_354, %dma_wait3A_355] : memref<10112x128xf32, #tpu.memory_space<vmem_shared>> -> memref<10112x128xf32, #tpu.memory_space<vmem_shared>>
      tpu.wait_indirect_dma semaphore(%run_scoped3A_344 : memref<!tpu.dma_semaphore, #tpu.memory_space<semaphore_mem>>) src(%arg15 : memref<64x128xf32, #tpu.memory_space<vmem>>) dst(%dma_wait3A_356 : memref<10112x128xf32, #tpu.memory_space<vmem_shared>>)
      tpu.yield
    }) : () -> ()
    %dma_start3A_113 = arith.constant 8 : i32
    %dma_start3A_114 = arith.constant 0 : i32
    %dma_start3A_115 = tpu.memref_slice %arg7[%dma_start3A_113, %dma_start3A_114] : memref<10x64xi32, #tpu.memory_space<vmem>> -> memref<1x64xi32, #tpu.memory_space<vmem>>
    %dma_start3A_116 = tpu.memref_squeeze %dma_start3A_115 : memref<1x64xi32, #tpu.memory_space<vmem>> -> memref<64xi32, #tpu.memory_space<vmem>>
    %dma_start3A_117 = arith.constant 0 : i32
    %dma_start3A_118 = arith.constant 0 : i32
    %dma_start3A_119 = tpu.memref_slice %arg2[%dma_start3A_117, %dma_start3A_118] : memref<10000x128xf32, #tpu.memory_space<hbm>> -> memref<10000x128xf32, #tpu.memory_space<hbm>>
    tpu.enqueue_indirect_dma source(%dma_start3A_119 : memref<10000x128xf32, #tpu.memory_space<hbm>>) target(%arg15 : memref<64x128xf32, #tpu.memory_space<vmem>>) offsets(%dma_start3A_116 : memref<64xi32, #tpu.memory_space<vmem>>) semaphore(%arg20 : memref<!tpu.dma_semaphore, #tpu.memory_space<semaphore_mem>>)
    %dma_wait3A_120 = arith.constant 4 : i32
    %dma_wait3A_121 = arith.constant 0 : i32
    %dma_wait3A_122 = tpu.memref_slice %arg7[%dma_wait3A_120, %dma_wait3A_121] : memref<10x64xi32, #tpu.memory_space<vmem>> -> memref<1x64xi32, #tpu.memory_space<vmem>>
    %dma_wait3A_123 = tpu.memref_squeeze %dma_wait3A_122 : memref<1x64xi32, #tpu.memory_space<vmem>> -> memref<64xi32, #tpu.memory_space<vmem>>
    %dma_wait3A_124 = arith.constant 0 : i32
    %dma_wait3A_125 = arith.constant 0 : i32
    %dma_wait3A_126 = tpu.memref_slice %arg2[%dma_wait3A_124, %dma_wait3A_125] : memref<10000x128xf32, #tpu.memory_space<hbm>> -> memref<10000x128xf32, #tpu.memory_space<hbm>>
    tpu.wait_indirect_dma semaphore(%arg21 : memref<!tpu.dma_semaphore, #tpu.memory_space<semaphore_mem>>) src(%dma_wait3A_126 : memref<10000x128xf32, #tpu.memory_space<hbm>>) dst(%arg16 : memref<64x128xf32, #tpu.memory_space<vmem>>)
    %run_scoped3A_127 = arith.constant 4 : i32
    "tpu.region"() ({
      %run_scoped3A_344 = tpu.sem_alloc : memref<!tpu.dma_semaphore, #tpu.memory_space<semaphore_mem>>
      %dma_start3A_345 = arith.constant 0 : i32
      %dma_start3A_346 = tpu.memref_slice %arg8[%run_scoped3A_127, %dma_start3A_345] : memref<10x64xi32, #tpu.memory_space<vmem>> -> memref<1x64xi32, #tpu.memory_space<vmem>>
      %dma_start3A_347 = tpu.memref_squeeze %dma_start3A_346 : memref<1x64xi32, #tpu.memory_space<vmem>> -> memref<64xi32, #tpu.memory_space<vmem>>
      %dma_start3A_348 = arith.constant 0 : i32
      %dma_start3A_349 = arith.constant 0 : i32
      %dma_start3A_350 = tpu.memref_slice %arg11[%dma_start3A_348, %dma_start3A_349] : memref<10112x128xf32, #tpu.memory_space<vmem_shared>> -> memref<10112x128xf32, #tpu.memory_space<vmem_shared>>
      tpu.enqueue_indirect_dma source(%arg16 : memref<64x128xf32, #tpu.memory_space<vmem>>) target(%dma_start3A_350 : memref<10112x128xf32, #tpu.memory_space<vmem_shared>>) offsets(%dma_start3A_347 : memref<64xi32, #tpu.memory_space<vmem>>) semaphore(%run_scoped3A_344 : memref<!tpu.dma_semaphore, #tpu.memory_space<semaphore_mem>>) {add = true}
      %dma_wait3A_351 = arith.constant 0 : i32
      %dma_wait3A_352 = tpu.memref_slice %arg8[%run_scoped3A_127, %dma_wait3A_351] : memref<10x64xi32, #tpu.memory_space<vmem>> -> memref<1x64xi32, #tpu.memory_space<vmem>>
      %dma_wait3A_353 = tpu.memref_squeeze %dma_wait3A_352 : memref<1x64xi32, #tpu.memory_space<vmem>> -> memref<64xi32, #tpu.memory_space<vmem>>
      %dma_wait3A_354 = arith.constant 0 : i32
      %dma_wait3A_355 = arith.constant 0 : i32
      %dma_wait3A_356 = tpu.memref_slice %arg11[%dma_wait3A_354, %dma_wait3A_355] : memref<10112x128xf32, #tpu.memory_space<vmem_shared>> -> memref<10112x128xf32, #tpu.memory_space<vmem_shared>>
      tpu.wait_indirect_dma semaphore(%run_scoped3A_344 : memref<!tpu.dma_semaphore, #tpu.memory_space<semaphore_mem>>) src(%arg16 : memref<64x128xf32, #tpu.memory_space<vmem>>) dst(%dma_wait3A_356 : memref<10112x128xf32, #tpu.memory_space<vmem_shared>>)
      tpu.yield
    }) : () -> ()
    %dma_start3A_128 = arith.constant 9 : i32
    %dma_start3A_129 = arith.constant 0 : i32
    %dma_start3A_130 = tpu.memref_slice %arg7[%dma_start3A_128, %dma_start3A_129] : memref<10x64xi32, #tpu.memory_space<vmem>> -> memref<1x64xi32, #tpu.memory_space<vmem>>
    %dma_start3A_131 = tpu.memref_squeeze %dma_start3A_130 : memref<1x64xi32, #tpu.memory_space<vmem>> -> memref<64xi32, #tpu.memory_space<vmem>>
    %dma_start3A_132 = arith.constant 0 : i32
    %dma_start3A_133 = arith.constant 0 : i32
    %dma_start3A_134 = tpu.memref_slice %arg2[%dma_start3A_132, %dma_start3A_133] : memref<10000x128xf32, #tpu.memory_space<hbm>> -> memref<10000x128xf32, #tpu.memory_space<hbm>>
    tpu.enqueue_indirect_dma source(%dma_start3A_134 : memref<10000x128xf32, #tpu.memory_space<hbm>>) target(%arg16 : memref<64x128xf32, #tpu.memory_space<vmem>>) offsets(%dma_start3A_131 : memref<64xi32, #tpu.memory_space<vmem>>) semaphore(%arg21 : memref<!tpu.dma_semaphore, #tpu.memory_space<semaphore_mem>>)
    %dma_wait3A_135 = arith.constant 15 : i32
    %dma_wait3A_136 = arith.constant 0 : i32
    %dma_wait3A_137 = arith.constant 0 : i32
    %dma_wait3A_138 = tpu.memref_slice %arg3[%add3A, %dma_wait3A_135, %dma_wait3A_136, %dma_wait3A_137] : memref<32x16x10x64xi32, #tpu.memory_space<hbm>> -> memref<1x1x10x64xi32, #tpu.memory_space<hbm>>
    %dma_wait3A_139 = tpu.memref_squeeze %dma_wait3A_138 : memref<1x1x10x64xi32, #tpu.memory_space<hbm>> -> memref<10x64xi32, #tpu.memory_space<hbm>>
    %dma_wait3A_140 = arith.constant 0 : i32
    %dma_wait3A_141 = arith.constant 0 : i32
    %dma_wait3A_142 = tpu.memref_slice %arg3[%add3A, %dma_wait3A_135, %dma_wait3A_140, %dma_wait3A_141] : memref<32x16x10x64xi32, #tpu.memory_space<hbm>> -> memref<1x1x10x64xi32, #tpu.memory_space<hbm>>
    %dma_wait3A_143 = tpu.memref_squeeze %dma_wait3A_142 : memref<1x1x10x64xi32, #tpu.memory_space<hbm>> -> memref<10x64xi32, #tpu.memory_space<hbm>>
    tpu.wait_dma2 semaphore(%arg23 : memref<!tpu.dma_semaphore, #tpu.memory_space<semaphore_mem>>) src(%dma_wait3A_143 : memref<10x64xi32, #tpu.memory_space<hbm>>) dst(%arg9 : memref<10x64xi32, #tpu.memory_space<vmem>>)
    %dma_wait3A_144 = arith.constant 15 : i32
    %dma_wait3A_145 = arith.constant 0 : i32
    %dma_wait3A_146 = arith.constant 0 : i32
    %dma_wait3A_147 = tpu.memref_slice %arg4[%add3A, %dma_wait3A_144, %dma_wait3A_145, %dma_wait3A_146] : memref<32x16x10x64xi32, #tpu.memory_space<hbm>> -> memref<1x1x10x64xi32, #tpu.memory_space<hbm>>
    %dma_wait3A_148 = tpu.memref_squeeze %dma_wait3A_147 : memref<1x1x10x64xi32, #tpu.memory_space<hbm>> -> memref<10x64xi32, #tpu.memory_space<hbm>>
    %dma_wait3A_149 = arith.constant 0 : i32
    %dma_wait3A_150 = arith.constant 0 : i32
    %dma_wait3A_151 = tpu.memref_slice %arg4[%add3A, %dma_wait3A_144, %dma_wait3A_149, %dma_wait3A_150] : memref<32x16x10x64xi32, #tpu.memory_space<hbm>> -> memref<1x1x10x64xi32, #tpu.memory_space<hbm>>
    %dma_wait3A_152 = tpu.memref_squeeze %dma_wait3A_151 : memref<1x1x10x64xi32, #tpu.memory_space<hbm>> -> memref<10x64xi32, #tpu.memory_space<hbm>>
    tpu.wait_dma2 semaphore(%arg23 : memref<!tpu.dma_semaphore, #tpu.memory_space<semaphore_mem>>) src(%dma_wait3A_152 : memref<10x64xi32, #tpu.memory_space<hbm>>) dst(%arg10 : memref<10x64xi32, #tpu.memory_space<vmem>>)
    %dma_wait3A_153 = arith.constant 5 : i32
    %dma_wait3A_154 = arith.constant 0 : i32
    %dma_wait3A_155 = tpu.memref_slice %arg7[%dma_wait3A_153, %dma_wait3A_154] : memref<10x64xi32, #tpu.memory_space<vmem>> -> memref<1x64xi32, #tpu.memory_space<vmem>>
    %dma_wait3A_156 = tpu.memref_squeeze %dma_wait3A_155 : memref<1x64xi32, #tpu.memory_space<vmem>> -> memref<64xi32, #tpu.memory_space<vmem>>
    %dma_wait3A_157 = arith.constant 0 : i32
    %dma_wait3A_158 = arith.constant 0 : i32
    %dma_wait3A_159 = tpu.memref_slice %arg2[%dma_wait3A_157, %dma_wait3A_158] : memref<10000x128xf32, #tpu.memory_space<hbm>> -> memref<10000x128xf32, #tpu.memory_space<hbm>>
    tpu.wait_indirect_dma semaphore(%arg17 : memref<!tpu.dma_semaphore, #tpu.memory_space<semaphore_mem>>) src(%dma_wait3A_159 : memref<10000x128xf32, #tpu.memory_space<hbm>>) dst(%arg12 : memref<64x128xf32, #tpu.memory_space<vmem>>)
    %run_scoped3A_160 = arith.constant 5 : i32
    "tpu.region"() ({
      %run_scoped3A_344 = tpu.sem_alloc : memref<!tpu.dma_semaphore, #tpu.memory_space<semaphore_mem>>
      %dma_start3A_345 = arith.constant 0 : i32
      %dma_start3A_346 = tpu.memref_slice %arg8[%run_scoped3A_160, %dma_start3A_345] : memref<10x64xi32, #tpu.memory_space<vmem>> -> memref<1x64xi32, #tpu.memory_space<vmem>>
      %dma_start3A_347 = tpu.memref_squeeze %dma_start3A_346 : memref<1x64xi32, #tpu.memory_space<vmem>> -> memref<64xi32, #tpu.memory_space<vmem>>
      %dma_start3A_348 = arith.constant 0 : i32
      %dma_start3A_349 = arith.constant 0 : i32
      %dma_start3A_350 = tpu.memref_slice %arg11[%dma_start3A_348, %dma_start3A_349] : memref<10112x128xf32, #tpu.memory_space<vmem_shared>> -> memref<10112x128xf32, #tpu.memory_space<vmem_shared>>
      tpu.enqueue_indirect_dma source(%arg12 : memref<64x128xf32, #tpu.memory_space<vmem>>) target(%dma_start3A_350 : memref<10112x128xf32, #tpu.memory_space<vmem_shared>>) offsets(%dma_start3A_347 : memref<64xi32, #tpu.memory_space<vmem>>) semaphore(%run_scoped3A_344 : memref<!tpu.dma_semaphore, #tpu.memory_space<semaphore_mem>>) {add = true}
      %dma_wait3A_351 = arith.constant 0 : i32
      %dma_wait3A_352 = tpu.memref_slice %arg8[%run_scoped3A_160, %dma_wait3A_351] : memref<10x64xi32, #tpu.memory_space<vmem>> -> memref<1x64xi32, #tpu.memory_space<vmem>>
      %dma_wait3A_353 = tpu.memref_squeeze %dma_wait3A_352 : memref<1x64xi32, #tpu.memory_space<vmem>> -> memref<64xi32, #tpu.memory_space<vmem>>
      %dma_wait3A_354 = arith.constant 0 : i32
      %dma_wait3A_355 = arith.constant 0 : i32
      %dma_wait3A_356 = tpu.memref_slice %arg11[%dma_wait3A_354, %dma_wait3A_355] : memref<10112x128xf32, #tpu.memory_space<vmem_shared>> -> memref<10112x128xf32, #tpu.memory_space<vmem_shared>>
      tpu.wait_indirect_dma semaphore(%run_scoped3A_344 : memref<!tpu.dma_semaphore, #tpu.memory_space<semaphore_mem>>) src(%arg12 : memref<64x128xf32, #tpu.memory_space<vmem>>) dst(%dma_wait3A_356 : memref<10112x128xf32, #tpu.memory_space<vmem_shared>>)
      tpu.yield
    }) : () -> ()
    %dma_start3A_161 = arith.constant 0 : i32
    %dma_start3A_162 = arith.constant 0 : i32
    %dma_start3A_163 = tpu.memref_slice %arg9[%dma_start3A_161, %dma_start3A_162] : memref<10x64xi32, #tpu.memory_space<vmem>> -> memref<1x64xi32, #tpu.memory_space<vmem>>
    %dma_start3A_164 = tpu.memref_squeeze %dma_start3A_163 : memref<1x64xi32, #tpu.memory_space<vmem>> -> memref<64xi32, #tpu.memory_space<vmem>>
    %dma_start3A_165 = arith.constant 0 : i32
    %dma_start3A_166 = arith.constant 0 : i32
    %dma_start3A_167 = tpu.memref_slice %arg2[%dma_start3A_165, %dma_start3A_166] : memref<10000x128xf32, #tpu.memory_space<hbm>> -> memref<10000x128xf32, #tpu.memory_space<hbm>>
    tpu.enqueue_indirect_dma source(%dma_start3A_167 : memref<10000x128xf32, #tpu.memory_space<hbm>>) target(%arg12 : memref<64x128xf32, #tpu.memory_space<vmem>>) offsets(%dma_start3A_164 : memref<64xi32, #tpu.memory_space<vmem>>) semaphore(%arg17 : memref<!tpu.dma_semaphore, #tpu.memory_space<semaphore_mem>>)
    %dma_wait3A_168 = arith.constant 6 : i32
    %dma_wait3A_169 = arith.constant 0 : i32
    %dma_wait3A_170 = tpu.memref_slice %arg7[%dma_wait3A_168, %dma_wait3A_169] : memref<10x64xi32, #tpu.memory_space<vmem>> -> memref<1x64xi32, #tpu.memory_space<vmem>>
    %dma_wait3A_171 = tpu.memref_squeeze %dma_wait3A_170 : memref<1x64xi32, #tpu.memory_space<vmem>> -> memref<64xi32, #tpu.memory_space<vmem>>
    %dma_wait3A_172 = arith.constant 0 : i32
    %dma_wait3A_173 = arith.constant 0 : i32
    %dma_wait3A_174 = tpu.memref_slice %arg2[%dma_wait3A_172, %dma_wait3A_173] : memref<10000x128xf32, #tpu.memory_space<hbm>> -> memref<10000x128xf32, #tpu.memory_space<hbm>>
    tpu.wait_indirect_dma semaphore(%arg18 : memref<!tpu.dma_semaphore, #tpu.memory_space<semaphore_mem>>) src(%dma_wait3A_174 : memref<10000x128xf32, #tpu.memory_space<hbm>>) dst(%arg13 : memref<64x128xf32, #tpu.memory_space<vmem>>)
    %run_scoped3A_175 = arith.constant 6 : i32
    "tpu.region"() ({
      %run_scoped3A_344 = tpu.sem_alloc : memref<!tpu.dma_semaphore, #tpu.memory_space<semaphore_mem>>
      %dma_start3A_345 = arith.constant 0 : i32
      %dma_start3A_346 = tpu.memref_slice %arg8[%run_scoped3A_175, %dma_start3A_345] : memref<10x64xi32, #tpu.memory_space<vmem>> -> memref<1x64xi32, #tpu.memory_space<vmem>>
      %dma_start3A_347 = tpu.memref_squeeze %dma_start3A_346 : memref<1x64xi32, #tpu.memory_space<vmem>> -> memref<64xi32, #tpu.memory_space<vmem>>
      %dma_start3A_348 = arith.constant 0 : i32
      %dma_start3A_349 = arith.constant 0 : i32
      %dma_start3A_350 = tpu.memref_slice %arg11[%dma_start3A_348, %dma_start3A_349] : memref<10112x128xf32, #tpu.memory_space<vmem_shared>> -> memref<10112x128xf32, #tpu.memory_space<vmem_shared>>
      tpu.enqueue_indirect_dma source(%arg13 : memref<64x128xf32, #tpu.memory_space<vmem>>) target(%dma_start3A_350 : memref<10112x128xf32, #tpu.memory_space<vmem_shared>>) offsets(%dma_start3A_347 : memref<64xi32, #tpu.memory_space<vmem>>) semaphore(%run_scoped3A_344 : memref<!tpu.dma_semaphore, #tpu.memory_space<semaphore_mem>>) {add = true}
      %dma_wait3A_351 = arith.constant 0 : i32
      %dma_wait3A_352 = tpu.memref_slice %arg8[%run_scoped3A_175, %dma_wait3A_351] : memref<10x64xi32, #tpu.memory_space<vmem>> -> memref<1x64xi32, #tpu.memory_space<vmem>>
      %dma_wait3A_353 = tpu.memref_squeeze %dma_wait3A_352 : memref<1x64xi32, #tpu.memory_space<vmem>> -> memref<64xi32, #tpu.memory_space<vmem>>
      %dma_wait3A_354 = arith.constant 0 : i32
      %dma_wait3A_355 = arith.constant 0 : i32
      %dma_wait3A_356 = tpu.memref_slice %arg11[%dma_wait3A_354, %dma_wait3A_355] : memref<10112x128xf32, #tpu.memory_space<vmem_shared>> -> memref<10112x128xf32, #tpu.memory_space<vmem_shared>>
      tpu.wait_indirect_dma semaphore(%run_scoped3A_344 : memref<!tpu.dma_semaphore, #tpu.memory_space<semaphore_mem>>) src(%arg13 : memref<64x128xf32, #tpu.memory_space<vmem>>) dst(%dma_wait3A_356 : memref<10112x128xf32, #tpu.memory_space<vmem_shared>>)
      tpu.yield
    }) : () -> ()
    %dma_start3A_176 = arith.constant 1 : i32
    %dma_start3A_177 = arith.constant 0 : i32
    %dma_start3A_178 = tpu.memref_slice %arg9[%dma_start3A_176, %dma_start3A_177] : memref<10x64xi32, #tpu.memory_space<vmem>> -> memref<1x64xi32, #tpu.memory_space<vmem>>
    %dma_start3A_179 = tpu.memref_squeeze %dma_start3A_178 : memref<1x64xi32, #tpu.memory_space<vmem>> -> memref<64xi32, #tpu.memory_space<vmem>>
    %dma_start3A_180 = arith.constant 0 : i32
    %dma_start3A_181 = arith.constant 0 : i32
    %dma_start3A_182 = tpu.memref_slice %arg2[%dma_start3A_180, %dma_start3A_181] : memref<10000x128xf32, #tpu.memory_space<hbm>> -> memref<10000x128xf32, #tpu.memory_space<hbm>>
    tpu.enqueue_indirect_dma source(%dma_start3A_182 : memref<10000x128xf32, #tpu.memory_space<hbm>>) target(%arg13 : memref<64x128xf32, #tpu.memory_space<vmem>>) offsets(%dma_start3A_179 : memref<64xi32, #tpu.memory_space<vmem>>) semaphore(%arg18 : memref<!tpu.dma_semaphore, #tpu.memory_space<semaphore_mem>>)
    %dma_wait3A_183 = arith.constant 7 : i32
    %dma_wait3A_184 = arith.constant 0 : i32
    %dma_wait3A_185 = tpu.memref_slice %arg7[%dma_wait3A_183, %dma_wait3A_184] : memref<10x64xi32, #tpu.memory_space<vmem>> -> memref<1x64xi32, #tpu.memory_space<vmem>>
    %dma_wait3A_186 = tpu.memref_squeeze %dma_wait3A_185 : memref<1x64xi32, #tpu.memory_space<vmem>> -> memref<64xi32, #tpu.memory_space<vmem>>
    %dma_wait3A_187 = arith.constant 0 : i32
    %dma_wait3A_188 = arith.constant 0 : i32
    %dma_wait3A_189 = tpu.memref_slice %arg2[%dma_wait3A_187, %dma_wait3A_188] : memref<10000x128xf32, #tpu.memory_space<hbm>> -> memref<10000x128xf32, #tpu.memory_space<hbm>>
    tpu.wait_indirect_dma semaphore(%arg19 : memref<!tpu.dma_semaphore, #tpu.memory_space<semaphore_mem>>) src(%dma_wait3A_189 : memref<10000x128xf32, #tpu.memory_space<hbm>>) dst(%arg14 : memref<64x128xf32, #tpu.memory_space<vmem>>)
    %run_scoped3A_190 = arith.constant 7 : i32
    "tpu.region"() ({
      %run_scoped3A_344 = tpu.sem_alloc : memref<!tpu.dma_semaphore, #tpu.memory_space<semaphore_mem>>
      %dma_start3A_345 = arith.constant 0 : i32
      %dma_start3A_346 = tpu.memref_slice %arg8[%run_scoped3A_190, %dma_start3A_345] : memref<10x64xi32, #tpu.memory_space<vmem>> -> memref<1x64xi32, #tpu.memory_space<vmem>>
      %dma_start3A_347 = tpu.memref_squeeze %dma_start3A_346 : memref<1x64xi32, #tpu.memory_space<vmem>> -> memref<64xi32, #tpu.memory_space<vmem>>
      %dma_start3A_348 = arith.constant 0 : i32
      %dma_start3A_349 = arith.constant 0 : i32
      %dma_start3A_350 = tpu.memref_slice %arg11[%dma_start3A_348, %dma_start3A_349] : memref<10112x128xf32, #tpu.memory_space<vmem_shared>> -> memref<10112x128xf32, #tpu.memory_space<vmem_shared>>
      tpu.enqueue_indirect_dma source(%arg14 : memref<64x128xf32, #tpu.memory_space<vmem>>) target(%dma_start3A_350 : memref<10112x128xf32, #tpu.memory_space<vmem_shared>>) offsets(%dma_start3A_347 : memref<64xi32, #tpu.memory_space<vmem>>) semaphore(%run_scoped3A_344 : memref<!tpu.dma_semaphore, #tpu.memory_space<semaphore_mem>>) {add = true}
      %dma_wait3A_351 = arith.constant 0 : i32
      %dma_wait3A_352 = tpu.memref_slice %arg8[%run_scoped3A_190, %dma_wait3A_351] : memref<10x64xi32, #tpu.memory_space<vmem>> -> memref<1x64xi32, #tpu.memory_space<vmem>>
      %dma_wait3A_353 = tpu.memref_squeeze %dma_wait3A_352 : memref<1x64xi32, #tpu.memory_space<vmem>> -> memref<64xi32, #tpu.memory_space<vmem>>
      %dma_wait3A_354 = arith.constant 0 : i32
      %dma_wait3A_355 = arith.constant 0 : i32
      %dma_wait3A_356 = tpu.memref_slice %arg11[%dma_wait3A_354, %dma_wait3A_355] : memref<10112x128xf32, #tpu.memory_space<vmem_shared>> -> memref<10112x128xf32, #tpu.memory_space<vmem_shared>>
      tpu.wait_indirect_dma semaphore(%run_scoped3A_344 : memref<!tpu.dma_semaphore, #tpu.memory_space<semaphore_mem>>) src(%arg14 : memref<64x128xf32, #tpu.memory_space<vmem>>) dst(%dma_wait3A_356 : memref<10112x128xf32, #tpu.memory_space<vmem_shared>>)
      tpu.yield
    }) : () -> ()
    %dma_start3A_191 = arith.constant 2 : i32
    %dma_start3A_192 = arith.constant 0 : i32
    %dma_start3A_193 = tpu.memref_slice %arg9[%dma_start3A_191, %dma_start3A_192] : memref<10x64xi32, #tpu.memory_space<vmem>> -> memref<1x64xi32, #tpu.memory_space<vmem>>
    %dma_start3A_194 = tpu.memref_squeeze %dma_start3A_193 : memref<1x64xi32, #tpu.memory_space<vmem>> -> memref<64xi32, #tpu.memory_space<vmem>>
    %dma_start3A_195 = arith.constant 0 : i32
    %dma_start3A_196 = arith.constant 0 : i32
    %dma_start3A_197 = tpu.memref_slice %arg2[%dma_start3A_195, %dma_start3A_196] : memref<10000x128xf32, #tpu.memory_space<hbm>> -> memref<10000x128xf32, #tpu.memory_space<hbm>>
    tpu.enqueue_indirect_dma source(%dma_start3A_197 : memref<10000x128xf32, #tpu.memory_space<hbm>>) target(%arg14 : memref<64x128xf32, #tpu.memory_space<vmem>>) offsets(%dma_start3A_194 : memref<64xi32, #tpu.memory_space<vmem>>) semaphore(%arg19 : memref<!tpu.dma_semaphore, #tpu.memory_space<semaphore_mem>>)
    %dma_wait3A_198 = arith.constant 8 : i32
    %dma_wait3A_199 = arith.constant 0 : i32
    %dma_wait3A_200 = tpu.memref_slice %arg7[%dma_wait3A_198, %dma_wait3A_199] : memref<10x64xi32, #tpu.memory_space<vmem>> -> memref<1x64xi32, #tpu.memory_space<vmem>>
    %dma_wait3A_201 = tpu.memref_squeeze %dma_wait3A_200 : memref<1x64xi32, #tpu.memory_space<vmem>> -> memref<64xi32, #tpu.memory_space<vmem>>
    %dma_wait3A_202 = arith.constant 0 : i32
    %dma_wait3A_203 = arith.constant 0 : i32
    %dma_wait3A_204 = tpu.memref_slice %arg2[%dma_wait3A_202, %dma_wait3A_203] : memref<10000x128xf32, #tpu.memory_space<hbm>> -> memref<10000x128xf32, #tpu.memory_space<hbm>>
    tpu.wait_indirect_dma semaphore(%arg20 : memref<!tpu.dma_semaphore, #tpu.memory_space<semaphore_mem>>) src(%dma_wait3A_204 : memref<10000x128xf32, #tpu.memory_space<hbm>>) dst(%arg15 : memref<64x128xf32, #tpu.memory_space<vmem>>)
    %run_scoped3A_205 = arith.constant 8 : i32
    "tpu.region"() ({
      %run_scoped3A_344 = tpu.sem_alloc : memref<!tpu.dma_semaphore, #tpu.memory_space<semaphore_mem>>
      %dma_start3A_345 = arith.constant 0 : i32
      %dma_start3A_346 = tpu.memref_slice %arg8[%run_scoped3A_205, %dma_start3A_345] : memref<10x64xi32, #tpu.memory_space<vmem>> -> memref<1x64xi32, #tpu.memory_space<vmem>>
      %dma_start3A_347 = tpu.memref_squeeze %dma_start3A_346 : memref<1x64xi32, #tpu.memory_space<vmem>> -> memref<64xi32, #tpu.memory_space<vmem>>
      %dma_start3A_348 = arith.constant 0 : i32
      %dma_start3A_349 = arith.constant 0 : i32
      %dma_start3A_350 = tpu.memref_slice %arg11[%dma_start3A_348, %dma_start3A_349] : memref<10112x128xf32, #tpu.memory_space<vmem_shared>> -> memref<10112x128xf32, #tpu.memory_space<vmem_shared>>
      tpu.enqueue_indirect_dma source(%arg15 : memref<64x128xf32, #tpu.memory_space<vmem>>) target(%dma_start3A_350 : memref<10112x128xf32, #tpu.memory_space<vmem_shared>>) offsets(%dma_start3A_347 : memref<64xi32, #tpu.memory_space<vmem>>) semaphore(%run_scoped3A_344 : memref<!tpu.dma_semaphore, #tpu.memory_space<semaphore_mem>>) {add = true}
      %dma_wait3A_351 = arith.constant 0 : i32
      %dma_wait3A_352 = tpu.memref_slice %arg8[%run_scoped3A_205, %dma_wait3A_351] : memref<10x64xi32, #tpu.memory_space<vmem>> -> memref<1x64xi32, #tpu.memory_space<vmem>>
      %dma_wait3A_353 = tpu.memref_squeeze %dma_wait3A_352 : memref<1x64xi32, #tpu.memory_space<vmem>> -> memref<64xi32, #tpu.memory_space<vmem>>
      %dma_wait3A_354 = arith.constant 0 : i32
      %dma_wait3A_355 = arith.constant 0 : i32
      %dma_wait3A_356 = tpu.memref_slice %arg11[%dma_wait3A_354, %dma_wait3A_355] : memref<10112x128xf32, #tpu.memory_space<vmem_shared>> -> memref<10112x128xf32, #tpu.memory_space<vmem_shared>>
      tpu.wait_indirect_dma semaphore(%run_scoped3A_344 : memref<!tpu.dma_semaphore, #tpu.memory_space<semaphore_mem>>) src(%arg15 : memref<64x128xf32, #tpu.memory_space<vmem>>) dst(%dma_wait3A_356 : memref<10112x128xf32, #tpu.memory_space<vmem_shared>>)
      tpu.yield
    }) : () -> ()
    %dma_start3A_206 = arith.constant 3 : i32
    %dma_start3A_207 = arith.constant 0 : i32
    %dma_start3A_208 = tpu.memref_slice %arg9[%dma_start3A_206, %dma_start3A_207] : memref<10x64xi32, #tpu.memory_space<vmem>> -> memref<1x64xi32, #tpu.memory_space<vmem>>
    %dma_start3A_209 = tpu.memref_squeeze %dma_start3A_208 : memref<1x64xi32, #tpu.memory_space<vmem>> -> memref<64xi32, #tpu.memory_space<vmem>>
    %dma_start3A_210 = arith.constant 0 : i32
    %dma_start3A_211 = arith.constant 0 : i32
    %dma_start3A_212 = tpu.memref_slice %arg2[%dma_start3A_210, %dma_start3A_211] : memref<10000x128xf32, #tpu.memory_space<hbm>> -> memref<10000x128xf32, #tpu.memory_space<hbm>>
    tpu.enqueue_indirect_dma source(%dma_start3A_212 : memref<10000x128xf32, #tpu.memory_space<hbm>>) target(%arg15 : memref<64x128xf32, #tpu.memory_space<vmem>>) offsets(%dma_start3A_209 : memref<64xi32, #tpu.memory_space<vmem>>) semaphore(%arg20 : memref<!tpu.dma_semaphore, #tpu.memory_space<semaphore_mem>>)
    %dma_wait3A_213 = arith.constant 9 : i32
    %dma_wait3A_214 = arith.constant 0 : i32
    %dma_wait3A_215 = tpu.memref_slice %arg7[%dma_wait3A_213, %dma_wait3A_214] : memref<10x64xi32, #tpu.memory_space<vmem>> -> memref<1x64xi32, #tpu.memory_space<vmem>>
    %dma_wait3A_216 = tpu.memref_squeeze %dma_wait3A_215 : memref<1x64xi32, #tpu.memory_space<vmem>> -> memref<64xi32, #tpu.memory_space<vmem>>
    %dma_wait3A_217 = arith.constant 0 : i32
    %dma_wait3A_218 = arith.constant 0 : i32
    %dma_wait3A_219 = tpu.memref_slice %arg2[%dma_wait3A_217, %dma_wait3A_218] : memref<10000x128xf32, #tpu.memory_space<hbm>> -> memref<10000x128xf32, #tpu.memory_space<hbm>>
    tpu.wait_indirect_dma semaphore(%arg21 : memref<!tpu.dma_semaphore, #tpu.memory_space<semaphore_mem>>) src(%dma_wait3A_219 : memref<10000x128xf32, #tpu.memory_space<hbm>>) dst(%arg16 : memref<64x128xf32, #tpu.memory_space<vmem>>)
    %run_scoped3A_220 = arith.constant 9 : i32
    "tpu.region"() ({
      %run_scoped3A_344 = tpu.sem_alloc : memref<!tpu.dma_semaphore, #tpu.memory_space<semaphore_mem>>
      %dma_start3A_345 = arith.constant 0 : i32
      %dma_start3A_346 = tpu.memref_slice %arg8[%run_scoped3A_220, %dma_start3A_345] : memref<10x64xi32, #tpu.memory_space<vmem>> -> memref<1x64xi32, #tpu.memory_space<vmem>>
      %dma_start3A_347 = tpu.memref_squeeze %dma_start3A_346 : memref<1x64xi32, #tpu.memory_space<vmem>> -> memref<64xi32, #tpu.memory_space<vmem>>
      %dma_start3A_348 = arith.constant 0 : i32
      %dma_start3A_349 = arith.constant 0 : i32
      %dma_start3A_350 = tpu.memref_slice %arg11[%dma_start3A_348, %dma_start3A_349] : memref<10112x128xf32, #tpu.memory_space<vmem_shared>> -> memref<10112x128xf32, #tpu.memory_space<vmem_shared>>
      tpu.enqueue_indirect_dma source(%arg16 : memref<64x128xf32, #tpu.memory_space<vmem>>) target(%dma_start3A_350 : memref<10112x128xf32, #tpu.memory_space<vmem_shared>>) offsets(%dma_start3A_347 : memref<64xi32, #tpu.memory_space<vmem>>) semaphore(%run_scoped3A_344 : memref<!tpu.dma_semaphore, #tpu.memory_space<semaphore_mem>>) {add = true}
      %dma_wait3A_351 = arith.constant 0 : i32
      %dma_wait3A_352 = tpu.memref_slice %arg8[%run_scoped3A_220, %dma_wait3A_351] : memref<10x64xi32, #tpu.memory_space<vmem>> -> memref<1x64xi32, #tpu.memory_space<vmem>>
      %dma_wait3A_353 = tpu.memref_squeeze %dma_wait3A_352 : memref<1x64xi32, #tpu.memory_space<vmem>> -> memref<64xi32, #tpu.memory_space<vmem>>
      %dma_wait3A_354 = arith.constant 0 : i32
      %dma_wait3A_355 = arith.constant 0 : i32
      %dma_wait3A_356 = tpu.memref_slice %arg11[%dma_wait3A_354, %dma_wait3A_355] : memref<10112x128xf32, #tpu.memory_space<vmem_shared>> -> memref<10112x128xf32, #tpu.memory_space<vmem_shared>>
      tpu.wait_indirect_dma semaphore(%run_scoped3A_344 : memref<!tpu.dma_semaphore, #tpu.memory_space<semaphore_mem>>) src(%arg16 : memref<64x128xf32, #tpu.memory_space<vmem>>) dst(%dma_wait3A_356 : memref<10112x128xf32, #tpu.memory_space<vmem_shared>>)
      tpu.yield
    }) : () -> ()
    %dma_start3A_221 = arith.constant 4 : i32
    %dma_start3A_222 = arith.constant 0 : i32
    %dma_start3A_223 = tpu.memref_slice %arg9[%dma_start3A_221, %dma_start3A_222] : memref<10x64xi32, #tpu.memory_space<vmem>> -> memref<1x64xi32, #tpu.memory_space<vmem>>
    %dma_start3A_224 = tpu.memref_squeeze %dma_start3A_223 : memref<1x64xi32, #tpu.memory_space<vmem>> -> memref<64xi32, #tpu.memory_space<vmem>>
    %dma_start3A_225 = arith.constant 0 : i32
    %dma_start3A_226 = arith.constant 0 : i32
    %dma_start3A_227 = tpu.memref_slice %arg2[%dma_start3A_225, %dma_start3A_226] : memref<10000x128xf32, #tpu.memory_space<hbm>> -> memref<10000x128xf32, #tpu.memory_space<hbm>>
    tpu.enqueue_indirect_dma source(%dma_start3A_227 : memref<10000x128xf32, #tpu.memory_space<hbm>>) target(%arg16 : memref<64x128xf32, #tpu.memory_space<vmem>>) offsets(%dma_start3A_224 : memref<64xi32, #tpu.memory_space<vmem>>) semaphore(%arg21 : memref<!tpu.dma_semaphore, #tpu.memory_space<semaphore_mem>>)
    %dma_wait3A_228 = arith.constant 0 : i32
    %dma_wait3A_229 = arith.constant 0 : i32
    %dma_wait3A_230 = tpu.memref_slice %arg9[%dma_wait3A_228, %dma_wait3A_229] : memref<10x64xi32, #tpu.memory_space<vmem>> -> memref<1x64xi32, #tpu.memory_space<vmem>>
    %dma_wait3A_231 = tpu.memref_squeeze %dma_wait3A_230 : memref<1x64xi32, #tpu.memory_space<vmem>> -> memref<64xi32, #tpu.memory_space<vmem>>
    %dma_wait3A_232 = arith.constant 0 : i32
    %dma_wait3A_233 = arith.constant 0 : i32
    %dma_wait3A_234 = tpu.memref_slice %arg2[%dma_wait3A_232, %dma_wait3A_233] : memref<10000x128xf32, #tpu.memory_space<hbm>> -> memref<10000x128xf32, #tpu.memory_space<hbm>>
    tpu.wait_indirect_dma semaphore(%arg17 : memref<!tpu.dma_semaphore, #tpu.memory_space<semaphore_mem>>) src(%dma_wait3A_234 : memref<10000x128xf32, #tpu.memory_space<hbm>>) dst(%arg12 : memref<64x128xf32, #tpu.memory_space<vmem>>)
    %run_scoped3A_235 = arith.constant 0 : i32
    "tpu.region"() ({
      %run_scoped3A_344 = tpu.sem_alloc : memref<!tpu.dma_semaphore, #tpu.memory_space<semaphore_mem>>
      %dma_start3A_345 = arith.constant 0 : i32
      %dma_start3A_346 = tpu.memref_slice %arg10[%run_scoped3A_235, %dma_start3A_345] : memref<10x64xi32, #tpu.memory_space<vmem>> -> memref<1x64xi32, #tpu.memory_space<vmem>>
      %dma_start3A_347 = tpu.memref_squeeze %dma_start3A_346 : memref<1x64xi32, #tpu.memory_space<vmem>> -> memref<64xi32, #tpu.memory_space<vmem>>
      %dma_start3A_348 = arith.constant 0 : i32
      %dma_start3A_349 = arith.constant 0 : i32
      %dma_start3A_350 = tpu.memref_slice %arg11[%dma_start3A_348, %dma_start3A_349] : memref<10112x128xf32, #tpu.memory_space<vmem_shared>> -> memref<10112x128xf32, #tpu.memory_space<vmem_shared>>
      tpu.enqueue_indirect_dma source(%arg12 : memref<64x128xf32, #tpu.memory_space<vmem>>) target(%dma_start3A_350 : memref<10112x128xf32, #tpu.memory_space<vmem_shared>>) offsets(%dma_start3A_347 : memref<64xi32, #tpu.memory_space<vmem>>) semaphore(%run_scoped3A_344 : memref<!tpu.dma_semaphore, #tpu.memory_space<semaphore_mem>>) {add = true}
      %dma_wait3A_351 = arith.constant 0 : i32
      %dma_wait3A_352 = tpu.memref_slice %arg10[%run_scoped3A_235, %dma_wait3A_351] : memref<10x64xi32, #tpu.memory_space<vmem>> -> memref<1x64xi32, #tpu.memory_space<vmem>>
      %dma_wait3A_353 = tpu.memref_squeeze %dma_wait3A_352 : memref<1x64xi32, #tpu.memory_space<vmem>> -> memref<64xi32, #tpu.memory_space<vmem>>
      %dma_wait3A_354 = arith.constant 0 : i32
      %dma_wait3A_355 = arith.constant 0 : i32
      %dma_wait3A_356 = tpu.memref_slice %arg11[%dma_wait3A_354, %dma_wait3A_355] : memref<10112x128xf32, #tpu.memory_space<vmem_shared>> -> memref<10112x128xf32, #tpu.memory_space<vmem_shared>>
      tpu.wait_indirect_dma semaphore(%run_scoped3A_344 : memref<!tpu.dma_semaphore, #tpu.memory_space<semaphore_mem>>) src(%arg12 : memref<64x128xf32, #tpu.memory_space<vmem>>) dst(%dma_wait3A_356 : memref<10112x128xf32, #tpu.memory_space<vmem_shared>>)
      tpu.yield
    }) : () -> ()
    %dma_start3A_236 = arith.constant 5 : i32
    %dma_start3A_237 = arith.constant 0 : i32
    %dma_start3A_238 = tpu.memref_slice %arg9[%dma_start3A_236, %dma_start3A_237] : memref<10x64xi32, #tpu.memory_space<vmem>> -> memref<1x64xi32, #tpu.memory_space<vmem>>
    %dma_start3A_239 = tpu.memref_squeeze %dma_start3A_238 : memref<1x64xi32, #tpu.memory_space<vmem>> -> memref<64xi32, #tpu.memory_space<vmem>>
    %dma_start3A_240 = arith.constant 0 : i32
    %dma_start3A_241 = arith.constant 0 : i32
    %dma_start3A_242 = tpu.memref_slice %arg2[%dma_start3A_240, %dma_start3A_241] : memref<10000x128xf32, #tpu.memory_space<hbm>> -> memref<10000x128xf32, #tpu.memory_space<hbm>>
    tpu.enqueue_indirect_dma source(%dma_start3A_242 : memref<10000x128xf32, #tpu.memory_space<hbm>>) target(%arg12 : memref<64x128xf32, #tpu.memory_space<vmem>>) offsets(%dma_start3A_239 : memref<64xi32, #tpu.memory_space<vmem>>) semaphore(%arg17 : memref<!tpu.dma_semaphore, #tpu.memory_space<semaphore_mem>>)
    %dma_wait3A_243 = arith.constant 1 : i32
    %dma_wait3A_244 = arith.constant 0 : i32
    %dma_wait3A_245 = tpu.memref_slice %arg9[%dma_wait3A_243, %dma_wait3A_244] : memref<10x64xi32, #tpu.memory_space<vmem>> -> memref<1x64xi32, #tpu.memory_space<vmem>>
    %dma_wait3A_246 = tpu.memref_squeeze %dma_wait3A_245 : memref<1x64xi32, #tpu.memory_space<vmem>> -> memref<64xi32, #tpu.memory_space<vmem>>
    %dma_wait3A_247 = arith.constant 0 : i32
    %dma_wait3A_248 = arith.constant 0 : i32
    %dma_wait3A_249 = tpu.memref_slice %arg2[%dma_wait3A_247, %dma_wait3A_248] : memref<10000x128xf32, #tpu.memory_space<hbm>> -> memref<10000x128xf32, #tpu.memory_space<hbm>>
    tpu.wait_indirect_dma semaphore(%arg18 : memref<!tpu.dma_semaphore, #tpu.memory_space<semaphore_mem>>) src(%dma_wait3A_249 : memref<10000x128xf32, #tpu.memory_space<hbm>>) dst(%arg13 : memref<64x128xf32, #tpu.memory_space<vmem>>)
    %run_scoped3A_250 = arith.constant 1 : i32
    "tpu.region"() ({
      %run_scoped3A_344 = tpu.sem_alloc : memref<!tpu.dma_semaphore, #tpu.memory_space<semaphore_mem>>
      %dma_start3A_345 = arith.constant 0 : i32
      %dma_start3A_346 = tpu.memref_slice %arg10[%run_scoped3A_250, %dma_start3A_345] : memref<10x64xi32, #tpu.memory_space<vmem>> -> memref<1x64xi32, #tpu.memory_space<vmem>>
      %dma_start3A_347 = tpu.memref_squeeze %dma_start3A_346 : memref<1x64xi32, #tpu.memory_space<vmem>> -> memref<64xi32, #tpu.memory_space<vmem>>
      %dma_start3A_348 = arith.constant 0 : i32
      %dma_start3A_349 = arith.constant 0 : i32
      %dma_start3A_350 = tpu.memref_slice %arg11[%dma_start3A_348, %dma_start3A_349] : memref<10112x128xf32, #tpu.memory_space<vmem_shared>> -> memref<10112x128xf32, #tpu.memory_space<vmem_shared>>
      tpu.enqueue_indirect_dma source(%arg13 : memref<64x128xf32, #tpu.memory_space<vmem>>) target(%dma_start3A_350 : memref<10112x128xf32, #tpu.memory_space<vmem_shared>>) offsets(%dma_start3A_347 : memref<64xi32, #tpu.memory_space<vmem>>) semaphore(%run_scoped3A_344 : memref<!tpu.dma_semaphore, #tpu.memory_space<semaphore_mem>>) {add = true}
      %dma_wait3A_351 = arith.constant 0 : i32
      %dma_wait3A_352 = tpu.memref_slice %arg10[%run_scoped3A_250, %dma_wait3A_351] : memref<10x64xi32, #tpu.memory_space<vmem>> -> memref<1x64xi32, #tpu.memory_space<vmem>>
      %dma_wait3A_353 = tpu.memref_squeeze %dma_wait3A_352 : memref<1x64xi32, #tpu.memory_space<vmem>> -> memref<64xi32, #tpu.memory_space<vmem>>
      %dma_wait3A_354 = arith.constant 0 : i32
      %dma_wait3A_355 = arith.constant 0 : i32
      %dma_wait3A_356 = tpu.memref_slice %arg11[%dma_wait3A_354, %dma_wait3A_355] : memref<10112x128xf32, #tpu.memory_space<vmem_shared>> -> memref<10112x128xf32, #tpu.memory_space<vmem_shared>>
      tpu.wait_indirect_dma semaphore(%run_scoped3A_344 : memref<!tpu.dma_semaphore, #tpu.memory_space<semaphore_mem>>) src(%arg13 : memref<64x128xf32, #tpu.memory_space<vmem>>) dst(%dma_wait3A_356 : memref<10112x128xf32, #tpu.memory_space<vmem_shared>>)
      tpu.yield
    }) : () -> ()
    %dma_start3A_251 = arith.constant 6 : i32
    %dma_start3A_252 = arith.constant 0 : i32
    %dma_start3A_253 = tpu.memref_slice %arg9[%dma_start3A_251, %dma_start3A_252] : memref<10x64xi32, #tpu.memory_space<vmem>> -> memref<1x64xi32, #tpu.memory_space<vmem>>
    %dma_start3A_254 = tpu.memref_squeeze %dma_start3A_253 : memref<1x64xi32, #tpu.memory_space<vmem>> -> memref<64xi32, #tpu.memory_space<vmem>>
    %dma_start3A_255 = arith.constant 0 : i32
    %dma_start3A_256 = arith.constant 0 : i32
    %dma_start3A_257 = tpu.memref_slice %arg2[%dma_start3A_255, %dma_start3A_256] : memref<10000x128xf32, #tpu.memory_space<hbm>> -> memref<10000x128xf32, #tpu.memory_space<hbm>>
    tpu.enqueue_indirect_dma source(%dma_start3A_257 : memref<10000x128xf32, #tpu.memory_space<hbm>>) target(%arg13 : memref<64x128xf32, #tpu.memory_space<vmem>>) offsets(%dma_start3A_254 : memref<64xi32, #tpu.memory_space<vmem>>) semaphore(%arg18 : memref<!tpu.dma_semaphore, #tpu.memory_space<semaphore_mem>>)
    %dma_wait3A_258 = arith.constant 2 : i32
    %dma_wait3A_259 = arith.constant 0 : i32
    %dma_wait3A_260 = tpu.memref_slice %arg9[%dma_wait3A_258, %dma_wait3A_259] : memref<10x64xi32, #tpu.memory_space<vmem>> -> memref<1x64xi32, #tpu.memory_space<vmem>>
    %dma_wait3A_261 = tpu.memref_squeeze %dma_wait3A_260 : memref<1x64xi32, #tpu.memory_space<vmem>> -> memref<64xi32, #tpu.memory_space<vmem>>
    %dma_wait3A_262 = arith.constant 0 : i32
    %dma_wait3A_263 = arith.constant 0 : i32
    %dma_wait3A_264 = tpu.memref_slice %arg2[%dma_wait3A_262, %dma_wait3A_263] : memref<10000x128xf32, #tpu.memory_space<hbm>> -> memref<10000x128xf32, #tpu.memory_space<hbm>>
    tpu.wait_indirect_dma semaphore(%arg19 : memref<!tpu.dma_semaphore, #tpu.memory_space<semaphore_mem>>) src(%dma_wait3A_264 : memref<10000x128xf32, #tpu.memory_space<hbm>>) dst(%arg14 : memref<64x128xf32, #tpu.memory_space<vmem>>)
    %run_scoped3A_265 = arith.constant 2 : i32
    "tpu.region"() ({
      %run_scoped3A_344 = tpu.sem_alloc : memref<!tpu.dma_semaphore, #tpu.memory_space<semaphore_mem>>
      %dma_start3A_345 = arith.constant 0 : i32
      %dma_start3A_346 = tpu.memref_slice %arg10[%run_scoped3A_265, %dma_start3A_345] : memref<10x64xi32, #tpu.memory_space<vmem>> -> memref<1x64xi32, #tpu.memory_space<vmem>>
      %dma_start3A_347 = tpu.memref_squeeze %dma_start3A_346 : memref<1x64xi32, #tpu.memory_space<vmem>> -> memref<64xi32, #tpu.memory_space<vmem>>
      %dma_start3A_348 = arith.constant 0 : i32
      %dma_start3A_349 = arith.constant 0 : i32
      %dma_start3A_350 = tpu.memref_slice %arg11[%dma_start3A_348, %dma_start3A_349] : memref<10112x128xf32, #tpu.memory_space<vmem_shared>> -> memref<10112x128xf32, #tpu.memory_space<vmem_shared>>
      tpu.enqueue_indirect_dma source(%arg14 : memref<64x128xf32, #tpu.memory_space<vmem>>) target(%dma_start3A_350 : memref<10112x128xf32, #tpu.memory_space<vmem_shared>>) offsets(%dma_start3A_347 : memref<64xi32, #tpu.memory_space<vmem>>) semaphore(%run_scoped3A_344 : memref<!tpu.dma_semaphore, #tpu.memory_space<semaphore_mem>>) {add = true}
      %dma_wait3A_351 = arith.constant 0 : i32
      %dma_wait3A_352 = tpu.memref_slice %arg10[%run_scoped3A_265, %dma_wait3A_351] : memref<10x64xi32, #tpu.memory_space<vmem>> -> memref<1x64xi32, #tpu.memory_space<vmem>>
      %dma_wait3A_353 = tpu.memref_squeeze %dma_wait3A_352 : memref<1x64xi32, #tpu.memory_space<vmem>> -> memref<64xi32, #tpu.memory_space<vmem>>
      %dma_wait3A_354 = arith.constant 0 : i32
      %dma_wait3A_355 = arith.constant 0 : i32
      %dma_wait3A_356 = tpu.memref_slice %arg11[%dma_wait3A_354, %dma_wait3A_355] : memref<10112x128xf32, #tpu.memory_space<vmem_shared>> -> memref<10112x128xf32, #tpu.memory_space<vmem_shared>>
      tpu.wait_indirect_dma semaphore(%run_scoped3A_344 : memref<!tpu.dma_semaphore, #tpu.memory_space<semaphore_mem>>) src(%arg14 : memref<64x128xf32, #tpu.memory_space<vmem>>) dst(%dma_wait3A_356 : memref<10112x128xf32, #tpu.memory_space<vmem_shared>>)
      tpu.yield
    }) : () -> ()
    %dma_start3A_266 = arith.constant 7 : i32
    %dma_start3A_267 = arith.constant 0 : i32
    %dma_start3A_268 = tpu.memref_slice %arg9[%dma_start3A_266, %dma_start3A_267] : memref<10x64xi32, #tpu.memory_space<vmem>> -> memref<1x64xi32, #tpu.memory_space<vmem>>
    %dma_start3A_269 = tpu.memref_squeeze %dma_start3A_268 : memref<1x64xi32, #tpu.memory_space<vmem>> -> memref<64xi32, #tpu.memory_space<vmem>>
    %dma_start3A_270 = arith.constant 0 : i32
    %dma_start3A_271 = arith.constant 0 : i32
    %dma_start3A_272 = tpu.memref_slice %arg2[%dma_start3A_270, %dma_start3A_271] : memref<10000x128xf32, #tpu.memory_space<hbm>> -> memref<10000x128xf32, #tpu.memory_space<hbm>>
    tpu.enqueue_indirect_dma source(%dma_start3A_272 : memref<10000x128xf32, #tpu.memory_space<hbm>>) target(%arg14 : memref<64x128xf32, #tpu.memory_space<vmem>>) offsets(%dma_start3A_269 : memref<64xi32, #tpu.memory_space<vmem>>) semaphore(%arg19 : memref<!tpu.dma_semaphore, #tpu.memory_space<semaphore_mem>>)
    %dma_wait3A_273 = arith.constant 3 : i32
    %dma_wait3A_274 = arith.constant 0 : i32
    %dma_wait3A_275 = tpu.memref_slice %arg9[%dma_wait3A_273, %dma_wait3A_274] : memref<10x64xi32, #tpu.memory_space<vmem>> -> memref<1x64xi32, #tpu.memory_space<vmem>>
    %dma_wait3A_276 = tpu.memref_squeeze %dma_wait3A_275 : memref<1x64xi32, #tpu.memory_space<vmem>> -> memref<64xi32, #tpu.memory_space<vmem>>
    %dma_wait3A_277 = arith.constant 0 : i32
    %dma_wait3A_278 = arith.constant 0 : i32
    %dma_wait3A_279 = tpu.memref_slice %arg2[%dma_wait3A_277, %dma_wait3A_278] : memref<10000x128xf32, #tpu.memory_space<hbm>> -> memref<10000x128xf32, #tpu.memory_space<hbm>>
    tpu.wait_indirect_dma semaphore(%arg20 : memref<!tpu.dma_semaphore, #tpu.memory_space<semaphore_mem>>) src(%dma_wait3A_279 : memref<10000x128xf32, #tpu.memory_space<hbm>>) dst(%arg15 : memref<64x128xf32, #tpu.memory_space<vmem>>)
    %run_scoped3A_280 = arith.constant 3 : i32
    "tpu.region"() ({
      %run_scoped3A_344 = tpu.sem_alloc : memref<!tpu.dma_semaphore, #tpu.memory_space<semaphore_mem>>
      %dma_start3A_345 = arith.constant 0 : i32
      %dma_start3A_346 = tpu.memref_slice %arg10[%run_scoped3A_280, %dma_start3A_345] : memref<10x64xi32, #tpu.memory_space<vmem>> -> memref<1x64xi32, #tpu.memory_space<vmem>>
      %dma_start3A_347 = tpu.memref_squeeze %dma_start3A_346 : memref<1x64xi32, #tpu.memory_space<vmem>> -> memref<64xi32, #tpu.memory_space<vmem>>
      %dma_start3A_348 = arith.constant 0 : i32
      %dma_start3A_349 = arith.constant 0 : i32
      %dma_start3A_350 = tpu.memref_slice %arg11[%dma_start3A_348, %dma_start3A_349] : memref<10112x128xf32, #tpu.memory_space<vmem_shared>> -> memref<10112x128xf32, #tpu.memory_space<vmem_shared>>
      tpu.enqueue_indirect_dma source(%arg15 : memref<64x128xf32, #tpu.memory_space<vmem>>) target(%dma_start3A_350 : memref<10112x128xf32, #tpu.memory_space<vmem_shared>>) offsets(%dma_start3A_347 : memref<64xi32, #tpu.memory_space<vmem>>) semaphore(%run_scoped3A_344 : memref<!tpu.dma_semaphore, #tpu.memory_space<semaphore_mem>>) {add = true}
      %dma_wait3A_351 = arith.constant 0 : i32
      %dma_wait3A_352 = tpu.memref_slice %arg10[%run_scoped3A_280, %dma_wait3A_351] : memref<10x64xi32, #tpu.memory_space<vmem>> -> memref<1x64xi32, #tpu.memory_space<vmem>>
      %dma_wait3A_353 = tpu.memref_squeeze %dma_wait3A_352 : memref<1x64xi32, #tpu.memory_space<vmem>> -> memref<64xi32, #tpu.memory_space<vmem>>
      %dma_wait3A_354 = arith.constant 0 : i32
      %dma_wait3A_355 = arith.constant 0 : i32
      %dma_wait3A_356 = tpu.memref_slice %arg11[%dma_wait3A_354, %dma_wait3A_355] : memref<10112x128xf32, #tpu.memory_space<vmem_shared>> -> memref<10112x128xf32, #tpu.memory_space<vmem_shared>>
      tpu.wait_indirect_dma semaphore(%run_scoped3A_344 : memref<!tpu.dma_semaphore, #tpu.memory_space<semaphore_mem>>) src(%arg15 : memref<64x128xf32, #tpu.memory_space<vmem>>) dst(%dma_wait3A_356 : memref<10112x128xf32, #tpu.memory_space<vmem_shared>>)
      tpu.yield
    }) : () -> ()
    %dma_start3A_281 = arith.constant 8 : i32
    %dma_start3A_282 = arith.constant 0 : i32
    %dma_start3A_283 = tpu.memref_slice %arg9[%dma_start3A_281, %dma_start3A_282] : memref<10x64xi32, #tpu.memory_space<vmem>> -> memref<1x64xi32, #tpu.memory_space<vmem>>
    %dma_start3A_284 = tpu.memref_squeeze %dma_start3A_283 : memref<1x64xi32, #tpu.memory_space<vmem>> -> memref<64xi32, #tpu.memory_space<vmem>>
    %dma_start3A_285 = arith.constant 0 : i32
    %dma_start3A_286 = arith.constant 0 : i32
    %dma_start3A_287 = tpu.memref_slice %arg2[%dma_start3A_285, %dma_start3A_286] : memref<10000x128xf32, #tpu.memory_space<hbm>> -> memref<10000x128xf32, #tpu.memory_space<hbm>>
    tpu.enqueue_indirect_dma source(%dma_start3A_287 : memref<10000x128xf32, #tpu.memory_space<hbm>>) target(%arg15 : memref<64x128xf32, #tpu.memory_space<vmem>>) offsets(%dma_start3A_284 : memref<64xi32, #tpu.memory_space<vmem>>) semaphore(%arg20 : memref<!tpu.dma_semaphore, #tpu.memory_space<semaphore_mem>>)
    %dma_wait3A_288 = arith.constant 4 : i32
    %dma_wait3A_289 = arith.constant 0 : i32
    %dma_wait3A_290 = tpu.memref_slice %arg9[%dma_wait3A_288, %dma_wait3A_289] : memref<10x64xi32, #tpu.memory_space<vmem>> -> memref<1x64xi32, #tpu.memory_space<vmem>>
    %dma_wait3A_291 = tpu.memref_squeeze %dma_wait3A_290 : memref<1x64xi32, #tpu.memory_space<vmem>> -> memref<64xi32, #tpu.memory_space<vmem>>
    %dma_wait3A_292 = arith.constant 0 : i32
    %dma_wait3A_293 = arith.constant 0 : i32
    %dma_wait3A_294 = tpu.memref_slice %arg2[%dma_wait3A_292, %dma_wait3A_293] : memref<10000x128xf32, #tpu.memory_space<hbm>> -> memref<10000x128xf32, #tpu.memory_space<hbm>>
    tpu.wait_indirect_dma semaphore(%arg21 : memref<!tpu.dma_semaphore, #tpu.memory_space<semaphore_mem>>) src(%dma_wait3A_294 : memref<10000x128xf32, #tpu.memory_space<hbm>>) dst(%arg16 : memref<64x128xf32, #tpu.memory_space<vmem>>)
    %run_scoped3A_295 = arith.constant 4 : i32
    "tpu.region"() ({
      %run_scoped3A_344 = tpu.sem_alloc : memref<!tpu.dma_semaphore, #tpu.memory_space<semaphore_mem>>
      %dma_start3A_345 = arith.constant 0 : i32
      %dma_start3A_346 = tpu.memref_slice %arg10[%run_scoped3A_295, %dma_start3A_345] : memref<10x64xi32, #tpu.memory_space<vmem>> -> memref<1x64xi32, #tpu.memory_space<vmem>>
      %dma_start3A_347 = tpu.memref_squeeze %dma_start3A_346 : memref<1x64xi32, #tpu.memory_space<vmem>> -> memref<64xi32, #tpu.memory_space<vmem>>
      %dma_start3A_348 = arith.constant 0 : i32
      %dma_start3A_349 = arith.constant 0 : i32
      %dma_start3A_350 = tpu.memref_slice %arg11[%dma_start3A_348, %dma_start3A_349] : memref<10112x128xf32, #tpu.memory_space<vmem_shared>> -> memref<10112x128xf32, #tpu.memory_space<vmem_shared>>
      tpu.enqueue_indirect_dma source(%arg16 : memref<64x128xf32, #tpu.memory_space<vmem>>) target(%dma_start3A_350 : memref<10112x128xf32, #tpu.memory_space<vmem_shared>>) offsets(%dma_start3A_347 : memref<64xi32, #tpu.memory_space<vmem>>) semaphore(%run_scoped3A_344 : memref<!tpu.dma_semaphore, #tpu.memory_space<semaphore_mem>>) {add = true}
      %dma_wait3A_351 = arith.constant 0 : i32
      %dma_wait3A_352 = tpu.memref_slice %arg10[%run_scoped3A_295, %dma_wait3A_351] : memref<10x64xi32, #tpu.memory_space<vmem>> -> memref<1x64xi32, #tpu.memory_space<vmem>>
      %dma_wait3A_353 = tpu.memref_squeeze %dma_wait3A_352 : memref<1x64xi32, #tpu.memory_space<vmem>> -> memref<64xi32, #tpu.memory_space<vmem>>
      %dma_wait3A_354 = arith.constant 0 : i32
      %dma_wait3A_355 = arith.constant 0 : i32
      %dma_wait3A_356 = tpu.memref_slice %arg11[%dma_wait3A_354, %dma_wait3A_355] : memref<10112x128xf32, #tpu.memory_space<vmem_shared>> -> memref<10112x128xf32, #tpu.memory_space<vmem_shared>>
      tpu.wait_indirect_dma semaphore(%run_scoped3A_344 : memref<!tpu.dma_semaphore, #tpu.memory_space<semaphore_mem>>) src(%arg16 : memref<64x128xf32, #tpu.memory_space<vmem>>) dst(%dma_wait3A_356 : memref<10112x128xf32, #tpu.memory_space<vmem_shared>>)
      tpu.yield
    }) : () -> ()
    %dma_start3A_296 = arith.constant 9 : i32
    %dma_start3A_297 = arith.constant 0 : i32
    %dma_start3A_298 = tpu.memref_slice %arg9[%dma_start3A_296, %dma_start3A_297] : memref<10x64xi32, #tpu.memory_space<vmem>> -> memref<1x64xi32, #tpu.memory_space<vmem>>
    %dma_start3A_299 = tpu.memref_squeeze %dma_start3A_298 : memref<1x64xi32, #tpu.memory_space<vmem>> -> memref<64xi32, #tpu.memory_space<vmem>>
    %dma_start3A_300 = arith.constant 0 : i32
    %dma_start3A_301 = arith.constant 0 : i32
    %dma_start3A_302 = tpu.memref_slice %arg2[%dma_start3A_300, %dma_start3A_301] : memref<10000x128xf32, #tpu.memory_space<hbm>> -> memref<10000x128xf32, #tpu.memory_space<hbm>>
    tpu.enqueue_indirect_dma source(%dma_start3A_302 : memref<10000x128xf32, #tpu.memory_space<hbm>>) target(%arg16 : memref<64x128xf32, #tpu.memory_space<vmem>>) offsets(%dma_start3A_299 : memref<64xi32, #tpu.memory_space<vmem>>) semaphore(%arg21 : memref<!tpu.dma_semaphore, #tpu.memory_space<semaphore_mem>>)
    %dma_wait3A_303 = arith.constant 5 : i32
    %dma_wait3A_304 = arith.constant 0 : i32
    %dma_wait3A_305 = tpu.memref_slice %arg9[%dma_wait3A_303, %dma_wait3A_304] : memref<10x64xi32, #tpu.memory_space<vmem>> -> memref<1x64xi32, #tpu.memory_space<vmem>>
    %dma_wait3A_306 = tpu.memref_squeeze %dma_wait3A_305 : memref<1x64xi32, #tpu.memory_space<vmem>> -> memref<64xi32, #tpu.memory_space<vmem>>
    %dma_wait3A_307 = arith.constant 0 : i32
    %dma_wait3A_308 = arith.constant 0 : i32
    %dma_wait3A_309 = tpu.memref_slice %arg2[%dma_wait3A_307, %dma_wait3A_308] : memref<10000x128xf32, #tpu.memory_space<hbm>> -> memref<10000x128xf32, #tpu.memory_space<hbm>>
    tpu.wait_indirect_dma semaphore(%arg17 : memref<!tpu.dma_semaphore, #tpu.memory_space<semaphore_mem>>) src(%dma_wait3A_309 : memref<10000x128xf32, #tpu.memory_space<hbm>>) dst(%arg12 : memref<64x128xf32, #tpu.memory_space<vmem>>)
    %run_scoped3A_310 = arith.constant 5 : i32
    "tpu.region"() ({
      %run_scoped3A_344 = tpu.sem_alloc : memref<!tpu.dma_semaphore, #tpu.memory_space<semaphore_mem>>
      %dma_start3A_345 = arith.constant 0 : i32
      %dma_start3A_346 = tpu.memref_slice %arg10[%run_scoped3A_310, %dma_start3A_345] : memref<10x64xi32, #tpu.memory_space<vmem>> -> memref<1x64xi32, #tpu.memory_space<vmem>>
      %dma_start3A_347 = tpu.memref_squeeze %dma_start3A_346 : memref<1x64xi32, #tpu.memory_space<vmem>> -> memref<64xi32, #tpu.memory_space<vmem>>
      %dma_start3A_348 = arith.constant 0 : i32
      %dma_start3A_349 = arith.constant 0 : i32
      %dma_start3A_350 = tpu.memref_slice %arg11[%dma_start3A_348, %dma_start3A_349] : memref<10112x128xf32, #tpu.memory_space<vmem_shared>> -> memref<10112x128xf32, #tpu.memory_space<vmem_shared>>
      tpu.enqueue_indirect_dma source(%arg12 : memref<64x128xf32, #tpu.memory_space<vmem>>) target(%dma_start3A_350 : memref<10112x128xf32, #tpu.memory_space<vmem_shared>>) offsets(%dma_start3A_347 : memref<64xi32, #tpu.memory_space<vmem>>) semaphore(%run_scoped3A_344 : memref<!tpu.dma_semaphore, #tpu.memory_space<semaphore_mem>>) {add = true}
      %dma_wait3A_351 = arith.constant 0 : i32
      %dma_wait3A_352 = tpu.memref_slice %arg10[%run_scoped3A_310, %dma_wait3A_351] : memref<10x64xi32, #tpu.memory_space<vmem>> -> memref<1x64xi32, #tpu.memory_space<vmem>>
      %dma_wait3A_353 = tpu.memref_squeeze %dma_wait3A_352 : memref<1x64xi32, #tpu.memory_space<vmem>> -> memref<64xi32, #tpu.memory_space<vmem>>
      %dma_wait3A_354 = arith.constant 0 : i32
      %dma_wait3A_355 = arith.constant 0 : i32
      %dma_wait3A_356 = tpu.memref_slice %arg11[%dma_wait3A_354, %dma_wait3A_355] : memref<10112x128xf32, #tpu.memory_space<vmem_shared>> -> memref<10112x128xf32, #tpu.memory_space<vmem_shared>>
      tpu.wait_indirect_dma semaphore(%run_scoped3A_344 : memref<!tpu.dma_semaphore, #tpu.memory_space<semaphore_mem>>) src(%arg12 : memref<64x128xf32, #tpu.memory_space<vmem>>) dst(%dma_wait3A_356 : memref<10112x128xf32, #tpu.memory_space<vmem_shared>>)
      tpu.yield
    }) : () -> ()
    %dma_wait3A_311 = arith.constant 6 : i32
    %dma_wait3A_312 = arith.constant 0 : i32
    %dma_wait3A_313 = tpu.memref_slice %arg9[%dma_wait3A_311, %dma_wait3A_312] : memref<10x64xi32, #tpu.memory_space<vmem>> -> memref<1x64xi32, #tpu.memory_space<vmem>>
    %dma_wait3A_314 = tpu.memref_squeeze %dma_wait3A_313 : memref<1x64xi32, #tpu.memory_space<vmem>> -> memref<64xi32, #tpu.memory_space<vmem>>
    %dma_wait3A_315 = arith.constant 0 : i32
    %dma_wait3A_316 = arith.constant 0 : i32
    %dma_wait3A_317 = tpu.memref_slice %arg2[%dma_wait3A_315, %dma_wait3A_316] : memref<10000x128xf32, #tpu.memory_space<hbm>> -> memref<10000x128xf32, #tpu.memory_space<hbm>>
    tpu.wait_indirect_dma semaphore(%arg18 : memref<!tpu.dma_semaphore, #tpu.memory_space<semaphore_mem>>) src(%dma_wait3A_317 : memref<10000x128xf32, #tpu.memory_space<hbm>>) dst(%arg13 : memref<64x128xf32, #tpu.memory_space<vmem>>)
    %run_scoped3A_318 = arith.constant 6 : i32
    "tpu.region"() ({
      %run_scoped3A_344 = tpu.sem_alloc : memref<!tpu.dma_semaphore, #tpu.memory_space<semaphore_mem>>
      %dma_start3A_345 = arith.constant 0 : i32
      %dma_start3A_346 = tpu.memref_slice %arg10[%run_scoped3A_318, %dma_start3A_345] : memref<10x64xi32, #tpu.memory_space<vmem>> -> memref<1x64xi32, #tpu.memory_space<vmem>>
      %dma_start3A_347 = tpu.memref_squeeze %dma_start3A_346 : memref<1x64xi32, #tpu.memory_space<vmem>> -> memref<64xi32, #tpu.memory_space<vmem>>
      %dma_start3A_348 = arith.constant 0 : i32
      %dma_start3A_349 = arith.constant 0 : i32
      %dma_start3A_350 = tpu.memref_slice %arg11[%dma_start3A_348, %dma_start3A_349] : memref<10112x128xf32, #tpu.memory_space<vmem_shared>> -> memref<10112x128xf32, #tpu.memory_space<vmem_shared>>
      tpu.enqueue_indirect_dma source(%arg13 : memref<64x128xf32, #tpu.memory_space<vmem>>) target(%dma_start3A_350 : memref<10112x128xf32, #tpu.memory_space<vmem_shared>>) offsets(%dma_start3A_347 : memref<64xi32, #tpu.memory_space<vmem>>) semaphore(%run_scoped3A_344 : memref<!tpu.dma_semaphore, #tpu.memory_space<semaphore_mem>>) {add = true}
      %dma_wait3A_351 = arith.constant 0 : i32
      %dma_wait3A_352 = tpu.memref_slice %arg10[%run_scoped3A_318, %dma_wait3A_351] : memref<10x64xi32, #tpu.memory_space<vmem>> -> memref<1x64xi32, #tpu.memory_space<vmem>>
      %dma_wait3A_353 = tpu.memref_squeeze %dma_wait3A_352 : memref<1x64xi32, #tpu.memory_space<vmem>> -> memref<64xi32, #tpu.memory_space<vmem>>
      %dma_wait3A_354 = arith.constant 0 : i32
      %dma_wait3A_355 = arith.constant 0 : i32
      %dma_wait3A_356 = tpu.memref_slice %arg11[%dma_wait3A_354, %dma_wait3A_355] : memref<10112x128xf32, #tpu.memory_space<vmem_shared>> -> memref<10112x128xf32, #tpu.memory_space<vmem_shared>>
      tpu.wait_indirect_dma semaphore(%run_scoped3A_344 : memref<!tpu.dma_semaphore, #tpu.memory_space<semaphore_mem>>) src(%arg13 : memref<64x128xf32, #tpu.memory_space<vmem>>) dst(%dma_wait3A_356 : memref<10112x128xf32, #tpu.memory_space<vmem_shared>>)
      tpu.yield
    }) : () -> ()
    %dma_wait3A_319 = arith.constant 7 : i32
    %dma_wait3A_320 = arith.constant 0 : i32
    %dma_wait3A_321 = tpu.memref_slice %arg9[%dma_wait3A_319, %dma_wait3A_320] : memref<10x64xi32, #tpu.memory_space<vmem>> -> memref<1x64xi32, #tpu.memory_space<vmem>>
    %dma_wait3A_322 = tpu.memref_squeeze %dma_wait3A_321 : memref<1x64xi32, #tpu.memory_space<vmem>> -> memref<64xi32, #tpu.memory_space<vmem>>
    %dma_wait3A_323 = arith.constant 0 : i32
    %dma_wait3A_324 = arith.constant 0 : i32
    %dma_wait3A_325 = tpu.memref_slice %arg2[%dma_wait3A_323, %dma_wait3A_324] : memref<10000x128xf32, #tpu.memory_space<hbm>> -> memref<10000x128xf32, #tpu.memory_space<hbm>>
    tpu.wait_indirect_dma semaphore(%arg19 : memref<!tpu.dma_semaphore, #tpu.memory_space<semaphore_mem>>) src(%dma_wait3A_325 : memref<10000x128xf32, #tpu.memory_space<hbm>>) dst(%arg14 : memref<64x128xf32, #tpu.memory_space<vmem>>)
    %run_scoped3A_326 = arith.constant 7 : i32
    "tpu.region"() ({
      %run_scoped3A_344 = tpu.sem_alloc : memref<!tpu.dma_semaphore, #tpu.memory_space<semaphore_mem>>
      %dma_start3A_345 = arith.constant 0 : i32
      %dma_start3A_346 = tpu.memref_slice %arg10[%run_scoped3A_326, %dma_start3A_345] : memref<10x64xi32, #tpu.memory_space<vmem>> -> memref<1x64xi32, #tpu.memory_space<vmem>>
      %dma_start3A_347 = tpu.memref_squeeze %dma_start3A_346 : memref<1x64xi32, #tpu.memory_space<vmem>> -> memref<64xi32, #tpu.memory_space<vmem>>
      %dma_start3A_348 = arith.constant 0 : i32
      %dma_start3A_349 = arith.constant 0 : i32
      %dma_start3A_350 = tpu.memref_slice %arg11[%dma_start3A_348, %dma_start3A_349] : memref<10112x128xf32, #tpu.memory_space<vmem_shared>> -> memref<10112x128xf32, #tpu.memory_space<vmem_shared>>
      tpu.enqueue_indirect_dma source(%arg14 : memref<64x128xf32, #tpu.memory_space<vmem>>) target(%dma_start3A_350 : memref<10112x128xf32, #tpu.memory_space<vmem_shared>>) offsets(%dma_start3A_347 : memref<64xi32, #tpu.memory_space<vmem>>) semaphore(%run_scoped3A_344 : memref<!tpu.dma_semaphore, #tpu.memory_space<semaphore_mem>>) {add = true}
      %dma_wait3A_351 = arith.constant 0 : i32
      %dma_wait3A_352 = tpu.memref_slice %arg10[%run_scoped3A_326, %dma_wait3A_351] : memref<10x64xi32, #tpu.memory_space<vmem>> -> memref<1x64xi32, #tpu.memory_space<vmem>>
      %dma_wait3A_353 = tpu.memref_squeeze %dma_wait3A_352 : memref<1x64xi32, #tpu.memory_space<vmem>> -> memref<64xi32, #tpu.memory_space<vmem>>
      %dma_wait3A_354 = arith.constant 0 : i32
      %dma_wait3A_355 = arith.constant 0 : i32
      %dma_wait3A_356 = tpu.memref_slice %arg11[%dma_wait3A_354, %dma_wait3A_355] : memref<10112x128xf32, #tpu.memory_space<vmem_shared>> -> memref<10112x128xf32, #tpu.memory_space<vmem_shared>>
      tpu.wait_indirect_dma semaphore(%run_scoped3A_344 : memref<!tpu.dma_semaphore, #tpu.memory_space<semaphore_mem>>) src(%arg14 : memref<64x128xf32, #tpu.memory_space<vmem>>) dst(%dma_wait3A_356 : memref<10112x128xf32, #tpu.memory_space<vmem_shared>>)
      tpu.yield
    }) : () -> ()
    %dma_wait3A_327 = arith.constant 8 : i32
    %dma_wait3A_328 = arith.constant 0 : i32
    %dma_wait3A_329 = tpu.memref_slice %arg9[%dma_wait3A_327, %dma_wait3A_328] : memref<10x64xi32, #tpu.memory_space<vmem>> -> memref<1x64xi32, #tpu.memory_space<vmem>>
    %dma_wait3A_330 = tpu.memref_squeeze %dma_wait3A_329 : memref<1x64xi32, #tpu.memory_space<vmem>> -> memref<64xi32, #tpu.memory_space<vmem>>
    %dma_wait3A_331 = arith.constant 0 : i32
    %dma_wait3A_332 = arith.constant 0 : i32
    %dma_wait3A_333 = tpu.memref_slice %arg2[%dma_wait3A_331, %dma_wait3A_332] : memref<10000x128xf32, #tpu.memory_space<hbm>> -> memref<10000x128xf32, #tpu.memory_space<hbm>>
    tpu.wait_indirect_dma semaphore(%arg20 : memref<!tpu.dma_semaphore, #tpu.memory_space<semaphore_mem>>) src(%dma_wait3A_333 : memref<10000x128xf32, #tpu.memory_space<hbm>>) dst(%arg15 : memref<64x128xf32, #tpu.memory_space<vmem>>)
    %run_scoped3A_334 = arith.constant 8 : i32
    "tpu.region"() ({
      %run_scoped3A_344 = tpu.sem_alloc : memref<!tpu.dma_semaphore, #tpu.memory_space<semaphore_mem>>
      %dma_start3A_345 = arith.constant 0 : i32
      %dma_start3A_346 = tpu.memref_slice %arg10[%run_scoped3A_334, %dma_start3A_345] : memref<10x64xi32, #tpu.memory_space<vmem>> -> memref<1x64xi32, #tpu.memory_space<vmem>>
      %dma_start3A_347 = tpu.memref_squeeze %dma_start3A_346 : memref<1x64xi32, #tpu.memory_space<vmem>> -> memref<64xi32, #tpu.memory_space<vmem>>
      %dma_start3A_348 = arith.constant 0 : i32
      %dma_start3A_349 = arith.constant 0 : i32
      %dma_start3A_350 = tpu.memref_slice %arg11[%dma_start3A_348, %dma_start3A_349] : memref<10112x128xf32, #tpu.memory_space<vmem_shared>> -> memref<10112x128xf32, #tpu.memory_space<vmem_shared>>
      tpu.enqueue_indirect_dma source(%arg15 : memref<64x128xf32, #tpu.memory_space<vmem>>) target(%dma_start3A_350 : memref<10112x128xf32, #tpu.memory_space<vmem_shared>>) offsets(%dma_start3A_347 : memref<64xi32, #tpu.memory_space<vmem>>) semaphore(%run_scoped3A_344 : memref<!tpu.dma_semaphore, #tpu.memory_space<semaphore_mem>>) {add = true}
      %dma_wait3A_351 = arith.constant 0 : i32
      %dma_wait3A_352 = tpu.memref_slice %arg10[%run_scoped3A_334, %dma_wait3A_351] : memref<10x64xi32, #tpu.memory_space<vmem>> -> memref<1x64xi32, #tpu.memory_space<vmem>>
      %dma_wait3A_353 = tpu.memref_squeeze %dma_wait3A_352 : memref<1x64xi32, #tpu.memory_space<vmem>> -> memref<64xi32, #tpu.memory_space<vmem>>
      %dma_wait3A_354 = arith.constant 0 : i32
      %dma_wait3A_355 = arith.constant 0 : i32
      %dma_wait3A_356 = tpu.memref_slice %arg11[%dma_wait3A_354, %dma_wait3A_355] : memref<10112x128xf32, #tpu.memory_space<vmem_shared>> -> memref<10112x128xf32, #tpu.memory_space<vmem_shared>>
      tpu.wait_indirect_dma semaphore(%run_scoped3A_344 : memref<!tpu.dma_semaphore, #tpu.memory_space<semaphore_mem>>) src(%arg15 : memref<64x128xf32, #tpu.memory_space<vmem>>) dst(%dma_wait3A_356 : memref<10112x128xf32, #tpu.memory_space<vmem_shared>>)
      tpu.yield
    }) : () -> ()
    %dma_wait3A_335 = arith.constant 9 : i32
    %dma_wait3A_336 = arith.constant 0 : i32
    %dma_wait3A_337 = tpu.memref_slice %arg9[%dma_wait3A_335, %dma_wait3A_336] : memref<10x64xi32, #tpu.memory_space<vmem>> -> memref<1x64xi32, #tpu.memory_space<vmem>>
    %dma_wait3A_338 = tpu.memref_squeeze %dma_wait3A_337 : memref<1x64xi32, #tpu.memory_space<vmem>> -> memref<64xi32, #tpu.memory_space<vmem>>
    %dma_wait3A_339 = arith.constant 0 : i32
    %dma_wait3A_340 = arith.constant 0 : i32
    %dma_wait3A_341 = tpu.memref_slice %arg2[%dma_wait3A_339, %dma_wait3A_340] : memref<10000x128xf32, #tpu.memory_space<hbm>> -> memref<10000x128xf32, #tpu.memory_space<hbm>>
    tpu.wait_indirect_dma semaphore(%arg21 : memref<!tpu.dma_semaphore, #tpu.memory_space<semaphore_mem>>) src(%dma_wait3A_341 : memref<10000x128xf32, #tpu.memory_space<hbm>>) dst(%arg16 : memref<64x128xf32, #tpu.memory_space<vmem>>)
    %run_scoped3A_342 = arith.constant 9 : i32
    "tpu.region"() ({
      %run_scoped3A_344 = tpu.sem_alloc : memref<!tpu.dma_semaphore, #tpu.memory_space<semaphore_mem>>
      %dma_start3A_345 = arith.constant 0 : i32
      %dma_start3A_346 = tpu.memref_slice %arg10[%run_scoped3A_342, %dma_start3A_345] : memref<10x64xi32, #tpu.memory_space<vmem>> -> memref<1x64xi32, #tpu.memory_space<vmem>>
      %dma_start3A_347 = tpu.memref_squeeze %dma_start3A_346 : memref<1x64xi32, #tpu.memory_space<vmem>> -> memref<64xi32, #tpu.memory_space<vmem>>
      %dma_start3A_348 = arith.constant 0 : i32
      %dma_start3A_349 = arith.constant 0 : i32
      %dma_start3A_350 = tpu.memref_slice %arg11[%dma_start3A_348, %dma_start3A_349] : memref<10112x128xf32, #tpu.memory_space<vmem_shared>> -> memref<10112x128xf32, #tpu.memory_space<vmem_shared>>
      tpu.enqueue_indirect_dma source(%arg16 : memref<64x128xf32, #tpu.memory_space<vmem>>) target(%dma_start3A_350 : memref<10112x128xf32, #tpu.memory_space<vmem_shared>>) offsets(%dma_start3A_347 : memref<64xi32, #tpu.memory_space<vmem>>) semaphore(%run_scoped3A_344 : memref<!tpu.dma_semaphore, #tpu.memory_space<semaphore_mem>>) {add = true}
      %dma_wait3A_351 = arith.constant 0 : i32
      %dma_wait3A_352 = tpu.memref_slice %arg10[%run_scoped3A_342, %dma_wait3A_351] : memref<10x64xi32, #tpu.memory_space<vmem>> -> memref<1x64xi32, #tpu.memory_space<vmem>>
      %dma_wait3A_353 = tpu.memref_squeeze %dma_wait3A_352 : memref<1x64xi32, #tpu.memory_space<vmem>> -> memref<64xi32, #tpu.memory_space<vmem>>
      %dma_wait3A_354 = arith.constant 0 : i32
      %dma_wait3A_355 = arith.constant 0 : i32
      %dma_wait3A_356 = tpu.memref_slice %arg11[%dma_wait3A_354, %dma_wait3A_355] : memref<10112x128xf32, #tpu.memory_space<vmem_shared>> -> memref<10112x128xf32, #tpu.memory_space<vmem_shared>>
      tpu.wait_indirect_dma semaphore(%run_scoped3A_344 : memref<!tpu.dma_semaphore, #tpu.memory_space<semaphore_mem>>) src(%arg16 : memref<64x128xf32, #tpu.memory_space<vmem>>) dst(%dma_wait3A_356 : memref<10112x128xf32, #tpu.memory_space<vmem_shared>>)
      tpu.yield
    }) : () -> ()
    %barrier3A_343 = arith.constant 0 : index
    tpu.barrier barrier_id(%barrier3A_343)
    "tpu.region"() ({
      %run_scoped3A_344 = tpu.sem_alloc : memref<!tpu.dma_semaphore, #tpu.memory_space<semaphore_mem>>
      %dma_start3A_345 = arith.constant 0 : i32
      %dma_start3A_346 = tpu.memref_slice %arg6[%arg0, %mul3A_2, %dma_start3A_345] : memref<2x10112x128xf32, #tpu.memory_space<hbm>> -> memref<1x632x128xf32, #tpu.memory_space<hbm>>
      %dma_start3A_347 = tpu.memref_squeeze %dma_start3A_346 : memref<1x632x128xf32, #tpu.memory_space<hbm>> -> memref<632x128xf32, #tpu.memory_space<hbm>>
      %dma_start3A_348 = arith.constant 0 : i32
      %dma_start3A_349 = tpu.memref_slice %arg11[%mul3A_2, %dma_start3A_348] : memref<10112x128xf32, #tpu.memory_space<vmem_shared>> -> memref<632x128xf32, #tpu.memory_space<vmem_shared>>
      tpu.enqueue_dma source(%dma_start3A_349 : memref<632x128xf32, #tpu.memory_space<vmem_shared>>) target(%dma_start3A_347 : memref<632x128xf32, #tpu.memory_space<hbm>>) target_semaphore(%run_scoped3A_344 : memref<!tpu.dma_semaphore, #tpu.memory_space<semaphore_mem>>)
      %dma_wait3A_350 = arith.constant 0 : i32
      %dma_wait3A_351 = tpu.memref_slice %arg6[%arg0, %mul3A_2, %dma_wait3A_350] : memref<2x10112x128xf32, #tpu.memory_space<hbm>> -> memref<1x632x128xf32, #tpu.memory_space<hbm>>
      %dma_wait3A_352 = tpu.memref_squeeze %dma_wait3A_351 : memref<1x632x128xf32, #tpu.memory_space<hbm>> -> memref<632x128xf32, #tpu.memory_space<hbm>>
      %dma_wait3A_353 = arith.constant 0 : i32
      %dma_wait3A_354 = tpu.memref_slice %arg11[%mul3A_2, %dma_wait3A_353] : memref<10112x128xf32, #tpu.memory_space<vmem_shared>> -> memref<632x128xf32, #tpu.memory_space<vmem_shared>>
      tpu.wait_dma2 semaphore(%run_scoped3A_344 : memref<!tpu.dma_semaphore, #tpu.memory_space<semaphore_mem>>) src(%dma_wait3A_354 : memref<632x128xf32, #tpu.memory_space<vmem_shared>>) dst(%dma_wait3A_352 : memref<632x128xf32, #tpu.memory_space<hbm>>)
      tpu.yield
    }) : () -> ()
    return
  }
}

#map = affine_map<(d0, d1) -> (0, 0)>
#map1 = affine_map<(d0, d1) -> (0, 0, 0, 0)>
#map2 = affine_map<(d0, d1) -> (0, 0, 0)>
module attributes {stable_mosaic.version = 14 : i64} {
  func.func @sc_scatter(%arg0: i32, %arg1: i32, %arg2: memref<10000x128xf32, #tpu.memory_space<hbm>>, %arg3: memref<32x16x10x64xi32, #tpu.memory_space<hbm>>, %arg4: memref<32x16x10x64xi32, #tpu.memory_space<hbm>>, %arg5: memref<632x128xf32, #tpu.memory_space<hbm>>, %arg6: memref<2x10112x128xf32, #tpu.memory_space<hbm>>, %arg7: memref<10x64xi32, #tpu.memory_space<vmem>>, %arg8: memref<10x64xi32, #tpu.memory_space<vmem>>, %arg9: memref<10x64xi32, #tpu.memory_space<vmem>>, %arg10: memref<10x64xi32, #tpu.memory_space<vmem>>, %arg11: memref<10112x128xf32, #tpu.memory_space<vmem_shared>>, %arg12: memref<64x128xf32, #tpu.memory_space<vmem>>, %arg13: memref<64x128xf32, #tpu.memory_space<vmem>>, %arg14: memref<64x128xf32, #tpu.memory_space<vmem>>, %arg15: memref<64x128xf32, #tpu.memory_space<vmem>>, %arg16: memref<64x128xf32, #tpu.memory_space<vmem>>, %arg17: memref<!tpu.dma_semaphore, #tpu.memory_space<semaphore_mem>>, %arg18: memref<!tpu.dma_semaphore, #tpu.memory_space<semaphore_mem>>, %arg19: memref<!tpu.dma_semaphore, #tpu.memory_space<semaphore_mem>>, %arg20: memref<!tpu.dma_semaphore, #tpu.memory_space<semaphore_mem>>, %arg21: memref<!tpu.dma_semaphore, #tpu.memory_space<semaphore_mem>>, %arg22: memref<!tpu.dma_semaphore, #tpu.memory_space<semaphore_mem>>, %arg23: memref<!tpu.dma_semaphore, #tpu.memory_space<semaphore_mem>>) attributes {dimension_semantics = [#tpu.dimension_semantics<core_parallel>, #tpu.dimension_semantics<subcore_parallel>], iteration_bounds = array<i64: 2, 16>, scalar_prefetch = 0 : i64, scratch_operands = 17 : i64, tpu.core_type = #tpu.core_type<sc_vector_subcore>, window_params = [{transform_indices = #map}, {transform_indices = #map1}, {transform_indices = #map1}, {transform_indices = #map}, {transform_indices = #map2}]} {
    %mul3A = arith.constant 16 : i32
    %mul3A_0 = arith.muli %arg0, %mul3A : i32
    %add3A = arith.addi %mul3A_0, %arg1 : i32
    %mul3A_1 = arith.constant 632 : i32
    %mul3A_2 = arith.muli %arg1, %mul3A_1 : i32
    "tpu.region"() ({
      %run_scoped3A_344 = tpu.sem_alloc : memref<!tpu.dma_semaphore, #tpu.memory_space<semaphore_mem>>
      %dma_start3A_345 = arith.constant 0 : i32
      %dma_start3A_346 = tpu.memref_slice %arg11[%mul3A_2, %dma_start3A_345] : memref<10112x128xf32, #tpu.memory_space<vmem_shared>> -> memref<632x128xf32, #tpu.memory_space<vmem_shared>>
      tpu.enqueue_dma source(%arg5 : memref<632x128xf32, #tpu.memory_space<hbm>>) target(%dma_start3A_346 : memref<632x128xf32, #tpu.memory_space<vmem_shared>>) target_semaphore(%run_scoped3A_344 : memref<!tpu.dma_semaphore, #tpu.memory_space<semaphore_mem>>)
      %dma_wait3A_347 = arith.constant 0 : i32
      %dma_wait3A_348 = tpu.memref_slice %arg11[%mul3A_2, %dma_wait3A_347] : memref<10112x128xf32, #tpu.memory_space<vmem_shared>> -> memref<632x128xf32, #tpu.memory_space<vmem_shared>>
      tpu.wait_dma2 semaphore(%run_scoped3A_344 : memref<!tpu.dma_semaphore, #tpu.memory_space<semaphore_mem>>) src(%arg5 : memref<632x128xf32, #tpu.memory_space<hbm>>) dst(%dma_wait3A_348 : memref<632x128xf32, #tpu.memory_space<vmem_shared>>)
      tpu.yield
    }) : () -> ()
    %barrier3A = arith.constant 0 : index
    tpu.barrier barrier_id(%barrier3A)
    %run_scoped3A = arith.constant 0 : i32
    "tpu.region"() ({
      %run_scoped3A_344 = tpu.sem_alloc : memref<!tpu.dma_semaphore, #tpu.memory_space<semaphore_mem>>
      %dma_start3A_345 = arith.constant 0 : i32
      %dma_start3A_346 = arith.constant 0 : i32
      %dma_start3A_347 = tpu.memref_slice %arg3[%add3A, %run_scoped3A, %dma_start3A_345, %dma_start3A_346] : memref<32x16x10x64xi32, #tpu.memory_space<hbm>> -> memref<1x1x10x64xi32, #tpu.memory_space<hbm>>
      %dma_start3A_348 = tpu.memref_squeeze %dma_start3A_347 : memref<1x1x10x64xi32, #tpu.memory_space<hbm>> -> memref<10x64xi32, #tpu.memory_space<hbm>>
      %dma_start3A_349 = arith.constant 0 : i32
      %dma_start3A_350 = arith.constant 0 : i32
      %dma_start3A_351 = tpu.memref_slice %arg3[%add3A, %run_scoped3A, %dma_start3A_349, %dma_start3A_350] : memref<32x16x10x64xi32, #tpu.memory_space<hbm>> -> memref<1x1x10x64xi32, #tpu.memory_space<hbm>>
      %dma_start3A_352 = tpu.memref_squeeze %dma_start3A_351 : memref<1x1x10x64xi32, #tpu.memory_space<hbm>> -> memref<10x64xi32, #tpu.memory_space<hbm>>
      tpu.enqueue_dma source(%dma_start3A_352 : memref<10x64xi32, #tpu.memory_space<hbm>>) target(%arg7 : memref<10x64xi32, #tpu.memory_space<vmem>>) target_semaphore(%run_scoped3A_344 : memref<!tpu.dma_semaphore, #tpu.memory_space<semaphore_mem>>)
      %dma_wait3A_353 = arith.constant 0 : i32
      %dma_wait3A_354 = arith.constant 0 : i32
      %dma_wait3A_355 = tpu.memref_slice %arg3[%add3A, %run_scoped3A, %dma_wait3A_353, %dma_wait3A_354] : memref<32x16x10x64xi32, #tpu.memory_space<hbm>> -> memref<1x1x10x64xi32, #tpu.memory_space<hbm>>
      %dma_wait3A_356 = tpu.memref_squeeze %dma_wait3A_355 : memref<1x1x10x64xi32, #tpu.memory_space<hbm>> -> memref<10x64xi32, #tpu.memory_space<hbm>>
      %dma_wait3A_357 = arith.constant 0 : i32
      %dma_wait3A_358 = arith.constant 0 : i32
      %dma_wait3A_359 = tpu.memref_slice %arg3[%add3A, %run_scoped3A, %dma_wait3A_357, %dma_wait3A_358] : memref<32x16x10x64xi32, #tpu.memory_space<hbm>> -> memref<1x1x10x64xi32, #tpu.memory_space<hbm>>
      %dma_wait3A_360 = tpu.memref_squeeze %dma_wait3A_359 : memref<1x1x10x64xi32, #tpu.memory_space<hbm>> -> memref<10x64xi32, #tpu.memory_space<hbm>>
      tpu.wait_dma2 semaphore(%run_scoped3A_344 : memref<!tpu.dma_semaphore, #tpu.memory_space<semaphore_mem>>) src(%dma_wait3A_360 : memref<10x64xi32, #tpu.memory_space<hbm>>) dst(%arg7 : memref<10x64xi32, #tpu.memory_space<vmem>>)
      tpu.yield
    }) : () -> ()
    %run_scoped3A_3 = arith.constant 0 : i32
    "tpu.region"() ({
      %run_scoped3A_344 = tpu.sem_alloc : memref<!tpu.dma_semaphore, #tpu.memory_space<semaphore_mem>>
      %dma_start3A_345 = arith.constant 0 : i32
      %dma_start3A_346 = arith.constant 0 : i32
      %dma_start3A_347 = tpu.memref_slice %arg4[%add3A, %run_scoped3A_3, %dma_start3A_345, %dma_start3A_346] : memref<32x16x10x64xi32, #tpu.memory_space<hbm>> -> memref<1x1x10x64xi32, #tpu.memory_space<hbm>>
      %dma_start3A_348 = tpu.memref_squeeze %dma_start3A_347 : memref<1x1x10x64xi32, #tpu.memory_space<hbm>> -> memref<10x64xi32, #tpu.memory_space<hbm>>
      %dma_start3A_349 = arith.constant 0 : i32
      %dma_start3A_350 = arith.constant 0 : i32
      %dma_start3A_351 = tpu.memref_slice %arg4[%add3A, %run_scoped3A_3, %dma_start3A_349, %dma_start3A_350] : memref<32x16x10x64xi32, #tpu.memory_space<hbm>> -> memref<1x1x10x64xi32, #tpu.memory_space<hbm>>
      %dma_start3A_352 = tpu.memref_squeeze %dma_start3A_351 : memref<1x1x10x64xi32, #tpu.memory_space<hbm>> -> memref<10x64xi32, #tpu.memory_space<hbm>>
      tpu.enqueue_dma source(%dma_start3A_352 : memref<10x64xi32, #tpu.memory_space<hbm>>) target(%arg8 : memref<10x64xi32, #tpu.memory_space<vmem>>) target_semaphore(%run_scoped3A_344 : memref<!tpu.dma_semaphore, #tpu.memory_space<semaphore_mem>>)
      %dma_wait3A_353 = arith.constant 0 : i32
      %dma_wait3A_354 = arith.constant 0 : i32
      %dma_wait3A_355 = tpu.memref_slice %arg4[%add3A, %run_scoped3A_3, %dma_wait3A_353, %dma_wait3A_354] : memref<32x16x10x64xi32, #tpu.memory_space<hbm>> -> memref<1x1x10x64xi32, #tpu.memory_space<hbm>>
      %dma_wait3A_356 = tpu.memref_squeeze %dma_wait3A_355 : memref<1x1x10x64xi32, #tpu.memory_space<hbm>> -> memref<10x64xi32, #tpu.memory_space<hbm>>
      %dma_wait3A_357 = arith.constant 0 : i32
      %dma_wait3A_358 = arith.constant 0 : i32
      %dma_wait3A_359 = tpu.memref_slice %arg4[%add3A, %run_scoped3A_3, %dma_wait3A_357, %dma_wait3A_358] : memref<32x16x10x64xi32, #tpu.memory_space<hbm>> -> memref<1x1x10x64xi32, #tpu.memory_space<hbm>>
      %dma_wait3A_360 = tpu.memref_squeeze %dma_wait3A_359 : memref<1x1x10x64xi32, #tpu.memory_space<hbm>> -> memref<10x64xi32, #tpu.memory_space<hbm>>
      tpu.wait_dma2 semaphore(%run_scoped3A_344 : memref<!tpu.dma_semaphore, #tpu.memory_space<semaphore_mem>>) src(%dma_wait3A_360 : memref<10x64xi32, #tpu.memory_space<hbm>>) dst(%arg8 : memref<10x64xi32, #tpu.memory_space<vmem>>)
      tpu.yield
    }) : () -> ()
    %dma_start3A = arith.constant 1 : i32
    %dma_start3A_4 = arith.constant 0 : i32
    %dma_start3A_5 = arith.constant 0 : i32
    %dma_start3A_6 = tpu.memref_slice %arg3[%add3A, %dma_start3A, %dma_start3A_4, %dma_start3A_5] : memref<32x16x10x64xi32, #tpu.memory_space<hbm>> -> memref<1x1x10x64xi32, #tpu.memory_space<hbm>>
    %dma_start3A_7 = tpu.memref_squeeze %dma_start3A_6 : memref<1x1x10x64xi32, #tpu.memory_space<hbm>> -> memref<10x64xi32, #tpu.memory_space<hbm>>
    %dma_start3A_8 = arith.constant 0 : i32
    %dma_start3A_9 = arith.constant 0 : i32
    %dma_start3A_10 = tpu.memref_slice %arg3[%add3A, %dma_start3A, %dma_start3A_8, %dma_start3A_9] : memref<32x16x10x64xi32, #tpu.memory_space<hbm>> -> memref<1x1x10x64xi32, #tpu.memory_space<hbm>>
    %dma_start3A_11 = tpu.memref_squeeze %dma_start3A_10 : memref<1x1x10x64xi32, #tpu.memory_space<hbm>> -> memref<10x64xi32, #tpu.memory_space<hbm>>
    tpu.enqueue_dma source(%dma_start3A_11 : memref<10x64xi32, #tpu.memory_space<hbm>>) target(%arg9 : memref<10x64xi32, #tpu.memory_space<vmem>>) target_semaphore(%arg23 : memref<!tpu.dma_semaphore, #tpu.memory_space<semaphore_mem>>)
    %dma_start3A_12 = arith.constant 1 : i32
    %dma_start3A_13 = arith.constant 0 : i32
    %dma_start3A_14 = arith.constant 0 : i32
    %dma_start3A_15 = tpu.memref_slice %arg4[%add3A, %dma_start3A_12, %dma_start3A_13, %dma_start3A_14] : memref<32x16x10x64xi32, #tpu.memory_space<hbm>> -> memref<1x1x10x64xi32, #tpu.memory_space<hbm>>
    %dma_start3A_16 = tpu.memref_squeeze %dma_start3A_15 : memref<1x1x10x64xi32, #tpu.memory_space<hbm>> -> memref<10x64xi32, #tpu.memory_space<hbm>>
    %dma_start3A_17 = arith.constant 0 : i32
    %dma_start3A_18 = arith.constant 0 : i32
    %dma_start3A_19 = tpu.memref_slice %arg4[%add3A, %dma_start3A_12, %dma_start3A_17, %dma_start3A_18] : memref<32x16x10x64xi32, #tpu.memory_space<hbm>> -> memref<1x1x10x64xi32, #tpu.memory_space<hbm>>
    %dma_start3A_20 = tpu.memref_squeeze %dma_start3A_19 : memref<1x1x10x64xi32, #tpu.memory_space<hbm>> -> memref<10x64xi32, #tpu.memory_space<hbm>>
    tpu.enqueue_dma source(%dma_start3A_20 : memref<10x64xi32, #tpu.memory_space<hbm>>) target(%arg10 : memref<10x64xi32, #tpu.memory_space<vmem>>) target_semaphore(%arg23 : memref<!tpu.dma_semaphore, #tpu.memory_space<semaphore_mem>>)
    %dma_start3A_21 = arith.constant 0 : i32
    %dma_start3A_22 = arith.constant 0 : i32
    %dma_start3A_23 = tpu.memref_slice %arg7[%dma_start3A_21, %dma_start3A_22] : memref<10x64xi32, #tpu.memory_space<vmem>> -> memref<1x64xi32, #tpu.memory_space<vmem>>
    %dma_start3A_24 = tpu.memref_squeeze %dma_start3A_23 : memref<1x64xi32, #tpu.memory_space<vmem>> -> memref<64xi32, #tpu.memory_space<vmem>>
    %dma_start3A_25 = arith.constant 0 : i32
    %dma_start3A_26 = arith.constant 0 : i32
    %dma_start3A_27 = tpu.memref_slice %arg2[%dma_start3A_25, %dma_start3A_26] : memref<10000x128xf32, #tpu.memory_space<hbm>> -> memref<10000x128xf32, #tpu.memory_space<hbm>>
    tpu.enqueue_indirect_dma source(%dma_start3A_27 : memref<10000x128xf32, #tpu.memory_space<hbm>>) target(%arg12 : memref<64x128xf32, #tpu.memory_space<vmem>>) offsets(%dma_start3A_24 : memref<64xi32, #tpu.memory_space<vmem>>) semaphore(%arg17 : memref<!tpu.dma_semaphore, #tpu.memory_space<semaphore_mem>>)
    %dma_start3A_28 = arith.constant 1 : i32
    %dma_start3A_29 = arith.constant 0 : i32
    %dma_start3A_30 = tpu.memref_slice %arg7[%dma_start3A_28, %dma_start3A_29] : memref<10x64xi32, #tpu.memory_space<vmem>> -> memref<1x64xi32, #tpu.memory_space<vmem>>
    %dma_start3A_31 = tpu.memref_squeeze %dma_start3A_30 : memref<1x64xi32, #tpu.memory_space<vmem>> -> memref<64xi32, #tpu.memory_space<vmem>>
    %dma_start3A_32 = arith.constant 0 : i32
    %dma_start3A_33 = arith.constant 0 : i32
    %dma_start3A_34 = tpu.memref_slice %arg2[%dma_start3A_32, %dma_start3A_33] : memref<10000x128xf32, #tpu.memory_space<hbm>> -> memref<10000x128xf32, #tpu.memory_space<hbm>>
    tpu.enqueue_indirect_dma source(%dma_start3A_34 : memref<10000x128xf32, #tpu.memory_space<hbm>>) target(%arg13 : memref<64x128xf32, #tpu.memory_space<vmem>>) offsets(%dma_start3A_31 : memref<64xi32, #tpu.memory_space<vmem>>) semaphore(%arg18 : memref<!tpu.dma_semaphore, #tpu.memory_space<semaphore_mem>>)
    %dma_start3A_35 = arith.constant 2 : i32
    %dma_start3A_36 = arith.constant 0 : i32
    %dma_start3A_37 = tpu.memref_slice %arg7[%dma_start3A_35, %dma_start3A_36] : memref<10x64xi32, #tpu.memory_space<vmem>> -> memref<1x64xi32, #tpu.memory_space<vmem>>
    %dma_start3A_38 = tpu.memref_squeeze %dma_start3A_37 : memref<1x64xi32, #tpu.memory_space<vmem>> -> memref<64xi32, #tpu.memory_space<vmem>>
    %dma_start3A_39 = arith.constant 0 : i32
    %dma_start3A_40 = arith.constant 0 : i32
    %dma_start3A_41 = tpu.memref_slice %arg2[%dma_start3A_39, %dma_start3A_40] : memref<10000x128xf32, #tpu.memory_space<hbm>> -> memref<10000x128xf32, #tpu.memory_space<hbm>>
    tpu.enqueue_indirect_dma source(%dma_start3A_41 : memref<10000x128xf32, #tpu.memory_space<hbm>>) target(%arg14 : memref<64x128xf32, #tpu.memory_space<vmem>>) offsets(%dma_start3A_38 : memref<64xi32, #tpu.memory_space<vmem>>) semaphore(%arg19 : memref<!tpu.dma_semaphore, #tpu.memory_space<semaphore_mem>>)
    %dma_start3A_42 = arith.constant 3 : i32
    %dma_start3A_43 = arith.constant 0 : i32
    %dma_start3A_44 = tpu.memref_slice %arg7[%dma_start3A_42, %dma_start3A_43] : memref<10x64xi32, #tpu.memory_space<vmem>> -> memref<1x64xi32, #tpu.memory_space<vmem>>
    %dma_start3A_45 = tpu.memref_squeeze %dma_start3A_44 : memref<1x64xi32, #tpu.memory_space<vmem>> -> memref<64xi32, #tpu.memory_space<vmem>>
    %dma_start3A_46 = arith.constant 0 : i32
    %dma_start3A_47 = arith.constant 0 : i32
    %dma_start3A_48 = tpu.memref_slice %arg2[%dma_start3A_46, %dma_start3A_47] : memref<10000x128xf32, #tpu.memory_space<hbm>> -> memref<10000x128xf32, #tpu.memory_space<hbm>>
    tpu.enqueue_indirect_dma source(%dma_start3A_48 : memref<10000x128xf32, #tpu.memory_space<hbm>>) target(%arg15 : memref<64x128xf32, #tpu.memory_space<vmem>>) offsets(%dma_start3A_45 : memref<64xi32, #tpu.memory_space<vmem>>) semaphore(%arg20 : memref<!tpu.dma_semaphore, #tpu.memory_space<semaphore_mem>>)
    %dma_start3A_49 = arith.constant 4 : i32
    %dma_start3A_50 = arith.constant 0 : i32
    %dma_start3A_51 = tpu.memref_slice %arg7[%dma_start3A_49, %dma_start3A_50] : memref<10x64xi32, #tpu.memory_space<vmem>> -> memref<1x64xi32, #tpu.memory_space<vmem>>
    %dma_start3A_52 = tpu.memref_squeeze %dma_start3A_51 : memref<1x64xi32, #tpu.memory_space<vmem>> -> memref<64xi32, #tpu.memory_space<vmem>>
    %dma_start3A_53 = arith.constant 0 : i32
    %dma_start3A_54 = arith.constant 0 : i32
    %dma_start3A_55 = tpu.memref_slice %arg2[%dma_start3A_53, %dma_start3A_54] : memref<10000x128xf32, #tpu.memory_space<hbm>> -> memref<10000x128xf32, #tpu.memory_space<hbm>>
    tpu.enqueue_indirect_dma source(%dma_start3A_55 : memref<10000x128xf32, #tpu.memory_space<hbm>>) target(%arg16 : memref<64x128xf32, #tpu.memory_space<vmem>>) offsets(%dma_start3A_52 : memref<64xi32, #tpu.memory_space<vmem>>) semaphore(%arg21 : memref<!tpu.dma_semaphore, #tpu.memory_space<semaphore_mem>>)
    %scan3A = arith.constant 0 : i32
    %scan3A_56 = arith.constant 0 : i32
    %scan3A_57 = arith.constant 7 : i32
    %scan3A_58 = arith.addi %scan3A_56, %scan3A_57 : i32
    %scan3A_59 = arith.constant 1 : i32
    scf.for %scan3A_344 = %scan3A_56 to %scan3A_58 step %scan3A_59  : i32 {
      %mul3A_345 = arith.constant 2 : i32
      %mul3A_346 = arith.muli %mul3A_345, %scan3A_344 : i32
      %dma_wait3A_347 = arith.constant 0 : i32
      %dma_wait3A_348 = arith.constant 0 : i32
      %dma_wait3A_349 = tpu.memref_slice %arg7[%dma_wait3A_347, %dma_wait3A_348] : memref<10x64xi32, #tpu.memory_space<vmem>> -> memref<1x64xi32, #tpu.memory_space<vmem>>
      %dma_wait3A_350 = tpu.memref_squeeze %dma_wait3A_349 : memref<1x64xi32, #tpu.memory_space<vmem>> -> memref<64xi32, #tpu.memory_space<vmem>>
      %dma_wait3A_351 = arith.constant 0 : i32
      %dma_wait3A_352 = arith.constant 0 : i32
      %dma_wait3A_353 = tpu.memref_slice %arg2[%dma_wait3A_351, %dma_wait3A_352] : memref<10000x128xf32, #tpu.memory_space<hbm>> -> memref<10000x128xf32, #tpu.memory_space<hbm>>
      tpu.wait_indirect_dma semaphore(%arg17 : memref<!tpu.dma_semaphore, #tpu.memory_space<semaphore_mem>>) src(%dma_wait3A_353 : memref<10000x128xf32, #tpu.memory_space<hbm>>) dst(%arg12 : memref<64x128xf32, #tpu.memory_space<vmem>>)
      %run_scoped3A_354 = arith.constant 0 : i32
      "tpu.region"() ({
        %run_scoped3A_721 = tpu.sem_alloc : memref<!tpu.dma_semaphore, #tpu.memory_space<semaphore_mem>>
        %dma_start3A_722 = arith.constant 0 : i32
        %dma_start3A_723 = tpu.memref_slice %arg8[%run_scoped3A_354, %dma_start3A_722] : memref<10x64xi32, #tpu.memory_space<vmem>> -> memref<1x64xi32, #tpu.memory_space<vmem>>
        %dma_start3A_724 = tpu.memref_squeeze %dma_start3A_723 : memref<1x64xi32, #tpu.memory_space<vmem>> -> memref<64xi32, #tpu.memory_space<vmem>>
        %dma_start3A_725 = arith.constant 0 : i32
        %dma_start3A_726 = arith.constant 0 : i32
        %dma_start3A_727 = tpu.memref_slice %arg11[%dma_start3A_725, %dma_start3A_726] : memref<10112x128xf32, #tpu.memory_space<vmem_shared>> -> memref<10112x128xf32, #tpu.memory_space<vmem_shared>>
        tpu.enqueue_indirect_dma source(%arg12 : memref<64x128xf32, #tpu.memory_space<vmem>>) target(%dma_start3A_727 : memref<10112x128xf32, #tpu.memory_space<vmem_shared>>) offsets(%dma_start3A_724 : memref<64xi32, #tpu.memory_space<vmem>>) semaphore(%run_scoped3A_721 : memref<!tpu.dma_semaphore, #tpu.memory_space<semaphore_mem>>) {add = true}
        %dma_wait3A_728 = arith.constant 0 : i32
        %dma_wait3A_729 = tpu.memref_slice %arg8[%run_scoped3A_354, %dma_wait3A_728] : memref<10x64xi32, #tpu.memory_space<vmem>> -> memref<1x64xi32, #tpu.memory_space<vmem>>
        %dma_wait3A_730 = tpu.memref_squeeze %dma_wait3A_729 : memref<1x64xi32, #tpu.memory_space<vmem>> -> memref<64xi32, #tpu.memory_space<vmem>>
        %dma_wait3A_731 = arith.constant 0 : i32
        %dma_wait3A_732 = arith.constant 0 : i32
        %dma_wait3A_733 = tpu.memref_slice %arg11[%dma_wait3A_731, %dma_wait3A_732] : memref<10112x128xf32, #tpu.memory_space<vmem_shared>> -> memref<10112x128xf32, #tpu.memory_space<vmem_shared>>
        tpu.wait_indirect_dma semaphore(%run_scoped3A_721 : memref<!tpu.dma_semaphore, #tpu.memory_space<semaphore_mem>>) src(%arg12 : memref<64x128xf32, #tpu.memory_space<vmem>>) dst(%dma_wait3A_733 : memref<10112x128xf32, #tpu.memory_space<vmem_shared>>)
        tpu.yield
      }) : () -> ()
      %dma_start3A_355 = arith.constant 5 : i32
      %dma_start3A_356 = arith.constant 0 : i32
      %dma_start3A_357 = tpu.memref_slice %arg7[%dma_start3A_355, %dma_start3A_356] : memref<10x64xi32, #tpu.memory_space<vmem>> -> memref<1x64xi32, #tpu.memory_space<vmem>>
      %dma_start3A_358 = tpu.memref_squeeze %dma_start3A_357 : memref<1x64xi32, #tpu.memory_space<vmem>> -> memref<64xi32, #tpu.memory_space<vmem>>
      %dma_start3A_359 = arith.constant 0 : i32
      %dma_start3A_360 = arith.constant 0 : i32
      %dma_start3A_361 = tpu.memref_slice %arg2[%dma_start3A_359, %dma_start3A_360] : memref<10000x128xf32, #tpu.memory_space<hbm>> -> memref<10000x128xf32, #tpu.memory_space<hbm>>
      tpu.enqueue_indirect_dma source(%dma_start3A_361 : memref<10000x128xf32, #tpu.memory_space<hbm>>) target(%arg12 : memref<64x128xf32, #tpu.memory_space<vmem>>) offsets(%dma_start3A_358 : memref<64xi32, #tpu.memory_space<vmem>>) semaphore(%arg17 : memref<!tpu.dma_semaphore, #tpu.memory_space<semaphore_mem>>)
      %dma_wait3A_362 = arith.constant 1 : i32
      %dma_wait3A_363 = arith.constant 0 : i32
      %dma_wait3A_364 = tpu.memref_slice %arg7[%dma_wait3A_362, %dma_wait3A_363] : memref<10x64xi32, #tpu.memory_space<vmem>> -> memref<1x64xi32, #tpu.memory_space<vmem>>
      %dma_wait3A_365 = tpu.memref_squeeze %dma_wait3A_364 : memref<1x64xi32, #tpu.memory_space<vmem>> -> memref<64xi32, #tpu.memory_space<vmem>>
      %dma_wait3A_366 = arith.constant 0 : i32
      %dma_wait3A_367 = arith.constant 0 : i32
      %dma_wait3A_368 = tpu.memref_slice %arg2[%dma_wait3A_366, %dma_wait3A_367] : memref<10000x128xf32, #tpu.memory_space<hbm>> -> memref<10000x128xf32, #tpu.memory_space<hbm>>
      tpu.wait_indirect_dma semaphore(%arg18 : memref<!tpu.dma_semaphore, #tpu.memory_space<semaphore_mem>>) src(%dma_wait3A_368 : memref<10000x128xf32, #tpu.memory_space<hbm>>) dst(%arg13 : memref<64x128xf32, #tpu.memory_space<vmem>>)
      %run_scoped3A_369 = arith.constant 1 : i32
      "tpu.region"() ({
        %run_scoped3A_721 = tpu.sem_alloc : memref<!tpu.dma_semaphore, #tpu.memory_space<semaphore_mem>>
        %dma_start3A_722 = arith.constant 0 : i32
        %dma_start3A_723 = tpu.memref_slice %arg8[%run_scoped3A_369, %dma_start3A_722] : memref<10x64xi32, #tpu.memory_space<vmem>> -> memref<1x64xi32, #tpu.memory_space<vmem>>
        %dma_start3A_724 = tpu.memref_squeeze %dma_start3A_723 : memref<1x64xi32, #tpu.memory_space<vmem>> -> memref<64xi32, #tpu.memory_space<vmem>>
        %dma_start3A_725 = arith.constant 0 : i32
        %dma_start3A_726 = arith.constant 0 : i32
        %dma_start3A_727 = tpu.memref_slice %arg11[%dma_start3A_725, %dma_start3A_726] : memref<10112x128xf32, #tpu.memory_space<vmem_shared>> -> memref<10112x128xf32, #tpu.memory_space<vmem_shared>>
        tpu.enqueue_indirect_dma source(%arg13 : memref<64x128xf32, #tpu.memory_space<vmem>>) target(%dma_start3A_727 : memref<10112x128xf32, #tpu.memory_space<vmem_shared>>) offsets(%dma_start3A_724 : memref<64xi32, #tpu.memory_space<vmem>>) semaphore(%run_scoped3A_721 : memref<!tpu.dma_semaphore, #tpu.memory_space<semaphore_mem>>) {add = true}
        %dma_wait3A_728 = arith.constant 0 : i32
        %dma_wait3A_729 = tpu.memref_slice %arg8[%run_scoped3A_369, %dma_wait3A_728] : memref<10x64xi32, #tpu.memory_space<vmem>> -> memref<1x64xi32, #tpu.memory_space<vmem>>
        %dma_wait3A_730 = tpu.memref_squeeze %dma_wait3A_729 : memref<1x64xi32, #tpu.memory_space<vmem>> -> memref<64xi32, #tpu.memory_space<vmem>>
        %dma_wait3A_731 = arith.constant 0 : i32
        %dma_wait3A_732 = arith.constant 0 : i32
        %dma_wait3A_733 = tpu.memref_slice %arg11[%dma_wait3A_731, %dma_wait3A_732] : memref<10112x128xf32, #tpu.memory_space<vmem_shared>> -> memref<10112x128xf32, #tpu.memory_space<vmem_shared>>
        tpu.wait_indirect_dma semaphore(%run_scoped3A_721 : memref<!tpu.dma_semaphore, #tpu.memory_space<semaphore_mem>>) src(%arg13 : memref<64x128xf32, #tpu.memory_space<vmem>>) dst(%dma_wait3A_733 : memref<10112x128xf32, #tpu.memory_space<vmem_shared>>)
        tpu.yield
      }) : () -> ()
      %dma_start3A_370 = arith.constant 6 : i32
      %dma_start3A_371 = arith.constant 0 : i32
      %dma_start3A_372 = tpu.memref_slice %arg7[%dma_start3A_370, %dma_start3A_371] : memref<10x64xi32, #tpu.memory_space<vmem>> -> memref<1x64xi32, #tpu.memory_space<vmem>>
      %dma_start3A_373 = tpu.memref_squeeze %dma_start3A_372 : memref<1x64xi32, #tpu.memory_space<vmem>> -> memref<64xi32, #tpu.memory_space<vmem>>
      %dma_start3A_374 = arith.constant 0 : i32
      %dma_start3A_375 = arith.constant 0 : i32
      %dma_start3A_376 = tpu.memref_slice %arg2[%dma_start3A_374, %dma_start3A_375] : memref<10000x128xf32, #tpu.memory_space<hbm>> -> memref<10000x128xf32, #tpu.memory_space<hbm>>
      tpu.enqueue_indirect_dma source(%dma_start3A_376 : memref<10000x128xf32, #tpu.memory_space<hbm>>) target(%arg13 : memref<64x128xf32, #tpu.memory_space<vmem>>) offsets(%dma_start3A_373 : memref<64xi32, #tpu.memory_space<vmem>>) semaphore(%arg18 : memref<!tpu.dma_semaphore, #tpu.memory_space<semaphore_mem>>)
      %dma_wait3A_377 = arith.constant 2 : i32
      %dma_wait3A_378 = arith.constant 0 : i32
      %dma_wait3A_379 = tpu.memref_slice %arg7[%dma_wait3A_377, %dma_wait3A_378] : memref<10x64xi32, #tpu.memory_space<vmem>> -> memref<1x64xi32, #tpu.memory_space<vmem>>
      %dma_wait3A_380 = tpu.memref_squeeze %dma_wait3A_379 : memref<1x64xi32, #tpu.memory_space<vmem>> -> memref<64xi32, #tpu.memory_space<vmem>>
      %dma_wait3A_381 = arith.constant 0 : i32
      %dma_wait3A_382 = arith.constant 0 : i32
      %dma_wait3A_383 = tpu.memref_slice %arg2[%dma_wait3A_381, %dma_wait3A_382] : memref<10000x128xf32, #tpu.memory_space<hbm>> -> memref<10000x128xf32, #tpu.memory_space<hbm>>
      tpu.wait_indirect_dma semaphore(%arg19 : memref<!tpu.dma_semaphore, #tpu.memory_space<semaphore_mem>>) src(%dma_wait3A_383 : memref<10000x128xf32, #tpu.memory_space<hbm>>) dst(%arg14 : memref<64x128xf32, #tpu.memory_space<vmem>>)
      %run_scoped3A_384 = arith.constant 2 : i32
      "tpu.region"() ({
        %run_scoped3A_721 = tpu.sem_alloc : memref<!tpu.dma_semaphore, #tpu.memory_space<semaphore_mem>>
        %dma_start3A_722 = arith.constant 0 : i32
        %dma_start3A_723 = tpu.memref_slice %arg8[%run_scoped3A_384, %dma_start3A_722] : memref<10x64xi32, #tpu.memory_space<vmem>> -> memref<1x64xi32, #tpu.memory_space<vmem>>
        %dma_start3A_724 = tpu.memref_squeeze %dma_start3A_723 : memref<1x64xi32, #tpu.memory_space<vmem>> -> memref<64xi32, #tpu.memory_space<vmem>>
        %dma_start3A_725 = arith.constant 0 : i32
        %dma_start3A_726 = arith.constant 0 : i32
        %dma_start3A_727 = tpu.memref_slice %arg11[%dma_start3A_725, %dma_start3A_726] : memref<10112x128xf32, #tpu.memory_space<vmem_shared>> -> memref<10112x128xf32, #tpu.memory_space<vmem_shared>>
        tpu.enqueue_indirect_dma source(%arg14 : memref<64x128xf32, #tpu.memory_space<vmem>>) target(%dma_start3A_727 : memref<10112x128xf32, #tpu.memory_space<vmem_shared>>) offsets(%dma_start3A_724 : memref<64xi32, #tpu.memory_space<vmem>>) semaphore(%run_scoped3A_721 : memref<!tpu.dma_semaphore, #tpu.memory_space<semaphore_mem>>) {add = true}
        %dma_wait3A_728 = arith.constant 0 : i32
        %dma_wait3A_729 = tpu.memref_slice %arg8[%run_scoped3A_384, %dma_wait3A_728] : memref<10x64xi32, #tpu.memory_space<vmem>> -> memref<1x64xi32, #tpu.memory_space<vmem>>
        %dma_wait3A_730 = tpu.memref_squeeze %dma_wait3A_729 : memref<1x64xi32, #tpu.memory_space<vmem>> -> memref<64xi32, #tpu.memory_space<vmem>>
        %dma_wait3A_731 = arith.constant 0 : i32
        %dma_wait3A_732 = arith.constant 0 : i32
        %dma_wait3A_733 = tpu.memref_slice %arg11[%dma_wait3A_731, %dma_wait3A_732] : memref<10112x128xf32, #tpu.memory_space<vmem_shared>> -> memref<10112x128xf32, #tpu.memory_space<vmem_shared>>
        tpu.wait_indirect_dma semaphore(%run_scoped3A_721 : memref<!tpu.dma_semaphore, #tpu.memory_space<semaphore_mem>>) src(%arg14 : memref<64x128xf32, #tpu.memory_space<vmem>>) dst(%dma_wait3A_733 : memref<10112x128xf32, #tpu.memory_space<vmem_shared>>)
        tpu.yield
      }) : () -> ()
      %dma_start3A_385 = arith.constant 7 : i32
      %dma_start3A_386 = arith.constant 0 : i32
      %dma_start3A_387 = tpu.memref_slice %arg7[%dma_start3A_385, %dma_start3A_386] : memref<10x64xi32, #tpu.memory_space<vmem>> -> memref<1x64xi32, #tpu.memory_space<vmem>>
      %dma_start3A_388 = tpu.memref_squeeze %dma_start3A_387 : memref<1x64xi32, #tpu.memory_space<vmem>> -> memref<64xi32, #tpu.memory_space<vmem>>
      %dma_start3A_389 = arith.constant 0 : i32
      %dma_start3A_390 = arith.constant 0 : i32
      %dma_start3A_391 = tpu.memref_slice %arg2[%dma_start3A_389, %dma_start3A_390] : memref<10000x128xf32, #tpu.memory_space<hbm>> -> memref<10000x128xf32, #tpu.memory_space<hbm>>
      tpu.enqueue_indirect_dma source(%dma_start3A_391 : memref<10000x128xf32, #tpu.memory_space<hbm>>) target(%arg14 : memref<64x128xf32, #tpu.memory_space<vmem>>) offsets(%dma_start3A_388 : memref<64xi32, #tpu.memory_space<vmem>>) semaphore(%arg19 : memref<!tpu.dma_semaphore, #tpu.memory_space<semaphore_mem>>)
      %dma_wait3A_392 = arith.constant 3 : i32
      %dma_wait3A_393 = arith.constant 0 : i32
      %dma_wait3A_394 = tpu.memref_slice %arg7[%dma_wait3A_392, %dma_wait3A_393] : memref<10x64xi32, #tpu.memory_space<vmem>> -> memref<1x64xi32, #tpu.memory_space<vmem>>
      %dma_wait3A_395 = tpu.memref_squeeze %dma_wait3A_394 : memref<1x64xi32, #tpu.memory_space<vmem>> -> memref<64xi32, #tpu.memory_space<vmem>>
      %dma_wait3A_396 = arith.constant 0 : i32
      %dma_wait3A_397 = arith.constant 0 : i32
      %dma_wait3A_398 = tpu.memref_slice %arg2[%dma_wait3A_396, %dma_wait3A_397] : memref<10000x128xf32, #tpu.memory_space<hbm>> -> memref<10000x128xf32, #tpu.memory_space<hbm>>
      tpu.wait_indirect_dma semaphore(%arg20 : memref<!tpu.dma_semaphore, #tpu.memory_space<semaphore_mem>>) src(%dma_wait3A_398 : memref<10000x128xf32, #tpu.memory_space<hbm>>) dst(%arg15 : memref<64x128xf32, #tpu.memory_space<vmem>>)
      %run_scoped3A_399 = arith.constant 3 : i32
      "tpu.region"() ({
        %run_scoped3A_721 = tpu.sem_alloc : memref<!tpu.dma_semaphore, #tpu.memory_space<semaphore_mem>>
        %dma_start3A_722 = arith.constant 0 : i32
        %dma_start3A_723 = tpu.memref_slice %arg8[%run_scoped3A_399, %dma_start3A_722] : memref<10x64xi32, #tpu.memory_space<vmem>> -> memref<1x64xi32, #tpu.memory_space<vmem>>
        %dma_start3A_724 = tpu.memref_squeeze %dma_start3A_723 : memref<1x64xi32, #tpu.memory_space<vmem>> -> memref<64xi32, #tpu.memory_space<vmem>>
        %dma_start3A_725 = arith.constant 0 : i32
        %dma_start3A_726 = arith.constant 0 : i32
        %dma_start3A_727 = tpu.memref_slice %arg11[%dma_start3A_725, %dma_start3A_726] : memref<10112x128xf32, #tpu.memory_space<vmem_shared>> -> memref<10112x128xf32, #tpu.memory_space<vmem_shared>>
        tpu.enqueue_indirect_dma source(%arg15 : memref<64x128xf32, #tpu.memory_space<vmem>>) target(%dma_start3A_727 : memref<10112x128xf32, #tpu.memory_space<vmem_shared>>) offsets(%dma_start3A_724 : memref<64xi32, #tpu.memory_space<vmem>>) semaphore(%run_scoped3A_721 : memref<!tpu.dma_semaphore, #tpu.memory_space<semaphore_mem>>) {add = true}
        %dma_wait3A_728 = arith.constant 0 : i32
        %dma_wait3A_729 = tpu.memref_slice %arg8[%run_scoped3A_399, %dma_wait3A_728] : memref<10x64xi32, #tpu.memory_space<vmem>> -> memref<1x64xi32, #tpu.memory_space<vmem>>
        %dma_wait3A_730 = tpu.memref_squeeze %dma_wait3A_729 : memref<1x64xi32, #tpu.memory_space<vmem>> -> memref<64xi32, #tpu.memory_space<vmem>>
        %dma_wait3A_731 = arith.constant 0 : i32
        %dma_wait3A_732 = arith.constant 0 : i32
        %dma_wait3A_733 = tpu.memref_slice %arg11[%dma_wait3A_731, %dma_wait3A_732] : memref<10112x128xf32, #tpu.memory_space<vmem_shared>> -> memref<10112x128xf32, #tpu.memory_space<vmem_shared>>
        tpu.wait_indirect_dma semaphore(%run_scoped3A_721 : memref<!tpu.dma_semaphore, #tpu.memory_space<semaphore_mem>>) src(%arg15 : memref<64x128xf32, #tpu.memory_space<vmem>>) dst(%dma_wait3A_733 : memref<10112x128xf32, #tpu.memory_space<vmem_shared>>)
        tpu.yield
      }) : () -> ()
      %dma_start3A_400 = arith.constant 8 : i32
      %dma_start3A_401 = arith.constant 0 : i32
      %dma_start3A_402 = tpu.memref_slice %arg7[%dma_start3A_400, %dma_start3A_401] : memref<10x64xi32, #tpu.memory_space<vmem>> -> memref<1x64xi32, #tpu.memory_space<vmem>>
      %dma_start3A_403 = tpu.memref_squeeze %dma_start3A_402 : memref<1x64xi32, #tpu.memory_space<vmem>> -> memref<64xi32, #tpu.memory_space<vmem>>
      %dma_start3A_404 = arith.constant 0 : i32
      %dma_start3A_405 = arith.constant 0 : i32
      %dma_start3A_406 = tpu.memref_slice %arg2[%dma_start3A_404, %dma_start3A_405] : memref<10000x128xf32, #tpu.memory_space<hbm>> -> memref<10000x128xf32, #tpu.memory_space<hbm>>
      tpu.enqueue_indirect_dma source(%dma_start3A_406 : memref<10000x128xf32, #tpu.memory_space<hbm>>) target(%arg15 : memref<64x128xf32, #tpu.memory_space<vmem>>) offsets(%dma_start3A_403 : memref<64xi32, #tpu.memory_space<vmem>>) semaphore(%arg20 : memref<!tpu.dma_semaphore, #tpu.memory_space<semaphore_mem>>)
      %dma_wait3A_407 = arith.constant 4 : i32
      %dma_wait3A_408 = arith.constant 0 : i32
      %dma_wait3A_409 = tpu.memref_slice %arg7[%dma_wait3A_407, %dma_wait3A_408] : memref<10x64xi32, #tpu.memory_space<vmem>> -> memref<1x64xi32, #tpu.memory_space<vmem>>
      %dma_wait3A_410 = tpu.memref_squeeze %dma_wait3A_409 : memref<1x64xi32, #tpu.memory_space<vmem>> -> memref<64xi32, #tpu.memory_space<vmem>>
      %dma_wait3A_411 = arith.constant 0 : i32
      %dma_wait3A_412 = arith.constant 0 : i32
      %dma_wait3A_413 = tpu.memref_slice %arg2[%dma_wait3A_411, %dma_wait3A_412] : memref<10000x128xf32, #tpu.memory_space<hbm>> -> memref<10000x128xf32, #tpu.memory_space<hbm>>
      tpu.wait_indirect_dma semaphore(%arg21 : memref<!tpu.dma_semaphore, #tpu.memory_space<semaphore_mem>>) src(%dma_wait3A_413 : memref<10000x128xf32, #tpu.memory_space<hbm>>) dst(%arg16 : memref<64x128xf32, #tpu.memory_space<vmem>>)
      %run_scoped3A_414 = arith.constant 4 : i32
      "tpu.region"() ({
        %run_scoped3A_721 = tpu.sem_alloc : memref<!tpu.dma_semaphore, #tpu.memory_space<semaphore_mem>>
        %dma_start3A_722 = arith.constant 0 : i32
        %dma_start3A_723 = tpu.memref_slice %arg8[%run_scoped3A_414, %dma_start3A_722] : memref<10x64xi32, #tpu.memory_space<vmem>> -> memref<1x64xi32, #tpu.memory_space<vmem>>
        %dma_start3A_724 = tpu.memref_squeeze %dma_start3A_723 : memref<1x64xi32, #tpu.memory_space<vmem>> -> memref<64xi32, #tpu.memory_space<vmem>>
        %dma_start3A_725 = arith.constant 0 : i32
        %dma_start3A_726 = arith.constant 0 : i32
        %dma_start3A_727 = tpu.memref_slice %arg11[%dma_start3A_725, %dma_start3A_726] : memref<10112x128xf32, #tpu.memory_space<vmem_shared>> -> memref<10112x128xf32, #tpu.memory_space<vmem_shared>>
        tpu.enqueue_indirect_dma source(%arg16 : memref<64x128xf32, #tpu.memory_space<vmem>>) target(%dma_start3A_727 : memref<10112x128xf32, #tpu.memory_space<vmem_shared>>) offsets(%dma_start3A_724 : memref<64xi32, #tpu.memory_space<vmem>>) semaphore(%run_scoped3A_721 : memref<!tpu.dma_semaphore, #tpu.memory_space<semaphore_mem>>) {add = true}
        %dma_wait3A_728 = arith.constant 0 : i32
        %dma_wait3A_729 = tpu.memref_slice %arg8[%run_scoped3A_414, %dma_wait3A_728] : memref<10x64xi32, #tpu.memory_space<vmem>> -> memref<1x64xi32, #tpu.memory_space<vmem>>
        %dma_wait3A_730 = tpu.memref_squeeze %dma_wait3A_729 : memref<1x64xi32, #tpu.memory_space<vmem>> -> memref<64xi32, #tpu.memory_space<vmem>>
        %dma_wait3A_731 = arith.constant 0 : i32
        %dma_wait3A_732 = arith.constant 0 : i32
        %dma_wait3A_733 = tpu.memref_slice %arg11[%dma_wait3A_731, %dma_wait3A_732] : memref<10112x128xf32, #tpu.memory_space<vmem_shared>> -> memref<10112x128xf32, #tpu.memory_space<vmem_shared>>
        tpu.wait_indirect_dma semaphore(%run_scoped3A_721 : memref<!tpu.dma_semaphore, #tpu.memory_space<semaphore_mem>>) src(%arg16 : memref<64x128xf32, #tpu.memory_space<vmem>>) dst(%dma_wait3A_733 : memref<10112x128xf32, #tpu.memory_space<vmem_shared>>)
        tpu.yield
      }) : () -> ()
      %dma_start3A_415 = arith.constant 9 : i32
      %dma_start3A_416 = arith.constant 0 : i32
      %dma_start3A_417 = tpu.memref_slice %arg7[%dma_start3A_415, %dma_start3A_416] : memref<10x64xi32, #tpu.memory_space<vmem>> -> memref<1x64xi32, #tpu.memory_space<vmem>>
      %dma_start3A_418 = tpu.memref_squeeze %dma_start3A_417 : memref<1x64xi32, #tpu.memory_space<vmem>> -> memref<64xi32, #tpu.memory_space<vmem>>
      %dma_start3A_419 = arith.constant 0 : i32
      %dma_start3A_420 = arith.constant 0 : i32
      %dma_start3A_421 = tpu.memref_slice %arg2[%dma_start3A_419, %dma_start3A_420] : memref<10000x128xf32, #tpu.memory_space<hbm>> -> memref<10000x128xf32, #tpu.memory_space<hbm>>
      tpu.enqueue_indirect_dma source(%dma_start3A_421 : memref<10000x128xf32, #tpu.memory_space<hbm>>) target(%arg16 : memref<64x128xf32, #tpu.memory_space<vmem>>) offsets(%dma_start3A_418 : memref<64xi32, #tpu.memory_space<vmem>>) semaphore(%arg21 : memref<!tpu.dma_semaphore, #tpu.memory_space<semaphore_mem>>)
      %add3A_422 = arith.constant 1 : i32
      %add3A_423 = arith.addi %mul3A_346, %add3A_422 : i32
      %dma_wait3A_424 = arith.constant 0 : i32
      %dma_wait3A_425 = arith.constant 0 : i32
      %dma_wait3A_426 = tpu.memref_slice %arg3[%add3A, %add3A_423, %dma_wait3A_424, %dma_wait3A_425] : memref<32x16x10x64xi32, #tpu.memory_space<hbm>> -> memref<1x1x10x64xi32, #tpu.memory_space<hbm>>
      %dma_wait3A_427 = tpu.memref_squeeze %dma_wait3A_426 : memref<1x1x10x64xi32, #tpu.memory_space<hbm>> -> memref<10x64xi32, #tpu.memory_space<hbm>>
      %dma_wait3A_428 = arith.constant 0 : i32
      %dma_wait3A_429 = arith.constant 0 : i32
      %dma_wait3A_430 = tpu.memref_slice %arg3[%add3A, %add3A_423, %dma_wait3A_428, %dma_wait3A_429] : memref<32x16x10x64xi32, #tpu.memory_space<hbm>> -> memref<1x1x10x64xi32, #tpu.memory_space<hbm>>
      %dma_wait3A_431 = tpu.memref_squeeze %dma_wait3A_430 : memref<1x1x10x64xi32, #tpu.memory_space<hbm>> -> memref<10x64xi32, #tpu.memory_space<hbm>>
      tpu.wait_dma2 semaphore(%arg23 : memref<!tpu.dma_semaphore, #tpu.memory_space<semaphore_mem>>) src(%dma_wait3A_431 : memref<10x64xi32, #tpu.memory_space<hbm>>) dst(%arg9 : memref<10x64xi32, #tpu.memory_space<vmem>>)
      %dma_wait3A_432 = arith.constant 0 : i32
      %dma_wait3A_433 = arith.constant 0 : i32
      %dma_wait3A_434 = tpu.memref_slice %arg4[%add3A, %add3A_423, %dma_wait3A_432, %dma_wait3A_433] : memref<32x16x10x64xi32, #tpu.memory_space<hbm>> -> memref<1x1x10x64xi32, #tpu.memory_space<hbm>>
      %dma_wait3A_435 = tpu.memref_squeeze %dma_wait3A_434 : memref<1x1x10x64xi32, #tpu.memory_space<hbm>> -> memref<10x64xi32, #tpu.memory_space<hbm>>
      %dma_wait3A_436 = arith.constant 0 : i32
      %dma_wait3A_437 = arith.constant 0 : i32
      %dma_wait3A_438 = tpu.memref_slice %arg4[%add3A, %add3A_423, %dma_wait3A_436, %dma_wait3A_437] : memref<32x16x10x64xi32, #tpu.memory_space<hbm>> -> memref<1x1x10x64xi32, #tpu.memory_space<hbm>>
      %dma_wait3A_439 = tpu.memref_squeeze %dma_wait3A_438 : memref<1x1x10x64xi32, #tpu.memory_space<hbm>> -> memref<10x64xi32, #tpu.memory_space<hbm>>
      tpu.wait_dma2 semaphore(%arg23 : memref<!tpu.dma_semaphore, #tpu.memory_space<semaphore_mem>>) src(%dma_wait3A_439 : memref<10x64xi32, #tpu.memory_space<hbm>>) dst(%arg10 : memref<10x64xi32, #tpu.memory_space<vmem>>)
      %dma_wait3A_440 = arith.constant 5 : i32
      %dma_wait3A_441 = arith.constant 0 : i32
      %dma_wait3A_442 = tpu.memref_slice %arg7[%dma_wait3A_440, %dma_wait3A_441] : memref<10x64xi32, #tpu.memory_space<vmem>> -> memref<1x64xi32, #tpu.memory_space<vmem>>
      %dma_wait3A_443 = tpu.memref_squeeze %dma_wait3A_442 : memref<1x64xi32, #tpu.memory_space<vmem>> -> memref<64xi32, #tpu.memory_space<vmem>>
      %dma_wait3A_444 = arith.constant 0 : i32
      %dma_wait3A_445 = arith.constant 0 : i32
      %dma_wait3A_446 = tpu.memref_slice %arg2[%dma_wait3A_444, %dma_wait3A_445] : memref<10000x128xf32, #tpu.memory_space<hbm>> -> memref<10000x128xf32, #tpu.memory_space<hbm>>
      tpu.wait_indirect_dma semaphore(%arg17 : memref<!tpu.dma_semaphore, #tpu.memory_space<semaphore_mem>>) src(%dma_wait3A_446 : memref<10000x128xf32, #tpu.memory_space<hbm>>) dst(%arg12 : memref<64x128xf32, #tpu.memory_space<vmem>>)
      %run_scoped3A_447 = arith.constant 5 : i32
      "tpu.region"() ({
        %run_scoped3A_721 = tpu.sem_alloc : memref<!tpu.dma_semaphore, #tpu.memory_space<semaphore_mem>>
        %dma_start3A_722 = arith.constant 0 : i32
        %dma_start3A_723 = tpu.memref_slice %arg8[%run_scoped3A_447, %dma_start3A_722] : memref<10x64xi32, #tpu.memory_space<vmem>> -> memref<1x64xi32, #tpu.memory_space<vmem>>
        %dma_start3A_724 = tpu.memref_squeeze %dma_start3A_723 : memref<1x64xi32, #tpu.memory_space<vmem>> -> memref<64xi32, #tpu.memory_space<vmem>>
        %dma_start3A_725 = arith.constant 0 : i32
        %dma_start3A_726 = arith.constant 0 : i32
        %dma_start3A_727 = tpu.memref_slice %arg11[%dma_start3A_725, %dma_start3A_726] : memref<10112x128xf32, #tpu.memory_space<vmem_shared>> -> memref<10112x128xf32, #tpu.memory_space<vmem_shared>>
        tpu.enqueue_indirect_dma source(%arg12 : memref<64x128xf32, #tpu.memory_space<vmem>>) target(%dma_start3A_727 : memref<10112x128xf32, #tpu.memory_space<vmem_shared>>) offsets(%dma_start3A_724 : memref<64xi32, #tpu.memory_space<vmem>>) semaphore(%run_scoped3A_721 : memref<!tpu.dma_semaphore, #tpu.memory_space<semaphore_mem>>) {add = true}
        %dma_wait3A_728 = arith.constant 0 : i32
        %dma_wait3A_729 = tpu.memref_slice %arg8[%run_scoped3A_447, %dma_wait3A_728] : memref<10x64xi32, #tpu.memory_space<vmem>> -> memref<1x64xi32, #tpu.memory_space<vmem>>
        %dma_wait3A_730 = tpu.memref_squeeze %dma_wait3A_729 : memref<1x64xi32, #tpu.memory_space<vmem>> -> memref<64xi32, #tpu.memory_space<vmem>>
        %dma_wait3A_731 = arith.constant 0 : i32
        %dma_wait3A_732 = arith.constant 0 : i32
        %dma_wait3A_733 = tpu.memref_slice %arg11[%dma_wait3A_731, %dma_wait3A_732] : memref<10112x128xf32, #tpu.memory_space<vmem_shared>> -> memref<10112x128xf32, #tpu.memory_space<vmem_shared>>
        tpu.wait_indirect_dma semaphore(%run_scoped3A_721 : memref<!tpu.dma_semaphore, #tpu.memory_space<semaphore_mem>>) src(%arg12 : memref<64x128xf32, #tpu.memory_space<vmem>>) dst(%dma_wait3A_733 : memref<10112x128xf32, #tpu.memory_space<vmem_shared>>)
        tpu.yield
      }) : () -> ()
      %dma_start3A_448 = arith.constant 0 : i32
      %dma_start3A_449 = arith.constant 0 : i32
      %dma_start3A_450 = tpu.memref_slice %arg9[%dma_start3A_448, %dma_start3A_449] : memref<10x64xi32, #tpu.memory_space<vmem>> -> memref<1x64xi32, #tpu.memory_space<vmem>>
      %dma_start3A_451 = tpu.memref_squeeze %dma_start3A_450 : memref<1x64xi32, #tpu.memory_space<vmem>> -> memref<64xi32, #tpu.memory_space<vmem>>
      %dma_start3A_452 = arith.constant 0 : i32
      %dma_start3A_453 = arith.constant 0 : i32
      %dma_start3A_454 = tpu.memref_slice %arg2[%dma_start3A_452, %dma_start3A_453] : memref<10000x128xf32, #tpu.memory_space<hbm>> -> memref<10000x128xf32, #tpu.memory_space<hbm>>
      tpu.enqueue_indirect_dma source(%dma_start3A_454 : memref<10000x128xf32, #tpu.memory_space<hbm>>) target(%arg12 : memref<64x128xf32, #tpu.memory_space<vmem>>) offsets(%dma_start3A_451 : memref<64xi32, #tpu.memory_space<vmem>>) semaphore(%arg17 : memref<!tpu.dma_semaphore, #tpu.memory_space<semaphore_mem>>)
      %dma_wait3A_455 = arith.constant 6 : i32
      %dma_wait3A_456 = arith.constant 0 : i32
      %dma_wait3A_457 = tpu.memref_slice %arg7[%dma_wait3A_455, %dma_wait3A_456] : memref<10x64xi32, #tpu.memory_space<vmem>> -> memref<1x64xi32, #tpu.memory_space<vmem>>
      %dma_wait3A_458 = tpu.memref_squeeze %dma_wait3A_457 : memref<1x64xi32, #tpu.memory_space<vmem>> -> memref<64xi32, #tpu.memory_space<vmem>>
      %dma_wait3A_459 = arith.constant 0 : i32
      %dma_wait3A_460 = arith.constant 0 : i32
      %dma_wait3A_461 = tpu.memref_slice %arg2[%dma_wait3A_459, %dma_wait3A_460] : memref<10000x128xf32, #tpu.memory_space<hbm>> -> memref<10000x128xf32, #tpu.memory_space<hbm>>
      tpu.wait_indirect_dma semaphore(%arg18 : memref<!tpu.dma_semaphore, #tpu.memory_space<semaphore_mem>>) src(%dma_wait3A_461 : memref<10000x128xf32, #tpu.memory_space<hbm>>) dst(%arg13 : memref<64x128xf32, #tpu.memory_space<vmem>>)
      %run_scoped3A_462 = arith.constant 6 : i32
      "tpu.region"() ({
        %run_scoped3A_721 = tpu.sem_alloc : memref<!tpu.dma_semaphore, #tpu.memory_space<semaphore_mem>>
        %dma_start3A_722 = arith.constant 0 : i32
        %dma_start3A_723 = tpu.memref_slice %arg8[%run_scoped3A_462, %dma_start3A_722] : memref<10x64xi32, #tpu.memory_space<vmem>> -> memref<1x64xi32, #tpu.memory_space<vmem>>
        %dma_start3A_724 = tpu.memref_squeeze %dma_start3A_723 : memref<1x64xi32, #tpu.memory_space<vmem>> -> memref<64xi32, #tpu.memory_space<vmem>>
        %dma_start3A_725 = arith.constant 0 : i32
        %dma_start3A_726 = arith.constant 0 : i32
        %dma_start3A_727 = tpu.memref_slice %arg11[%dma_start3A_725, %dma_start3A_726] : memref<10112x128xf32, #tpu.memory_space<vmem_shared>> -> memref<10112x128xf32, #tpu.memory_space<vmem_shared>>
        tpu.enqueue_indirect_dma source(%arg13 : memref<64x128xf32, #tpu.memory_space<vmem>>) target(%dma_start3A_727 : memref<10112x128xf32, #tpu.memory_space<vmem_shared>>) offsets(%dma_start3A_724 : memref<64xi32, #tpu.memory_space<vmem>>) semaphore(%run_scoped3A_721 : memref<!tpu.dma_semaphore, #tpu.memory_space<semaphore_mem>>) {add = true}
        %dma_wait3A_728 = arith.constant 0 : i32
        %dma_wait3A_729 = tpu.memref_slice %arg8[%run_scoped3A_462, %dma_wait3A_728] : memref<10x64xi32, #tpu.memory_space<vmem>> -> memref<1x64xi32, #tpu.memory_space<vmem>>
        %dma_wait3A_730 = tpu.memref_squeeze %dma_wait3A_729 : memref<1x64xi32, #tpu.memory_space<vmem>> -> memref<64xi32, #tpu.memory_space<vmem>>
        %dma_wait3A_731 = arith.constant 0 : i32
        %dma_wait3A_732 = arith.constant 0 : i32
        %dma_wait3A_733 = tpu.memref_slice %arg11[%dma_wait3A_731, %dma_wait3A_732] : memref<10112x128xf32, #tpu.memory_space<vmem_shared>> -> memref<10112x128xf32, #tpu.memory_space<vmem_shared>>
        tpu.wait_indirect_dma semaphore(%run_scoped3A_721 : memref<!tpu.dma_semaphore, #tpu.memory_space<semaphore_mem>>) src(%arg13 : memref<64x128xf32, #tpu.memory_space<vmem>>) dst(%dma_wait3A_733 : memref<10112x128xf32, #tpu.memory_space<vmem_shared>>)
        tpu.yield
      }) : () -> ()
      %dma_start3A_463 = arith.constant 1 : i32
      %dma_start3A_464 = arith.constant 0 : i32
      %dma_start3A_465 = tpu.memref_slice %arg9[%dma_start3A_463, %dma_start3A_464] : memref<10x64xi32, #tpu.memory_space<vmem>> -> memref<1x64xi32, #tpu.memory_space<vmem>>
      %dma_start3A_466 = tpu.memref_squeeze %dma_start3A_465 : memref<1x64xi32, #tpu.memory_space<vmem>> -> memref<64xi32, #tpu.memory_space<vmem>>
      %dma_start3A_467 = arith.constant 0 : i32
      %dma_start3A_468 = arith.constant 0 : i32
      %dma_start3A_469 = tpu.memref_slice %arg2[%dma_start3A_467, %dma_start3A_468] : memref<10000x128xf32, #tpu.memory_space<hbm>> -> memref<10000x128xf32, #tpu.memory_space<hbm>>
      tpu.enqueue_indirect_dma source(%dma_start3A_469 : memref<10000x128xf32, #tpu.memory_space<hbm>>) target(%arg13 : memref<64x128xf32, #tpu.memory_space<vmem>>) offsets(%dma_start3A_466 : memref<64xi32, #tpu.memory_space<vmem>>) semaphore(%arg18 : memref<!tpu.dma_semaphore, #tpu.memory_space<semaphore_mem>>)
      %dma_wait3A_470 = arith.constant 7 : i32
      %dma_wait3A_471 = arith.constant 0 : i32
      %dma_wait3A_472 = tpu.memref_slice %arg7[%dma_wait3A_470, %dma_wait3A_471] : memref<10x64xi32, #tpu.memory_space<vmem>> -> memref<1x64xi32, #tpu.memory_space<vmem>>
      %dma_wait3A_473 = tpu.memref_squeeze %dma_wait3A_472 : memref<1x64xi32, #tpu.memory_space<vmem>> -> memref<64xi32, #tpu.memory_space<vmem>>
      %dma_wait3A_474 = arith.constant 0 : i32
      %dma_wait3A_475 = arith.constant 0 : i32
      %dma_wait3A_476 = tpu.memref_slice %arg2[%dma_wait3A_474, %dma_wait3A_475] : memref<10000x128xf32, #tpu.memory_space<hbm>> -> memref<10000x128xf32, #tpu.memory_space<hbm>>
      tpu.wait_indirect_dma semaphore(%arg19 : memref<!tpu.dma_semaphore, #tpu.memory_space<semaphore_mem>>) src(%dma_wait3A_476 : memref<10000x128xf32, #tpu.memory_space<hbm>>) dst(%arg14 : memref<64x128xf32, #tpu.memory_space<vmem>>)
      %run_scoped3A_477 = arith.constant 7 : i32
      "tpu.region"() ({
        %run_scoped3A_721 = tpu.sem_alloc : memref<!tpu.dma_semaphore, #tpu.memory_space<semaphore_mem>>
        %dma_start3A_722 = arith.constant 0 : i32
        %dma_start3A_723 = tpu.memref_slice %arg8[%run_scoped3A_477, %dma_start3A_722] : memref<10x64xi32, #tpu.memory_space<vmem>> -> memref<1x64xi32, #tpu.memory_space<vmem>>
        %dma_start3A_724 = tpu.memref_squeeze %dma_start3A_723 : memref<1x64xi32, #tpu.memory_space<vmem>> -> memref<64xi32, #tpu.memory_space<vmem>>
        %dma_start3A_725 = arith.constant 0 : i32
        %dma_start3A_726 = arith.constant 0 : i32
        %dma_start3A_727 = tpu.memref_slice %arg11[%dma_start3A_725, %dma_start3A_726] : memref<10112x128xf32, #tpu.memory_space<vmem_shared>> -> memref<10112x128xf32, #tpu.memory_space<vmem_shared>>
        tpu.enqueue_indirect_dma source(%arg14 : memref<64x128xf32, #tpu.memory_space<vmem>>) target(%dma_start3A_727 : memref<10112x128xf32, #tpu.memory_space<vmem_shared>>) offsets(%dma_start3A_724 : memref<64xi32, #tpu.memory_space<vmem>>) semaphore(%run_scoped3A_721 : memref<!tpu.dma_semaphore, #tpu.memory_space<semaphore_mem>>) {add = true}
        %dma_wait3A_728 = arith.constant 0 : i32
        %dma_wait3A_729 = tpu.memref_slice %arg8[%run_scoped3A_477, %dma_wait3A_728] : memref<10x64xi32, #tpu.memory_space<vmem>> -> memref<1x64xi32, #tpu.memory_space<vmem>>
        %dma_wait3A_730 = tpu.memref_squeeze %dma_wait3A_729 : memref<1x64xi32, #tpu.memory_space<vmem>> -> memref<64xi32, #tpu.memory_space<vmem>>
        %dma_wait3A_731 = arith.constant 0 : i32
        %dma_wait3A_732 = arith.constant 0 : i32
        %dma_wait3A_733 = tpu.memref_slice %arg11[%dma_wait3A_731, %dma_wait3A_732] : memref<10112x128xf32, #tpu.memory_space<vmem_shared>> -> memref<10112x128xf32, #tpu.memory_space<vmem_shared>>
        tpu.wait_indirect_dma semaphore(%run_scoped3A_721 : memref<!tpu.dma_semaphore, #tpu.memory_space<semaphore_mem>>) src(%arg14 : memref<64x128xf32, #tpu.memory_space<vmem>>) dst(%dma_wait3A_733 : memref<10112x128xf32, #tpu.memory_space<vmem_shared>>)
        tpu.yield
      }) : () -> ()
      %dma_start3A_478 = arith.constant 2 : i32
      %dma_start3A_479 = arith.constant 0 : i32
      %dma_start3A_480 = tpu.memref_slice %arg9[%dma_start3A_478, %dma_start3A_479] : memref<10x64xi32, #tpu.memory_space<vmem>> -> memref<1x64xi32, #tpu.memory_space<vmem>>
      %dma_start3A_481 = tpu.memref_squeeze %dma_start3A_480 : memref<1x64xi32, #tpu.memory_space<vmem>> -> memref<64xi32, #tpu.memory_space<vmem>>
      %dma_start3A_482 = arith.constant 0 : i32
      %dma_start3A_483 = arith.constant 0 : i32
      %dma_start3A_484 = tpu.memref_slice %arg2[%dma_start3A_482, %dma_start3A_483] : memref<10000x128xf32, #tpu.memory_space<hbm>> -> memref<10000x128xf32, #tpu.memory_space<hbm>>
      tpu.enqueue_indirect_dma source(%dma_start3A_484 : memref<10000x128xf32, #tpu.memory_space<hbm>>) target(%arg14 : memref<64x128xf32, #tpu.memory_space<vmem>>) offsets(%dma_start3A_481 : memref<64xi32, #tpu.memory_space<vmem>>) semaphore(%arg19 : memref<!tpu.dma_semaphore, #tpu.memory_space<semaphore_mem>>)
      %dma_wait3A_485 = arith.constant 8 : i32
      %dma_wait3A_486 = arith.constant 0 : i32
      %dma_wait3A_487 = tpu.memref_slice %arg7[%dma_wait3A_485, %dma_wait3A_486] : memref<10x64xi32, #tpu.memory_space<vmem>> -> memref<1x64xi32, #tpu.memory_space<vmem>>
      %dma_wait3A_488 = tpu.memref_squeeze %dma_wait3A_487 : memref<1x64xi32, #tpu.memory_space<vmem>> -> memref<64xi32, #tpu.memory_space<vmem>>
      %dma_wait3A_489 = arith.constant 0 : i32
      %dma_wait3A_490 = arith.constant 0 : i32
      %dma_wait3A_491 = tpu.memref_slice %arg2[%dma_wait3A_489, %dma_wait3A_490] : memref<10000x128xf32, #tpu.memory_space<hbm>> -> memref<10000x128xf32, #tpu.memory_space<hbm>>
      tpu.wait_indirect_dma semaphore(%arg20 : memref<!tpu.dma_semaphore, #tpu.memory_space<semaphore_mem>>) src(%dma_wait3A_491 : memref<10000x128xf32, #tpu.memory_space<hbm>>) dst(%arg15 : memref<64x128xf32, #tpu.memory_space<vmem>>)
      %run_scoped3A_492 = arith.constant 8 : i32
      "tpu.region"() ({
        %run_scoped3A_721 = tpu.sem_alloc : memref<!tpu.dma_semaphore, #tpu.memory_space<semaphore_mem>>
        %dma_start3A_722 = arith.constant 0 : i32
        %dma_start3A_723 = tpu.memref_slice %arg8[%run_scoped3A_492, %dma_start3A_722] : memref<10x64xi32, #tpu.memory_space<vmem>> -> memref<1x64xi32, #tpu.memory_space<vmem>>
        %dma_start3A_724 = tpu.memref_squeeze %dma_start3A_723 : memref<1x64xi32, #tpu.memory_space<vmem>> -> memref<64xi32, #tpu.memory_space<vmem>>
        %dma_start3A_725 = arith.constant 0 : i32
        %dma_start3A_726 = arith.constant 0 : i32
        %dma_start3A_727 = tpu.memref_slice %arg11[%dma_start3A_725, %dma_start3A_726] : memref<10112x128xf32, #tpu.memory_space<vmem_shared>> -> memref<10112x128xf32, #tpu.memory_space<vmem_shared>>
        tpu.enqueue_indirect_dma source(%arg15 : memref<64x128xf32, #tpu.memory_space<vmem>>) target(%dma_start3A_727 : memref<10112x128xf32, #tpu.memory_space<vmem_shared>>) offsets(%dma_start3A_724 : memref<64xi32, #tpu.memory_space<vmem>>) semaphore(%run_scoped3A_721 : memref<!tpu.dma_semaphore, #tpu.memory_space<semaphore_mem>>) {add = true}
        %dma_wait3A_728 = arith.constant 0 : i32
        %dma_wait3A_729 = tpu.memref_slice %arg8[%run_scoped3A_492, %dma_wait3A_728] : memref<10x64xi32, #tpu.memory_space<vmem>> -> memref<1x64xi32, #tpu.memory_space<vmem>>
        %dma_wait3A_730 = tpu.memref_squeeze %dma_wait3A_729 : memref<1x64xi32, #tpu.memory_space<vmem>> -> memref<64xi32, #tpu.memory_space<vmem>>
        %dma_wait3A_731 = arith.constant 0 : i32
        %dma_wait3A_732 = arith.constant 0 : i32
        %dma_wait3A_733 = tpu.memref_slice %arg11[%dma_wait3A_731, %dma_wait3A_732] : memref<10112x128xf32, #tpu.memory_space<vmem_shared>> -> memref<10112x128xf32, #tpu.memory_space<vmem_shared>>
        tpu.wait_indirect_dma semaphore(%run_scoped3A_721 : memref<!tpu.dma_semaphore, #tpu.memory_space<semaphore_mem>>) src(%arg15 : memref<64x128xf32, #tpu.memory_space<vmem>>) dst(%dma_wait3A_733 : memref<10112x128xf32, #tpu.memory_space<vmem_shared>>)
        tpu.yield
      }) : () -> ()
      %dma_start3A_493 = arith.constant 3 : i32
      %dma_start3A_494 = arith.constant 0 : i32
      %dma_start3A_495 = tpu.memref_slice %arg9[%dma_start3A_493, %dma_start3A_494] : memref<10x64xi32, #tpu.memory_space<vmem>> -> memref<1x64xi32, #tpu.memory_space<vmem>>
      %dma_start3A_496 = tpu.memref_squeeze %dma_start3A_495 : memref<1x64xi32, #tpu.memory_space<vmem>> -> memref<64xi32, #tpu.memory_space<vmem>>
      %dma_start3A_497 = arith.constant 0 : i32
      %dma_start3A_498 = arith.constant 0 : i32
      %dma_start3A_499 = tpu.memref_slice %arg2[%dma_start3A_497, %dma_start3A_498] : memref<10000x128xf32, #tpu.memory_space<hbm>> -> memref<10000x128xf32, #tpu.memory_space<hbm>>
      tpu.enqueue_indirect_dma source(%dma_start3A_499 : memref<10000x128xf32, #tpu.memory_space<hbm>>) target(%arg15 : memref<64x128xf32, #tpu.memory_space<vmem>>) offsets(%dma_start3A_496 : memref<64xi32, #tpu.memory_space<vmem>>) semaphore(%arg20 : memref<!tpu.dma_semaphore, #tpu.memory_space<semaphore_mem>>)
      %dma_wait3A_500 = arith.constant 9 : i32
      %dma_wait3A_501 = arith.constant 0 : i32
      %dma_wait3A_502 = tpu.memref_slice %arg7[%dma_wait3A_500, %dma_wait3A_501] : memref<10x64xi32, #tpu.memory_space<vmem>> -> memref<1x64xi32, #tpu.memory_space<vmem>>
      %dma_wait3A_503 = tpu.memref_squeeze %dma_wait3A_502 : memref<1x64xi32, #tpu.memory_space<vmem>> -> memref<64xi32, #tpu.memory_space<vmem>>
      %dma_wait3A_504 = arith.constant 0 : i32
      %dma_wait3A_505 = arith.constant 0 : i32
      %dma_wait3A_506 = tpu.memref_slice %arg2[%dma_wait3A_504, %dma_wait3A_505] : memref<10000x128xf32, #tpu.memory_space<hbm>> -> memref<10000x128xf32, #tpu.memory_space<hbm>>
      tpu.wait_indirect_dma semaphore(%arg21 : memref<!tpu.dma_semaphore, #tpu.memory_space<semaphore_mem>>) src(%dma_wait3A_506 : memref<10000x128xf32, #tpu.memory_space<hbm>>) dst(%arg16 : memref<64x128xf32, #tpu.memory_space<vmem>>)
      %run_scoped3A_507 = arith.constant 9 : i32
      "tpu.region"() ({
        %run_scoped3A_721 = tpu.sem_alloc : memref<!tpu.dma_semaphore, #tpu.memory_space<semaphore_mem>>
        %dma_start3A_722 = arith.constant 0 : i32
        %dma_start3A_723 = tpu.memref_slice %arg8[%run_scoped3A_507, %dma_start3A_722] : memref<10x64xi32, #tpu.memory_space<vmem>> -> memref<1x64xi32, #tpu.memory_space<vmem>>
        %dma_start3A_724 = tpu.memref_squeeze %dma_start3A_723 : memref<1x64xi32, #tpu.memory_space<vmem>> -> memref<64xi32, #tpu.memory_space<vmem>>
        %dma_start3A_725 = arith.constant 0 : i32
        %dma_start3A_726 = arith.constant 0 : i32
        %dma_start3A_727 = tpu.memref_slice %arg11[%dma_start3A_725, %dma_start3A_726] : memref<10112x128xf32, #tpu.memory_space<vmem_shared>> -> memref<10112x128xf32, #tpu.memory_space<vmem_shared>>
        tpu.enqueue_indirect_dma source(%arg16 : memref<64x128xf32, #tpu.memory_space<vmem>>) target(%dma_start3A_727 : memref<10112x128xf32, #tpu.memory_space<vmem_shared>>) offsets(%dma_start3A_724 : memref<64xi32, #tpu.memory_space<vmem>>) semaphore(%run_scoped3A_721 : memref<!tpu.dma_semaphore, #tpu.memory_space<semaphore_mem>>) {add = true}
        %dma_wait3A_728 = arith.constant 0 : i32
        %dma_wait3A_729 = tpu.memref_slice %arg8[%run_scoped3A_507, %dma_wait3A_728] : memref<10x64xi32, #tpu.memory_space<vmem>> -> memref<1x64xi32, #tpu.memory_space<vmem>>
        %dma_wait3A_730 = tpu.memref_squeeze %dma_wait3A_729 : memref<1x64xi32, #tpu.memory_space<vmem>> -> memref<64xi32, #tpu.memory_space<vmem>>
        %dma_wait3A_731 = arith.constant 0 : i32
        %dma_wait3A_732 = arith.constant 0 : i32
        %dma_wait3A_733 = tpu.memref_slice %arg11[%dma_wait3A_731, %dma_wait3A_732] : memref<10112x128xf32, #tpu.memory_space<vmem_shared>> -> memref<10112x128xf32, #tpu.memory_space<vmem_shared>>
        tpu.wait_indirect_dma semaphore(%run_scoped3A_721 : memref<!tpu.dma_semaphore, #tpu.memory_space<semaphore_mem>>) src(%arg16 : memref<64x128xf32, #tpu.memory_space<vmem>>) dst(%dma_wait3A_733 : memref<10112x128xf32, #tpu.memory_space<vmem_shared>>)
        tpu.yield
      }) : () -> ()
      %dma_start3A_508 = arith.constant 4 : i32
      %dma_start3A_509 = arith.constant 0 : i32
      %dma_start3A_510 = tpu.memref_slice %arg9[%dma_start3A_508, %dma_start3A_509] : memref<10x64xi32, #tpu.memory_space<vmem>> -> memref<1x64xi32, #tpu.memory_space<vmem>>
      %dma_start3A_511 = tpu.memref_squeeze %dma_start3A_510 : memref<1x64xi32, #tpu.memory_space<vmem>> -> memref<64xi32, #tpu.memory_space<vmem>>
      %dma_start3A_512 = arith.constant 0 : i32
      %dma_start3A_513 = arith.constant 0 : i32
      %dma_start3A_514 = tpu.memref_slice %arg2[%dma_start3A_512, %dma_start3A_513] : memref<10000x128xf32, #tpu.memory_space<hbm>> -> memref<10000x128xf32, #tpu.memory_space<hbm>>
      tpu.enqueue_indirect_dma source(%dma_start3A_514 : memref<10000x128xf32, #tpu.memory_space<hbm>>) target(%arg16 : memref<64x128xf32, #tpu.memory_space<vmem>>) offsets(%dma_start3A_511 : memref<64xi32, #tpu.memory_space<vmem>>) semaphore(%arg21 : memref<!tpu.dma_semaphore, #tpu.memory_space<semaphore_mem>>)
      %add3A_515 = arith.constant 2 : i32
      %add3A_516 = arith.addi %mul3A_346, %add3A_515 : i32
      %dma_start3A_517 = arith.constant 0 : i32
      %dma_start3A_518 = arith.constant 0 : i32
      %dma_start3A_519 = tpu.memref_slice %arg3[%add3A, %add3A_516, %dma_start3A_517, %dma_start3A_518] : memref<32x16x10x64xi32, #tpu.memory_space<hbm>> -> memref<1x1x10x64xi32, #tpu.memory_space<hbm>>
      %dma_start3A_520 = tpu.memref_squeeze %dma_start3A_519 : memref<1x1x10x64xi32, #tpu.memory_space<hbm>> -> memref<10x64xi32, #tpu.memory_space<hbm>>
      %dma_start3A_521 = arith.constant 0 : i32
      %dma_start3A_522 = arith.constant 0 : i32
      %dma_start3A_523 = tpu.memref_slice %arg3[%add3A, %add3A_516, %dma_start3A_521, %dma_start3A_522] : memref<32x16x10x64xi32, #tpu.memory_space<hbm>> -> memref<1x1x10x64xi32, #tpu.memory_space<hbm>>
      %dma_start3A_524 = tpu.memref_squeeze %dma_start3A_523 : memref<1x1x10x64xi32, #tpu.memory_space<hbm>> -> memref<10x64xi32, #tpu.memory_space<hbm>>
      tpu.enqueue_dma source(%dma_start3A_524 : memref<10x64xi32, #tpu.memory_space<hbm>>) target(%arg7 : memref<10x64xi32, #tpu.memory_space<vmem>>) target_semaphore(%arg22 : memref<!tpu.dma_semaphore, #tpu.memory_space<semaphore_mem>>)
      %dma_start3A_525 = arith.constant 0 : i32
      %dma_start3A_526 = arith.constant 0 : i32
      %dma_start3A_527 = tpu.memref_slice %arg4[%add3A, %add3A_516, %dma_start3A_525, %dma_start3A_526] : memref<32x16x10x64xi32, #tpu.memory_space<hbm>> -> memref<1x1x10x64xi32, #tpu.memory_space<hbm>>
      %dma_start3A_528 = tpu.memref_squeeze %dma_start3A_527 : memref<1x1x10x64xi32, #tpu.memory_space<hbm>> -> memref<10x64xi32, #tpu.memory_space<hbm>>
      %dma_start3A_529 = arith.constant 0 : i32
      %dma_start3A_530 = arith.constant 0 : i32
      %dma_start3A_531 = tpu.memref_slice %arg4[%add3A, %add3A_516, %dma_start3A_529, %dma_start3A_530] : memref<32x16x10x64xi32, #tpu.memory_space<hbm>> -> memref<1x1x10x64xi32, #tpu.memory_space<hbm>>
      %dma_start3A_532 = tpu.memref_squeeze %dma_start3A_531 : memref<1x1x10x64xi32, #tpu.memory_space<hbm>> -> memref<10x64xi32, #tpu.memory_space<hbm>>
      tpu.enqueue_dma source(%dma_start3A_532 : memref<10x64xi32, #tpu.memory_space<hbm>>) target(%arg8 : memref<10x64xi32, #tpu.memory_space<vmem>>) target_semaphore(%arg22 : memref<!tpu.dma_semaphore, #tpu.memory_space<semaphore_mem>>)
      %add3A_533 = arith.constant 1 : i32
      %add3A_534 = arith.addi %mul3A_346, %add3A_533 : i32
      %dma_wait3A_535 = arith.constant 0 : i32
      %dma_wait3A_536 = arith.constant 0 : i32
      %dma_wait3A_537 = tpu.memref_slice %arg9[%dma_wait3A_535, %dma_wait3A_536] : memref<10x64xi32, #tpu.memory_space<vmem>> -> memref<1x64xi32, #tpu.memory_space<vmem>>
      %dma_wait3A_538 = tpu.memref_squeeze %dma_wait3A_537 : memref<1x64xi32, #tpu.memory_space<vmem>> -> memref<64xi32, #tpu.memory_space<vmem>>
      %dma_wait3A_539 = arith.constant 0 : i32
      %dma_wait3A_540 = arith.constant 0 : i32
      %dma_wait3A_541 = tpu.memref_slice %arg2[%dma_wait3A_539, %dma_wait3A_540] : memref<10000x128xf32, #tpu.memory_space<hbm>> -> memref<10000x128xf32, #tpu.memory_space<hbm>>
      tpu.wait_indirect_dma semaphore(%arg17 : memref<!tpu.dma_semaphore, #tpu.memory_space<semaphore_mem>>) src(%dma_wait3A_541 : memref<10000x128xf32, #tpu.memory_space<hbm>>) dst(%arg12 : memref<64x128xf32, #tpu.memory_space<vmem>>)
      %run_scoped3A_542 = arith.constant 0 : i32
      "tpu.region"() ({
        %run_scoped3A_721 = tpu.sem_alloc : memref<!tpu.dma_semaphore, #tpu.memory_space<semaphore_mem>>
        %dma_start3A_722 = arith.constant 0 : i32
        %dma_start3A_723 = tpu.memref_slice %arg10[%run_scoped3A_542, %dma_start3A_722] : memref<10x64xi32, #tpu.memory_space<vmem>> -> memref<1x64xi32, #tpu.memory_space<vmem>>
        %dma_start3A_724 = tpu.memref_squeeze %dma_start3A_723 : memref<1x64xi32, #tpu.memory_space<vmem>> -> memref<64xi32, #tpu.memory_space<vmem>>
        %dma_start3A_725 = arith.constant 0 : i32
        %dma_start3A_726 = arith.constant 0 : i32
        %dma_start3A_727 = tpu.memref_slice %arg11[%dma_start3A_725, %dma_start3A_726] : memref<10112x128xf32, #tpu.memory_space<vmem_shared>> -> memref<10112x128xf32, #tpu.memory_space<vmem_shared>>
        tpu.enqueue_indirect_dma source(%arg12 : memref<64x128xf32, #tpu.memory_space<vmem>>) target(%dma_start3A_727 : memref<10112x128xf32, #tpu.memory_space<vmem_shared>>) offsets(%dma_start3A_724 : memref<64xi32, #tpu.memory_space<vmem>>) semaphore(%run_scoped3A_721 : memref<!tpu.dma_semaphore, #tpu.memory_space<semaphore_mem>>) {add = true}
        %dma_wait3A_728 = arith.constant 0 : i32
        %dma_wait3A_729 = tpu.memref_slice %arg10[%run_scoped3A_542, %dma_wait3A_728] : memref<10x64xi32, #tpu.memory_space<vmem>> -> memref<1x64xi32, #tpu.memory_space<vmem>>
        %dma_wait3A_730 = tpu.memref_squeeze %dma_wait3A_729 : memref<1x64xi32, #tpu.memory_space<vmem>> -> memref<64xi32, #tpu.memory_space<vmem>>
        %dma_wait3A_731 = arith.constant 0 : i32
        %dma_wait3A_732 = arith.constant 0 : i32
        %dma_wait3A_733 = tpu.memref_slice %arg11[%dma_wait3A_731, %dma_wait3A_732] : memref<10112x128xf32, #tpu.memory_space<vmem_shared>> -> memref<10112x128xf32, #tpu.memory_space<vmem_shared>>
        tpu.wait_indirect_dma semaphore(%run_scoped3A_721 : memref<!tpu.dma_semaphore, #tpu.memory_space<semaphore_mem>>) src(%arg12 : memref<64x128xf32, #tpu.memory_space<vmem>>) dst(%dma_wait3A_733 : memref<10112x128xf32, #tpu.memory_space<vmem_shared>>)
        tpu.yield
      }) : () -> ()
      %dma_start3A_543 = arith.constant 5 : i32
      %dma_start3A_544 = arith.constant 0 : i32
      %dma_start3A_545 = tpu.memref_slice %arg9[%dma_start3A_543, %dma_start3A_544] : memref<10x64xi32, #tpu.memory_space<vmem>> -> memref<1x64xi32, #tpu.memory_space<vmem>>
      %dma_start3A_546 = tpu.memref_squeeze %dma_start3A_545 : memref<1x64xi32, #tpu.memory_space<vmem>> -> memref<64xi32, #tpu.memory_space<vmem>>
      %dma_start3A_547 = arith.constant 0 : i32
      %dma_start3A_548 = arith.constant 0 : i32
      %dma_start3A_549 = tpu.memref_slice %arg2[%dma_start3A_547, %dma_start3A_548] : memref<10000x128xf32, #tpu.memory_space<hbm>> -> memref<10000x128xf32, #tpu.memory_space<hbm>>
      tpu.enqueue_indirect_dma source(%dma_start3A_549 : memref<10000x128xf32, #tpu.memory_space<hbm>>) target(%arg12 : memref<64x128xf32, #tpu.memory_space<vmem>>) offsets(%dma_start3A_546 : memref<64xi32, #tpu.memory_space<vmem>>) semaphore(%arg17 : memref<!tpu.dma_semaphore, #tpu.memory_space<semaphore_mem>>)
      %dma_wait3A_550 = arith.constant 1 : i32
      %dma_wait3A_551 = arith.constant 0 : i32
      %dma_wait3A_552 = tpu.memref_slice %arg9[%dma_wait3A_550, %dma_wait3A_551] : memref<10x64xi32, #tpu.memory_space<vmem>> -> memref<1x64xi32, #tpu.memory_space<vmem>>
      %dma_wait3A_553 = tpu.memref_squeeze %dma_wait3A_552 : memref<1x64xi32, #tpu.memory_space<vmem>> -> memref<64xi32, #tpu.memory_space<vmem>>
      %dma_wait3A_554 = arith.constant 0 : i32
      %dma_wait3A_555 = arith.constant 0 : i32
      %dma_wait3A_556 = tpu.memref_slice %arg2[%dma_wait3A_554, %dma_wait3A_555] : memref<10000x128xf32, #tpu.memory_space<hbm>> -> memref<10000x128xf32, #tpu.memory_space<hbm>>
      tpu.wait_indirect_dma semaphore(%arg18 : memref<!tpu.dma_semaphore, #tpu.memory_space<semaphore_mem>>) src(%dma_wait3A_556 : memref<10000x128xf32, #tpu.memory_space<hbm>>) dst(%arg13 : memref<64x128xf32, #tpu.memory_space<vmem>>)
      %run_scoped3A_557 = arith.constant 1 : i32
      "tpu.region"() ({
        %run_scoped3A_721 = tpu.sem_alloc : memref<!tpu.dma_semaphore, #tpu.memory_space<semaphore_mem>>
        %dma_start3A_722 = arith.constant 0 : i32
        %dma_start3A_723 = tpu.memref_slice %arg10[%run_scoped3A_557, %dma_start3A_722] : memref<10x64xi32, #tpu.memory_space<vmem>> -> memref<1x64xi32, #tpu.memory_space<vmem>>
        %dma_start3A_724 = tpu.memref_squeeze %dma_start3A_723 : memref<1x64xi32, #tpu.memory_space<vmem>> -> memref<64xi32, #tpu.memory_space<vmem>>
        %dma_start3A_725 = arith.constant 0 : i32
        %dma_start3A_726 = arith.constant 0 : i32
        %dma_start3A_727 = tpu.memref_slice %arg11[%dma_start3A_725, %dma_start3A_726] : memref<10112x128xf32, #tpu.memory_space<vmem_shared>> -> memref<10112x128xf32, #tpu.memory_space<vmem_shared>>
        tpu.enqueue_indirect_dma source(%arg13 : memref<64x128xf32, #tpu.memory_space<vmem>>) target(%dma_start3A_727 : memref<10112x128xf32, #tpu.memory_space<vmem_shared>>) offsets(%dma_start3A_724 : memref<64xi32, #tpu.memory_space<vmem>>) semaphore(%run_scoped3A_721 : memref<!tpu.dma_semaphore, #tpu.memory_space<semaphore_mem>>) {add = true}
        %dma_wait3A_728 = arith.constant 0 : i32
        %dma_wait3A_729 = tpu.memref_slice %arg10[%run_scoped3A_557, %dma_wait3A_728] : memref<10x64xi32, #tpu.memory_space<vmem>> -> memref<1x64xi32, #tpu.memory_space<vmem>>
        %dma_wait3A_730 = tpu.memref_squeeze %dma_wait3A_729 : memref<1x64xi32, #tpu.memory_space<vmem>> -> memref<64xi32, #tpu.memory_space<vmem>>
        %dma_wait3A_731 = arith.constant 0 : i32
        %dma_wait3A_732 = arith.constant 0 : i32
        %dma_wait3A_733 = tpu.memref_slice %arg11[%dma_wait3A_731, %dma_wait3A_732] : memref<10112x128xf32, #tpu.memory_space<vmem_shared>> -> memref<10112x128xf32, #tpu.memory_space<vmem_shared>>
        tpu.wait_indirect_dma semaphore(%run_scoped3A_721 : memref<!tpu.dma_semaphore, #tpu.memory_space<semaphore_mem>>) src(%arg13 : memref<64x128xf32, #tpu.memory_space<vmem>>) dst(%dma_wait3A_733 : memref<10112x128xf32, #tpu.memory_space<vmem_shared>>)
        tpu.yield
      }) : () -> ()
      %dma_start3A_558 = arith.constant 6 : i32
      %dma_start3A_559 = arith.constant 0 : i32
      %dma_start3A_560 = tpu.memref_slice %arg9[%dma_start3A_558, %dma_start3A_559] : memref<10x64xi32, #tpu.memory_space<vmem>> -> memref<1x64xi32, #tpu.memory_space<vmem>>
      %dma_start3A_561 = tpu.memref_squeeze %dma_start3A_560 : memref<1x64xi32, #tpu.memory_space<vmem>> -> memref<64xi32, #tpu.memory_space<vmem>>
      %dma_start3A_562 = arith.constant 0 : i32
      %dma_start3A_563 = arith.constant 0 : i32
      %dma_start3A_564 = tpu.memref_slice %arg2[%dma_start3A_562, %dma_start3A_563] : memref<10000x128xf32, #tpu.memory_space<hbm>> -> memref<10000x128xf32, #tpu.memory_space<hbm>>
      tpu.enqueue_indirect_dma source(%dma_start3A_564 : memref<10000x128xf32, #tpu.memory_space<hbm>>) target(%arg13 : memref<64x128xf32, #tpu.memory_space<vmem>>) offsets(%dma_start3A_561 : memref<64xi32, #tpu.memory_space<vmem>>) semaphore(%arg18 : memref<!tpu.dma_semaphore, #tpu.memory_space<semaphore_mem>>)
      %dma_wait3A_565 = arith.constant 2 : i32
      %dma_wait3A_566 = arith.constant 0 : i32
      %dma_wait3A_567 = tpu.memref_slice %arg9[%dma_wait3A_565, %dma_wait3A_566] : memref<10x64xi32, #tpu.memory_space<vmem>> -> memref<1x64xi32, #tpu.memory_space<vmem>>
      %dma_wait3A_568 = tpu.memref_squeeze %dma_wait3A_567 : memref<1x64xi32, #tpu.memory_space<vmem>> -> memref<64xi32, #tpu.memory_space<vmem>>
      %dma_wait3A_569 = arith.constant 0 : i32
      %dma_wait3A_570 = arith.constant 0 : i32
      %dma_wait3A_571 = tpu.memref_slice %arg2[%dma_wait3A_569, %dma_wait3A_570] : memref<10000x128xf32, #tpu.memory_space<hbm>> -> memref<10000x128xf32, #tpu.memory_space<hbm>>
      tpu.wait_indirect_dma semaphore(%arg19 : memref<!tpu.dma_semaphore, #tpu.memory_space<semaphore_mem>>) src(%dma_wait3A_571 : memref<10000x128xf32, #tpu.memory_space<hbm>>) dst(%arg14 : memref<64x128xf32, #tpu.memory_space<vmem>>)
      %run_scoped3A_572 = arith.constant 2 : i32
      "tpu.region"() ({
        %run_scoped3A_721 = tpu.sem_alloc : memref<!tpu.dma_semaphore, #tpu.memory_space<semaphore_mem>>
        %dma_start3A_722 = arith.constant 0 : i32
        %dma_start3A_723 = tpu.memref_slice %arg10[%run_scoped3A_572, %dma_start3A_722] : memref<10x64xi32, #tpu.memory_space<vmem>> -> memref<1x64xi32, #tpu.memory_space<vmem>>
        %dma_start3A_724 = tpu.memref_squeeze %dma_start3A_723 : memref<1x64xi32, #tpu.memory_space<vmem>> -> memref<64xi32, #tpu.memory_space<vmem>>
        %dma_start3A_725 = arith.constant 0 : i32
        %dma_start3A_726 = arith.constant 0 : i32
        %dma_start3A_727 = tpu.memref_slice %arg11[%dma_start3A_725, %dma_start3A_726] : memref<10112x128xf32, #tpu.memory_space<vmem_shared>> -> memref<10112x128xf32, #tpu.memory_space<vmem_shared>>
        tpu.enqueue_indirect_dma source(%arg14 : memref<64x128xf32, #tpu.memory_space<vmem>>) target(%dma_start3A_727 : memref<10112x128xf32, #tpu.memory_space<vmem_shared>>) offsets(%dma_start3A_724 : memref<64xi32, #tpu.memory_space<vmem>>) semaphore(%run_scoped3A_721 : memref<!tpu.dma_semaphore, #tpu.memory_space<semaphore_mem>>) {add = true}
        %dma_wait3A_728 = arith.constant 0 : i32
        %dma_wait3A_729 = tpu.memref_slice %arg10[%run_scoped3A_572, %dma_wait3A_728] : memref<10x64xi32, #tpu.memory_space<vmem>> -> memref<1x64xi32, #tpu.memory_space<vmem>>
        %dma_wait3A_730 = tpu.memref_squeeze %dma_wait3A_729 : memref<1x64xi32, #tpu.memory_space<vmem>> -> memref<64xi32, #tpu.memory_space<vmem>>
        %dma_wait3A_731 = arith.constant 0 : i32
        %dma_wait3A_732 = arith.constant 0 : i32
        %dma_wait3A_733 = tpu.memref_slice %arg11[%dma_wait3A_731, %dma_wait3A_732] : memref<10112x128xf32, #tpu.memory_space<vmem_shared>> -> memref<10112x128xf32, #tpu.memory_space<vmem_shared>>
        tpu.wait_indirect_dma semaphore(%run_scoped3A_721 : memref<!tpu.dma_semaphore, #tpu.memory_space<semaphore_mem>>) src(%arg14 : memref<64x128xf32, #tpu.memory_space<vmem>>) dst(%dma_wait3A_733 : memref<10112x128xf32, #tpu.memory_space<vmem_shared>>)
        tpu.yield
      }) : () -> ()
      %dma_start3A_573 = arith.constant 7 : i32
      %dma_start3A_574 = arith.constant 0 : i32
      %dma_start3A_575 = tpu.memref_slice %arg9[%dma_start3A_573, %dma_start3A_574] : memref<10x64xi32, #tpu.memory_space<vmem>> -> memref<1x64xi32, #tpu.memory_space<vmem>>
      %dma_start3A_576 = tpu.memref_squeeze %dma_start3A_575 : memref<1x64xi32, #tpu.memory_space<vmem>> -> memref<64xi32, #tpu.memory_space<vmem>>
      %dma_start3A_577 = arith.constant 0 : i32
      %dma_start3A_578 = arith.constant 0 : i32
      %dma_start3A_579 = tpu.memref_slice %arg2[%dma_start3A_577, %dma_start3A_578] : memref<10000x128xf32, #tpu.memory_space<hbm>> -> memref<10000x128xf32, #tpu.memory_space<hbm>>
      tpu.enqueue_indirect_dma source(%dma_start3A_579 : memref<10000x128xf32, #tpu.memory_space<hbm>>) target(%arg14 : memref<64x128xf32, #tpu.memory_space<vmem>>) offsets(%dma_start3A_576 : memref<64xi32, #tpu.memory_space<vmem>>) semaphore(%arg19 : memref<!tpu.dma_semaphore, #tpu.memory_space<semaphore_mem>>)
      %dma_wait3A_580 = arith.constant 3 : i32
      %dma_wait3A_581 = arith.constant 0 : i32
      %dma_wait3A_582 = tpu.memref_slice %arg9[%dma_wait3A_580, %dma_wait3A_581] : memref<10x64xi32, #tpu.memory_space<vmem>> -> memref<1x64xi32, #tpu.memory_space<vmem>>
      %dma_wait3A_583 = tpu.memref_squeeze %dma_wait3A_582 : memref<1x64xi32, #tpu.memory_space<vmem>> -> memref<64xi32, #tpu.memory_space<vmem>>
      %dma_wait3A_584 = arith.constant 0 : i32
      %dma_wait3A_585 = arith.constant 0 : i32
      %dma_wait3A_586 = tpu.memref_slice %arg2[%dma_wait3A_584, %dma_wait3A_585] : memref<10000x128xf32, #tpu.memory_space<hbm>> -> memref<10000x128xf32, #tpu.memory_space<hbm>>
      tpu.wait_indirect_dma semaphore(%arg20 : memref<!tpu.dma_semaphore, #tpu.memory_space<semaphore_mem>>) src(%dma_wait3A_586 : memref<10000x128xf32, #tpu.memory_space<hbm>>) dst(%arg15 : memref<64x128xf32, #tpu.memory_space<vmem>>)
      %run_scoped3A_587 = arith.constant 3 : i32
      "tpu.region"() ({
        %run_scoped3A_721 = tpu.sem_alloc : memref<!tpu.dma_semaphore, #tpu.memory_space<semaphore_mem>>
        %dma_start3A_722 = arith.constant 0 : i32
        %dma_start3A_723 = tpu.memref_slice %arg10[%run_scoped3A_587, %dma_start3A_722] : memref<10x64xi32, #tpu.memory_space<vmem>> -> memref<1x64xi32, #tpu.memory_space<vmem>>
        %dma_start3A_724 = tpu.memref_squeeze %dma_start3A_723 : memref<1x64xi32, #tpu.memory_space<vmem>> -> memref<64xi32, #tpu.memory_space<vmem>>
        %dma_start3A_725 = arith.constant 0 : i32
        %dma_start3A_726 = arith.constant 0 : i32
        %dma_start3A_727 = tpu.memref_slice %arg11[%dma_start3A_725, %dma_start3A_726] : memref<10112x128xf32, #tpu.memory_space<vmem_shared>> -> memref<10112x128xf32, #tpu.memory_space<vmem_shared>>
        tpu.enqueue_indirect_dma source(%arg15 : memref<64x128xf32, #tpu.memory_space<vmem>>) target(%dma_start3A_727 : memref<10112x128xf32, #tpu.memory_space<vmem_shared>>) offsets(%dma_start3A_724 : memref<64xi32, #tpu.memory_space<vmem>>) semaphore(%run_scoped3A_721 : memref<!tpu.dma_semaphore, #tpu.memory_space<semaphore_mem>>) {add = true}
        %dma_wait3A_728 = arith.constant 0 : i32
        %dma_wait3A_729 = tpu.memref_slice %arg10[%run_scoped3A_587, %dma_wait3A_728] : memref<10x64xi32, #tpu.memory_space<vmem>> -> memref<1x64xi32, #tpu.memory_space<vmem>>
        %dma_wait3A_730 = tpu.memref_squeeze %dma_wait3A_729 : memref<1x64xi32, #tpu.memory_space<vmem>> -> memref<64xi32, #tpu.memory_space<vmem>>
        %dma_wait3A_731 = arith.constant 0 : i32
        %dma_wait3A_732 = arith.constant 0 : i32
        %dma_wait3A_733 = tpu.memref_slice %arg11[%dma_wait3A_731, %dma_wait3A_732] : memref<10112x128xf32, #tpu.memory_space<vmem_shared>> -> memref<10112x128xf32, #tpu.memory_space<vmem_shared>>
        tpu.wait_indirect_dma semaphore(%run_scoped3A_721 : memref<!tpu.dma_semaphore, #tpu.memory_space<semaphore_mem>>) src(%arg15 : memref<64x128xf32, #tpu.memory_space<vmem>>) dst(%dma_wait3A_733 : memref<10112x128xf32, #tpu.memory_space<vmem_shared>>)
        tpu.yield
      }) : () -> ()
      %dma_start3A_588 = arith.constant 8 : i32
      %dma_start3A_589 = arith.constant 0 : i32
      %dma_start3A_590 = tpu.memref_slice %arg9[%dma_start3A_588, %dma_start3A_589] : memref<10x64xi32, #tpu.memory_space<vmem>> -> memref<1x64xi32, #tpu.memory_space<vmem>>
      %dma_start3A_591 = tpu.memref_squeeze %dma_start3A_590 : memref<1x64xi32, #tpu.memory_space<vmem>> -> memref<64xi32, #tpu.memory_space<vmem>>
      %dma_start3A_592 = arith.constant 0 : i32
      %dma_start3A_593 = arith.constant 0 : i32
      %dma_start3A_594 = tpu.memref_slice %arg2[%dma_start3A_592, %dma_start3A_593] : memref<10000x128xf32, #tpu.memory_space<hbm>> -> memref<10000x128xf32, #tpu.memory_space<hbm>>
      tpu.enqueue_indirect_dma source(%dma_start3A_594 : memref<10000x128xf32, #tpu.memory_space<hbm>>) target(%arg15 : memref<64x128xf32, #tpu.memory_space<vmem>>) offsets(%dma_start3A_591 : memref<64xi32, #tpu.memory_space<vmem>>) semaphore(%arg20 : memref<!tpu.dma_semaphore, #tpu.memory_space<semaphore_mem>>)
      %dma_wait3A_595 = arith.constant 4 : i32
      %dma_wait3A_596 = arith.constant 0 : i32
      %dma_wait3A_597 = tpu.memref_slice %arg9[%dma_wait3A_595, %dma_wait3A_596] : memref<10x64xi32, #tpu.memory_space<vmem>> -> memref<1x64xi32, #tpu.memory_space<vmem>>
      %dma_wait3A_598 = tpu.memref_squeeze %dma_wait3A_597 : memref<1x64xi32, #tpu.memory_space<vmem>> -> memref<64xi32, #tpu.memory_space<vmem>>
      %dma_wait3A_599 = arith.constant 0 : i32
      %dma_wait3A_600 = arith.constant 0 : i32
      %dma_wait3A_601 = tpu.memref_slice %arg2[%dma_wait3A_599, %dma_wait3A_600] : memref<10000x128xf32, #tpu.memory_space<hbm>> -> memref<10000x128xf32, #tpu.memory_space<hbm>>
      tpu.wait_indirect_dma semaphore(%arg21 : memref<!tpu.dma_semaphore, #tpu.memory_space<semaphore_mem>>) src(%dma_wait3A_601 : memref<10000x128xf32, #tpu.memory_space<hbm>>) dst(%arg16 : memref<64x128xf32, #tpu.memory_space<vmem>>)
      %run_scoped3A_602 = arith.constant 4 : i32
      "tpu.region"() ({
        %run_scoped3A_721 = tpu.sem_alloc : memref<!tpu.dma_semaphore, #tpu.memory_space<semaphore_mem>>
        %dma_start3A_722 = arith.constant 0 : i32
        %dma_start3A_723 = tpu.memref_slice %arg10[%run_scoped3A_602, %dma_start3A_722] : memref<10x64xi32, #tpu.memory_space<vmem>> -> memref<1x64xi32, #tpu.memory_space<vmem>>
        %dma_start3A_724 = tpu.memref_squeeze %dma_start3A_723 : memref<1x64xi32, #tpu.memory_space<vmem>> -> memref<64xi32, #tpu.memory_space<vmem>>
        %dma_start3A_725 = arith.constant 0 : i32
        %dma_start3A_726 = arith.constant 0 : i32
        %dma_start3A_727 = tpu.memref_slice %arg11[%dma_start3A_725, %dma_start3A_726] : memref<10112x128xf32, #tpu.memory_space<vmem_shared>> -> memref<10112x128xf32, #tpu.memory_space<vmem_shared>>
        tpu.enqueue_indirect_dma source(%arg16 : memref<64x128xf32, #tpu.memory_space<vmem>>) target(%dma_start3A_727 : memref<10112x128xf32, #tpu.memory_space<vmem_shared>>) offsets(%dma_start3A_724 : memref<64xi32, #tpu.memory_space<vmem>>) semaphore(%run_scoped3A_721 : memref<!tpu.dma_semaphore, #tpu.memory_space<semaphore_mem>>) {add = true}
        %dma_wait3A_728 = arith.constant 0 : i32
        %dma_wait3A_729 = tpu.memref_slice %arg10[%run_scoped3A_602, %dma_wait3A_728] : memref<10x64xi32, #tpu.memory_space<vmem>> -> memref<1x64xi32, #tpu.memory_space<vmem>>
        %dma_wait3A_730 = tpu.memref_squeeze %dma_wait3A_729 : memref<1x64xi32, #tpu.memory_space<vmem>> -> memref<64xi32, #tpu.memory_space<vmem>>
        %dma_wait3A_731 = arith.constant 0 : i32
        %dma_wait3A_732 = arith.constant 0 : i32
        %dma_wait3A_733 = tpu.memref_slice %arg11[%dma_wait3A_731, %dma_wait3A_732] : memref<10112x128xf32, #tpu.memory_space<vmem_shared>> -> memref<10112x128xf32, #tpu.memory_space<vmem_shared>>
        tpu.wait_indirect_dma semaphore(%run_scoped3A_721 : memref<!tpu.dma_semaphore, #tpu.memory_space<semaphore_mem>>) src(%arg16 : memref<64x128xf32, #tpu.memory_space<vmem>>) dst(%dma_wait3A_733 : memref<10112x128xf32, #tpu.memory_space<vmem_shared>>)
        tpu.yield
      }) : () -> ()
      %dma_start3A_603 = arith.constant 9 : i32
      %dma_start3A_604 = arith.constant 0 : i32
      %dma_start3A_605 = tpu.memref_slice %arg9[%dma_start3A_603, %dma_start3A_604] : memref<10x64xi32, #tpu.memory_space<vmem>> -> memref<1x64xi32, #tpu.memory_space<vmem>>
      %dma_start3A_606 = tpu.memref_squeeze %dma_start3A_605 : memref<1x64xi32, #tpu.memory_space<vmem>> -> memref<64xi32, #tpu.memory_space<vmem>>
      %dma_start3A_607 = arith.constant 0 : i32
      %dma_start3A_608 = arith.constant 0 : i32
      %dma_start3A_609 = tpu.memref_slice %arg2[%dma_start3A_607, %dma_start3A_608] : memref<10000x128xf32, #tpu.memory_space<hbm>> -> memref<10000x128xf32, #tpu.memory_space<hbm>>
      tpu.enqueue_indirect_dma source(%dma_start3A_609 : memref<10000x128xf32, #tpu.memory_space<hbm>>) target(%arg16 : memref<64x128xf32, #tpu.memory_space<vmem>>) offsets(%dma_start3A_606 : memref<64xi32, #tpu.memory_space<vmem>>) semaphore(%arg21 : memref<!tpu.dma_semaphore, #tpu.memory_space<semaphore_mem>>)
      %add3A_610 = arith.constant 1 : i32
      %add3A_611 = arith.addi %add3A_534, %add3A_610 : i32
      %dma_wait3A_612 = arith.constant 0 : i32
      %dma_wait3A_613 = arith.constant 0 : i32
      %dma_wait3A_614 = tpu.memref_slice %arg3[%add3A, %add3A_611, %dma_wait3A_612, %dma_wait3A_613] : memref<32x16x10x64xi32, #tpu.memory_space<hbm>> -> memref<1x1x10x64xi32, #tpu.memory_space<hbm>>
      %dma_wait3A_615 = tpu.memref_squeeze %dma_wait3A_614 : memref<1x1x10x64xi32, #tpu.memory_space<hbm>> -> memref<10x64xi32, #tpu.memory_space<hbm>>
      %dma_wait3A_616 = arith.constant 0 : i32
      %dma_wait3A_617 = arith.constant 0 : i32
      %dma_wait3A_618 = tpu.memref_slice %arg3[%add3A, %add3A_611, %dma_wait3A_616, %dma_wait3A_617] : memref<32x16x10x64xi32, #tpu.memory_space<hbm>> -> memref<1x1x10x64xi32, #tpu.memory_space<hbm>>
      %dma_wait3A_619 = tpu.memref_squeeze %dma_wait3A_618 : memref<1x1x10x64xi32, #tpu.memory_space<hbm>> -> memref<10x64xi32, #tpu.memory_space<hbm>>
      tpu.wait_dma2 semaphore(%arg22 : memref<!tpu.dma_semaphore, #tpu.memory_space<semaphore_mem>>) src(%dma_wait3A_619 : memref<10x64xi32, #tpu.memory_space<hbm>>) dst(%arg7 : memref<10x64xi32, #tpu.memory_space<vmem>>)
      %dma_wait3A_620 = arith.constant 0 : i32
      %dma_wait3A_621 = arith.constant 0 : i32
      %dma_wait3A_622 = tpu.memref_slice %arg4[%add3A, %add3A_611, %dma_wait3A_620, %dma_wait3A_621] : memref<32x16x10x64xi32, #tpu.memory_space<hbm>> -> memref<1x1x10x64xi32, #tpu.memory_space<hbm>>
      %dma_wait3A_623 = tpu.memref_squeeze %dma_wait3A_622 : memref<1x1x10x64xi32, #tpu.memory_space<hbm>> -> memref<10x64xi32, #tpu.memory_space<hbm>>
      %dma_wait3A_624 = arith.constant 0 : i32
      %dma_wait3A_625 = arith.constant 0 : i32
      %dma_wait3A_626 = tpu.memref_slice %arg4[%add3A, %add3A_611, %dma_wait3A_624, %dma_wait3A_625] : memref<32x16x10x64xi32, #tpu.memory_space<hbm>> -> memref<1x1x10x64xi32, #tpu.memory_space<hbm>>
      %dma_wait3A_627 = tpu.memref_squeeze %dma_wait3A_626 : memref<1x1x10x64xi32, #tpu.memory_space<hbm>> -> memref<10x64xi32, #tpu.memory_space<hbm>>
      tpu.wait_dma2 semaphore(%arg22 : memref<!tpu.dma_semaphore, #tpu.memory_space<semaphore_mem>>) src(%dma_wait3A_627 : memref<10x64xi32, #tpu.memory_space<hbm>>) dst(%arg8 : memref<10x64xi32, #tpu.memory_space<vmem>>)
      %dma_wait3A_628 = arith.constant 5 : i32
      %dma_wait3A_629 = arith.constant 0 : i32
      %dma_wait3A_630 = tpu.memref_slice %arg9[%dma_wait3A_628, %dma_wait3A_629] : memref<10x64xi32, #tpu.memory_space<vmem>> -> memref<1x64xi32, #tpu.memory_space<vmem>>
      %dma_wait3A_631 = tpu.memref_squeeze %dma_wait3A_630 : memref<1x64xi32, #tpu.memory_space<vmem>> -> memref<64xi32, #tpu.memory_space<vmem>>
      %dma_wait3A_632 = arith.constant 0 : i32
      %dma_wait3A_633 = arith.constant 0 : i32
      %dma_wait3A_634 = tpu.memref_slice %arg2[%dma_wait3A_632, %dma_wait3A_633] : memref<10000x128xf32, #tpu.memory_space<hbm>> -> memref<10000x128xf32, #tpu.memory_space<hbm>>
      tpu.wait_indirect_dma semaphore(%arg17 : memref<!tpu.dma_semaphore, #tpu.memory_space<semaphore_mem>>) src(%dma_wait3A_634 : memref<10000x128xf32, #tpu.memory_space<hbm>>) dst(%arg12 : memref<64x128xf32, #tpu.memory_space<vmem>>)
      %run_scoped3A_635 = arith.constant 5 : i32
      "tpu.region"() ({
        %run_scoped3A_721 = tpu.sem_alloc : memref<!tpu.dma_semaphore, #tpu.memory_space<semaphore_mem>>
        %dma_start3A_722 = arith.constant 0 : i32
        %dma_start3A_723 = tpu.memref_slice %arg10[%run_scoped3A_635, %dma_start3A_722] : memref<10x64xi32, #tpu.memory_space<vmem>> -> memref<1x64xi32, #tpu.memory_space<vmem>>
        %dma_start3A_724 = tpu.memref_squeeze %dma_start3A_723 : memref<1x64xi32, #tpu.memory_space<vmem>> -> memref<64xi32, #tpu.memory_space<vmem>>
        %dma_start3A_725 = arith.constant 0 : i32
        %dma_start3A_726 = arith.constant 0 : i32
        %dma_start3A_727 = tpu.memref_slice %arg11[%dma_start3A_725, %dma_start3A_726] : memref<10112x128xf32, #tpu.memory_space<vmem_shared>> -> memref<10112x128xf32, #tpu.memory_space<vmem_shared>>
        tpu.enqueue_indirect_dma source(%arg12 : memref<64x128xf32, #tpu.memory_space<vmem>>) target(%dma_start3A_727 : memref<10112x128xf32, #tpu.memory_space<vmem_shared>>) offsets(%dma_start3A_724 : memref<64xi32, #tpu.memory_space<vmem>>) semaphore(%run_scoped3A_721 : memref<!tpu.dma_semaphore, #tpu.memory_space<semaphore_mem>>) {add = true}
        %dma_wait3A_728 = arith.constant 0 : i32
        %dma_wait3A_729 = tpu.memref_slice %arg10[%run_scoped3A_635, %dma_wait3A_728] : memref<10x64xi32, #tpu.memory_space<vmem>> -> memref<1x64xi32, #tpu.memory_space<vmem>>
        %dma_wait3A_730 = tpu.memref_squeeze %dma_wait3A_729 : memref<1x64xi32, #tpu.memory_space<vmem>> -> memref<64xi32, #tpu.memory_space<vmem>>
        %dma_wait3A_731 = arith.constant 0 : i32
        %dma_wait3A_732 = arith.constant 0 : i32
        %dma_wait3A_733 = tpu.memref_slice %arg11[%dma_wait3A_731, %dma_wait3A_732] : memref<10112x128xf32, #tpu.memory_space<vmem_shared>> -> memref<10112x128xf32, #tpu.memory_space<vmem_shared>>
        tpu.wait_indirect_dma semaphore(%run_scoped3A_721 : memref<!tpu.dma_semaphore, #tpu.memory_space<semaphore_mem>>) src(%arg12 : memref<64x128xf32, #tpu.memory_space<vmem>>) dst(%dma_wait3A_733 : memref<10112x128xf32, #tpu.memory_space<vmem_shared>>)
        tpu.yield
      }) : () -> ()
      %dma_start3A_636 = arith.constant 0 : i32
      %dma_start3A_637 = arith.constant 0 : i32
      %dma_start3A_638 = tpu.memref_slice %arg7[%dma_start3A_636, %dma_start3A_637] : memref<10x64xi32, #tpu.memory_space<vmem>> -> memref<1x64xi32, #tpu.memory_space<vmem>>
      %dma_start3A_639 = tpu.memref_squeeze %dma_start3A_638 : memref<1x64xi32, #tpu.memory_space<vmem>> -> memref<64xi32, #tpu.memory_space<vmem>>
      %dma_start3A_640 = arith.constant 0 : i32
      %dma_start3A_641 = arith.constant 0 : i32
      %dma_start3A_642 = tpu.memref_slice %arg2[%dma_start3A_640, %dma_start3A_641] : memref<10000x128xf32, #tpu.memory_space<hbm>> -> memref<10000x128xf32, #tpu.memory_space<hbm>>
      tpu.enqueue_indirect_dma source(%dma_start3A_642 : memref<10000x128xf32, #tpu.memory_space<hbm>>) target(%arg12 : memref<64x128xf32, #tpu.memory_space<vmem>>) offsets(%dma_start3A_639 : memref<64xi32, #tpu.memory_space<vmem>>) semaphore(%arg17 : memref<!tpu.dma_semaphore, #tpu.memory_space<semaphore_mem>>)
      %dma_wait3A_643 = arith.constant 6 : i32
      %dma_wait3A_644 = arith.constant 0 : i32
      %dma_wait3A_645 = tpu.memref_slice %arg9[%dma_wait3A_643, %dma_wait3A_644] : memref<10x64xi32, #tpu.memory_space<vmem>> -> memref<1x64xi32, #tpu.memory_space<vmem>>
      %dma_wait3A_646 = tpu.memref_squeeze %dma_wait3A_645 : memref<1x64xi32, #tpu.memory_space<vmem>> -> memref<64xi32, #tpu.memory_space<vmem>>
      %dma_wait3A_647 = arith.constant 0 : i32
      %dma_wait3A_648 = arith.constant 0 : i32
      %dma_wait3A_649 = tpu.memref_slice %arg2[%dma_wait3A_647, %dma_wait3A_648] : memref<10000x128xf32, #tpu.memory_space<hbm>> -> memref<10000x128xf32, #tpu.memory_space<hbm>>
      tpu.wait_indirect_dma semaphore(%arg18 : memref<!tpu.dma_semaphore, #tpu.memory_space<semaphore_mem>>) src(%dma_wait3A_649 : memref<10000x128xf32, #tpu.memory_space<hbm>>) dst(%arg13 : memref<64x128xf32, #tpu.memory_space<vmem>>)
      %run_scoped3A_650 = arith.constant 6 : i32
      "tpu.region"() ({
        %run_scoped3A_721 = tpu.sem_alloc : memref<!tpu.dma_semaphore, #tpu.memory_space<semaphore_mem>>
        %dma_start3A_722 = arith.constant 0 : i32
        %dma_start3A_723 = tpu.memref_slice %arg10[%run_scoped3A_650, %dma_start3A_722] : memref<10x64xi32, #tpu.memory_space<vmem>> -> memref<1x64xi32, #tpu.memory_space<vmem>>
        %dma_start3A_724 = tpu.memref_squeeze %dma_start3A_723 : memref<1x64xi32, #tpu.memory_space<vmem>> -> memref<64xi32, #tpu.memory_space<vmem>>
        %dma_start3A_725 = arith.constant 0 : i32
        %dma_start3A_726 = arith.constant 0 : i32
        %dma_start3A_727 = tpu.memref_slice %arg11[%dma_start3A_725, %dma_start3A_726] : memref<10112x128xf32, #tpu.memory_space<vmem_shared>> -> memref<10112x128xf32, #tpu.memory_space<vmem_shared>>
        tpu.enqueue_indirect_dma source(%arg13 : memref<64x128xf32, #tpu.memory_space<vmem>>) target(%dma_start3A_727 : memref<10112x128xf32, #tpu.memory_space<vmem_shared>>) offsets(%dma_start3A_724 : memref<64xi32, #tpu.memory_space<vmem>>) semaphore(%run_scoped3A_721 : memref<!tpu.dma_semaphore, #tpu.memory_space<semaphore_mem>>) {add = true}
        %dma_wait3A_728 = arith.constant 0 : i32
        %dma_wait3A_729 = tpu.memref_slice %arg10[%run_scoped3A_650, %dma_wait3A_728] : memref<10x64xi32, #tpu.memory_space<vmem>> -> memref<1x64xi32, #tpu.memory_space<vmem>>
        %dma_wait3A_730 = tpu.memref_squeeze %dma_wait3A_729 : memref<1x64xi32, #tpu.memory_space<vmem>> -> memref<64xi32, #tpu.memory_space<vmem>>
        %dma_wait3A_731 = arith.constant 0 : i32
        %dma_wait3A_732 = arith.constant 0 : i32
        %dma_wait3A_733 = tpu.memref_slice %arg11[%dma_wait3A_731, %dma_wait3A_732] : memref<10112x128xf32, #tpu.memory_space<vmem_shared>> -> memref<10112x128xf32, #tpu.memory_space<vmem_shared>>
        tpu.wait_indirect_dma semaphore(%run_scoped3A_721 : memref<!tpu.dma_semaphore, #tpu.memory_space<semaphore_mem>>) src(%arg13 : memref<64x128xf32, #tpu.memory_space<vmem>>) dst(%dma_wait3A_733 : memref<10112x128xf32, #tpu.memory_space<vmem_shared>>)
        tpu.yield
      }) : () -> ()
      %dma_start3A_651 = arith.constant 1 : i32
      %dma_start3A_652 = arith.constant 0 : i32
      %dma_start3A_653 = tpu.memref_slice %arg7[%dma_start3A_651, %dma_start3A_652] : memref<10x64xi32, #tpu.memory_space<vmem>> -> memref<1x64xi32, #tpu.memory_space<vmem>>
      %dma_start3A_654 = tpu.memref_squeeze %dma_start3A_653 : memref<1x64xi32, #tpu.memory_space<vmem>> -> memref<64xi32, #tpu.memory_space<vmem>>
      %dma_start3A_655 = arith.constant 0 : i32
      %dma_start3A_656 = arith.constant 0 : i32
      %dma_start3A_657 = tpu.memref_slice %arg2[%dma_start3A_655, %dma_start3A_656] : memref<10000x128xf32, #tpu.memory_space<hbm>> -> memref<10000x128xf32, #tpu.memory_space<hbm>>
      tpu.enqueue_indirect_dma source(%dma_start3A_657 : memref<10000x128xf32, #tpu.memory_space<hbm>>) target(%arg13 : memref<64x128xf32, #tpu.memory_space<vmem>>) offsets(%dma_start3A_654 : memref<64xi32, #tpu.memory_space<vmem>>) semaphore(%arg18 : memref<!tpu.dma_semaphore, #tpu.memory_space<semaphore_mem>>)
      %dma_wait3A_658 = arith.constant 7 : i32
      %dma_wait3A_659 = arith.constant 0 : i32
      %dma_wait3A_660 = tpu.memref_slice %arg9[%dma_wait3A_658, %dma_wait3A_659] : memref<10x64xi32, #tpu.memory_space<vmem>> -> memref<1x64xi32, #tpu.memory_space<vmem>>
      %dma_wait3A_661 = tpu.memref_squeeze %dma_wait3A_660 : memref<1x64xi32, #tpu.memory_space<vmem>> -> memref<64xi32, #tpu.memory_space<vmem>>
      %dma_wait3A_662 = arith.constant 0 : i32
      %dma_wait3A_663 = arith.constant 0 : i32
      %dma_wait3A_664 = tpu.memref_slice %arg2[%dma_wait3A_662, %dma_wait3A_663] : memref<10000x128xf32, #tpu.memory_space<hbm>> -> memref<10000x128xf32, #tpu.memory_space<hbm>>
      tpu.wait_indirect_dma semaphore(%arg19 : memref<!tpu.dma_semaphore, #tpu.memory_space<semaphore_mem>>) src(%dma_wait3A_664 : memref<10000x128xf32, #tpu.memory_space<hbm>>) dst(%arg14 : memref<64x128xf32, #tpu.memory_space<vmem>>)
      %run_scoped3A_665 = arith.constant 7 : i32
      "tpu.region"() ({
        %run_scoped3A_721 = tpu.sem_alloc : memref<!tpu.dma_semaphore, #tpu.memory_space<semaphore_mem>>
        %dma_start3A_722 = arith.constant 0 : i32
        %dma_start3A_723 = tpu.memref_slice %arg10[%run_scoped3A_665, %dma_start3A_722] : memref<10x64xi32, #tpu.memory_space<vmem>> -> memref<1x64xi32, #tpu.memory_space<vmem>>
        %dma_start3A_724 = tpu.memref_squeeze %dma_start3A_723 : memref<1x64xi32, #tpu.memory_space<vmem>> -> memref<64xi32, #tpu.memory_space<vmem>>
        %dma_start3A_725 = arith.constant 0 : i32
        %dma_start3A_726 = arith.constant 0 : i32
        %dma_start3A_727 = tpu.memref_slice %arg11[%dma_start3A_725, %dma_start3A_726] : memref<10112x128xf32, #tpu.memory_space<vmem_shared>> -> memref<10112x128xf32, #tpu.memory_space<vmem_shared>>
        tpu.enqueue_indirect_dma source(%arg14 : memref<64x128xf32, #tpu.memory_space<vmem>>) target(%dma_start3A_727 : memref<10112x128xf32, #tpu.memory_space<vmem_shared>>) offsets(%dma_start3A_724 : memref<64xi32, #tpu.memory_space<vmem>>) semaphore(%run_scoped3A_721 : memref<!tpu.dma_semaphore, #tpu.memory_space<semaphore_mem>>) {add = true}
        %dma_wait3A_728 = arith.constant 0 : i32
        %dma_wait3A_729 = tpu.memref_slice %arg10[%run_scoped3A_665, %dma_wait3A_728] : memref<10x64xi32, #tpu.memory_space<vmem>> -> memref<1x64xi32, #tpu.memory_space<vmem>>
        %dma_wait3A_730 = tpu.memref_squeeze %dma_wait3A_729 : memref<1x64xi32, #tpu.memory_space<vmem>> -> memref<64xi32, #tpu.memory_space<vmem>>
        %dma_wait3A_731 = arith.constant 0 : i32
        %dma_wait3A_732 = arith.constant 0 : i32
        %dma_wait3A_733 = tpu.memref_slice %arg11[%dma_wait3A_731, %dma_wait3A_732] : memref<10112x128xf32, #tpu.memory_space<vmem_shared>> -> memref<10112x128xf32, #tpu.memory_space<vmem_shared>>
        tpu.wait_indirect_dma semaphore(%run_scoped3A_721 : memref<!tpu.dma_semaphore, #tpu.memory_space<semaphore_mem>>) src(%arg14 : memref<64x128xf32, #tpu.memory_space<vmem>>) dst(%dma_wait3A_733 : memref<10112x128xf32, #tpu.memory_space<vmem_shared>>)
        tpu.yield
      }) : () -> ()
      %dma_start3A_666 = arith.constant 2 : i32
      %dma_start3A_667 = arith.constant 0 : i32
      %dma_start3A_668 = tpu.memref_slice %arg7[%dma_start3A_666, %dma_start3A_667] : memref<10x64xi32, #tpu.memory_space<vmem>> -> memref<1x64xi32, #tpu.memory_space<vmem>>
      %dma_start3A_669 = tpu.memref_squeeze %dma_start3A_668 : memref<1x64xi32, #tpu.memory_space<vmem>> -> memref<64xi32, #tpu.memory_space<vmem>>
      %dma_start3A_670 = arith.constant 0 : i32
      %dma_start3A_671 = arith.constant 0 : i32
      %dma_start3A_672 = tpu.memref_slice %arg2[%dma_start3A_670, %dma_start3A_671] : memref<10000x128xf32, #tpu.memory_space<hbm>> -> memref<10000x128xf32, #tpu.memory_space<hbm>>
      tpu.enqueue_indirect_dma source(%dma_start3A_672 : memref<10000x128xf32, #tpu.memory_space<hbm>>) target(%arg14 : memref<64x128xf32, #tpu.memory_space<vmem>>) offsets(%dma_start3A_669 : memref<64xi32, #tpu.memory_space<vmem>>) semaphore(%arg19 : memref<!tpu.dma_semaphore, #tpu.memory_space<semaphore_mem>>)
      %dma_wait3A_673 = arith.constant 8 : i32
      %dma_wait3A_674 = arith.constant 0 : i32
      %dma_wait3A_675 = tpu.memref_slice %arg9[%dma_wait3A_673, %dma_wait3A_674] : memref<10x64xi32, #tpu.memory_space<vmem>> -> memref<1x64xi32, #tpu.memory_space<vmem>>
      %dma_wait3A_676 = tpu.memref_squeeze %dma_wait3A_675 : memref<1x64xi32, #tpu.memory_space<vmem>> -> memref<64xi32, #tpu.memory_space<vmem>>
      %dma_wait3A_677 = arith.constant 0 : i32
      %dma_wait3A_678 = arith.constant 0 : i32
      %dma_wait3A_679 = tpu.memref_slice %arg2[%dma_wait3A_677, %dma_wait3A_678] : memref<10000x128xf32, #tpu.memory_space<hbm>> -> memref<10000x128xf32, #tpu.memory_space<hbm>>
      tpu.wait_indirect_dma semaphore(%arg20 : memref<!tpu.dma_semaphore, #tpu.memory_space<semaphore_mem>>) src(%dma_wait3A_679 : memref<10000x128xf32, #tpu.memory_space<hbm>>) dst(%arg15 : memref<64x128xf32, #tpu.memory_space<vmem>>)
      %run_scoped3A_680 = arith.constant 8 : i32
      "tpu.region"() ({
        %run_scoped3A_721 = tpu.sem_alloc : memref<!tpu.dma_semaphore, #tpu.memory_space<semaphore_mem>>
        %dma_start3A_722 = arith.constant 0 : i32
        %dma_start3A_723 = tpu.memref_slice %arg10[%run_scoped3A_680, %dma_start3A_722] : memref<10x64xi32, #tpu.memory_space<vmem>> -> memref<1x64xi32, #tpu.memory_space<vmem>>
        %dma_start3A_724 = tpu.memref_squeeze %dma_start3A_723 : memref<1x64xi32, #tpu.memory_space<vmem>> -> memref<64xi32, #tpu.memory_space<vmem>>
        %dma_start3A_725 = arith.constant 0 : i32
        %dma_start3A_726 = arith.constant 0 : i32
        %dma_start3A_727 = tpu.memref_slice %arg11[%dma_start3A_725, %dma_start3A_726] : memref<10112x128xf32, #tpu.memory_space<vmem_shared>> -> memref<10112x128xf32, #tpu.memory_space<vmem_shared>>
        tpu.enqueue_indirect_dma source(%arg15 : memref<64x128xf32, #tpu.memory_space<vmem>>) target(%dma_start3A_727 : memref<10112x128xf32, #tpu.memory_space<vmem_shared>>) offsets(%dma_start3A_724 : memref<64xi32, #tpu.memory_space<vmem>>) semaphore(%run_scoped3A_721 : memref<!tpu.dma_semaphore, #tpu.memory_space<semaphore_mem>>) {add = true}
        %dma_wait3A_728 = arith.constant 0 : i32
        %dma_wait3A_729 = tpu.memref_slice %arg10[%run_scoped3A_680, %dma_wait3A_728] : memref<10x64xi32, #tpu.memory_space<vmem>> -> memref<1x64xi32, #tpu.memory_space<vmem>>
        %dma_wait3A_730 = tpu.memref_squeeze %dma_wait3A_729 : memref<1x64xi32, #tpu.memory_space<vmem>> -> memref<64xi32, #tpu.memory_space<vmem>>
        %dma_wait3A_731 = arith.constant 0 : i32
        %dma_wait3A_732 = arith.constant 0 : i32
        %dma_wait3A_733 = tpu.memref_slice %arg11[%dma_wait3A_731, %dma_wait3A_732] : memref<10112x128xf32, #tpu.memory_space<vmem_shared>> -> memref<10112x128xf32, #tpu.memory_space<vmem_shared>>
        tpu.wait_indirect_dma semaphore(%run_scoped3A_721 : memref<!tpu.dma_semaphore, #tpu.memory_space<semaphore_mem>>) src(%arg15 : memref<64x128xf32, #tpu.memory_space<vmem>>) dst(%dma_wait3A_733 : memref<10112x128xf32, #tpu.memory_space<vmem_shared>>)
        tpu.yield
      }) : () -> ()
      %dma_start3A_681 = arith.constant 3 : i32
      %dma_start3A_682 = arith.constant 0 : i32
      %dma_start3A_683 = tpu.memref_slice %arg7[%dma_start3A_681, %dma_start3A_682] : memref<10x64xi32, #tpu.memory_space<vmem>> -> memref<1x64xi32, #tpu.memory_space<vmem>>
      %dma_start3A_684 = tpu.memref_squeeze %dma_start3A_683 : memref<1x64xi32, #tpu.memory_space<vmem>> -> memref<64xi32, #tpu.memory_space<vmem>>
      %dma_start3A_685 = arith.constant 0 : i32
      %dma_start3A_686 = arith.constant 0 : i32
      %dma_start3A_687 = tpu.memref_slice %arg2[%dma_start3A_685, %dma_start3A_686] : memref<10000x128xf32, #tpu.memory_space<hbm>> -> memref<10000x128xf32, #tpu.memory_space<hbm>>
      tpu.enqueue_indirect_dma source(%dma_start3A_687 : memref<10000x128xf32, #tpu.memory_space<hbm>>) target(%arg15 : memref<64x128xf32, #tpu.memory_space<vmem>>) offsets(%dma_start3A_684 : memref<64xi32, #tpu.memory_space<vmem>>) semaphore(%arg20 : memref<!tpu.dma_semaphore, #tpu.memory_space<semaphore_mem>>)
      %dma_wait3A_688 = arith.constant 9 : i32
      %dma_wait3A_689 = arith.constant 0 : i32
      %dma_wait3A_690 = tpu.memref_slice %arg9[%dma_wait3A_688, %dma_wait3A_689] : memref<10x64xi32, #tpu.memory_space<vmem>> -> memref<1x64xi32, #tpu.memory_space<vmem>>
      %dma_wait3A_691 = tpu.memref_squeeze %dma_wait3A_690 : memref<1x64xi32, #tpu.memory_space<vmem>> -> memref<64xi32, #tpu.memory_space<vmem>>
      %dma_wait3A_692 = arith.constant 0 : i32
      %dma_wait3A_693 = arith.constant 0 : i32
      %dma_wait3A_694 = tpu.memref_slice %arg2[%dma_wait3A_692, %dma_wait3A_693] : memref<10000x128xf32, #tpu.memory_space<hbm>> -> memref<10000x128xf32, #tpu.memory_space<hbm>>
      tpu.wait_indirect_dma semaphore(%arg21 : memref<!tpu.dma_semaphore, #tpu.memory_space<semaphore_mem>>) src(%dma_wait3A_694 : memref<10000x128xf32, #tpu.memory_space<hbm>>) dst(%arg16 : memref<64x128xf32, #tpu.memory_space<vmem>>)
      %run_scoped3A_695 = arith.constant 9 : i32
      "tpu.region"() ({
        %run_scoped3A_721 = tpu.sem_alloc : memref<!tpu.dma_semaphore, #tpu.memory_space<semaphore_mem>>
        %dma_start3A_722 = arith.constant 0 : i32
        %dma_start3A_723 = tpu.memref_slice %arg10[%run_scoped3A_695, %dma_start3A_722] : memref<10x64xi32, #tpu.memory_space<vmem>> -> memref<1x64xi32, #tpu.memory_space<vmem>>
        %dma_start3A_724 = tpu.memref_squeeze %dma_start3A_723 : memref<1x64xi32, #tpu.memory_space<vmem>> -> memref<64xi32, #tpu.memory_space<vmem>>
        %dma_start3A_725 = arith.constant 0 : i32
        %dma_start3A_726 = arith.constant 0 : i32
        %dma_start3A_727 = tpu.memref_slice %arg11[%dma_start3A_725, %dma_start3A_726] : memref<10112x128xf32, #tpu.memory_space<vmem_shared>> -> memref<10112x128xf32, #tpu.memory_space<vmem_shared>>
        tpu.enqueue_indirect_dma source(%arg16 : memref<64x128xf32, #tpu.memory_space<vmem>>) target(%dma_start3A_727 : memref<10112x128xf32, #tpu.memory_space<vmem_shared>>) offsets(%dma_start3A_724 : memref<64xi32, #tpu.memory_space<vmem>>) semaphore(%run_scoped3A_721 : memref<!tpu.dma_semaphore, #tpu.memory_space<semaphore_mem>>) {add = true}
        %dma_wait3A_728 = arith.constant 0 : i32
        %dma_wait3A_729 = tpu.memref_slice %arg10[%run_scoped3A_695, %dma_wait3A_728] : memref<10x64xi32, #tpu.memory_space<vmem>> -> memref<1x64xi32, #tpu.memory_space<vmem>>
        %dma_wait3A_730 = tpu.memref_squeeze %dma_wait3A_729 : memref<1x64xi32, #tpu.memory_space<vmem>> -> memref<64xi32, #tpu.memory_space<vmem>>
        %dma_wait3A_731 = arith.constant 0 : i32
        %dma_wait3A_732 = arith.constant 0 : i32
        %dma_wait3A_733 = tpu.memref_slice %arg11[%dma_wait3A_731, %dma_wait3A_732] : memref<10112x128xf32, #tpu.memory_space<vmem_shared>> -> memref<10112x128xf32, #tpu.memory_space<vmem_shared>>
        tpu.wait_indirect_dma semaphore(%run_scoped3A_721 : memref<!tpu.dma_semaphore, #tpu.memory_space<semaphore_mem>>) src(%arg16 : memref<64x128xf32, #tpu.memory_space<vmem>>) dst(%dma_wait3A_733 : memref<10112x128xf32, #tpu.memory_space<vmem_shared>>)
        tpu.yield
      }) : () -> ()
      %dma_start3A_696 = arith.constant 4 : i32
      %dma_start3A_697 = arith.constant 0 : i32
      %dma_start3A_698 = tpu.memref_slice %arg7[%dma_start3A_696, %dma_start3A_697] : memref<10x64xi32, #tpu.memory_space<vmem>> -> memref<1x64xi32, #tpu.memory_space<vmem>>
      %dma_start3A_699 = tpu.memref_squeeze %dma_start3A_698 : memref<1x64xi32, #tpu.memory_space<vmem>> -> memref<64xi32, #tpu.memory_space<vmem>>
      %dma_start3A_700 = arith.constant 0 : i32
      %dma_start3A_701 = arith.constant 0 : i32
      %dma_start3A_702 = tpu.memref_slice %arg2[%dma_start3A_700, %dma_start3A_701] : memref<10000x128xf32, #tpu.memory_space<hbm>> -> memref<10000x128xf32, #tpu.memory_space<hbm>>
      tpu.enqueue_indirect_dma source(%dma_start3A_702 : memref<10000x128xf32, #tpu.memory_space<hbm>>) target(%arg16 : memref<64x128xf32, #tpu.memory_space<vmem>>) offsets(%dma_start3A_699 : memref<64xi32, #tpu.memory_space<vmem>>) semaphore(%arg21 : memref<!tpu.dma_semaphore, #tpu.memory_space<semaphore_mem>>)
      %add3A_703 = arith.constant 3 : i32
      %add3A_704 = arith.addi %mul3A_346, %add3A_703 : i32
      %dma_start3A_705 = arith.constant 0 : i32
      %dma_start3A_706 = arith.constant 0 : i32
      %dma_start3A_707 = tpu.memref_slice %arg3[%add3A, %add3A_704, %dma_start3A_705, %dma_start3A_706] : memref<32x16x10x64xi32, #tpu.memory_space<hbm>> -> memref<1x1x10x64xi32, #tpu.memory_space<hbm>>
      %dma_start3A_708 = tpu.memref_squeeze %dma_start3A_707 : memref<1x1x10x64xi32, #tpu.memory_space<hbm>> -> memref<10x64xi32, #tpu.memory_space<hbm>>
      %dma_start3A_709 = arith.constant 0 : i32
      %dma_start3A_710 = arith.constant 0 : i32
      %dma_start3A_711 = tpu.memref_slice %arg3[%add3A, %add3A_704, %dma_start3A_709, %dma_start3A_710] : memref<32x16x10x64xi32, #tpu.memory_space<hbm>> -> memref<1x1x10x64xi32, #tpu.memory_space<hbm>>
      %dma_start3A_712 = tpu.memref_squeeze %dma_start3A_711 : memref<1x1x10x64xi32, #tpu.memory_space<hbm>> -> memref<10x64xi32, #tpu.memory_space<hbm>>
      tpu.enqueue_dma source(%dma_start3A_712 : memref<10x64xi32, #tpu.memory_space<hbm>>) target(%arg9 : memref<10x64xi32, #tpu.memory_space<vmem>>) target_semaphore(%arg23 : memref<!tpu.dma_semaphore, #tpu.memory_space<semaphore_mem>>)
      %dma_start3A_713 = arith.constant 0 : i32
      %dma_start3A_714 = arith.constant 0 : i32
      %dma_start3A_715 = tpu.memref_slice %arg4[%add3A, %add3A_704, %dma_start3A_713, %dma_start3A_714] : memref<32x16x10x64xi32, #tpu.memory_space<hbm>> -> memref<1x1x10x64xi32, #tpu.memory_space<hbm>>
      %dma_start3A_716 = tpu.memref_squeeze %dma_start3A_715 : memref<1x1x10x64xi32, #tpu.memory_space<hbm>> -> memref<10x64xi32, #tpu.memory_space<hbm>>
      %dma_start3A_717 = arith.constant 0 : i32
      %dma_start3A_718 = arith.constant 0 : i32
      %dma_start3A_719 = tpu.memref_slice %arg4[%add3A, %add3A_704, %dma_start3A_717, %dma_start3A_718] : memref<32x16x10x64xi32, #tpu.memory_space<hbm>> -> memref<1x1x10x64xi32, #tpu.memory_space<hbm>>
      %dma_start3A_720 = tpu.memref_squeeze %dma_start3A_719 : memref<1x1x10x64xi32, #tpu.memory_space<hbm>> -> memref<10x64xi32, #tpu.memory_space<hbm>>
      tpu.enqueue_dma source(%dma_start3A_720 : memref<10x64xi32, #tpu.memory_space<hbm>>) target(%arg10 : memref<10x64xi32, #tpu.memory_space<vmem>>) target_semaphore(%arg23 : memref<!tpu.dma_semaphore, #tpu.memory_space<semaphore_mem>>)
    }
    %scan3A_60 = arith.constant 7 : i32
    %dma_wait3A = arith.constant 0 : i32
    %dma_wait3A_61 = arith.constant 0 : i32
    %dma_wait3A_62 = tpu.memref_slice %arg7[%dma_wait3A, %dma_wait3A_61] : memref<10x64xi32, #tpu.memory_space<vmem>> -> memref<1x64xi32, #tpu.memory_space<vmem>>
    %dma_wait3A_63 = tpu.memref_squeeze %dma_wait3A_62 : memref<1x64xi32, #tpu.memory_space<vmem>> -> memref<64xi32, #tpu.memory_space<vmem>>
    %dma_wait3A_64 = arith.constant 0 : i32
    %dma_wait3A_65 = arith.constant 0 : i32
    %dma_wait3A_66 = tpu.memref_slice %arg2[%dma_wait3A_64, %dma_wait3A_65] : memref<10000x128xf32, #tpu.memory_space<hbm>> -> memref<10000x128xf32, #tpu.memory_space<hbm>>
    tpu.wait_indirect_dma semaphore(%arg17 : memref<!tpu.dma_semaphore, #tpu.memory_space<semaphore_mem>>) src(%dma_wait3A_66 : memref<10000x128xf32, #tpu.memory_space<hbm>>) dst(%arg12 : memref<64x128xf32, #tpu.memory_space<vmem>>)
    %run_scoped3A_67 = arith.constant 0 : i32
    "tpu.region"() ({
      %run_scoped3A_344 = tpu.sem_alloc : memref<!tpu.dma_semaphore, #tpu.memory_space<semaphore_mem>>
      %dma_start3A_345 = arith.constant 0 : i32
      %dma_start3A_346 = tpu.memref_slice %arg8[%run_scoped3A_67, %dma_start3A_345] : memref<10x64xi32, #tpu.memory_space<vmem>> -> memref<1x64xi32, #tpu.memory_space<vmem>>
      %dma_start3A_347 = tpu.memref_squeeze %dma_start3A_346 : memref<1x64xi32, #tpu.memory_space<vmem>> -> memref<64xi32, #tpu.memory_space<vmem>>
      %dma_start3A_348 = arith.constant 0 : i32
      %dma_start3A_349 = arith.constant 0 : i32
      %dma_start3A_350 = tpu.memref_slice %arg11[%dma_start3A_348, %dma_start3A_349] : memref<10112x128xf32, #tpu.memory_space<vmem_shared>> -> memref<10112x128xf32, #tpu.memory_space<vmem_shared>>
      tpu.enqueue_indirect_dma source(%arg12 : memref<64x128xf32, #tpu.memory_space<vmem>>) target(%dma_start3A_350 : memref<10112x128xf32, #tpu.memory_space<vmem_shared>>) offsets(%dma_start3A_347 : memref<64xi32, #tpu.memory_space<vmem>>) semaphore(%run_scoped3A_344 : memref<!tpu.dma_semaphore, #tpu.memory_space<semaphore_mem>>) {add = true}
      %dma_wait3A_351 = arith.constant 0 : i32
      %dma_wait3A_352 = tpu.memref_slice %arg8[%run_scoped3A_67, %dma_wait3A_351] : memref<10x64xi32, #tpu.memory_space<vmem>> -> memref<1x64xi32, #tpu.memory_space<vmem>>
      %dma_wait3A_353 = tpu.memref_squeeze %dma_wait3A_352 : memref<1x64xi32, #tpu.memory_space<vmem>> -> memref<64xi32, #tpu.memory_space<vmem>>
      %dma_wait3A_354 = arith.constant 0 : i32
      %dma_wait3A_355 = arith.constant 0 : i32
      %dma_wait3A_356 = tpu.memref_slice %arg11[%dma_wait3A_354, %dma_wait3A_355] : memref<10112x128xf32, #tpu.memory_space<vmem_shared>> -> memref<10112x128xf32, #tpu.memory_space<vmem_shared>>
      tpu.wait_indirect_dma semaphore(%run_scoped3A_344 : memref<!tpu.dma_semaphore, #tpu.memory_space<semaphore_mem>>) src(%arg12 : memref<64x128xf32, #tpu.memory_space<vmem>>) dst(%dma_wait3A_356 : memref<10112x128xf32, #tpu.memory_space<vmem_shared>>)
      tpu.yield
    }) : () -> ()
    %dma_start3A_68 = arith.constant 5 : i32
    %dma_start3A_69 = arith.constant 0 : i32
    %dma_start3A_70 = tpu.memref_slice %arg7[%dma_start3A_68, %dma_start3A_69] : memref<10x64xi32, #tpu.memory_space<vmem>> -> memref<1x64xi32, #tpu.memory_space<vmem>>
    %dma_start3A_71 = tpu.memref_squeeze %dma_start3A_70 : memref<1x64xi32, #tpu.memory_space<vmem>> -> memref<64xi32, #tpu.memory_space<vmem>>
    %dma_start3A_72 = arith.constant 0 : i32
    %dma_start3A_73 = arith.constant 0 : i32
    %dma_start3A_74 = tpu.memref_slice %arg2[%dma_start3A_72, %dma_start3A_73] : memref<10000x128xf32, #tpu.memory_space<hbm>> -> memref<10000x128xf32, #tpu.memory_space<hbm>>
    tpu.enqueue_indirect_dma source(%dma_start3A_74 : memref<10000x128xf32, #tpu.memory_space<hbm>>) target(%arg12 : memref<64x128xf32, #tpu.memory_space<vmem>>) offsets(%dma_start3A_71 : memref<64xi32, #tpu.memory_space<vmem>>) semaphore(%arg17 : memref<!tpu.dma_semaphore, #tpu.memory_space<semaphore_mem>>)
    %dma_wait3A_75 = arith.constant 1 : i32
    %dma_wait3A_76 = arith.constant 0 : i32
    %dma_wait3A_77 = tpu.memref_slice %arg7[%dma_wait3A_75, %dma_wait3A_76] : memref<10x64xi32, #tpu.memory_space<vmem>> -> memref<1x64xi32, #tpu.memory_space<vmem>>
    %dma_wait3A_78 = tpu.memref_squeeze %dma_wait3A_77 : memref<1x64xi32, #tpu.memory_space<vmem>> -> memref<64xi32, #tpu.memory_space<vmem>>
    %dma_wait3A_79 = arith.constant 0 : i32
    %dma_wait3A_80 = arith.constant 0 : i32
    %dma_wait3A_81 = tpu.memref_slice %arg2[%dma_wait3A_79, %dma_wait3A_80] : memref<10000x128xf32, #tpu.memory_space<hbm>> -> memref<10000x128xf32, #tpu.memory_space<hbm>>
    tpu.wait_indirect_dma semaphore(%arg18 : memref<!tpu.dma_semaphore, #tpu.memory_space<semaphore_mem>>) src(%dma_wait3A_81 : memref<10000x128xf32, #tpu.memory_space<hbm>>) dst(%arg13 : memref<64x128xf32, #tpu.memory_space<vmem>>)
    %run_scoped3A_82 = arith.constant 1 : i32
    "tpu.region"() ({
      %run_scoped3A_344 = tpu.sem_alloc : memref<!tpu.dma_semaphore, #tpu.memory_space<semaphore_mem>>
      %dma_start3A_345 = arith.constant 0 : i32
      %dma_start3A_346 = tpu.memref_slice %arg8[%run_scoped3A_82, %dma_start3A_345] : memref<10x64xi32, #tpu.memory_space<vmem>> -> memref<1x64xi32, #tpu.memory_space<vmem>>
      %dma_start3A_347 = tpu.memref_squeeze %dma_start3A_346 : memref<1x64xi32, #tpu.memory_space<vmem>> -> memref<64xi32, #tpu.memory_space<vmem>>
      %dma_start3A_348 = arith.constant 0 : i32
      %dma_start3A_349 = arith.constant 0 : i32
      %dma_start3A_350 = tpu.memref_slice %arg11[%dma_start3A_348, %dma_start3A_349] : memref<10112x128xf32, #tpu.memory_space<vmem_shared>> -> memref<10112x128xf32, #tpu.memory_space<vmem_shared>>
      tpu.enqueue_indirect_dma source(%arg13 : memref<64x128xf32, #tpu.memory_space<vmem>>) target(%dma_start3A_350 : memref<10112x128xf32, #tpu.memory_space<vmem_shared>>) offsets(%dma_start3A_347 : memref<64xi32, #tpu.memory_space<vmem>>) semaphore(%run_scoped3A_344 : memref<!tpu.dma_semaphore, #tpu.memory_space<semaphore_mem>>) {add = true}
      %dma_wait3A_351 = arith.constant 0 : i32
      %dma_wait3A_352 = tpu.memref_slice %arg8[%run_scoped3A_82, %dma_wait3A_351] : memref<10x64xi32, #tpu.memory_space<vmem>> -> memref<1x64xi32, #tpu.memory_space<vmem>>
      %dma_wait3A_353 = tpu.memref_squeeze %dma_wait3A_352 : memref<1x64xi32, #tpu.memory_space<vmem>> -> memref<64xi32, #tpu.memory_space<vmem>>
      %dma_wait3A_354 = arith.constant 0 : i32
      %dma_wait3A_355 = arith.constant 0 : i32
      %dma_wait3A_356 = tpu.memref_slice %arg11[%dma_wait3A_354, %dma_wait3A_355] : memref<10112x128xf32, #tpu.memory_space<vmem_shared>> -> memref<10112x128xf32, #tpu.memory_space<vmem_shared>>
      tpu.wait_indirect_dma semaphore(%run_scoped3A_344 : memref<!tpu.dma_semaphore, #tpu.memory_space<semaphore_mem>>) src(%arg13 : memref<64x128xf32, #tpu.memory_space<vmem>>) dst(%dma_wait3A_356 : memref<10112x128xf32, #tpu.memory_space<vmem_shared>>)
      tpu.yield
    }) : () -> ()
    %dma_start3A_83 = arith.constant 6 : i32
    %dma_start3A_84 = arith.constant 0 : i32
    %dma_start3A_85 = tpu.memref_slice %arg7[%dma_start3A_83, %dma_start3A_84] : memref<10x64xi32, #tpu.memory_space<vmem>> -> memref<1x64xi32, #tpu.memory_space<vmem>>
    %dma_start3A_86 = tpu.memref_squeeze %dma_start3A_85 : memref<1x64xi32, #tpu.memory_space<vmem>> -> memref<64xi32, #tpu.memory_space<vmem>>
    %dma_start3A_87 = arith.constant 0 : i32
    %dma_start3A_88 = arith.constant 0 : i32
    %dma_start3A_89 = tpu.memref_slice %arg2[%dma_start3A_87, %dma_start3A_88] : memref<10000x128xf32, #tpu.memory_space<hbm>> -> memref<10000x128xf32, #tpu.memory_space<hbm>>
    tpu.enqueue_indirect_dma source(%dma_start3A_89 : memref<10000x128xf32, #tpu.memory_space<hbm>>) target(%arg13 : memref<64x128xf32, #tpu.memory_space<vmem>>) offsets(%dma_start3A_86 : memref<64xi32, #tpu.memory_space<vmem>>) semaphore(%arg18 : memref<!tpu.dma_semaphore, #tpu.memory_space<semaphore_mem>>)
    %dma_wait3A_90 = arith.constant 2 : i32
    %dma_wait3A_91 = arith.constant 0 : i32
    %dma_wait3A_92 = tpu.memref_slice %arg7[%dma_wait3A_90, %dma_wait3A_91] : memref<10x64xi32, #tpu.memory_space<vmem>> -> memref<1x64xi32, #tpu.memory_space<vmem>>
    %dma_wait3A_93 = tpu.memref_squeeze %dma_wait3A_92 : memref<1x64xi32, #tpu.memory_space<vmem>> -> memref<64xi32, #tpu.memory_space<vmem>>
    %dma_wait3A_94 = arith.constant 0 : i32
    %dma_wait3A_95 = arith.constant 0 : i32
    %dma_wait3A_96 = tpu.memref_slice %arg2[%dma_wait3A_94, %dma_wait3A_95] : memref<10000x128xf32, #tpu.memory_space<hbm>> -> memref<10000x128xf32, #tpu.memory_space<hbm>>
    tpu.wait_indirect_dma semaphore(%arg19 : memref<!tpu.dma_semaphore, #tpu.memory_space<semaphore_mem>>) src(%dma_wait3A_96 : memref<10000x128xf32, #tpu.memory_space<hbm>>) dst(%arg14 : memref<64x128xf32, #tpu.memory_space<vmem>>)
    %run_scoped3A_97 = arith.constant 2 : i32
    "tpu.region"() ({
      %run_scoped3A_344 = tpu.sem_alloc : memref<!tpu.dma_semaphore, #tpu.memory_space<semaphore_mem>>
      %dma_start3A_345 = arith.constant 0 : i32
      %dma_start3A_346 = tpu.memref_slice %arg8[%run_scoped3A_97, %dma_start3A_345] : memref<10x64xi32, #tpu.memory_space<vmem>> -> memref<1x64xi32, #tpu.memory_space<vmem>>
      %dma_start3A_347 = tpu.memref_squeeze %dma_start3A_346 : memref<1x64xi32, #tpu.memory_space<vmem>> -> memref<64xi32, #tpu.memory_space<vmem>>
      %dma_start3A_348 = arith.constant 0 : i32
      %dma_start3A_349 = arith.constant 0 : i32
      %dma_start3A_350 = tpu.memref_slice %arg11[%dma_start3A_348, %dma_start3A_349] : memref<10112x128xf32, #tpu.memory_space<vmem_shared>> -> memref<10112x128xf32, #tpu.memory_space<vmem_shared>>
      tpu.enqueue_indirect_dma source(%arg14 : memref<64x128xf32, #tpu.memory_space<vmem>>) target(%dma_start3A_350 : memref<10112x128xf32, #tpu.memory_space<vmem_shared>>) offsets(%dma_start3A_347 : memref<64xi32, #tpu.memory_space<vmem>>) semaphore(%run_scoped3A_344 : memref<!tpu.dma_semaphore, #tpu.memory_space<semaphore_mem>>) {add = true}
      %dma_wait3A_351 = arith.constant 0 : i32
      %dma_wait3A_352 = tpu.memref_slice %arg8[%run_scoped3A_97, %dma_wait3A_351] : memref<10x64xi32, #tpu.memory_space<vmem>> -> memref<1x64xi32, #tpu.memory_space<vmem>>
      %dma_wait3A_353 = tpu.memref_squeeze %dma_wait3A_352 : memref<1x64xi32, #tpu.memory_space<vmem>> -> memref<64xi32, #tpu.memory_space<vmem>>
      %dma_wait3A_354 = arith.constant 0 : i32
      %dma_wait3A_355 = arith.constant 0 : i32
      %dma_wait3A_356 = tpu.memref_slice %arg11[%dma_wait3A_354, %dma_wait3A_355] : memref<10112x128xf32, #tpu.memory_space<vmem_shared>> -> memref<10112x128xf32, #tpu.memory_space<vmem_shared>>
      tpu.wait_indirect_dma semaphore(%run_scoped3A_344 : memref<!tpu.dma_semaphore, #tpu.memory_space<semaphore_mem>>) src(%arg14 : memref<64x128xf32, #tpu.memory_space<vmem>>) dst(%dma_wait3A_356 : memref<10112x128xf32, #tpu.memory_space<vmem_shared>>)
      tpu.yield
    }) : () -> ()
    %dma_start3A_98 = arith.constant 7 : i32
    %dma_start3A_99 = arith.constant 0 : i32
    %dma_start3A_100 = tpu.memref_slice %arg7[%dma_start3A_98, %dma_start3A_99] : memref<10x64xi32, #tpu.memory_space<vmem>> -> memref<1x64xi32, #tpu.memory_space<vmem>>
    %dma_start3A_101 = tpu.memref_squeeze %dma_start3A_100 : memref<1x64xi32, #tpu.memory_space<vmem>> -> memref<64xi32, #tpu.memory_space<vmem>>
    %dma_start3A_102 = arith.constant 0 : i32
    %dma_start3A_103 = arith.constant 0 : i32
    %dma_start3A_104 = tpu.memref_slice %arg2[%dma_start3A_102, %dma_start3A_103] : memref<10000x128xf32, #tpu.memory_space<hbm>> -> memref<10000x128xf32, #tpu.memory_space<hbm>>
    tpu.enqueue_indirect_dma source(%dma_start3A_104 : memref<10000x128xf32, #tpu.memory_space<hbm>>) target(%arg14 : memref<64x128xf32, #tpu.memory_space<vmem>>) offsets(%dma_start3A_101 : memref<64xi32, #tpu.memory_space<vmem>>) semaphore(%arg19 : memref<!tpu.dma_semaphore, #tpu.memory_space<semaphore_mem>>)
    %dma_wait3A_105 = arith.constant 3 : i32
    %dma_wait3A_106 = arith.constant 0 : i32
    %dma_wait3A_107 = tpu.memref_slice %arg7[%dma_wait3A_105, %dma_wait3A_106] : memref<10x64xi32, #tpu.memory_space<vmem>> -> memref<1x64xi32, #tpu.memory_space<vmem>>
    %dma_wait3A_108 = tpu.memref_squeeze %dma_wait3A_107 : memref<1x64xi32, #tpu.memory_space<vmem>> -> memref<64xi32, #tpu.memory_space<vmem>>
    %dma_wait3A_109 = arith.constant 0 : i32
    %dma_wait3A_110 = arith.constant 0 : i32
    %dma_wait3A_111 = tpu.memref_slice %arg2[%dma_wait3A_109, %dma_wait3A_110] : memref<10000x128xf32, #tpu.memory_space<hbm>> -> memref<10000x128xf32, #tpu.memory_space<hbm>>
    tpu.wait_indirect_dma semaphore(%arg20 : memref<!tpu.dma_semaphore, #tpu.memory_space<semaphore_mem>>) src(%dma_wait3A_111 : memref<10000x128xf32, #tpu.memory_space<hbm>>) dst(%arg15 : memref<64x128xf32, #tpu.memory_space<vmem>>)
    %run_scoped3A_112 = arith.constant 3 : i32
    "tpu.region"() ({
      %run_scoped3A_344 = tpu.sem_alloc : memref<!tpu.dma_semaphore, #tpu.memory_space<semaphore_mem>>
      %dma_start3A_345 = arith.constant 0 : i32
      %dma_start3A_346 = tpu.memref_slice %arg8[%run_scoped3A_112, %dma_start3A_345] : memref<10x64xi32, #tpu.memory_space<vmem>> -> memref<1x64xi32, #tpu.memory_space<vmem>>
      %dma_start3A_347 = tpu.memref_squeeze %dma_start3A_346 : memref<1x64xi32, #tpu.memory_space<vmem>> -> memref<64xi32, #tpu.memory_space<vmem>>
      %dma_start3A_348 = arith.constant 0 : i32
      %dma_start3A_349 = arith.constant 0 : i32
      %dma_start3A_350 = tpu.memref_slice %arg11[%dma_start3A_348, %dma_start3A_349] : memref<10112x128xf32, #tpu.memory_space<vmem_shared>> -> memref<10112x128xf32, #tpu.memory_space<vmem_shared>>
      tpu.enqueue_indirect_dma source(%arg15 : memref<64x128xf32, #tpu.memory_space<vmem>>) target(%dma_start3A_350 : memref<10112x128xf32, #tpu.memory_space<vmem_shared>>) offsets(%dma_start3A_347 : memref<64xi32, #tpu.memory_space<vmem>>) semaphore(%run_scoped3A_344 : memref<!tpu.dma_semaphore, #tpu.memory_space<semaphore_mem>>) {add = true}
      %dma_wait3A_351 = arith.constant 0 : i32
      %dma_wait3A_352 = tpu.memref_slice %arg8[%run_scoped3A_112, %dma_wait3A_351] : memref<10x64xi32, #tpu.memory_space<vmem>> -> memref<1x64xi32, #tpu.memory_space<vmem>>
      %dma_wait3A_353 = tpu.memref_squeeze %dma_wait3A_352 : memref<1x64xi32, #tpu.memory_space<vmem>> -> memref<64xi32, #tpu.memory_space<vmem>>
      %dma_wait3A_354 = arith.constant 0 : i32
      %dma_wait3A_355 = arith.constant 0 : i32
      %dma_wait3A_356 = tpu.memref_slice %arg11[%dma_wait3A_354, %dma_wait3A_355] : memref<10112x128xf32, #tpu.memory_space<vmem_shared>> -> memref<10112x128xf32, #tpu.memory_space<vmem_shared>>
      tpu.wait_indirect_dma semaphore(%run_scoped3A_344 : memref<!tpu.dma_semaphore, #tpu.memory_space<semaphore_mem>>) src(%arg15 : memref<64x128xf32, #tpu.memory_space<vmem>>) dst(%dma_wait3A_356 : memref<10112x128xf32, #tpu.memory_space<vmem_shared>>)
      tpu.yield
    }) : () -> ()
    %dma_start3A_113 = arith.constant 8 : i32
    %dma_start3A_114 = arith.constant 0 : i32
    %dma_start3A_115 = tpu.memref_slice %arg7[%dma_start3A_113, %dma_start3A_114] : memref<10x64xi32, #tpu.memory_space<vmem>> -> memref<1x64xi32, #tpu.memory_space<vmem>>
    %dma_start3A_116 = tpu.memref_squeeze %dma_start3A_115 : memref<1x64xi32, #tpu.memory_space<vmem>> -> memref<64xi32, #tpu.memory_space<vmem>>
    %dma_start3A_117 = arith.constant 0 : i32
    %dma_start3A_118 = arith.constant 0 : i32
    %dma_start3A_119 = tpu.memref_slice %arg2[%dma_start3A_117, %dma_start3A_118] : memref<10000x128xf32, #tpu.memory_space<hbm>> -> memref<10000x128xf32, #tpu.memory_space<hbm>>
    tpu.enqueue_indirect_dma source(%dma_start3A_119 : memref<10000x128xf32, #tpu.memory_space<hbm>>) target(%arg15 : memref<64x128xf32, #tpu.memory_space<vmem>>) offsets(%dma_start3A_116 : memref<64xi32, #tpu.memory_space<vmem>>) semaphore(%arg20 : memref<!tpu.dma_semaphore, #tpu.memory_space<semaphore_mem>>)
    %dma_wait3A_120 = arith.constant 4 : i32
    %dma_wait3A_121 = arith.constant 0 : i32
    %dma_wait3A_122 = tpu.memref_slice %arg7[%dma_wait3A_120, %dma_wait3A_121] : memref<10x64xi32, #tpu.memory_space<vmem>> -> memref<1x64xi32, #tpu.memory_space<vmem>>
    %dma_wait3A_123 = tpu.memref_squeeze %dma_wait3A_122 : memref<1x64xi32, #tpu.memory_space<vmem>> -> memref<64xi32, #tpu.memory_space<vmem>>
    %dma_wait3A_124 = arith.constant 0 : i32
    %dma_wait3A_125 = arith.constant 0 : i32
    %dma_wait3A_126 = tpu.memref_slice %arg2[%dma_wait3A_124, %dma_wait3A_125] : memref<10000x128xf32, #tpu.memory_space<hbm>> -> memref<10000x128xf32, #tpu.memory_space<hbm>>
    tpu.wait_indirect_dma semaphore(%arg21 : memref<!tpu.dma_semaphore, #tpu.memory_space<semaphore_mem>>) src(%dma_wait3A_126 : memref<10000x128xf32, #tpu.memory_space<hbm>>) dst(%arg16 : memref<64x128xf32, #tpu.memory_space<vmem>>)
    %run_scoped3A_127 = arith.constant 4 : i32
    "tpu.region"() ({
      %run_scoped3A_344 = tpu.sem_alloc : memref<!tpu.dma_semaphore, #tpu.memory_space<semaphore_mem>>
      %dma_start3A_345 = arith.constant 0 : i32
      %dma_start3A_346 = tpu.memref_slice %arg8[%run_scoped3A_127, %dma_start3A_345] : memref<10x64xi32, #tpu.memory_space<vmem>> -> memref<1x64xi32, #tpu.memory_space<vmem>>
      %dma_start3A_347 = tpu.memref_squeeze %dma_start3A_346 : memref<1x64xi32, #tpu.memory_space<vmem>> -> memref<64xi32, #tpu.memory_space<vmem>>
      %dma_start3A_348 = arith.constant 0 : i32
      %dma_start3A_349 = arith.constant 0 : i32
      %dma_start3A_350 = tpu.memref_slice %arg11[%dma_start3A_348, %dma_start3A_349] : memref<10112x128xf32, #tpu.memory_space<vmem_shared>> -> memref<10112x128xf32, #tpu.memory_space<vmem_shared>>
      tpu.enqueue_indirect_dma source(%arg16 : memref<64x128xf32, #tpu.memory_space<vmem>>) target(%dma_start3A_350 : memref<10112x128xf32, #tpu.memory_space<vmem_shared>>) offsets(%dma_start3A_347 : memref<64xi32, #tpu.memory_space<vmem>>) semaphore(%run_scoped3A_344 : memref<!tpu.dma_semaphore, #tpu.memory_space<semaphore_mem>>) {add = true}
      %dma_wait3A_351 = arith.constant 0 : i32
      %dma_wait3A_352 = tpu.memref_slice %arg8[%run_scoped3A_127, %dma_wait3A_351] : memref<10x64xi32, #tpu.memory_space<vmem>> -> memref<1x64xi32, #tpu.memory_space<vmem>>
      %dma_wait3A_353 = tpu.memref_squeeze %dma_wait3A_352 : memref<1x64xi32, #tpu.memory_space<vmem>> -> memref<64xi32, #tpu.memory_space<vmem>>
      %dma_wait3A_354 = arith.constant 0 : i32
      %dma_wait3A_355 = arith.constant 0 : i32
      %dma_wait3A_356 = tpu.memref_slice %arg11[%dma_wait3A_354, %dma_wait3A_355] : memref<10112x128xf32, #tpu.memory_space<vmem_shared>> -> memref<10112x128xf32, #tpu.memory_space<vmem_shared>>
      tpu.wait_indirect_dma semaphore(%run_scoped3A_344 : memref<!tpu.dma_semaphore, #tpu.memory_space<semaphore_mem>>) src(%arg16 : memref<64x128xf32, #tpu.memory_space<vmem>>) dst(%dma_wait3A_356 : memref<10112x128xf32, #tpu.memory_space<vmem_shared>>)
      tpu.yield
    }) : () -> ()
    %dma_start3A_128 = arith.constant 9 : i32
    %dma_start3A_129 = arith.constant 0 : i32
    %dma_start3A_130 = tpu.memref_slice %arg7[%dma_start3A_128, %dma_start3A_129] : memref<10x64xi32, #tpu.memory_space<vmem>> -> memref<1x64xi32, #tpu.memory_space<vmem>>
    %dma_start3A_131 = tpu.memref_squeeze %dma_start3A_130 : memref<1x64xi32, #tpu.memory_space<vmem>> -> memref<64xi32, #tpu.memory_space<vmem>>
    %dma_start3A_132 = arith.constant 0 : i32
    %dma_start3A_133 = arith.constant 0 : i32
    %dma_start3A_134 = tpu.memref_slice %arg2[%dma_start3A_132, %dma_start3A_133] : memref<10000x128xf32, #tpu.memory_space<hbm>> -> memref<10000x128xf32, #tpu.memory_space<hbm>>
    tpu.enqueue_indirect_dma source(%dma_start3A_134 : memref<10000x128xf32, #tpu.memory_space<hbm>>) target(%arg16 : memref<64x128xf32, #tpu.memory_space<vmem>>) offsets(%dma_start3A_131 : memref<64xi32, #tpu.memory_space<vmem>>) semaphore(%arg21 : memref<!tpu.dma_semaphore, #tpu.memory_space<semaphore_mem>>)
    %dma_wait3A_135 = arith.constant 15 : i32
    %dma_wait3A_136 = arith.constant 0 : i32
    %dma_wait3A_137 = arith.constant 0 : i32
    %dma_wait3A_138 = tpu.memref_slice %arg3[%add3A, %dma_wait3A_135, %dma_wait3A_136, %dma_wait3A_137] : memref<32x16x10x64xi32, #tpu.memory_space<hbm>> -> memref<1x1x10x64xi32, #tpu.memory_space<hbm>>
    %dma_wait3A_139 = tpu.memref_squeeze %dma_wait3A_138 : memref<1x1x10x64xi32, #tpu.memory_space<hbm>> -> memref<10x64xi32, #tpu.memory_space<hbm>>
    %dma_wait3A_140 = arith.constant 0 : i32
    %dma_wait3A_141 = arith.constant 0 : i32
    %dma_wait3A_142 = tpu.memref_slice %arg3[%add3A, %dma_wait3A_135, %dma_wait3A_140, %dma_wait3A_141] : memref<32x16x10x64xi32, #tpu.memory_space<hbm>> -> memref<1x1x10x64xi32, #tpu.memory_space<hbm>>
    %dma_wait3A_143 = tpu.memref_squeeze %dma_wait3A_142 : memref<1x1x10x64xi32, #tpu.memory_space<hbm>> -> memref<10x64xi32, #tpu.memory_space<hbm>>
    tpu.wait_dma2 semaphore(%arg23 : memref<!tpu.dma_semaphore, #tpu.memory_space<semaphore_mem>>) src(%dma_wait3A_143 : memref<10x64xi32, #tpu.memory_space<hbm>>) dst(%arg9 : memref<10x64xi32, #tpu.memory_space<vmem>>)
    %dma_wait3A_144 = arith.constant 15 : i32
    %dma_wait3A_145 = arith.constant 0 : i32
    %dma_wait3A_146 = arith.constant 0 : i32
    %dma_wait3A_147 = tpu.memref_slice %arg4[%add3A, %dma_wait3A_144, %dma_wait3A_145, %dma_wait3A_146] : memref<32x16x10x64xi32, #tpu.memory_space<hbm>> -> memref<1x1x10x64xi32, #tpu.memory_space<hbm>>
    %dma_wait3A_148 = tpu.memref_squeeze %dma_wait3A_147 : memref<1x1x10x64xi32, #tpu.memory_space<hbm>> -> memref<10x64xi32, #tpu.memory_space<hbm>>
    %dma_wait3A_149 = arith.constant 0 : i32
    %dma_wait3A_150 = arith.constant 0 : i32
    %dma_wait3A_151 = tpu.memref_slice %arg4[%add3A, %dma_wait3A_144, %dma_wait3A_149, %dma_wait3A_150] : memref<32x16x10x64xi32, #tpu.memory_space<hbm>> -> memref<1x1x10x64xi32, #tpu.memory_space<hbm>>
    %dma_wait3A_152 = tpu.memref_squeeze %dma_wait3A_151 : memref<1x1x10x64xi32, #tpu.memory_space<hbm>> -> memref<10x64xi32, #tpu.memory_space<hbm>>
    tpu.wait_dma2 semaphore(%arg23 : memref<!tpu.dma_semaphore, #tpu.memory_space<semaphore_mem>>) src(%dma_wait3A_152 : memref<10x64xi32, #tpu.memory_space<hbm>>) dst(%arg10 : memref<10x64xi32, #tpu.memory_space<vmem>>)
    %dma_wait3A_153 = arith.constant 5 : i32
    %dma_wait3A_154 = arith.constant 0 : i32
    %dma_wait3A_155 = tpu.memref_slice %arg7[%dma_wait3A_153, %dma_wait3A_154] : memref<10x64xi32, #tpu.memory_space<vmem>> -> memref<1x64xi32, #tpu.memory_space<vmem>>
    %dma_wait3A_156 = tpu.memref_squeeze %dma_wait3A_155 : memref<1x64xi32, #tpu.memory_space<vmem>> -> memref<64xi32, #tpu.memory_space<vmem>>
    %dma_wait3A_157 = arith.constant 0 : i32
    %dma_wait3A_158 = arith.constant 0 : i32
    %dma_wait3A_159 = tpu.memref_slice %arg2[%dma_wait3A_157, %dma_wait3A_158] : memref<10000x128xf32, #tpu.memory_space<hbm>> -> memref<10000x128xf32, #tpu.memory_space<hbm>>
    tpu.wait_indirect_dma semaphore(%arg17 : memref<!tpu.dma_semaphore, #tpu.memory_space<semaphore_mem>>) src(%dma_wait3A_159 : memref<10000x128xf32, #tpu.memory_space<hbm>>) dst(%arg12 : memref<64x128xf32, #tpu.memory_space<vmem>>)
    %run_scoped3A_160 = arith.constant 5 : i32
    "tpu.region"() ({
      %run_scoped3A_344 = tpu.sem_alloc : memref<!tpu.dma_semaphore, #tpu.memory_space<semaphore_mem>>
      %dma_start3A_345 = arith.constant 0 : i32
      %dma_start3A_346 = tpu.memref_slice %arg8[%run_scoped3A_160, %dma_start3A_345] : memref<10x64xi32, #tpu.memory_space<vmem>> -> memref<1x64xi32, #tpu.memory_space<vmem>>
      %dma_start3A_347 = tpu.memref_squeeze %dma_start3A_346 : memref<1x64xi32, #tpu.memory_space<vmem>> -> memref<64xi32, #tpu.memory_space<vmem>>
      %dma_start3A_348 = arith.constant 0 : i32
      %dma_start3A_349 = arith.constant 0 : i32
      %dma_start3A_350 = tpu.memref_slice %arg11[%dma_start3A_348, %dma_start3A_349] : memref<10112x128xf32, #tpu.memory_space<vmem_shared>> -> memref<10112x128xf32, #tpu.memory_space<vmem_shared>>
      tpu.enqueue_indirect_dma source(%arg12 : memref<64x128xf32, #tpu.memory_space<vmem>>) target(%dma_start3A_350 : memref<10112x128xf32, #tpu.memory_space<vmem_shared>>) offsets(%dma_start3A_347 : memref<64xi32, #tpu.memory_space<vmem>>) semaphore(%run_scoped3A_344 : memref<!tpu.dma_semaphore, #tpu.memory_space<semaphore_mem>>) {add = true}
      %dma_wait3A_351 = arith.constant 0 : i32
      %dma_wait3A_352 = tpu.memref_slice %arg8[%run_scoped3A_160, %dma_wait3A_351] : memref<10x64xi32, #tpu.memory_space<vmem>> -> memref<1x64xi32, #tpu.memory_space<vmem>>
      %dma_wait3A_353 = tpu.memref_squeeze %dma_wait3A_352 : memref<1x64xi32, #tpu.memory_space<vmem>> -> memref<64xi32, #tpu.memory_space<vmem>>
      %dma_wait3A_354 = arith.constant 0 : i32
      %dma_wait3A_355 = arith.constant 0 : i32
      %dma_wait3A_356 = tpu.memref_slice %arg11[%dma_wait3A_354, %dma_wait3A_355] : memref<10112x128xf32, #tpu.memory_space<vmem_shared>> -> memref<10112x128xf32, #tpu.memory_space<vmem_shared>>
      tpu.wait_indirect_dma semaphore(%run_scoped3A_344 : memref<!tpu.dma_semaphore, #tpu.memory_space<semaphore_mem>>) src(%arg12 : memref<64x128xf32, #tpu.memory_space<vmem>>) dst(%dma_wait3A_356 : memref<10112x128xf32, #tpu.memory_space<vmem_shared>>)
      tpu.yield
    }) : () -> ()
    %dma_start3A_161 = arith.constant 0 : i32
    %dma_start3A_162 = arith.constant 0 : i32
    %dma_start3A_163 = tpu.memref_slice %arg9[%dma_start3A_161, %dma_start3A_162] : memref<10x64xi32, #tpu.memory_space<vmem>> -> memref<1x64xi32, #tpu.memory_space<vmem>>
    %dma_start3A_164 = tpu.memref_squeeze %dma_start3A_163 : memref<1x64xi32, #tpu.memory_space<vmem>> -> memref<64xi32, #tpu.memory_space<vmem>>
    %dma_start3A_165 = arith.constant 0 : i32
    %dma_start3A_166 = arith.constant 0 : i32
    %dma_start3A_167 = tpu.memref_slice %arg2[%dma_start3A_165, %dma_start3A_166] : memref<10000x128xf32, #tpu.memory_space<hbm>> -> memref<10000x128xf32, #tpu.memory_space<hbm>>
    tpu.enqueue_indirect_dma source(%dma_start3A_167 : memref<10000x128xf32, #tpu.memory_space<hbm>>) target(%arg12 : memref<64x128xf32, #tpu.memory_space<vmem>>) offsets(%dma_start3A_164 : memref<64xi32, #tpu.memory_space<vmem>>) semaphore(%arg17 : memref<!tpu.dma_semaphore, #tpu.memory_space<semaphore_mem>>)
    %dma_wait3A_168 = arith.constant 6 : i32
    %dma_wait3A_169 = arith.constant 0 : i32
    %dma_wait3A_170 = tpu.memref_slice %arg7[%dma_wait3A_168, %dma_wait3A_169] : memref<10x64xi32, #tpu.memory_space<vmem>> -> memref<1x64xi32, #tpu.memory_space<vmem>>
    %dma_wait3A_171 = tpu.memref_squeeze %dma_wait3A_170 : memref<1x64xi32, #tpu.memory_space<vmem>> -> memref<64xi32, #tpu.memory_space<vmem>>
    %dma_wait3A_172 = arith.constant 0 : i32
    %dma_wait3A_173 = arith.constant 0 : i32
    %dma_wait3A_174 = tpu.memref_slice %arg2[%dma_wait3A_172, %dma_wait3A_173] : memref<10000x128xf32, #tpu.memory_space<hbm>> -> memref<10000x128xf32, #tpu.memory_space<hbm>>
    tpu.wait_indirect_dma semaphore(%arg18 : memref<!tpu.dma_semaphore, #tpu.memory_space<semaphore_mem>>) src(%dma_wait3A_174 : memref<10000x128xf32, #tpu.memory_space<hbm>>) dst(%arg13 : memref<64x128xf32, #tpu.memory_space<vmem>>)
    %run_scoped3A_175 = arith.constant 6 : i32
    "tpu.region"() ({
      %run_scoped3A_344 = tpu.sem_alloc : memref<!tpu.dma_semaphore, #tpu.memory_space<semaphore_mem>>
      %dma_start3A_345 = arith.constant 0 : i32
      %dma_start3A_346 = tpu.memref_slice %arg8[%run_scoped3A_175, %dma_start3A_345] : memref<10x64xi32, #tpu.memory_space<vmem>> -> memref<1x64xi32, #tpu.memory_space<vmem>>
      %dma_start3A_347 = tpu.memref_squeeze %dma_start3A_346 : memref<1x64xi32, #tpu.memory_space<vmem>> -> memref<64xi32, #tpu.memory_space<vmem>>
      %dma_start3A_348 = arith.constant 0 : i32
      %dma_start3A_349 = arith.constant 0 : i32
      %dma_start3A_350 = tpu.memref_slice %arg11[%dma_start3A_348, %dma_start3A_349] : memref<10112x128xf32, #tpu.memory_space<vmem_shared>> -> memref<10112x128xf32, #tpu.memory_space<vmem_shared>>
      tpu.enqueue_indirect_dma source(%arg13 : memref<64x128xf32, #tpu.memory_space<vmem>>) target(%dma_start3A_350 : memref<10112x128xf32, #tpu.memory_space<vmem_shared>>) offsets(%dma_start3A_347 : memref<64xi32, #tpu.memory_space<vmem>>) semaphore(%run_scoped3A_344 : memref<!tpu.dma_semaphore, #tpu.memory_space<semaphore_mem>>) {add = true}
      %dma_wait3A_351 = arith.constant 0 : i32
      %dma_wait3A_352 = tpu.memref_slice %arg8[%run_scoped3A_175, %dma_wait3A_351] : memref<10x64xi32, #tpu.memory_space<vmem>> -> memref<1x64xi32, #tpu.memory_space<vmem>>
      %dma_wait3A_353 = tpu.memref_squeeze %dma_wait3A_352 : memref<1x64xi32, #tpu.memory_space<vmem>> -> memref<64xi32, #tpu.memory_space<vmem>>
      %dma_wait3A_354 = arith.constant 0 : i32
      %dma_wait3A_355 = arith.constant 0 : i32
      %dma_wait3A_356 = tpu.memref_slice %arg11[%dma_wait3A_354, %dma_wait3A_355] : memref<10112x128xf32, #tpu.memory_space<vmem_shared>> -> memref<10112x128xf32, #tpu.memory_space<vmem_shared>>
      tpu.wait_indirect_dma semaphore(%run_scoped3A_344 : memref<!tpu.dma_semaphore, #tpu.memory_space<semaphore_mem>>) src(%arg13 : memref<64x128xf32, #tpu.memory_space<vmem>>) dst(%dma_wait3A_356 : memref<10112x128xf32, #tpu.memory_space<vmem_shared>>)
      tpu.yield
    }) : () -> ()
    %dma_start3A_176 = arith.constant 1 : i32
    %dma_start3A_177 = arith.constant 0 : i32
    %dma_start3A_178 = tpu.memref_slice %arg9[%dma_start3A_176, %dma_start3A_177] : memref<10x64xi32, #tpu.memory_space<vmem>> -> memref<1x64xi32, #tpu.memory_space<vmem>>
    %dma_start3A_179 = tpu.memref_squeeze %dma_start3A_178 : memref<1x64xi32, #tpu.memory_space<vmem>> -> memref<64xi32, #tpu.memory_space<vmem>>
    %dma_start3A_180 = arith.constant 0 : i32
    %dma_start3A_181 = arith.constant 0 : i32
    %dma_start3A_182 = tpu.memref_slice %arg2[%dma_start3A_180, %dma_start3A_181] : memref<10000x128xf32, #tpu.memory_space<hbm>> -> memref<10000x128xf32, #tpu.memory_space<hbm>>
    tpu.enqueue_indirect_dma source(%dma_start3A_182 : memref<10000x128xf32, #tpu.memory_space<hbm>>) target(%arg13 : memref<64x128xf32, #tpu.memory_space<vmem>>) offsets(%dma_start3A_179 : memref<64xi32, #tpu.memory_space<vmem>>) semaphore(%arg18 : memref<!tpu.dma_semaphore, #tpu.memory_space<semaphore_mem>>)
    %dma_wait3A_183 = arith.constant 7 : i32
    %dma_wait3A_184 = arith.constant 0 : i32
    %dma_wait3A_185 = tpu.memref_slice %arg7[%dma_wait3A_183, %dma_wait3A_184] : memref<10x64xi32, #tpu.memory_space<vmem>> -> memref<1x64xi32, #tpu.memory_space<vmem>>
    %dma_wait3A_186 = tpu.memref_squeeze %dma_wait3A_185 : memref<1x64xi32, #tpu.memory_space<vmem>> -> memref<64xi32, #tpu.memory_space<vmem>>
    %dma_wait3A_187 = arith.constant 0 : i32
    %dma_wait3A_188 = arith.constant 0 : i32
    %dma_wait3A_189 = tpu.memref_slice %arg2[%dma_wait3A_187, %dma_wait3A_188] : memref<10000x128xf32, #tpu.memory_space<hbm>> -> memref<10000x128xf32, #tpu.memory_space<hbm>>
    tpu.wait_indirect_dma semaphore(%arg19 : memref<!tpu.dma_semaphore, #tpu.memory_space<semaphore_mem>>) src(%dma_wait3A_189 : memref<10000x128xf32, #tpu.memory_space<hbm>>) dst(%arg14 : memref<64x128xf32, #tpu.memory_space<vmem>>)
    %run_scoped3A_190 = arith.constant 7 : i32
    "tpu.region"() ({
      %run_scoped3A_344 = tpu.sem_alloc : memref<!tpu.dma_semaphore, #tpu.memory_space<semaphore_mem>>
      %dma_start3A_345 = arith.constant 0 : i32
      %dma_start3A_346 = tpu.memref_slice %arg8[%run_scoped3A_190, %dma_start3A_345] : memref<10x64xi32, #tpu.memory_space<vmem>> -> memref<1x64xi32, #tpu.memory_space<vmem>>
      %dma_start3A_347 = tpu.memref_squeeze %dma_start3A_346 : memref<1x64xi32, #tpu.memory_space<vmem>> -> memref<64xi32, #tpu.memory_space<vmem>>
      %dma_start3A_348 = arith.constant 0 : i32
      %dma_start3A_349 = arith.constant 0 : i32
      %dma_start3A_350 = tpu.memref_slice %arg11[%dma_start3A_348, %dma_start3A_349] : memref<10112x128xf32, #tpu.memory_space<vmem_shared>> -> memref<10112x128xf32, #tpu.memory_space<vmem_shared>>
      tpu.enqueue_indirect_dma source(%arg14 : memref<64x128xf32, #tpu.memory_space<vmem>>) target(%dma_start3A_350 : memref<10112x128xf32, #tpu.memory_space<vmem_shared>>) offsets(%dma_start3A_347 : memref<64xi32, #tpu.memory_space<vmem>>) semaphore(%run_scoped3A_344 : memref<!tpu.dma_semaphore, #tpu.memory_space<semaphore_mem>>) {add = true}
      %dma_wait3A_351 = arith.constant 0 : i32
      %dma_wait3A_352 = tpu.memref_slice %arg8[%run_scoped3A_190, %dma_wait3A_351] : memref<10x64xi32, #tpu.memory_space<vmem>> -> memref<1x64xi32, #tpu.memory_space<vmem>>
      %dma_wait3A_353 = tpu.memref_squeeze %dma_wait3A_352 : memref<1x64xi32, #tpu.memory_space<vmem>> -> memref<64xi32, #tpu.memory_space<vmem>>
      %dma_wait3A_354 = arith.constant 0 : i32
      %dma_wait3A_355 = arith.constant 0 : i32
      %dma_wait3A_356 = tpu.memref_slice %arg11[%dma_wait3A_354, %dma_wait3A_355] : memref<10112x128xf32, #tpu.memory_space<vmem_shared>> -> memref<10112x128xf32, #tpu.memory_space<vmem_shared>>
      tpu.wait_indirect_dma semaphore(%run_scoped3A_344 : memref<!tpu.dma_semaphore, #tpu.memory_space<semaphore_mem>>) src(%arg14 : memref<64x128xf32, #tpu.memory_space<vmem>>) dst(%dma_wait3A_356 : memref<10112x128xf32, #tpu.memory_space<vmem_shared>>)
      tpu.yield
    }) : () -> ()
    %dma_start3A_191 = arith.constant 2 : i32
    %dma_start3A_192 = arith.constant 0 : i32
    %dma_start3A_193 = tpu.memref_slice %arg9[%dma_start3A_191, %dma_start3A_192] : memref<10x64xi32, #tpu.memory_space<vmem>> -> memref<1x64xi32, #tpu.memory_space<vmem>>
    %dma_start3A_194 = tpu.memref_squeeze %dma_start3A_193 : memref<1x64xi32, #tpu.memory_space<vmem>> -> memref<64xi32, #tpu.memory_space<vmem>>
    %dma_start3A_195 = arith.constant 0 : i32
    %dma_start3A_196 = arith.constant 0 : i32
    %dma_start3A_197 = tpu.memref_slice %arg2[%dma_start3A_195, %dma_start3A_196] : memref<10000x128xf32, #tpu.memory_space<hbm>> -> memref<10000x128xf32, #tpu.memory_space<hbm>>
    tpu.enqueue_indirect_dma source(%dma_start3A_197 : memref<10000x128xf32, #tpu.memory_space<hbm>>) target(%arg14 : memref<64x128xf32, #tpu.memory_space<vmem>>) offsets(%dma_start3A_194 : memref<64xi32, #tpu.memory_space<vmem>>) semaphore(%arg19 : memref<!tpu.dma_semaphore, #tpu.memory_space<semaphore_mem>>)
    %dma_wait3A_198 = arith.constant 8 : i32
    %dma_wait3A_199 = arith.constant 0 : i32
    %dma_wait3A_200 = tpu.memref_slice %arg7[%dma_wait3A_198, %dma_wait3A_199] : memref<10x64xi32, #tpu.memory_space<vmem>> -> memref<1x64xi32, #tpu.memory_space<vmem>>
    %dma_wait3A_201 = tpu.memref_squeeze %dma_wait3A_200 : memref<1x64xi32, #tpu.memory_space<vmem>> -> memref<64xi32, #tpu.memory_space<vmem>>
    %dma_wait3A_202 = arith.constant 0 : i32
    %dma_wait3A_203 = arith.constant 0 : i32
    %dma_wait3A_204 = tpu.memref_slice %arg2[%dma_wait3A_202, %dma_wait3A_203] : memref<10000x128xf32, #tpu.memory_space<hbm>> -> memref<10000x128xf32, #tpu.memory_space<hbm>>
    tpu.wait_indirect_dma semaphore(%arg20 : memref<!tpu.dma_semaphore, #tpu.memory_space<semaphore_mem>>) src(%dma_wait3A_204 : memref<10000x128xf32, #tpu.memory_space<hbm>>) dst(%arg15 : memref<64x128xf32, #tpu.memory_space<vmem>>)
    %run_scoped3A_205 = arith.constant 8 : i32
    "tpu.region"() ({
      %run_scoped3A_344 = tpu.sem_alloc : memref<!tpu.dma_semaphore, #tpu.memory_space<semaphore_mem>>
      %dma_start3A_345 = arith.constant 0 : i32
      %dma_start3A_346 = tpu.memref_slice %arg8[%run_scoped3A_205, %dma_start3A_345] : memref<10x64xi32, #tpu.memory_space<vmem>> -> memref<1x64xi32, #tpu.memory_space<vmem>>
      %dma_start3A_347 = tpu.memref_squeeze %dma_start3A_346 : memref<1x64xi32, #tpu.memory_space<vmem>> -> memref<64xi32, #tpu.memory_space<vmem>>
      %dma_start3A_348 = arith.constant 0 : i32
      %dma_start3A_349 = arith.constant 0 : i32
      %dma_start3A_350 = tpu.memref_slice %arg11[%dma_start3A_348, %dma_start3A_349] : memref<10112x128xf32, #tpu.memory_space<vmem_shared>> -> memref<10112x128xf32, #tpu.memory_space<vmem_shared>>
      tpu.enqueue_indirect_dma source(%arg15 : memref<64x128xf32, #tpu.memory_space<vmem>>) target(%dma_start3A_350 : memref<10112x128xf32, #tpu.memory_space<vmem_shared>>) offsets(%dma_start3A_347 : memref<64xi32, #tpu.memory_space<vmem>>) semaphore(%run_scoped3A_344 : memref<!tpu.dma_semaphore, #tpu.memory_space<semaphore_mem>>) {add = true}
      %dma_wait3A_351 = arith.constant 0 : i32
      %dma_wait3A_352 = tpu.memref_slice %arg8[%run_scoped3A_205, %dma_wait3A_351] : memref<10x64xi32, #tpu.memory_space<vmem>> -> memref<1x64xi32, #tpu.memory_space<vmem>>
      %dma_wait3A_353 = tpu.memref_squeeze %dma_wait3A_352 : memref<1x64xi32, #tpu.memory_space<vmem>> -> memref<64xi32, #tpu.memory_space<vmem>>
      %dma_wait3A_354 = arith.constant 0 : i32
      %dma_wait3A_355 = arith.constant 0 : i32
      %dma_wait3A_356 = tpu.memref_slice %arg11[%dma_wait3A_354, %dma_wait3A_355] : memref<10112x128xf32, #tpu.memory_space<vmem_shared>> -> memref<10112x128xf32, #tpu.memory_space<vmem_shared>>
      tpu.wait_indirect_dma semaphore(%run_scoped3A_344 : memref<!tpu.dma_semaphore, #tpu.memory_space<semaphore_mem>>) src(%arg15 : memref<64x128xf32, #tpu.memory_space<vmem>>) dst(%dma_wait3A_356 : memref<10112x128xf32, #tpu.memory_space<vmem_shared>>)
      tpu.yield
    }) : () -> ()
    %dma_start3A_206 = arith.constant 3 : i32
    %dma_start3A_207 = arith.constant 0 : i32
    %dma_start3A_208 = tpu.memref_slice %arg9[%dma_start3A_206, %dma_start3A_207] : memref<10x64xi32, #tpu.memory_space<vmem>> -> memref<1x64xi32, #tpu.memory_space<vmem>>
    %dma_start3A_209 = tpu.memref_squeeze %dma_start3A_208 : memref<1x64xi32, #tpu.memory_space<vmem>> -> memref<64xi32, #tpu.memory_space<vmem>>
    %dma_start3A_210 = arith.constant 0 : i32
    %dma_start3A_211 = arith.constant 0 : i32
    %dma_start3A_212 = tpu.memref_slice %arg2[%dma_start3A_210, %dma_start3A_211] : memref<10000x128xf32, #tpu.memory_space<hbm>> -> memref<10000x128xf32, #tpu.memory_space<hbm>>
    tpu.enqueue_indirect_dma source(%dma_start3A_212 : memref<10000x128xf32, #tpu.memory_space<hbm>>) target(%arg15 : memref<64x128xf32, #tpu.memory_space<vmem>>) offsets(%dma_start3A_209 : memref<64xi32, #tpu.memory_space<vmem>>) semaphore(%arg20 : memref<!tpu.dma_semaphore, #tpu.memory_space<semaphore_mem>>)
    %dma_wait3A_213 = arith.constant 9 : i32
    %dma_wait3A_214 = arith.constant 0 : i32
    %dma_wait3A_215 = tpu.memref_slice %arg7[%dma_wait3A_213, %dma_wait3A_214] : memref<10x64xi32, #tpu.memory_space<vmem>> -> memref<1x64xi32, #tpu.memory_space<vmem>>
    %dma_wait3A_216 = tpu.memref_squeeze %dma_wait3A_215 : memref<1x64xi32, #tpu.memory_space<vmem>> -> memref<64xi32, #tpu.memory_space<vmem>>
    %dma_wait3A_217 = arith.constant 0 : i32
    %dma_wait3A_218 = arith.constant 0 : i32
    %dma_wait3A_219 = tpu.memref_slice %arg2[%dma_wait3A_217, %dma_wait3A_218] : memref<10000x128xf32, #tpu.memory_space<hbm>> -> memref<10000x128xf32, #tpu.memory_space<hbm>>
    tpu.wait_indirect_dma semaphore(%arg21 : memref<!tpu.dma_semaphore, #tpu.memory_space<semaphore_mem>>) src(%dma_wait3A_219 : memref<10000x128xf32, #tpu.memory_space<hbm>>) dst(%arg16 : memref<64x128xf32, #tpu.memory_space<vmem>>)
    %run_scoped3A_220 = arith.constant 9 : i32
    "tpu.region"() ({
      %run_scoped3A_344 = tpu.sem_alloc : memref<!tpu.dma_semaphore, #tpu.memory_space<semaphore_mem>>
      %dma_start3A_345 = arith.constant 0 : i32
      %dma_start3A_346 = tpu.memref_slice %arg8[%run_scoped3A_220, %dma_start3A_345] : memref<10x64xi32, #tpu.memory_space<vmem>> -> memref<1x64xi32, #tpu.memory_space<vmem>>
      %dma_start3A_347 = tpu.memref_squeeze %dma_start3A_346 : memref<1x64xi32, #tpu.memory_space<vmem>> -> memref<64xi32, #tpu.memory_space<vmem>>
      %dma_start3A_348 = arith.constant 0 : i32
      %dma_start3A_349 = arith.constant 0 : i32
      %dma_start3A_350 = tpu.memref_slice %arg11[%dma_start3A_348, %dma_start3A_349] : memref<10112x128xf32, #tpu.memory_space<vmem_shared>> -> memref<10112x128xf32, #tpu.memory_space<vmem_shared>>
      tpu.enqueue_indirect_dma source(%arg16 : memref<64x128xf32, #tpu.memory_space<vmem>>) target(%dma_start3A_350 : memref<10112x128xf32, #tpu.memory_space<vmem_shared>>) offsets(%dma_start3A_347 : memref<64xi32, #tpu.memory_space<vmem>>) semaphore(%run_scoped3A_344 : memref<!tpu.dma_semaphore, #tpu.memory_space<semaphore_mem>>) {add = true}
      %dma_wait3A_351 = arith.constant 0 : i32
      %dma_wait3A_352 = tpu.memref_slice %arg8[%run_scoped3A_220, %dma_wait3A_351] : memref<10x64xi32, #tpu.memory_space<vmem>> -> memref<1x64xi32, #tpu.memory_space<vmem>>
      %dma_wait3A_353 = tpu.memref_squeeze %dma_wait3A_352 : memref<1x64xi32, #tpu.memory_space<vmem>> -> memref<64xi32, #tpu.memory_space<vmem>>
      %dma_wait3A_354 = arith.constant 0 : i32
      %dma_wait3A_355 = arith.constant 0 : i32
      %dma_wait3A_356 = tpu.memref_slice %arg11[%dma_wait3A_354, %dma_wait3A_355] : memref<10112x128xf32, #tpu.memory_space<vmem_shared>> -> memref<10112x128xf32, #tpu.memory_space<vmem_shared>>
      tpu.wait_indirect_dma semaphore(%run_scoped3A_344 : memref<!tpu.dma_semaphore, #tpu.memory_space<semaphore_mem>>) src(%arg16 : memref<64x128xf32, #tpu.memory_space<vmem>>) dst(%dma_wait3A_356 : memref<10112x128xf32, #tpu.memory_space<vmem_shared>>)
      tpu.yield
    }) : () -> ()
    %dma_start3A_221 = arith.constant 4 : i32
    %dma_start3A_222 = arith.constant 0 : i32
    %dma_start3A_223 = tpu.memref_slice %arg9[%dma_start3A_221, %dma_start3A_222] : memref<10x64xi32, #tpu.memory_space<vmem>> -> memref<1x64xi32, #tpu.memory_space<vmem>>
    %dma_start3A_224 = tpu.memref_squeeze %dma_start3A_223 : memref<1x64xi32, #tpu.memory_space<vmem>> -> memref<64xi32, #tpu.memory_space<vmem>>
    %dma_start3A_225 = arith.constant 0 : i32
    %dma_start3A_226 = arith.constant 0 : i32
    %dma_start3A_227 = tpu.memref_slice %arg2[%dma_start3A_225, %dma_start3A_226] : memref<10000x128xf32, #tpu.memory_space<hbm>> -> memref<10000x128xf32, #tpu.memory_space<hbm>>
    tpu.enqueue_indirect_dma source(%dma_start3A_227 : memref<10000x128xf32, #tpu.memory_space<hbm>>) target(%arg16 : memref<64x128xf32, #tpu.memory_space<vmem>>) offsets(%dma_start3A_224 : memref<64xi32, #tpu.memory_space<vmem>>) semaphore(%arg21 : memref<!tpu.dma_semaphore, #tpu.memory_space<semaphore_mem>>)
    %dma_wait3A_228 = arith.constant 0 : i32
    %dma_wait3A_229 = arith.constant 0 : i32
    %dma_wait3A_230 = tpu.memref_slice %arg9[%dma_wait3A_228, %dma_wait3A_229] : memref<10x64xi32, #tpu.memory_space<vmem>> -> memref<1x64xi32, #tpu.memory_space<vmem>>
    %dma_wait3A_231 = tpu.memref_squeeze %dma_wait3A_230 : memref<1x64xi32, #tpu.memory_space<vmem>> -> memref<64xi32, #tpu.memory_space<vmem>>
    %dma_wait3A_232 = arith.constant 0 : i32
    %dma_wait3A_233 = arith.constant 0 : i32
    %dma_wait3A_234 = tpu.memref_slice %arg2[%dma_wait3A_232, %dma_wait3A_233] : memref<10000x128xf32, #tpu.memory_space<hbm>> -> memref<10000x128xf32, #tpu.memory_space<hbm>>
    tpu.wait_indirect_dma semaphore(%arg17 : memref<!tpu.dma_semaphore, #tpu.memory_space<semaphore_mem>>) src(%dma_wait3A_234 : memref<10000x128xf32, #tpu.memory_space<hbm>>) dst(%arg12 : memref<64x128xf32, #tpu.memory_space<vmem>>)
    %run_scoped3A_235 = arith.constant 0 : i32
    "tpu.region"() ({
      %run_scoped3A_344 = tpu.sem_alloc : memref<!tpu.dma_semaphore, #tpu.memory_space<semaphore_mem>>
      %dma_start3A_345 = arith.constant 0 : i32
      %dma_start3A_346 = tpu.memref_slice %arg10[%run_scoped3A_235, %dma_start3A_345] : memref<10x64xi32, #tpu.memory_space<vmem>> -> memref<1x64xi32, #tpu.memory_space<vmem>>
      %dma_start3A_347 = tpu.memref_squeeze %dma_start3A_346 : memref<1x64xi32, #tpu.memory_space<vmem>> -> memref<64xi32, #tpu.memory_space<vmem>>
      %dma_start3A_348 = arith.constant 0 : i32
      %dma_start3A_349 = arith.constant 0 : i32
      %dma_start3A_350 = tpu.memref_slice %arg11[%dma_start3A_348, %dma_start3A_349] : memref<10112x128xf32, #tpu.memory_space<vmem_shared>> -> memref<10112x128xf32, #tpu.memory_space<vmem_shared>>
      tpu.enqueue_indirect_dma source(%arg12 : memref<64x128xf32, #tpu.memory_space<vmem>>) target(%dma_start3A_350 : memref<10112x128xf32, #tpu.memory_space<vmem_shared>>) offsets(%dma_start3A_347 : memref<64xi32, #tpu.memory_space<vmem>>) semaphore(%run_scoped3A_344 : memref<!tpu.dma_semaphore, #tpu.memory_space<semaphore_mem>>) {add = true}
      %dma_wait3A_351 = arith.constant 0 : i32
      %dma_wait3A_352 = tpu.memref_slice %arg10[%run_scoped3A_235, %dma_wait3A_351] : memref<10x64xi32, #tpu.memory_space<vmem>> -> memref<1x64xi32, #tpu.memory_space<vmem>>
      %dma_wait3A_353 = tpu.memref_squeeze %dma_wait3A_352 : memref<1x64xi32, #tpu.memory_space<vmem>> -> memref<64xi32, #tpu.memory_space<vmem>>
      %dma_wait3A_354 = arith.constant 0 : i32
      %dma_wait3A_355 = arith.constant 0 : i32
      %dma_wait3A_356 = tpu.memref_slice %arg11[%dma_wait3A_354, %dma_wait3A_355] : memref<10112x128xf32, #tpu.memory_space<vmem_shared>> -> memref<10112x128xf32, #tpu.memory_space<vmem_shared>>
      tpu.wait_indirect_dma semaphore(%run_scoped3A_344 : memref<!tpu.dma_semaphore, #tpu.memory_space<semaphore_mem>>) src(%arg12 : memref<64x128xf32, #tpu.memory_space<vmem>>) dst(%dma_wait3A_356 : memref<10112x128xf32, #tpu.memory_space<vmem_shared>>)
      tpu.yield
    }) : () -> ()
    %dma_start3A_236 = arith.constant 5 : i32
    %dma_start3A_237 = arith.constant 0 : i32
    %dma_start3A_238 = tpu.memref_slice %arg9[%dma_start3A_236, %dma_start3A_237] : memref<10x64xi32, #tpu.memory_space<vmem>> -> memref<1x64xi32, #tpu.memory_space<vmem>>
    %dma_start3A_239 = tpu.memref_squeeze %dma_start3A_238 : memref<1x64xi32, #tpu.memory_space<vmem>> -> memref<64xi32, #tpu.memory_space<vmem>>
    %dma_start3A_240 = arith.constant 0 : i32
    %dma_start3A_241 = arith.constant 0 : i32
    %dma_start3A_242 = tpu.memref_slice %arg2[%dma_start3A_240, %dma_start3A_241] : memref<10000x128xf32, #tpu.memory_space<hbm>> -> memref<10000x128xf32, #tpu.memory_space<hbm>>
    tpu.enqueue_indirect_dma source(%dma_start3A_242 : memref<10000x128xf32, #tpu.memory_space<hbm>>) target(%arg12 : memref<64x128xf32, #tpu.memory_space<vmem>>) offsets(%dma_start3A_239 : memref<64xi32, #tpu.memory_space<vmem>>) semaphore(%arg17 : memref<!tpu.dma_semaphore, #tpu.memory_space<semaphore_mem>>)
    %dma_wait3A_243 = arith.constant 1 : i32
    %dma_wait3A_244 = arith.constant 0 : i32
    %dma_wait3A_245 = tpu.memref_slice %arg9[%dma_wait3A_243, %dma_wait3A_244] : memref<10x64xi32, #tpu.memory_space<vmem>> -> memref<1x64xi32, #tpu.memory_space<vmem>>
    %dma_wait3A_246 = tpu.memref_squeeze %dma_wait3A_245 : memref<1x64xi32, #tpu.memory_space<vmem>> -> memref<64xi32, #tpu.memory_space<vmem>>
    %dma_wait3A_247 = arith.constant 0 : i32
    %dma_wait3A_248 = arith.constant 0 : i32
    %dma_wait3A_249 = tpu.memref_slice %arg2[%dma_wait3A_247, %dma_wait3A_248] : memref<10000x128xf32, #tpu.memory_space<hbm>> -> memref<10000x128xf32, #tpu.memory_space<hbm>>
    tpu.wait_indirect_dma semaphore(%arg18 : memref<!tpu.dma_semaphore, #tpu.memory_space<semaphore_mem>>) src(%dma_wait3A_249 : memref<10000x128xf32, #tpu.memory_space<hbm>>) dst(%arg13 : memref<64x128xf32, #tpu.memory_space<vmem>>)
    %run_scoped3A_250 = arith.constant 1 : i32
    "tpu.region"() ({
      %run_scoped3A_344 = tpu.sem_alloc : memref<!tpu.dma_semaphore, #tpu.memory_space<semaphore_mem>>
      %dma_start3A_345 = arith.constant 0 : i32
      %dma_start3A_346 = tpu.memref_slice %arg10[%run_scoped3A_250, %dma_start3A_345] : memref<10x64xi32, #tpu.memory_space<vmem>> -> memref<1x64xi32, #tpu.memory_space<vmem>>
      %dma_start3A_347 = tpu.memref_squeeze %dma_start3A_346 : memref<1x64xi32, #tpu.memory_space<vmem>> -> memref<64xi32, #tpu.memory_space<vmem>>
      %dma_start3A_348 = arith.constant 0 : i32
      %dma_start3A_349 = arith.constant 0 : i32
      %dma_start3A_350 = tpu.memref_slice %arg11[%dma_start3A_348, %dma_start3A_349] : memref<10112x128xf32, #tpu.memory_space<vmem_shared>> -> memref<10112x128xf32, #tpu.memory_space<vmem_shared>>
      tpu.enqueue_indirect_dma source(%arg13 : memref<64x128xf32, #tpu.memory_space<vmem>>) target(%dma_start3A_350 : memref<10112x128xf32, #tpu.memory_space<vmem_shared>>) offsets(%dma_start3A_347 : memref<64xi32, #tpu.memory_space<vmem>>) semaphore(%run_scoped3A_344 : memref<!tpu.dma_semaphore, #tpu.memory_space<semaphore_mem>>) {add = true}
      %dma_wait3A_351 = arith.constant 0 : i32
      %dma_wait3A_352 = tpu.memref_slice %arg10[%run_scoped3A_250, %dma_wait3A_351] : memref<10x64xi32, #tpu.memory_space<vmem>> -> memref<1x64xi32, #tpu.memory_space<vmem>>
      %dma_wait3A_353 = tpu.memref_squeeze %dma_wait3A_352 : memref<1x64xi32, #tpu.memory_space<vmem>> -> memref<64xi32, #tpu.memory_space<vmem>>
      %dma_wait3A_354 = arith.constant 0 : i32
      %dma_wait3A_355 = arith.constant 0 : i32
      %dma_wait3A_356 = tpu.memref_slice %arg11[%dma_wait3A_354, %dma_wait3A_355] : memref<10112x128xf32, #tpu.memory_space<vmem_shared>> -> memref<10112x128xf32, #tpu.memory_space<vmem_shared>>
      tpu.wait_indirect_dma semaphore(%run_scoped3A_344 : memref<!tpu.dma_semaphore, #tpu.memory_space<semaphore_mem>>) src(%arg13 : memref<64x128xf32, #tpu.memory_space<vmem>>) dst(%dma_wait3A_356 : memref<10112x128xf32, #tpu.memory_space<vmem_shared>>)
      tpu.yield
    }) : () -> ()
    %dma_start3A_251 = arith.constant 6 : i32
    %dma_start3A_252 = arith.constant 0 : i32
    %dma_start3A_253 = tpu.memref_slice %arg9[%dma_start3A_251, %dma_start3A_252] : memref<10x64xi32, #tpu.memory_space<vmem>> -> memref<1x64xi32, #tpu.memory_space<vmem>>
    %dma_start3A_254 = tpu.memref_squeeze %dma_start3A_253 : memref<1x64xi32, #tpu.memory_space<vmem>> -> memref<64xi32, #tpu.memory_space<vmem>>
    %dma_start3A_255 = arith.constant 0 : i32
    %dma_start3A_256 = arith.constant 0 : i32
    %dma_start3A_257 = tpu.memref_slice %arg2[%dma_start3A_255, %dma_start3A_256] : memref<10000x128xf32, #tpu.memory_space<hbm>> -> memref<10000x128xf32, #tpu.memory_space<hbm>>
    tpu.enqueue_indirect_dma source(%dma_start3A_257 : memref<10000x128xf32, #tpu.memory_space<hbm>>) target(%arg13 : memref<64x128xf32, #tpu.memory_space<vmem>>) offsets(%dma_start3A_254 : memref<64xi32, #tpu.memory_space<vmem>>) semaphore(%arg18 : memref<!tpu.dma_semaphore, #tpu.memory_space<semaphore_mem>>)
    %dma_wait3A_258 = arith.constant 2 : i32
    %dma_wait3A_259 = arith.constant 0 : i32
    %dma_wait3A_260 = tpu.memref_slice %arg9[%dma_wait3A_258, %dma_wait3A_259] : memref<10x64xi32, #tpu.memory_space<vmem>> -> memref<1x64xi32, #tpu.memory_space<vmem>>
    %dma_wait3A_261 = tpu.memref_squeeze %dma_wait3A_260 : memref<1x64xi32, #tpu.memory_space<vmem>> -> memref<64xi32, #tpu.memory_space<vmem>>
    %dma_wait3A_262 = arith.constant 0 : i32
    %dma_wait3A_263 = arith.constant 0 : i32
    %dma_wait3A_264 = tpu.memref_slice %arg2[%dma_wait3A_262, %dma_wait3A_263] : memref<10000x128xf32, #tpu.memory_space<hbm>> -> memref<10000x128xf32, #tpu.memory_space<hbm>>
    tpu.wait_indirect_dma semaphore(%arg19 : memref<!tpu.dma_semaphore, #tpu.memory_space<semaphore_mem>>) src(%dma_wait3A_264 : memref<10000x128xf32, #tpu.memory_space<hbm>>) dst(%arg14 : memref<64x128xf32, #tpu.memory_space<vmem>>)
    %run_scoped3A_265 = arith.constant 2 : i32
    "tpu.region"() ({
      %run_scoped3A_344 = tpu.sem_alloc : memref<!tpu.dma_semaphore, #tpu.memory_space<semaphore_mem>>
      %dma_start3A_345 = arith.constant 0 : i32
      %dma_start3A_346 = tpu.memref_slice %arg10[%run_scoped3A_265, %dma_start3A_345] : memref<10x64xi32, #tpu.memory_space<vmem>> -> memref<1x64xi32, #tpu.memory_space<vmem>>
      %dma_start3A_347 = tpu.memref_squeeze %dma_start3A_346 : memref<1x64xi32, #tpu.memory_space<vmem>> -> memref<64xi32, #tpu.memory_space<vmem>>
      %dma_start3A_348 = arith.constant 0 : i32
      %dma_start3A_349 = arith.constant 0 : i32
      %dma_start3A_350 = tpu.memref_slice %arg11[%dma_start3A_348, %dma_start3A_349] : memref<10112x128xf32, #tpu.memory_space<vmem_shared>> -> memref<10112x128xf32, #tpu.memory_space<vmem_shared>>
      tpu.enqueue_indirect_dma source(%arg14 : memref<64x128xf32, #tpu.memory_space<vmem>>) target(%dma_start3A_350 : memref<10112x128xf32, #tpu.memory_space<vmem_shared>>) offsets(%dma_start3A_347 : memref<64xi32, #tpu.memory_space<vmem>>) semaphore(%run_scoped3A_344 : memref<!tpu.dma_semaphore, #tpu.memory_space<semaphore_mem>>) {add = true}
      %dma_wait3A_351 = arith.constant 0 : i32
      %dma_wait3A_352 = tpu.memref_slice %arg10[%run_scoped3A_265, %dma_wait3A_351] : memref<10x64xi32, #tpu.memory_space<vmem>> -> memref<1x64xi32, #tpu.memory_space<vmem>>
      %dma_wait3A_353 = tpu.memref_squeeze %dma_wait3A_352 : memref<1x64xi32, #tpu.memory_space<vmem>> -> memref<64xi32, #tpu.memory_space<vmem>>
      %dma_wait3A_354 = arith.constant 0 : i32
      %dma_wait3A_355 = arith.constant 0 : i32
      %dma_wait3A_356 = tpu.memref_slice %arg11[%dma_wait3A_354, %dma_wait3A_355] : memref<10112x128xf32, #tpu.memory_space<vmem_shared>> -> memref<10112x128xf32, #tpu.memory_space<vmem_shared>>
      tpu.wait_indirect_dma semaphore(%run_scoped3A_344 : memref<!tpu.dma_semaphore, #tpu.memory_space<semaphore_mem>>) src(%arg14 : memref<64x128xf32, #tpu.memory_space<vmem>>) dst(%dma_wait3A_356 : memref<10112x128xf32, #tpu.memory_space<vmem_shared>>)
      tpu.yield
    }) : () -> ()
    %dma_start3A_266 = arith.constant 7 : i32
    %dma_start3A_267 = arith.constant 0 : i32
    %dma_start3A_268 = tpu.memref_slice %arg9[%dma_start3A_266, %dma_start3A_267] : memref<10x64xi32, #tpu.memory_space<vmem>> -> memref<1x64xi32, #tpu.memory_space<vmem>>
    %dma_start3A_269 = tpu.memref_squeeze %dma_start3A_268 : memref<1x64xi32, #tpu.memory_space<vmem>> -> memref<64xi32, #tpu.memory_space<vmem>>
    %dma_start3A_270 = arith.constant 0 : i32
    %dma_start3A_271 = arith.constant 0 : i32
    %dma_start3A_272 = tpu.memref_slice %arg2[%dma_start3A_270, %dma_start3A_271] : memref<10000x128xf32, #tpu.memory_space<hbm>> -> memref<10000x128xf32, #tpu.memory_space<hbm>>
    tpu.enqueue_indirect_dma source(%dma_start3A_272 : memref<10000x128xf32, #tpu.memory_space<hbm>>) target(%arg14 : memref<64x128xf32, #tpu.memory_space<vmem>>) offsets(%dma_start3A_269 : memref<64xi32, #tpu.memory_space<vmem>>) semaphore(%arg19 : memref<!tpu.dma_semaphore, #tpu.memory_space<semaphore_mem>>)
    %dma_wait3A_273 = arith.constant 3 : i32
    %dma_wait3A_274 = arith.constant 0 : i32
    %dma_wait3A_275 = tpu.memref_slice %arg9[%dma_wait3A_273, %dma_wait3A_274] : memref<10x64xi32, #tpu.memory_space<vmem>> -> memref<1x64xi32, #tpu.memory_space<vmem>>
    %dma_wait3A_276 = tpu.memref_squeeze %dma_wait3A_275 : memref<1x64xi32, #tpu.memory_space<vmem>> -> memref<64xi32, #tpu.memory_space<vmem>>
    %dma_wait3A_277 = arith.constant 0 : i32
    %dma_wait3A_278 = arith.constant 0 : i32
    %dma_wait3A_279 = tpu.memref_slice %arg2[%dma_wait3A_277, %dma_wait3A_278] : memref<10000x128xf32, #tpu.memory_space<hbm>> -> memref<10000x128xf32, #tpu.memory_space<hbm>>
    tpu.wait_indirect_dma semaphore(%arg20 : memref<!tpu.dma_semaphore, #tpu.memory_space<semaphore_mem>>) src(%dma_wait3A_279 : memref<10000x128xf32, #tpu.memory_space<hbm>>) dst(%arg15 : memref<64x128xf32, #tpu.memory_space<vmem>>)
    %run_scoped3A_280 = arith.constant 3 : i32
    "tpu.region"() ({
      %run_scoped3A_344 = tpu.sem_alloc : memref<!tpu.dma_semaphore, #tpu.memory_space<semaphore_mem>>
      %dma_start3A_345 = arith.constant 0 : i32
      %dma_start3A_346 = tpu.memref_slice %arg10[%run_scoped3A_280, %dma_start3A_345] : memref<10x64xi32, #tpu.memory_space<vmem>> -> memref<1x64xi32, #tpu.memory_space<vmem>>
      %dma_start3A_347 = tpu.memref_squeeze %dma_start3A_346 : memref<1x64xi32, #tpu.memory_space<vmem>> -> memref<64xi32, #tpu.memory_space<vmem>>
      %dma_start3A_348 = arith.constant 0 : i32
      %dma_start3A_349 = arith.constant 0 : i32
      %dma_start3A_350 = tpu.memref_slice %arg11[%dma_start3A_348, %dma_start3A_349] : memref<10112x128xf32, #tpu.memory_space<vmem_shared>> -> memref<10112x128xf32, #tpu.memory_space<vmem_shared>>
      tpu.enqueue_indirect_dma source(%arg15 : memref<64x128xf32, #tpu.memory_space<vmem>>) target(%dma_start3A_350 : memref<10112x128xf32, #tpu.memory_space<vmem_shared>>) offsets(%dma_start3A_347 : memref<64xi32, #tpu.memory_space<vmem>>) semaphore(%run_scoped3A_344 : memref<!tpu.dma_semaphore, #tpu.memory_space<semaphore_mem>>) {add = true}
      %dma_wait3A_351 = arith.constant 0 : i32
      %dma_wait3A_352 = tpu.memref_slice %arg10[%run_scoped3A_280, %dma_wait3A_351] : memref<10x64xi32, #tpu.memory_space<vmem>> -> memref<1x64xi32, #tpu.memory_space<vmem>>
      %dma_wait3A_353 = tpu.memref_squeeze %dma_wait3A_352 : memref<1x64xi32, #tpu.memory_space<vmem>> -> memref<64xi32, #tpu.memory_space<vmem>>
      %dma_wait3A_354 = arith.constant 0 : i32
      %dma_wait3A_355 = arith.constant 0 : i32
      %dma_wait3A_356 = tpu.memref_slice %arg11[%dma_wait3A_354, %dma_wait3A_355] : memref<10112x128xf32, #tpu.memory_space<vmem_shared>> -> memref<10112x128xf32, #tpu.memory_space<vmem_shared>>
      tpu.wait_indirect_dma semaphore(%run_scoped3A_344 : memref<!tpu.dma_semaphore, #tpu.memory_space<semaphore_mem>>) src(%arg15 : memref<64x128xf32, #tpu.memory_space<vmem>>) dst(%dma_wait3A_356 : memref<10112x128xf32, #tpu.memory_space<vmem_shared>>)
      tpu.yield
    }) : () -> ()
    %dma_start3A_281 = arith.constant 8 : i32
    %dma_start3A_282 = arith.constant 0 : i32
    %dma_start3A_283 = tpu.memref_slice %arg9[%dma_start3A_281, %dma_start3A_282] : memref<10x64xi32, #tpu.memory_space<vmem>> -> memref<1x64xi32, #tpu.memory_space<vmem>>
    %dma_start3A_284 = tpu.memref_squeeze %dma_start3A_283 : memref<1x64xi32, #tpu.memory_space<vmem>> -> memref<64xi32, #tpu.memory_space<vmem>>
    %dma_start3A_285 = arith.constant 0 : i32
    %dma_start3A_286 = arith.constant 0 : i32
    %dma_start3A_287 = tpu.memref_slice %arg2[%dma_start3A_285, %dma_start3A_286] : memref<10000x128xf32, #tpu.memory_space<hbm>> -> memref<10000x128xf32, #tpu.memory_space<hbm>>
    tpu.enqueue_indirect_dma source(%dma_start3A_287 : memref<10000x128xf32, #tpu.memory_space<hbm>>) target(%arg15 : memref<64x128xf32, #tpu.memory_space<vmem>>) offsets(%dma_start3A_284 : memref<64xi32, #tpu.memory_space<vmem>>) semaphore(%arg20 : memref<!tpu.dma_semaphore, #tpu.memory_space<semaphore_mem>>)
    %dma_wait3A_288 = arith.constant 4 : i32
    %dma_wait3A_289 = arith.constant 0 : i32
    %dma_wait3A_290 = tpu.memref_slice %arg9[%dma_wait3A_288, %dma_wait3A_289] : memref<10x64xi32, #tpu.memory_space<vmem>> -> memref<1x64xi32, #tpu.memory_space<vmem>>
    %dma_wait3A_291 = tpu.memref_squeeze %dma_wait3A_290 : memref<1x64xi32, #tpu.memory_space<vmem>> -> memref<64xi32, #tpu.memory_space<vmem>>
    %dma_wait3A_292 = arith.constant 0 : i32
    %dma_wait3A_293 = arith.constant 0 : i32
    %dma_wait3A_294 = tpu.memref_slice %arg2[%dma_wait3A_292, %dma_wait3A_293] : memref<10000x128xf32, #tpu.memory_space<hbm>> -> memref<10000x128xf32, #tpu.memory_space<hbm>>
    tpu.wait_indirect_dma semaphore(%arg21 : memref<!tpu.dma_semaphore, #tpu.memory_space<semaphore_mem>>) src(%dma_wait3A_294 : memref<10000x128xf32, #tpu.memory_space<hbm>>) dst(%arg16 : memref<64x128xf32, #tpu.memory_space<vmem>>)
    %run_scoped3A_295 = arith.constant 4 : i32
    "tpu.region"() ({
      %run_scoped3A_344 = tpu.sem_alloc : memref<!tpu.dma_semaphore, #tpu.memory_space<semaphore_mem>>
      %dma_start3A_345 = arith.constant 0 : i32
      %dma_start3A_346 = tpu.memref_slice %arg10[%run_scoped3A_295, %dma_start3A_345] : memref<10x64xi32, #tpu.memory_space<vmem>> -> memref<1x64xi32, #tpu.memory_space<vmem>>
      %dma_start3A_347 = tpu.memref_squeeze %dma_start3A_346 : memref<1x64xi32, #tpu.memory_space<vmem>> -> memref<64xi32, #tpu.memory_space<vmem>>
      %dma_start3A_348 = arith.constant 0 : i32
      %dma_start3A_349 = arith.constant 0 : i32
      %dma_start3A_350 = tpu.memref_slice %arg11[%dma_start3A_348, %dma_start3A_349] : memref<10112x128xf32, #tpu.memory_space<vmem_shared>> -> memref<10112x128xf32, #tpu.memory_space<vmem_shared>>
      tpu.enqueue_indirect_dma source(%arg16 : memref<64x128xf32, #tpu.memory_space<vmem>>) target(%dma_start3A_350 : memref<10112x128xf32, #tpu.memory_space<vmem_shared>>) offsets(%dma_start3A_347 : memref<64xi32, #tpu.memory_space<vmem>>) semaphore(%run_scoped3A_344 : memref<!tpu.dma_semaphore, #tpu.memory_space<semaphore_mem>>) {add = true}
      %dma_wait3A_351 = arith.constant 0 : i32
      %dma_wait3A_352 = tpu.memref_slice %arg10[%run_scoped3A_295, %dma_wait3A_351] : memref<10x64xi32, #tpu.memory_space<vmem>> -> memref<1x64xi32, #tpu.memory_space<vmem>>
      %dma_wait3A_353 = tpu.memref_squeeze %dma_wait3A_352 : memref<1x64xi32, #tpu.memory_space<vmem>> -> memref<64xi32, #tpu.memory_space<vmem>>
      %dma_wait3A_354 = arith.constant 0 : i32
      %dma_wait3A_355 = arith.constant 0 : i32
      %dma_wait3A_356 = tpu.memref_slice %arg11[%dma_wait3A_354, %dma_wait3A_355] : memref<10112x128xf32, #tpu.memory_space<vmem_shared>> -> memref<10112x128xf32, #tpu.memory_space<vmem_shared>>
      tpu.wait_indirect_dma semaphore(%run_scoped3A_344 : memref<!tpu.dma_semaphore, #tpu.memory_space<semaphore_mem>>) src(%arg16 : memref<64x128xf32, #tpu.memory_space<vmem>>) dst(%dma_wait3A_356 : memref<10112x128xf32, #tpu.memory_space<vmem_shared>>)
      tpu.yield
    }) : () -> ()
    %dma_start3A_296 = arith.constant 9 : i32
    %dma_start3A_297 = arith.constant 0 : i32
    %dma_start3A_298 = tpu.memref_slice %arg9[%dma_start3A_296, %dma_start3A_297] : memref<10x64xi32, #tpu.memory_space<vmem>> -> memref<1x64xi32, #tpu.memory_space<vmem>>
    %dma_start3A_299 = tpu.memref_squeeze %dma_start3A_298 : memref<1x64xi32, #tpu.memory_space<vmem>> -> memref<64xi32, #tpu.memory_space<vmem>>
    %dma_start3A_300 = arith.constant 0 : i32
    %dma_start3A_301 = arith.constant 0 : i32
    %dma_start3A_302 = tpu.memref_slice %arg2[%dma_start3A_300, %dma_start3A_301] : memref<10000x128xf32, #tpu.memory_space<hbm>> -> memref<10000x128xf32, #tpu.memory_space<hbm>>
    tpu.enqueue_indirect_dma source(%dma_start3A_302 : memref<10000x128xf32, #tpu.memory_space<hbm>>) target(%arg16 : memref<64x128xf32, #tpu.memory_space<vmem>>) offsets(%dma_start3A_299 : memref<64xi32, #tpu.memory_space<vmem>>) semaphore(%arg21 : memref<!tpu.dma_semaphore, #tpu.memory_space<semaphore_mem>>)
    %dma_wait3A_303 = arith.constant 5 : i32
    %dma_wait3A_304 = arith.constant 0 : i32
    %dma_wait3A_305 = tpu.memref_slice %arg9[%dma_wait3A_303, %dma_wait3A_304] : memref<10x64xi32, #tpu.memory_space<vmem>> -> memref<1x64xi32, #tpu.memory_space<vmem>>
    %dma_wait3A_306 = tpu.memref_squeeze %dma_wait3A_305 : memref<1x64xi32, #tpu.memory_space<vmem>> -> memref<64xi32, #tpu.memory_space<vmem>>
    %dma_wait3A_307 = arith.constant 0 : i32
    %dma_wait3A_308 = arith.constant 0 : i32
    %dma_wait3A_309 = tpu.memref_slice %arg2[%dma_wait3A_307, %dma_wait3A_308] : memref<10000x128xf32, #tpu.memory_space<hbm>> -> memref<10000x128xf32, #tpu.memory_space<hbm>>
    tpu.wait_indirect_dma semaphore(%arg17 : memref<!tpu.dma_semaphore, #tpu.memory_space<semaphore_mem>>) src(%dma_wait3A_309 : memref<10000x128xf32, #tpu.memory_space<hbm>>) dst(%arg12 : memref<64x128xf32, #tpu.memory_space<vmem>>)
    %run_scoped3A_310 = arith.constant 5 : i32
    "tpu.region"() ({
      %run_scoped3A_344 = tpu.sem_alloc : memref<!tpu.dma_semaphore, #tpu.memory_space<semaphore_mem>>
      %dma_start3A_345 = arith.constant 0 : i32
      %dma_start3A_346 = tpu.memref_slice %arg10[%run_scoped3A_310, %dma_start3A_345] : memref<10x64xi32, #tpu.memory_space<vmem>> -> memref<1x64xi32, #tpu.memory_space<vmem>>
      %dma_start3A_347 = tpu.memref_squeeze %dma_start3A_346 : memref<1x64xi32, #tpu.memory_space<vmem>> -> memref<64xi32, #tpu.memory_space<vmem>>
      %dma_start3A_348 = arith.constant 0 : i32
      %dma_start3A_349 = arith.constant 0 : i32
      %dma_start3A_350 = tpu.memref_slice %arg11[%dma_start3A_348, %dma_start3A_349] : memref<10112x128xf32, #tpu.memory_space<vmem_shared>> -> memref<10112x128xf32, #tpu.memory_space<vmem_shared>>
      tpu.enqueue_indirect_dma source(%arg12 : memref<64x128xf32, #tpu.memory_space<vmem>>) target(%dma_start3A_350 : memref<10112x128xf32, #tpu.memory_space<vmem_shared>>) offsets(%dma_start3A_347 : memref<64xi32, #tpu.memory_space<vmem>>) semaphore(%run_scoped3A_344 : memref<!tpu.dma_semaphore, #tpu.memory_space<semaphore_mem>>) {add = true}
      %dma_wait3A_351 = arith.constant 0 : i32
      %dma_wait3A_352 = tpu.memref_slice %arg10[%run_scoped3A_310, %dma_wait3A_351] : memref<10x64xi32, #tpu.memory_space<vmem>> -> memref<1x64xi32, #tpu.memory_space<vmem>>
      %dma_wait3A_353 = tpu.memref_squeeze %dma_wait3A_352 : memref<1x64xi32, #tpu.memory_space<vmem>> -> memref<64xi32, #tpu.memory_space<vmem>>
      %dma_wait3A_354 = arith.constant 0 : i32
      %dma_wait3A_355 = arith.constant 0 : i32
      %dma_wait3A_356 = tpu.memref_slice %arg11[%dma_wait3A_354, %dma_wait3A_355] : memref<10112x128xf32, #tpu.memory_space<vmem_shared>> -> memref<10112x128xf32, #tpu.memory_space<vmem_shared>>
      tpu.wait_indirect_dma semaphore(%run_scoped3A_344 : memref<!tpu.dma_semaphore, #tpu.memory_space<semaphore_mem>>) src(%arg12 : memref<64x128xf32, #tpu.memory_space<vmem>>) dst(%dma_wait3A_356 : memref<10112x128xf32, #tpu.memory_space<vmem_shared>>)
      tpu.yield
    }) : () -> ()
    %dma_wait3A_311 = arith.constant 6 : i32
    %dma_wait3A_312 = arith.constant 0 : i32
    %dma_wait3A_313 = tpu.memref_slice %arg9[%dma_wait3A_311, %dma_wait3A_312] : memref<10x64xi32, #tpu.memory_space<vmem>> -> memref<1x64xi32, #tpu.memory_space<vmem>>
    %dma_wait3A_314 = tpu.memref_squeeze %dma_wait3A_313 : memref<1x64xi32, #tpu.memory_space<vmem>> -> memref<64xi32, #tpu.memory_space<vmem>>
    %dma_wait3A_315 = arith.constant 0 : i32
    %dma_wait3A_316 = arith.constant 0 : i32
    %dma_wait3A_317 = tpu.memref_slice %arg2[%dma_wait3A_315, %dma_wait3A_316] : memref<10000x128xf32, #tpu.memory_space<hbm>> -> memref<10000x128xf32, #tpu.memory_space<hbm>>
    tpu.wait_indirect_dma semaphore(%arg18 : memref<!tpu.dma_semaphore, #tpu.memory_space<semaphore_mem>>) src(%dma_wait3A_317 : memref<10000x128xf32, #tpu.memory_space<hbm>>) dst(%arg13 : memref<64x128xf32, #tpu.memory_space<vmem>>)
    %run_scoped3A_318 = arith.constant 6 : i32
    "tpu.region"() ({
      %run_scoped3A_344 = tpu.sem_alloc : memref<!tpu.dma_semaphore, #tpu.memory_space<semaphore_mem>>
      %dma_start3A_345 = arith.constant 0 : i32
      %dma_start3A_346 = tpu.memref_slice %arg10[%run_scoped3A_318, %dma_start3A_345] : memref<10x64xi32, #tpu.memory_space<vmem>> -> memref<1x64xi32, #tpu.memory_space<vmem>>
      %dma_start3A_347 = tpu.memref_squeeze %dma_start3A_346 : memref<1x64xi32, #tpu.memory_space<vmem>> -> memref<64xi32, #tpu.memory_space<vmem>>
      %dma_start3A_348 = arith.constant 0 : i32
      %dma_start3A_349 = arith.constant 0 : i32
      %dma_start3A_350 = tpu.memref_slice %arg11[%dma_start3A_348, %dma_start3A_349] : memref<10112x128xf32, #tpu.memory_space<vmem_shared>> -> memref<10112x128xf32, #tpu.memory_space<vmem_shared>>
      tpu.enqueue_indirect_dma source(%arg13 : memref<64x128xf32, #tpu.memory_space<vmem>>) target(%dma_start3A_350 : memref<10112x128xf32, #tpu.memory_space<vmem_shared>>) offsets(%dma_start3A_347 : memref<64xi32, #tpu.memory_space<vmem>>) semaphore(%run_scoped3A_344 : memref<!tpu.dma_semaphore, #tpu.memory_space<semaphore_mem>>) {add = true}
      %dma_wait3A_351 = arith.constant 0 : i32
      %dma_wait3A_352 = tpu.memref_slice %arg10[%run_scoped3A_318, %dma_wait3A_351] : memref<10x64xi32, #tpu.memory_space<vmem>> -> memref<1x64xi32, #tpu.memory_space<vmem>>
      %dma_wait3A_353 = tpu.memref_squeeze %dma_wait3A_352 : memref<1x64xi32, #tpu.memory_space<vmem>> -> memref<64xi32, #tpu.memory_space<vmem>>
      %dma_wait3A_354 = arith.constant 0 : i32
      %dma_wait3A_355 = arith.constant 0 : i32
      %dma_wait3A_356 = tpu.memref_slice %arg11[%dma_wait3A_354, %dma_wait3A_355] : memref<10112x128xf32, #tpu.memory_space<vmem_shared>> -> memref<10112x128xf32, #tpu.memory_space<vmem_shared>>
      tpu.wait_indirect_dma semaphore(%run_scoped3A_344 : memref<!tpu.dma_semaphore, #tpu.memory_space<semaphore_mem>>) src(%arg13 : memref<64x128xf32, #tpu.memory_space<vmem>>) dst(%dma_wait3A_356 : memref<10112x128xf32, #tpu.memory_space<vmem_shared>>)
      tpu.yield
    }) : () -> ()
    %dma_wait3A_319 = arith.constant 7 : i32
    %dma_wait3A_320 = arith.constant 0 : i32
    %dma_wait3A_321 = tpu.memref_slice %arg9[%dma_wait3A_319, %dma_wait3A_320] : memref<10x64xi32, #tpu.memory_space<vmem>> -> memref<1x64xi32, #tpu.memory_space<vmem>>
    %dma_wait3A_322 = tpu.memref_squeeze %dma_wait3A_321 : memref<1x64xi32, #tpu.memory_space<vmem>> -> memref<64xi32, #tpu.memory_space<vmem>>
    %dma_wait3A_323 = arith.constant 0 : i32
    %dma_wait3A_324 = arith.constant 0 : i32
    %dma_wait3A_325 = tpu.memref_slice %arg2[%dma_wait3A_323, %dma_wait3A_324] : memref<10000x128xf32, #tpu.memory_space<hbm>> -> memref<10000x128xf32, #tpu.memory_space<hbm>>
    tpu.wait_indirect_dma semaphore(%arg19 : memref<!tpu.dma_semaphore, #tpu.memory_space<semaphore_mem>>) src(%dma_wait3A_325 : memref<10000x128xf32, #tpu.memory_space<hbm>>) dst(%arg14 : memref<64x128xf32, #tpu.memory_space<vmem>>)
    %run_scoped3A_326 = arith.constant 7 : i32
    "tpu.region"() ({
      %run_scoped3A_344 = tpu.sem_alloc : memref<!tpu.dma_semaphore, #tpu.memory_space<semaphore_mem>>
      %dma_start3A_345 = arith.constant 0 : i32
      %dma_start3A_346 = tpu.memref_slice %arg10[%run_scoped3A_326, %dma_start3A_345] : memref<10x64xi32, #tpu.memory_space<vmem>> -> memref<1x64xi32, #tpu.memory_space<vmem>>
      %dma_start3A_347 = tpu.memref_squeeze %dma_start3A_346 : memref<1x64xi32, #tpu.memory_space<vmem>> -> memref<64xi32, #tpu.memory_space<vmem>>
      %dma_start3A_348 = arith.constant 0 : i32
      %dma_start3A_349 = arith.constant 0 : i32
      %dma_start3A_350 = tpu.memref_slice %arg11[%dma_start3A_348, %dma_start3A_349] : memref<10112x128xf32, #tpu.memory_space<vmem_shared>> -> memref<10112x128xf32, #tpu.memory_space<vmem_shared>>
      tpu.enqueue_indirect_dma source(%arg14 : memref<64x128xf32, #tpu.memory_space<vmem>>) target(%dma_start3A_350 : memref<10112x128xf32, #tpu.memory_space<vmem_shared>>) offsets(%dma_start3A_347 : memref<64xi32, #tpu.memory_space<vmem>>) semaphore(%run_scoped3A_344 : memref<!tpu.dma_semaphore, #tpu.memory_space<semaphore_mem>>) {add = true}
      %dma_wait3A_351 = arith.constant 0 : i32
      %dma_wait3A_352 = tpu.memref_slice %arg10[%run_scoped3A_326, %dma_wait3A_351] : memref<10x64xi32, #tpu.memory_space<vmem>> -> memref<1x64xi32, #tpu.memory_space<vmem>>
      %dma_wait3A_353 = tpu.memref_squeeze %dma_wait3A_352 : memref<1x64xi32, #tpu.memory_space<vmem>> -> memref<64xi32, #tpu.memory_space<vmem>>
      %dma_wait3A_354 = arith.constant 0 : i32
      %dma_wait3A_355 = arith.constant 0 : i32
      %dma_wait3A_356 = tpu.memref_slice %arg11[%dma_wait3A_354, %dma_wait3A_355] : memref<10112x128xf32, #tpu.memory_space<vmem_shared>> -> memref<10112x128xf32, #tpu.memory_space<vmem_shared>>
      tpu.wait_indirect_dma semaphore(%run_scoped3A_344 : memref<!tpu.dma_semaphore, #tpu.memory_space<semaphore_mem>>) src(%arg14 : memref<64x128xf32, #tpu.memory_space<vmem>>) dst(%dma_wait3A_356 : memref<10112x128xf32, #tpu.memory_space<vmem_shared>>)
      tpu.yield
    }) : () -> ()
    %dma_wait3A_327 = arith.constant 8 : i32
    %dma_wait3A_328 = arith.constant 0 : i32
    %dma_wait3A_329 = tpu.memref_slice %arg9[%dma_wait3A_327, %dma_wait3A_328] : memref<10x64xi32, #tpu.memory_space<vmem>> -> memref<1x64xi32, #tpu.memory_space<vmem>>
    %dma_wait3A_330 = tpu.memref_squeeze %dma_wait3A_329 : memref<1x64xi32, #tpu.memory_space<vmem>> -> memref<64xi32, #tpu.memory_space<vmem>>
    %dma_wait3A_331 = arith.constant 0 : i32
    %dma_wait3A_332 = arith.constant 0 : i32
    %dma_wait3A_333 = tpu.memref_slice %arg2[%dma_wait3A_331, %dma_wait3A_332] : memref<10000x128xf32, #tpu.memory_space<hbm>> -> memref<10000x128xf32, #tpu.memory_space<hbm>>
    tpu.wait_indirect_dma semaphore(%arg20 : memref<!tpu.dma_semaphore, #tpu.memory_space<semaphore_mem>>) src(%dma_wait3A_333 : memref<10000x128xf32, #tpu.memory_space<hbm>>) dst(%arg15 : memref<64x128xf32, #tpu.memory_space<vmem>>)
    %run_scoped3A_334 = arith.constant 8 : i32
    "tpu.region"() ({
      %run_scoped3A_344 = tpu.sem_alloc : memref<!tpu.dma_semaphore, #tpu.memory_space<semaphore_mem>>
      %dma_start3A_345 = arith.constant 0 : i32
      %dma_start3A_346 = tpu.memref_slice %arg10[%run_scoped3A_334, %dma_start3A_345] : memref<10x64xi32, #tpu.memory_space<vmem>> -> memref<1x64xi32, #tpu.memory_space<vmem>>
      %dma_start3A_347 = tpu.memref_squeeze %dma_start3A_346 : memref<1x64xi32, #tpu.memory_space<vmem>> -> memref<64xi32, #tpu.memory_space<vmem>>
      %dma_start3A_348 = arith.constant 0 : i32
      %dma_start3A_349 = arith.constant 0 : i32
      %dma_start3A_350 = tpu.memref_slice %arg11[%dma_start3A_348, %dma_start3A_349] : memref<10112x128xf32, #tpu.memory_space<vmem_shared>> -> memref<10112x128xf32, #tpu.memory_space<vmem_shared>>
      tpu.enqueue_indirect_dma source(%arg15 : memref<64x128xf32, #tpu.memory_space<vmem>>) target(%dma_start3A_350 : memref<10112x128xf32, #tpu.memory_space<vmem_shared>>) offsets(%dma_start3A_347 : memref<64xi32, #tpu.memory_space<vmem>>) semaphore(%run_scoped3A_344 : memref<!tpu.dma_semaphore, #tpu.memory_space<semaphore_mem>>) {add = true}
      %dma_wait3A_351 = arith.constant 0 : i32
      %dma_wait3A_352 = tpu.memref_slice %arg10[%run_scoped3A_334, %dma_wait3A_351] : memref<10x64xi32, #tpu.memory_space<vmem>> -> memref<1x64xi32, #tpu.memory_space<vmem>>
      %dma_wait3A_353 = tpu.memref_squeeze %dma_wait3A_352 : memref<1x64xi32, #tpu.memory_space<vmem>> -> memref<64xi32, #tpu.memory_space<vmem>>
      %dma_wait3A_354 = arith.constant 0 : i32
      %dma_wait3A_355 = arith.constant 0 : i32
      %dma_wait3A_356 = tpu.memref_slice %arg11[%dma_wait3A_354, %dma_wait3A_355] : memref<10112x128xf32, #tpu.memory_space<vmem_shared>> -> memref<10112x128xf32, #tpu.memory_space<vmem_shared>>
      tpu.wait_indirect_dma semaphore(%run_scoped3A_344 : memref<!tpu.dma_semaphore, #tpu.memory_space<semaphore_mem>>) src(%arg15 : memref<64x128xf32, #tpu.memory_space<vmem>>) dst(%dma_wait3A_356 : memref<10112x128xf32, #tpu.memory_space<vmem_shared>>)
      tpu.yield
    }) : () -> ()
    %dma_wait3A_335 = arith.constant 9 : i32
    %dma_wait3A_336 = arith.constant 0 : i32
    %dma_wait3A_337 = tpu.memref_slice %arg9[%dma_wait3A_335, %dma_wait3A_336] : memref<10x64xi32, #tpu.memory_space<vmem>> -> memref<1x64xi32, #tpu.memory_space<vmem>>
    %dma_wait3A_338 = tpu.memref_squeeze %dma_wait3A_337 : memref<1x64xi32, #tpu.memory_space<vmem>> -> memref<64xi32, #tpu.memory_space<vmem>>
    %dma_wait3A_339 = arith.constant 0 : i32
    %dma_wait3A_340 = arith.constant 0 : i32
    %dma_wait3A_341 = tpu.memref_slice %arg2[%dma_wait3A_339, %dma_wait3A_340] : memref<10000x128xf32, #tpu.memory_space<hbm>> -> memref<10000x128xf32, #tpu.memory_space<hbm>>
    tpu.wait_indirect_dma semaphore(%arg21 : memref<!tpu.dma_semaphore, #tpu.memory_space<semaphore_mem>>) src(%dma_wait3A_341 : memref<10000x128xf32, #tpu.memory_space<hbm>>) dst(%arg16 : memref<64x128xf32, #tpu.memory_space<vmem>>)
    %run_scoped3A_342 = arith.constant 9 : i32
    "tpu.region"() ({
      %run_scoped3A_344 = tpu.sem_alloc : memref<!tpu.dma_semaphore, #tpu.memory_space<semaphore_mem>>
      %dma_start3A_345 = arith.constant 0 : i32
      %dma_start3A_346 = tpu.memref_slice %arg10[%run_scoped3A_342, %dma_start3A_345] : memref<10x64xi32, #tpu.memory_space<vmem>> -> memref<1x64xi32, #tpu.memory_space<vmem>>
      %dma_start3A_347 = tpu.memref_squeeze %dma_start3A_346 : memref<1x64xi32, #tpu.memory_space<vmem>> -> memref<64xi32, #tpu.memory_space<vmem>>
      %dma_start3A_348 = arith.constant 0 : i32
      %dma_start3A_349 = arith.constant 0 : i32
      %dma_start3A_350 = tpu.memref_slice %arg11[%dma_start3A_348, %dma_start3A_349] : memref<10112x128xf32, #tpu.memory_space<vmem_shared>> -> memref<10112x128xf32, #tpu.memory_space<vmem_shared>>
      tpu.enqueue_indirect_dma source(%arg16 : memref<64x128xf32, #tpu.memory_space<vmem>>) target(%dma_start3A_350 : memref<10112x128xf32, #tpu.memory_space<vmem_shared>>) offsets(%dma_start3A_347 : memref<64xi32, #tpu.memory_space<vmem>>) semaphore(%run_scoped3A_344 : memref<!tpu.dma_semaphore, #tpu.memory_space<semaphore_mem>>) {add = true}
      %dma_wait3A_351 = arith.constant 0 : i32
      %dma_wait3A_352 = tpu.memref_slice %arg10[%run_scoped3A_342, %dma_wait3A_351] : memref<10x64xi32, #tpu.memory_space<vmem>> -> memref<1x64xi32, #tpu.memory_space<vmem>>
      %dma_wait3A_353 = tpu.memref_squeeze %dma_wait3A_352 : memref<1x64xi32, #tpu.memory_space<vmem>> -> memref<64xi32, #tpu.memory_space<vmem>>
      %dma_wait3A_354 = arith.constant 0 : i32
      %dma_wait3A_355 = arith.constant 0 : i32
      %dma_wait3A_356 = tpu.memref_slice %arg11[%dma_wait3A_354, %dma_wait3A_355] : memref<10112x128xf32, #tpu.memory_space<vmem_shared>> -> memref<10112x128xf32, #tpu.memory_space<vmem_shared>>
      tpu.wait_indirect_dma semaphore(%run_scoped3A_344 : memref<!tpu.dma_semaphore, #tpu.memory_space<semaphore_mem>>) src(%arg16 : memref<64x128xf32, #tpu.memory_space<vmem>>) dst(%dma_wait3A_356 : memref<10112x128xf32, #tpu.memory_space<vmem_shared>>)
      tpu.yield
    }) : () -> ()
    %barrier3A_343 = arith.constant 0 : index
    tpu.barrier barrier_id(%barrier3A_343)
    "tpu.region"() ({
      %run_scoped3A_344 = tpu.sem_alloc : memref<!tpu.dma_semaphore, #tpu.memory_space<semaphore_mem>>
      %dma_start3A_345 = arith.constant 0 : i32
      %dma_start3A_346 = tpu.memref_slice %arg6[%arg0, %mul3A_2, %dma_start3A_345] : memref<2x10112x128xf32, #tpu.memory_space<hbm>> -> memref<1x632x128xf32, #tpu.memory_space<hbm>>
      %dma_start3A_347 = tpu.memref_squeeze %dma_start3A_346 : memref<1x632x128xf32, #tpu.memory_space<hbm>> -> memref<632x128xf32, #tpu.memory_space<hbm>>
      %dma_start3A_348 = arith.constant 0 : i32
      %dma_start3A_349 = tpu.memref_slice %arg11[%mul3A_2, %dma_start3A_348] : memref<10112x128xf32, #tpu.memory_space<vmem_shared>> -> memref<632x128xf32, #tpu.memory_space<vmem_shared>>
      tpu.enqueue_dma source(%dma_start3A_349 : memref<632x128xf32, #tpu.memory_space<vmem_shared>>) target(%dma_start3A_347 : memref<632x128xf32, #tpu.memory_space<hbm>>) target_semaphore(%run_scoped3A_344 : memref<!tpu.dma_semaphore, #tpu.memory_space<semaphore_mem>>)
      %dma_wait3A_350 = arith.constant 0 : i32
      %dma_wait3A_351 = tpu.memref_slice %arg6[%arg0, %mul3A_2, %dma_wait3A_350] : memref<2x10112x128xf32, #tpu.memory_space<hbm>> -> memref<1x632x128xf32, #tpu.memory_space<hbm>>
      %dma_wait3A_352 = tpu.memref_squeeze %dma_wait3A_351 : memref<1x632x128xf32, #tpu.memory_space<hbm>> -> memref<632x128xf32, #tpu.memory_space<hbm>>
      %dma_wait3A_353 = arith.constant 0 : i32
      %dma_wait3A_354 = tpu.memref_slice %arg11[%mul3A_2, %dma_wait3A_353] : memref<10112x128xf32, #tpu.memory_space<vmem_shared>> -> memref<632x128xf32, #tpu.memory_space<vmem_shared>>
      tpu.wait_dma2 semaphore(%run_scoped3A_344 : memref<!tpu.dma_semaphore, #tpu.memory_space<semaphore_mem>>) src(%dma_wait3A_354 : memref<632x128xf32, #tpu.memory_space<vmem_shared>>) dst(%dma_wait3A_352 : memref<632x128xf32, #tpu.memory_space<hbm>>)
      tpu.yield
    }) : () -> ()
    return
  }
}

module attributes {stable_mosaic.version = 14 : i64} {
  func.func @_relu_body(%arg0: i32, %arg1: memref<1000x128xf32, #tpu.memory_space<vmem>>, %arg2: memref<1000x128xf32, #tpu.memory_space<vmem>>) attributes {dimension_semantics = [#tpu.dimension_semantics<arbitrary>], iteration_bounds = array<i64: 10>, scalar_prefetch = 0 : i64, scratch_operands = 0 : i64, tpu.core_type = #tpu.core_type<tc>, window_params = [{transform_indices = @transform_0, window_bounds = array<i64: 1000, 128>}, {transform_indices = @transform_1, window_bounds = array<i64: 1000, 128>}]} {
    %get3A = arith.constant 0 : index
    %get3A_0 = arith.constant 0 : index
    %get3A_1 = vector.load %arg1[%get3A, %get3A_0] : memref<1000x128xf32, #tpu.memory_space<vmem>>, vector<1000x128xf32>
    %max3A = arith.constant 0.000000e+00 : f32
    %max3A_2 = vector.broadcast %max3A : f32 to vector<1000x128xf32>
    %max3A_3 = arith.maximumf %get3A_1, %max3A_2 : vector<1000x128xf32>
    %swap3A = arith.constant 0 : index
    %swap3A_4 = arith.constant 0 : index
    %swap3A_5 = vector.load %arg2[%swap3A, %swap3A_4] : memref<1000x128xf32, #tpu.memory_space<vmem>>, vector<1000x128xf32>
    tpu.vector_store %arg2[%swap3A, %swap3A_4], %max3A_3 {strides = array<i32>} : memref<1000x128xf32, #tpu.memory_space<vmem>>, vector<1000x128xf32>,
    return
  }
  func.func @transform_0(%arg0: i32) -> (i32, i32) {
    %c0_i32 = arith.constant 0 : i32
    %c0_i32_0 = arith.constant 0 : i32
    return %arg0, %c0_i32 : i32, i32
  }
  func.func @transform_1(%arg0: i32) -> (i32, i32) {
    %c0_i32 = arith.constant 0 : i32
    %c0_i32_0 = arith.constant 0 : i32
    return %arg0, %c0_i32 : i32, i32
  }
}

module attributes {stable_mosaic.version = 14 : i64} {
  func.func @_mlp_body(%arg0: i32, %arg1: memref<1000x128xf32, #tpu.memory_space<vmem>>, %arg2: memref<1x1000x128xf32, #tpu.memory_space<vmem>>, %arg3: memref<1x1000x128xf32, #tpu.memory_space<vmem>>, %arg4: memref<128x128xf32, #tpu.memory_space<vmem>>, %arg5: memref<1x128xf32, #tpu.memory_space<vmem>>, %arg6: memref<1000x128xf32, #tpu.memory_space<vmem>>) attributes {dimension_semantics = [#tpu.dimension_semantics<arbitrary>], iteration_bounds = array<i64: 10>, scalar_prefetch = 0 : i64, scratch_operands = 0 : i64, tpu.core_type = #tpu.core_type<tc>, window_params = [{transform_indices = @transform_0, window_bounds = array<i64: 1000, 128>}, {transform_indices = @transform_1, window_bounds = array<i64: 1, 1000, 128>}, {transform_indices = @transform_2, window_bounds = array<i64: 1, 1000, 128>}, {pipeline_mode = #tpu.pipeline_mode<synchronous>, transform_indices = @transform_3, window_bounds = array<i64: 128, 128>}, {pipeline_mode = #tpu.pipeline_mode<synchronous>, transform_indices = @transform_4, window_bounds = array<i64: 1, 128>}, {transform_indices = @transform_5, window_bounds = array<i64: 1000, 128>}]} {
    %get3A = arith.constant 0 : index
    %get3A_0 = arith.constant 0 : index
    %get3A_1 = vector.load %arg1[%get3A, %get3A_0] : memref<1000x128xf32, #tpu.memory_space<vmem>>, vector<1000x128xf32>
    %get3A_2 = arith.constant 0 : index
    %get3A_3 = arith.constant 0 : index
    %get3A_4 = arith.constant 0 : index
    %get3A_5 = vector.load %arg2[%get3A_2, %get3A_3, %get3A_4] : memref<1x1000x128xf32, #tpu.memory_space<vmem>>, vector<1x1000x128xf32>
    %get3A_6 = vector.shape_cast %get3A_5 : vector<1x1000x128xf32> to vector<1000x128xf32>
    %add3A = arith.addf %get3A_1, %get3A_6 : vector<1000x128xf32>
    %get3A_7 = arith.constant 0 : index
    %get3A_8 = arith.constant 0 : index
    %get3A_9 = arith.constant 0 : index
    %get3A_10 = vector.load %arg3[%get3A_7, %get3A_8, %get3A_9] : memref<1x1000x128xf32, #tpu.memory_space<vmem>>, vector<1x1000x128xf32>
    %get3A_11 = vector.shape_cast %get3A_10 : vector<1x1000x128xf32> to vector<1000x128xf32>
    %add3A_12 = arith.addf %add3A, %get3A_11 : vector<1000x128xf32>
    %get3A_13 = arith.constant 0 : index
    %get3A_14 = arith.constant 0 : index
    %get3A_15 = vector.load %arg4[%get3A_13, %get3A_14] : memref<128x128xf32, #tpu.memory_space<vmem>>, vector<128x128xf32>
    %dot_general3A = arith.constant dense<0.000000e+00> : vector<1000x128xf32>
    %dot_general3A_16 = tpu.matmul %add3A_12, %get3A_15, %dot_general3A {dimension_numbers = #tpu.dot_dimension_numbers<[1], [0], [0], [1], [0, 0, 1, 1], [], []>, transpose_lhs_hint = false} : vector<1000x128xf32>, vector<128x128xf32>, vector<1000x128xf32> -> vector<1000x128xf32>
    %get3A_17 = arith.constant 0 : index
    %get3A_18 = arith.constant 0 : index
    %get3A_19 = vector.load %arg5[%get3A_17, %get3A_18] : memref<1x128xf32, #tpu.memory_space<vmem>>, vector<1x128xf32>
    %add3A_20 = vector.broadcast %get3A_19 : vector<1x128xf32> to vector<1000x128xf32>
    %add3A_21 = arith.addf %dot_general3A_16, %add3A_20 : vector<1000x128xf32>
    %mul3A = arith.constant 1.000000e+00 : f32
    %mul3A_22 = vector.broadcast %mul3A : f32 to vector<1000x128xf32>
    %mul3A_23 = arith.mulf %mul3A_22, %add3A_21 : vector<1000x128xf32>
    %max3A = arith.constant 0.000000e+00 : f32
    %max3A_24 = vector.broadcast %max3A : f32 to vector<1000x128xf32>
    %max3A_25 = arith.maximumf %mul3A_23, %max3A_24 : vector<1000x128xf32>
    %swap3A = arith.constant 0 : index
    %swap3A_26 = arith.constant 0 : index
    %swap3A_27 = vector.load %arg6[%swap3A, %swap3A_26] : memref<1000x128xf32, #tpu.memory_space<vmem>>, vector<1000x128xf32>
    tpu.vector_store %arg6[%swap3A, %swap3A_26], %max3A_25 {strides = array<i32>} : memref<1000x128xf32, #tpu.memory_space<vmem>>, vector<1000x128xf32>,
    return
  }
  func.func @transform_0(%arg0: i32) -> (i32, i32) {
    %c0_i32 = arith.constant 0 : i32
    %c0_i32_0 = arith.constant 0 : i32
    return %arg0, %c0_i32 : i32, i32
  }
  func.func @transform_1(%arg0: i32) -> (i32, i32, i32) {
    %c0_i32 = arith.constant 0 : i32
    %c0_i32_0 = arith.constant 0 : i32
    %c0_i32_1 = arith.constant 0 : i32
    return %c0_i32, %arg0, %c0_i32_0 : i32, i32, i32
  }
  func.func @transform_2(%arg0: i32) -> (i32, i32, i32) {
    %c1_i32 = arith.constant 1 : i32
    %c0_i32 = arith.constant 0 : i32
    %c0_i32_0 = arith.constant 0 : i32
    return %c1_i32, %arg0, %c0_i32 : i32, i32, i32
  }
  func.func @transform_3(%arg0: i32) -> (i32, i32) {
    %c0_i32 = arith.constant 0 : i32
    %c0_i32_0 = arith.constant 0 : i32
    %c0_i32_1 = arith.constant 0 : i32
    return %c0_i32, %c0_i32_0 : i32, i32
  }
  func.func @transform_4(%arg0: i32) -> (i32, i32) {
    %c0_i32 = arith.constant 0 : i32
    %c0_i32_0 = arith.constant 0 : i32
    %c0_i32_1 = arith.constant 0 : i32
    return %c0_i32, %c0_i32_0 : i32, i32
  }
  func.func @transform_5(%arg0: i32) -> (i32, i32) {
    %c0_i32 = arith.constant 0 : i32
    %c0_i32_0 = arith.constant 0 : i32
    return %arg0, %c0_i32 : i32, i32
  }
}

module attributes {stable_mosaic.version = 14 : i64} {
  func.func @_mlp_body(%arg0: i32, %arg1: memref<1000x128xf32, #tpu.memory_space<vmem>>, %arg2: memref<1x1000x128xf32, #tpu.memory_space<vmem>>, %arg3: memref<1x1000x128xf32, #tpu.memory_space<vmem>>, %arg4: memref<128x128xf32, #tpu.memory_space<vmem>>, %arg5: memref<1x128xf32, #tpu.memory_space<vmem>>, %arg6: memref<1000x128xf32, #tpu.memory_space<vmem>>) attributes {dimension_semantics = [#tpu.dimension_semantics<arbitrary>], iteration_bounds = array<i64: 10>, scalar_prefetch = 0 : i64, scratch_operands = 0 : i64, tpu.core_type = #tpu.core_type<tc>, window_params = [{transform_indices = @transform_0, window_bounds = array<i64: 1000, 128>}, {transform_indices = @transform_1, window_bounds = array<i64: 1, 1000, 128>}, {transform_indices = @transform_2, window_bounds = array<i64: 1, 1000, 128>}, {pipeline_mode = #tpu.pipeline_mode<synchronous>, transform_indices = @transform_3, window_bounds = array<i64: 128, 128>}, {pipeline_mode = #tpu.pipeline_mode<synchronous>, transform_indices = @transform_4, window_bounds = array<i64: 1, 128>}, {transform_indices = @transform_5, window_bounds = array<i64: 1000, 128>}]} {
    %get3A = arith.constant 0 : index
    %get3A_0 = arith.constant 0 : index
    %get3A_1 = vector.load %arg1[%get3A, %get3A_0] : memref<1000x128xf32, #tpu.memory_space<vmem>>, vector<1000x128xf32>
    %get3A_2 = arith.constant 0 : index
    %get3A_3 = arith.constant 0 : index
    %get3A_4 = arith.constant 0 : index
    %get3A_5 = vector.load %arg2[%get3A_2, %get3A_3, %get3A_4] : memref<1x1000x128xf32, #tpu.memory_space<vmem>>, vector<1x1000x128xf32>
    %get3A_6 = vector.shape_cast %get3A_5 : vector<1x1000x128xf32> to vector<1000x128xf32>
    %add3A = arith.addf %get3A_1, %get3A_6 : vector<1000x128xf32>
    %get3A_7 = arith.constant 0 : index
    %get3A_8 = arith.constant 0 : index
    %get3A_9 = arith.constant 0 : index
    %get3A_10 = vector.load %arg3[%get3A_7, %get3A_8, %get3A_9] : memref<1x1000x128xf32, #tpu.memory_space<vmem>>, vector<1x1000x128xf32>
    %get3A_11 = vector.shape_cast %get3A_10 : vector<1x1000x128xf32> to vector<1000x128xf32>
    %add3A_12 = arith.addf %add3A, %get3A_11 : vector<1000x128xf32>
    %get3A_13 = arith.constant 0 : index
    %get3A_14 = arith.constant 0 : index
    %get3A_15 = vector.load %arg4[%get3A_13, %get3A_14] : memref<128x128xf32, #tpu.memory_space<vmem>>, vector<128x128xf32>
    %dot_general3A = arith.constant dense<0.000000e+00> : vector<1000x128xf32>
    %dot_general3A_16 = tpu.matmul %add3A_12, %get3A_15, %dot_general3A {dimension_numbers = #tpu.dot_dimension_numbers<[1], [0], [0], [1], [0, 0, 1, 1], [], []>, transpose_lhs_hint = false} : vector<1000x128xf32>, vector<128x128xf32>, vector<1000x128xf32> -> vector<1000x128xf32>
    %get3A_17 = arith.constant 0 : index
    %get3A_18 = arith.constant 0 : index
    %get3A_19 = vector.load %arg5[%get3A_17, %get3A_18] : memref<1x128xf32, #tpu.memory_space<vmem>>, vector<1x128xf32>
    %add3A_20 = vector.broadcast %get3A_19 : vector<1x128xf32> to vector<1000x128xf32>
    %add3A_21 = arith.addf %dot_general3A_16, %add3A_20 : vector<1000x128xf32>
    %mul3A = arith.constant 2.000000e+00 : f32
    %mul3A_22 = vector.broadcast %mul3A : f32 to vector<1000x128xf32>
    %mul3A_23 = arith.mulf %mul3A_22, %add3A_21 : vector<1000x128xf32>
    %max3A = arith.constant 0.000000e+00 : f32
    %max3A_24 = vector.broadcast %max3A : f32 to vector<1000x128xf32>
    %max3A_25 = arith.maximumf %mul3A_23, %max3A_24 : vector<1000x128xf32>
    %swap3A = arith.constant 0 : index
    %swap3A_26 = arith.constant 0 : index
    %swap3A_27 = vector.load %arg6[%swap3A, %swap3A_26] : memref<1000x128xf32, #tpu.memory_space<vmem>>, vector<1000x128xf32>
    tpu.vector_store %arg6[%swap3A, %swap3A_26], %max3A_25 {strides = array<i32>} : memref<1000x128xf32, #tpu.memory_space<vmem>>, vector<1000x128xf32>,
    return
  }
  func.func @transform_0(%arg0: i32) -> (i32, i32) {
    %c0_i32 = arith.constant 0 : i32
    %c0_i32_0 = arith.constant 0 : i32
    return %arg0, %c0_i32 : i32, i32
  }
  func.func @transform_1(%arg0: i32) -> (i32, i32, i32) {
    %c0_i32 = arith.constant 0 : i32
    %c0_i32_0 = arith.constant 0 : i32
    %c0_i32_1 = arith.constant 0 : i32
    return %c0_i32, %arg0, %c0_i32_0 : i32, i32, i32
  }
  func.func @transform_2(%arg0: i32) -> (i32, i32, i32) {
    %c1_i32 = arith.constant 1 : i32
    %c0_i32 = arith.constant 0 : i32
    %c0_i32_0 = arith.constant 0 : i32
    return %c1_i32, %arg0, %c0_i32 : i32, i32, i32
  }
  func.func @transform_3(%arg0: i32) -> (i32, i32) {
    %c0_i32 = arith.constant 0 : i32
    %c0_i32_0 = arith.constant 0 : i32
    %c0_i32_1 = arith.constant 0 : i32
    return %c0_i32, %c0_i32_0 : i32, i32
  }
  func.func @transform_4(%arg0: i32) -> (i32, i32) {
    %c0_i32 = arith.constant 0 : i32
    %c0_i32_0 = arith.constant 0 : i32
    %c0_i32_1 = arith.constant 0 : i32
    return %c0_i32, %c0_i32_0 : i32, i32
  }
  func.func @transform_5(%arg0: i32) -> (i32, i32) {
    %c0_i32 = arith.constant 0 : i32
    %c0_i32_0 = arith.constant 0 : i32
    return %arg0, %c0_i32 : i32, i32
  }
}

</mosaic_0001>

<sc_bundles>
// kernel: kernel.10.cloned.1.call-start
scs
__scs_entry_jumppad:
0x0: {  	(pc) =	sbr.rel $0x88, $3  }
0x1: {  	(tag) =	ssettag $0x0;
	lr =	simm.s32 $0x1  }
0x2: {  	[smem:$0x3F9B] =	sst lr;
	_ =	strace $0xD0000000  }
0x3: {  	_ = 	snop  }
0x4: {  	_ = 	snop  }
0x5: {  	_ = 	snop  }
0x6: {  	_ = 	snop  }
0x7: {  	_ = 	snop  }
__scs_overlays_trampoline_lowered:
0x8: {  	[smem:$0x3FAA] =	sst s0  }
0x9: {  	[smem:$0x3FAB] =	sst s1  }
0xa: {  	[smem:$0x3FAC] =	sst s2  }
0xb: {  	[smem:$0x3FAD] =	sst s3  }
0xc: {  	[smem:$0x3FAE] =	sst s4  }
0xd: {  	[smem:$0x3FAF] =	sst s5  }
0xe: {  	[smem:$0x3FB0] =	sst s6  }
0xf: {  	[smem:$0x3FB1] =	sst s7  }
0x10: {  	[smem:$0x3FB2] =	sst s8  }
0x11: {  	[smem:$0x3FB3] =	sst s9;
	s0 =	simm.s32 @!p0 $0x0  }
0x12: {  	s1 =	sld [smem:$0x3F99];
	s0 =	simm.s32 @p0 $0x1  }
0x13: {  	[smem:$0x3FB4] =	sst s0;
	s0 =	simm.s32 @!p1 $0x0  }
0x14: {  	s2 =	sld [smem:$0x3F98];
	s0 =	simm.s32 @p1 $0x1  }
0x15: {  	[smem:$0x3FB5] =	sst s0;
	s0 =	simm.s32 @!p2 $0x0  }
0x16: {  	s3 =	sld [smem:$0x3FDB];
	s0 =	simm.s32 @p2 $0x1  }
0x17: {  	s4 =	simm.s32 $0x1BF5;
	[smem:$0x3FB7] =	sst s0  }
0x18: {  	s0 =	sld [smem:$0x3F9A];
	_ =	swait.ge [sflag:s4], $0x0  }
0x19: {  	s7 =	sld [smem:$0x3F9B]  }
0x1a: {  	s8 =	sadd.s32 $0xFFFFE003, lr  }
0x1b: {  	s9 =	sadd.s32 $0xFFFFFEF7, lr;
	s5 =	simm.s32 $0xFFFFFFFF;
	p2 =	slt.u32 s8, $0xFFFFF086  }
0x1c: {  	p1 =	slt.u32 s9, $0xF7A;
	s5 =	simm.s32 @!p2 $0x0  }
0x1d: {  	s5 =	simm.s32 @p1 $0x1;
	p0 =	seq.s32 s7, s2  }
0x1e: {  	s7 =	smul.u32 @!p0 $0xF7A, s2;
	p2 =	seq.s32 @!p0 s5, $0x0  }
0x1f: {  	s9 =	smul.u32 $0xF7A, s1;
	s8 =	simm.s32 @!p0 $0x1BF5;
	p2 =	por !p2, p0  }
0x20: {  	[sflag:s8] =	ssyncset.s32 @!p0 $0xFFFFF086;
	s6 =	sadd.s32 @!p0 s3, s7;
	s7 =	simm.s32 @!p0 $0x108  }
0x21: {  	s3 =	sadd.s32 s3, s9;
	s6 =	sadd.s32 @!p0 $0x88, s6;
	s7 =	simm.s32 @p2 $0x1082  }
0x22: {  	[simem:s7], [sflag:s8] =	dma.local @!p0 [hbm:s6], $0xF7A  }
0x23: {  	s9 =	sor.u32 $0xD0000000, s2;
	s6 =	simm.s32 $0x108;
	_ =	swait.ge @!p0 [sflag:s8], $0x0  }
0x24: {  	s3 =	sadd.s32 $0x88, s3;
	s6 =	simm.s32 @!p1 $0x1082;
	[sflag:s4] =	ssyncset.s32 $0xFFFFF086  }
0x25: {  	[simem:s6], [sflag:s4] =	dma.local [hbm:s3], $0xF7A  }
0x26: {  	[smem:$0x3F9B] =	sst s1;
	(tag) =	ssettag s2;
	_ =	strace s9  }
0x27: {  	s1 =	sld [smem:$0x3FAB]  }
0x28: {  	s2 =	sld [smem:$0x3FAC]  }
0x29: {  	s4 =	sld [smem:$0x3FAE]  }
0x2a: {  	p0 =	seq.s32 s5, $0x0;
	s5 =	sld [smem:$0x3FAF]  }
0x2b: {  	s6 =	sld [smem:$0x3FB0]  }
0x2c: {  	s7 =	sld [smem:$0x3FB1]  }
0x2d: {  	s3 =	simm.s32 $0x108;
	s8 =	sld [smem:$0x3FB2]  }
0x2e: {  	s3 =	simm.s32 @!p0 $0x1082;
	s9 =	sld [smem:$0x3FB3]  }
0x2f: {  	lr =	sadd.s32 s0, s3;
	s0 =	sld [smem:$0x3FAA]  }
0x30: {  	s3 =	sld [smem:$0x3FAD]  }
0x31: {  	[smem:$0x3FB6] =	sst s10  }
0x32: {  	s10 =	sld [smem:$0x3FB4];
	_ =	sdelay $0x3  }
0x33: {  	p0 =	seq.s32 s10, $0x1;
	s10 =	sld [smem:$0x3FB6];
	_ =	sdelay $0x3  }
0x34: {  	[smem:$0x3FB6] =	sst s10  }
0x35: {  	s10 =	sld [smem:$0x3FB5];
	_ =	sdelay $0x3  }
0x36: {  	p1 =	seq.s32 s10, $0x1;
	s10 =	sld [smem:$0x3FB6];
	_ =	sdelay $0x3  }
0x37: {  	[smem:$0x3FB6] =	sst s10  }
0x38: {  	s10 =	sld [smem:$0x3FB7]  }
0x39: {  	_ = 	snop;
	(pc) =	sbr.ind lr, $3  }
0x3a: {  	_ = 	snop  }
0x3b: {  	_ = 	snop  }
0x3c: {  	p2 =	seq.s32 s10, $0x1;
	s10 =	sld [smem:$0x3FB6]  }
0x3d: {  	_ =	shalt  }
0x3e: {  	_ =	shalt  }
0x3f: {  	_ =	shalt  }
0x40: {  	_ =	shalt  }
0x41: {  	_ =	shalt  }
0x42: {  	_ =	shalt  }
0x43: {  	_ =	shalt  }
0x44: {  	_ =	shalt  }
0x45: {  	_ =	shalt  }
0x46: {  	_ =	shalt  }
0x47: {  	_ =	shalt  }
0x48: {  	_ =	shalt  }
0x49: {  	_ =	shalt  }
0x4a: {  	_ =	shalt  }
0x4b: {  	_ =	shalt  }
0x4c: {  	_ =	shalt  }
0x4d: {  	_ =	shalt  }
0x4e: {  	_ =	shalt  }
0x4f: {  	_ =	shalt  }
0x50: {  	_ =	shalt  }
0x51: {  	_ =	shalt  }
0x52: {  	_ =	shalt  }
0x53: {  	_ =	shalt  }
0x54: {  	_ =	shalt  }
0x55: {  	_ =	shalt  }
0x56: {  	_ =	shalt  }
0x57: {  	_ =	shalt  }
0x58: {  	_ =	shalt  }
0x59: {  	_ =	shalt  }
0x5a: {  	_ =	shalt  }
0x5b: {  	_ =	shalt  }
0x5c: {  	_ =	shalt  }
0x5d: {  	_ =	shalt  }
0x5e: {  	_ =	shalt  }
0x5f: {  	_ =	shalt  }
0x60: {  	_ =	shalt  }
0x61: {  	_ =	shalt  }
0x62: {  	_ =	shalt  }
0x63: {  	_ =	shalt  }
0x64: {  	_ =	shalt  }
0x65: {  	_ =	shalt  }
0x66: {  	_ =	shalt  }
0x67: {  	_ =	shalt  }
0x68: {  	_ =	shalt  }
0x69: {  	_ =	shalt  }
0x6a: {  	_ =	shalt  }
0x6b: {  	_ =	shalt  }
0x6c: {  	_ =	shalt  }
0x6d: {  	_ =	shalt  }
0x6e: {  	_ =	shalt  }
0x6f: {  	_ =	shalt  }
0x70: {  	_ =	shalt  }
0x71: {  	_ =	shalt  }
0x72: {  	_ =	shalt  }
0x73: {  	_ =	shalt  }
0x74: {  	_ =	shalt  }
0x75: {  	_ =	shalt  }
0x76: {  	_ =	shalt  }
0x77: {  	_ =	shalt  }
0x78: {  	_ =	shalt  }
0x79: {  	_ =	shalt  }
0x7a: {  	_ =	shalt  }
0x7b: {  	_ =	shalt  }
0x7c: {  	_ =	shalt  }
0x7d: {  	_ =	shalt  }
0x7e: {  	_ =	shalt  }
0x7f: {  	_ =	shalt  }
0x80: {  	_ =	shalt  }
0x81: {  	_ =	shalt  }
0x82: {  	_ =	shalt  }
0x83: {  	_ =	shalt  }
0x84: {  	_ =	shalt  }
0x85: {  	_ =	shalt  }
0x86: {  	_ =	shalt  }
0x87: {  	_ =	shalt  }
.Lfunc_end0:
.L_simem_size_0:
called_computation.1_lowered:
.L_overlay_start_0:
0x88: {  	s2 =	sld [smem:$0x3FD9]  }
0x89: {  	s3 =	sld [smem:$0x3FFE];
	_ =	sdelay $0x1  }
0x8a: {  	s1 =	srdreg.scid  }
0x8b: {  	s0 =	sand.u32 $0x1, s1  }
0x8c: {  	s17 =	sshll.u32 s0, $0xA;
	s2 =	sadd.s32 s3, s2  }
0x8d: {  	s2 =	sadd.s32 s2, s17  }
0x8e: {  	[smem:$0x3FC2] =	sst s2  }
0x8f: {  	_ = 	snop  }
0x90: {  	s2 =	sld [smem:$0x3FD0];
	(tm) =	ssettm $0x1  }
0x91: {  	s18 =	sld [smem:$0x3FFB];
	_ =	sdelay $0x3  }
0x92: {  	_ =	strace s18  }
0x93: {  	s3 =	sld [smem:$0x3FFC];
	_ =	sdelay $0x3  }
0x94: {  	_ =	strace s3  }
0x95: {  	s3 =	sld [smem:$0x3FFD];
	_ =	sdelay $0x3  }
0x96: {  	_ =	strace s3  }
0x97: {  	_ =	strace $0x8FFFFFFF  }
0x98: {  	s19 =	sld [smem:$0x3FDB];
	_ =	sdelay $0x1  }
0x99: {  	s4 =	simm.s32 $_scs_section_size  }
0x9a: {  	s5 =	simm.s32 $_size__tile_overlayer_lowered;
	s6 =	simm.s32 $_tile_overlayer_lowered  }
0x9b: {  	s22 =	simm.s32 $0x1BFF;
	s21 =	sshll.u32 s6, $0x1;
	s3 =	sadd.s32 s4, s19  }
0x9c: {  	s7 =	simm.s32 $0x0;
	s20 =	sshll.u32 s5, $0x1;
	s5 =	sadd.s32 s21, s3  }
0x9d: {  	[timem:s7], [sflag:s22] =	dma.local [hbm:s5], s20  }
0x9e: {  	_ =	swait.ge [sflag:s22], s20  }
0x9f: {  	s4 =	ssub.s32 $0x0, s20;
	[sflag:s22] =	ssyncset.done $0x0  }
0xa0: {  	[sflag:s22] =	ssyncadd.s32 s4;
	_ =	sdelay $0x1  }
0xa1: {  	s23 =	simm.s32 $0x1B8B  }
0xa2: {  	_ =	swait.ge [sflag:s23], $0x1  }
0xa3: {  	[sflag:s23] =	ssyncset.done $0x0  }
0xa4: {  	s25 =	simm.s32 $0x1B8E;
	s24 =	sld [smem:$0x3FFE];
	[sflag:s23] =	ssyncadd.s32 $0xFFFFFFFF  }
0xa5: {  	s26 =	simm.s32 $execute0_lowered;
	[smem:$0x3FD2] =	sst s25  }
0xa6: {  	s5 =	sshll.u32 s26, $0x1;
	_ =	strace $0x80000049;
	[dreg:$0x1] =	wrdreg $0xFFFFFFFF  }
0xa7: {  	s28 =	simm.s32 $_size_execute0_lowered;
	s3 =	sadd.s32 s3, s5;
	[dreg:$0x0] =	wrdreg $0x0  }
0xa8: {  	s5 =	sshll.u32 s28, $0x1;
	[dreg:$0x2] =	wrdreg s3  }
0xa9: {  	[dreg:$0x3] =	wrdreg s5  }
0xaa: {  	[dreg:$0x4] =	wrdreg $0xC0  }
0xab: {  	_ =	task [dreg:s7], $0x5FFFF  }
0xac: {  	[dreg:$0x1] =	wrdreg $0xFFFFFFFF  }
0xad: {  	[dreg:$0x0] =	wrdreg $0x60  }
0xae: {  	[dreg:$0x2] =	wrdreg s2  }
0xaf: {  	[dreg:$0x3] =	wrdreg s24  }
0xb0: {  	[dreg:$0x4] =	wrdreg $0x20000  }
0xb1: {  	[dreg:$0x5] =	wrdreg $0x9  }
0xb2: {  	_ =	task.clear_ibuf [dreg:s7], $0x6FFFF;
	_ =	strace $0x90000049  }
0xb3: {  	s29 =	simm.s32 $0x9;
	_ =	strace $0x8000004B  }
0xb4: {  	_ =	swait.ge [sflag:s29], $0x1  }
0xb5: {  	[sflag:s29] =	ssyncadd.s32 $0xFFFFFFFF  }
0xb6: {  	_ =	strace $0x9000004B  }
0xb7: {  	_ =	sfence  }
0xb8: {  	s30 =	sld [smem:$0x0];
	_ =	sdelay $0x2  }
0xb9: {  	s31 =	sshll.u32 s1, $0xD;
	s1 =	sshrl.u32 s1, $0x2  }
0xba: {  	s3 =	sand.u32 $0x4000, s31;
	s1 =	sadd.s32 s1, s30  }
0xbb: {  	s0 =	sor.u32 s3, s0;
	s1 =	sshll.u32 s1, $0x11  }
0xbc: {  	s0 =	sor.u32 s1, s0  }
0xbd: {  	s0 =	sadd.s32 $0x8F2B, s0  }
0xbe: {  	[sflag:s0] =	ssyncadd.remote.s32 $0x1  }
0xbf: {  	_ =	sfence.sel $0xFFFF  }
0xc0: {  	[dreg:$0x0] =	wrdreg $0xFFFFFFFF;
	(pc) =	sbr.abs _section_cstart, $3  }
0xc1: {  	[dreg:$0x1] =	wrdreg $0xFFFFFFFF  }
0xc2: {  	_ =	task.clear_ibuf [dreg:s7], $0x2FFFF;
	_ =	strace $0x9FFFFFFF  }
0xc3: {  	(tm) =	ssettm $0x7FFFFFFF  }
tec
execute0_lowered:
.L_overlay_start_1:
0x0: {  	(tag) =	ssettag $0x1  }
0x1: {  	s0 =	rddreg [dreg:$0x0]  }
0x2: {  	s1 =	rddreg [dreg:$0x1]  }
0x3: {  	s2 =	srdreg.scid;
	s3 =	rddreg [dreg:$0x2]  }
0x4: {  	s11 =	stileid.u32;
	s4 =	simm.s32 $0x0;
	s14 =	simm.s32 $0x8  }
0x5: {  	s15 =	simm.s32 $0x800;
	s28 =	simm.s32 $0x1DC00;
	s29 =	simm.s32 $0x1  }
0x6: {  	s31 =	simm.s32 $0x2;
	s12 =	simm.s32 $0x5;
	s13 =	simm.s32 $0x1C80  }
0x7: {  	s2 =	sand.u32 $0x1, s2;
	s6 =	smul.u32 $0x13C00, s11;
	[smem:$0x7FF] =	sst s4  }
0x8: {  	s7 =	sadd.s32 $0x1C00, s1;
	s16 =	sadd.s32 $0x21C00, s1;
	s8 =	sadd.s32 $0x41C00, s1  }
0x9: {  	s18 =	smul.u32 $0x4F000, s11;
	s10 =	sshll.u32 s11, $0xF;
	s19 =	sshll.u32 s11, $0x6  }
0xa: {  	s11 =	simm.s32 $0x0;
	s5 =	smul.u32 $0x13C000, s2;
	_ =	strace $0x8000004A  }
0xb: {  	[dreg:$0x8] =	wrdreg s8;
	s17 =	ssub.s32 $0x2, s2;
	s2 =	sshll.u32 s2, $0x13  }
0xc: {  	s24 =	sor.u32 $0x1C08, s19;
	s19 =	simm.s32 $0x15C00;
	s9 =	sshrl.u32 s17, $0x1  }
0xd: {  	s8 =	sshrl.u32 s18, $0x2;
	s2 =	sor.u32 s10, s2;
	s18 =	simm.s32 $0x40  }
0xe: {  	[dreg:$0x9] =	wrdreg s24;
	s5 =	sadd.s32 s6, s5;
	s8 =	sadd.s32 s8, s3  }
0xf: {  	s10 =	sshrl.u32 s2, $0x3;
	s21 =	sor.u32 $0x1800, s2;
	s2 =	sor.u32 $0x1000, s2  }
0x10: {  	s5 =	sshrl.u32 s5, $0x3;
	s20 =	sadd.s32 s7, s10;
	s22 =	sadd.s32 s16, s10  }
0x11: {  	s10 =	sor.u32 $0x100, s10;
	s2 =	sshrl.u32 s2, $0x3;
	[dreg:$0xa] =	wrdreg s20  }
0x12: {  	s1 =	sadd.s32 s5, s1;
	s5 =	ssub.s32 s17, s9;
	[dreg:$0xb] =	wrdreg s22  }
0x13: {  	s9 =	sshrl.u32 s21, $0x3;
	s23 =	sadd.s32 s7, s10;
	s10 =	sadd.s32 s16, s10  }
0x14: {  	s6 =	sadd.s32 s2, s16;
	s26 =	sadd.s32 s2, s7;
	s17 =	simm.s32 $0x1800  }
0x15: {  	s21 =	simm.s32 $0x17C00;
	s2 =	simm.s32 $0x100;
	[dreg:$0xc] =	wrdreg s23  }
0x16: {  	s20 =	simm.s32 $0x7;
	s25 =	sadd.s32 s9, s16;
	[dreg:$0xd] =	wrdreg s10  }
0x17: {  	s9 =	sadd.s32 s9, s7;
	s1 =	sadd.s32 $0x44400, s1;
	[dreg:$0x6] =	wrdreg s6  }
0x18: {  	s30 =	smax.u32 s5, $0x1;
	[dreg:$0x7] =	wrdreg s26;
	s26 =	sshrl.u32 s8, $0x3  }
0x19: {  	s16 =	simm.s32 $0x1000;
	s23 =	simm.s32 $0x19C00;
	[dreg:$0x4] =	wrdreg s25  }
0x1a: {  	s8 =	simm.s32 $0x180;
	s10 =	simm.s32 $0x200;
	[dreg:$0x5] =	wrdreg s9  }
0x1b: {  	s5 =	simm.s32 $0x3;
	s7 =	simm.s32 $0x6;
	[dreg:$0xe] =	wrdreg s1  }
0x1c: {  	s6 =	simm.s32 $0x1C00;
	[dreg:$0xf] =	wrdreg s30;
	s1 =	simm.s32 $0x80  }
0x1d: {  	s25 =	simm.s32 $0x1BC00;
	s9 =	simm.s32 $0x4;
	[dreg:$0x10] =	wrdreg s26  }
.LBB2_1:
0x1e: {  	[dreg:$0x11] =	wrdreg s11  }
0x1f: {  	s22 =	rddreg [dreg:$0x8]  }
0x20: {  	[spmem:s26], [sflag:s24] =	dma.local [hbm:s22], $0x2780  }
0x21: {  	_ =	swait.ge [sflag:s14], $0x2780  }
0x22: {  	[sflag:s14] =	ssyncset.done $0x0  }
0x23: {  	[sflag:s14] =	ssyncadd.s32 $0xFFFFD880  }
0x24: {  	[bflag:$0x0] =	sbarrier.arrive $0xFFFF  }
0x25: {  	s11 =	rddreg [dreg:$0xa]  }
0x26: {  	[tilespmem:s4], [sflag:$0x8] =	stream.linear.gather [hbm4b:s11+s4], $0x500, $0x38;
	[tilespmem:$0x1FC00] =	vst v63  }
0x27: {  	_ =	swait.ge [sflag:s14], $0x500  }
0x28: {  	[sflag:s14] =	ssyncset.done $0x0  }
0x29: {  	s24 =	rddreg [dreg:$0xb];
	[sflag:s14] =	ssyncadd.s32 $0xFFFFFB00  }
0x2a: {  	[tilespmem:s15], [sflag:$0x8] =	stream.linear.gather [hbm4b:s24+s4], $0x500, $0x38;
	[tilespmem:$0x1FC00] =	vst v63  }
0x2b: {  	_ =	swait.ge [sflag:s14], $0x500  }
0x2c: {  	[sflag:s14] =	ssyncset.done $0x0  }
0x2d: {  	s26 =	rddreg [dreg:$0xc];
	[sflag:s14] =	ssyncadd.s32 $0xFFFFFB00  }
0x2e: {  	[tilespmem:s16], [sflag:$0x7] =	stream.linear.gather [hbm4b:s26+s4], $0x500, $0x38;
	[tilespmem:$0x1FC00] =	vst v63  }
0x2f: {  	s30 =	rddreg [dreg:$0xd]  }
0x30: {  	[tilespmem:s17], [sflag:$0x7] =	stream.linear.gather [hbm4b:s30+s4], $0x500, $0x38;
	[tilespmem:$0x1FC00] =	vst v63  }
0x31: {  	_ = 	snop  }
0x32: {  	[tilespmem:s19], [sflag:$0x1] =	stream.indirect.gather [hbm4b:s0+s18], $0x80, s4, s18, $0xb8;
	[tilespmem:$0x1FC00] =	vst v63  }
0x33: {  	_ = 	snop  }
0x34: {  	[tilespmem:s21], [sflag:$0x2] =	stream.indirect.gather [hbm4b:s0+s18], $0x80, s1, s18, $0xb8;
	[tilespmem:$0x1FC00] =	vst v63  }
0x35: {  	_ = 	snop  }
0x36: {  	[tilespmem:s23], [sflag:$0x3] =	stream.indirect.gather [hbm4b:s0+s18], $0x80, s2, s18, $0xb8;
	[tilespmem:$0x1FC00] =	vst v63  }
0x37: {  	_ = 	snop  }
0x38: {  	[tilespmem:s25], [sflag:$0x4] =	stream.indirect.gather [hbm4b:s0+s18], $0x80, s8, s18, $0xb8;
	[tilespmem:$0x1FC00] =	vst v63  }
0x39: {  	_ = 	snop  }
0x3a: {  	[tilespmem:s28], [sflag:$0x5] =	stream.indirect.gather [hbm4b:s0+s18], $0x80, s10, s18, $0xb8;
	[tilespmem:$0x1FC00] =	vst v63  }
0x3b: {  	_ =	swait.ge [sflag:s29], $0x2000  }
0x3c: {  	[sflag:s29] =	ssyncset.done $0x0  }
0x3d: {  	[sflag:s29] =	ssyncadd.s32 $0xFFFFE000  }
0x3e: {  	[spmem:s3] =	stream.indirect.scatter.add.f32 [tilespmem:s19], [sflag:$0x8], $0x80, s15, s18, $0xb8;
	[tilespmem:$0x1FC00] =	vst v63  }
0x3f: {  	_ =	swait.ge [sflag:s14], $0x2000  }
0x40: {  	[sflag:s14] =	ssyncset.done $0x0  }
0x41: {  	s11 =	simm.s32 $0x280;
	[sflag:s14] =	ssyncadd.s32 $0xFFFFE000  }
0x42: {  	[tilespmem:s19], [sflag:$0x1] =	stream.indirect.gather [hbm4b:s0+s18], $0x80, s11, s18, $0xb8;
	[tilespmem:$0x1FC00] =	vst v63  }
0x43: {  	_ =	swait.ge [sflag:s31], $0x2000  }
0x44: {  	[sflag:s31] =	ssyncset.done $0x0  }
0x45: {  	s24 =	simm.s32 $0x880;
	[sflag:s31] =	ssyncadd.s32 $0xFFFFE000  }
0x46: {  	[spmem:s3] =	stream.indirect.scatter.add.f32 [tilespmem:s21], [sflag:$0x8], $0x80, s24, s18, $0xb8;
	[tilespmem:$0x1FC00] =	vst v63  }
0x47: {  	_ =	swait.ge [sflag:s14], $0x2000  }
0x48: {  	[sflag:s14] =	ssyncset.done $0x0  }
0x49: {  	s26 =	simm.s32 $0x300;
	[sflag:s14] =	ssyncadd.s32 $0xFFFFE000  }
0x4a: {  	[tilespmem:s21], [sflag:$0x2] =	stream.indirect.gather [hbm4b:s0+s18], $0x80, s26, s18, $0xb8;
	[tilespmem:$0x1FC00] =	vst v63  }
0x4b: {  	_ =	swait.ge [sflag:s5], $0x2000  }
0x4c: {  	[sflag:s5] =	ssyncset.done $0x0  }
0x4d: {  	s30 =	simm.s32 $0x900;
	[sflag:s5] =	ssyncadd.s32 $0xFFFFE000  }
0x4e: {  	[spmem:s3] =	stream.indirect.scatter.add.f32 [tilespmem:s23], [sflag:$0x8], $0x80, s30, s18, $0xb8;
	[tilespmem:$0x1FC00] =	vst v63  }
0x4f: {  	_ =	swait.ge [sflag:s14], $0x2000  }
0x50: {  	[sflag:s14] =	ssyncset.done $0x0  }
0x51: {  	s11 =	simm.s32 $0x380;
	[sflag:s14] =	ssyncadd.s32 $0xFFFFE000  }
0x52: {  	[tilespmem:s23], [sflag:$0x3] =	stream.indirect.gather [hbm4b:s0+s18], $0x80, s11, s18, $0xb8;
	[tilespmem:$0x1FC00] =	vst v63  }
0x53: {  	_ =	swait.ge [sflag:s9], $0x2000  }
0x54: {  	[sflag:s9] =	ssyncset.done $0x0  }
0x55: {  	s24 =	simm.s32 $0x980;
	[sflag:s9] =	ssyncadd.s32 $0xFFFFE000  }
0x56: {  	[spmem:s3] =	stream.indirect.scatter.add.f32 [tilespmem:s25], [sflag:$0x8], $0x80, s24, s18, $0xb8;
	[tilespmem:$0x1FC00] =	vst v63  }
0x57: {  	_ =	swait.ge [sflag:s14], $0x2000  }
0x58: {  	[sflag:s14] =	ssyncset.done $0x0  }
0x59: {  	s26 =	simm.s32 $0x400;
	[sflag:s14] =	ssyncadd.s32 $0xFFFFE000  }
0x5a: {  	[tilespmem:s25], [sflag:$0x4] =	stream.indirect.gather [hbm4b:s0+s18], $0x80, s26, s18, $0xb8;
	[tilespmem:$0x1FC00] =	vst v63  }
0x5b: {  	_ =	swait.ge [sflag:s12], $0x2000  }
0x5c: {  	[sflag:s12] =	ssyncset.done $0x0  }
0x5d: {  	s30 =	simm.s32 $0xA00;
	[sflag:s12] =	ssyncadd.s32 $0xFFFFE000  }
0x5e: {  	[spmem:s3] =	stream.indirect.scatter.add.f32 [tilespmem:s28], [sflag:$0x8], $0x80, s30, s18, $0xb8;
	[tilespmem:$0x1FC00] =	vst v63  }
0x5f: {  	_ =	swait.ge [sflag:s14], $0x2000  }
0x60: {  	[sflag:s14] =	ssyncset.done $0x0  }
0x61: {  	s11 =	simm.s32 $0x480;
	[sflag:s14] =	ssyncadd.s32 $0xFFFFE000  }
0x62: {  	[tilespmem:s28], [sflag:$0x5] =	stream.indirect.gather [hbm4b:s0+s18], $0x80, s11, s18, $0xb8;
	[tilespmem:$0x1FC00] =	vst v63  }
0x63: {  	_ =	swait.ge [sflag:s20], $0x500  }
0x64: {  	[sflag:s20] =	ssyncset.done $0x0  }
0x65: {  	[sflag:s20] =	ssyncadd.s32 $0xFFFFFB00  }
0x66: {  	_ =	swait.ge [sflag:s20], $0x500  }
0x67: {  	[sflag:s20] =	ssyncset.done $0x0  }
0x68: {  	[sflag:s20] =	ssyncadd.s32 $0xFFFFFB00  }
0x69: {  	_ =	swait.ge [sflag:s29], $0x2000  }
0x6a: {  	[sflag:s29] =	ssyncset.done $0x0  }
0x6b: {  	s24 =	simm.s32 $0xA80;
	[sflag:s29] =	ssyncadd.s32 $0xFFFFE000  }
0x6c: {  	[spmem:s3] =	stream.indirect.scatter.add.f32 [tilespmem:s19], [sflag:$0x8], $0x80, s24, s18, $0xb8;
	[tilespmem:$0x1FC00] =	vst v63  }
0x6d: {  	_ =	swait.ge [sflag:s14], $0x2000  }
0x6e: {  	[sflag:s14] =	ssyncset.done $0x0  }
0x6f: {  	[sflag:s14] =	ssyncadd.s32 $0xFFFFE000  }
0x70: {  	[tilespmem:s19], [sflag:$0x1] =	stream.indirect.gather [hbm4b:s0+s18], $0x80, s16, s18, $0xb8;
	[tilespmem:$0x1FC00] =	vst v63  }
0x71: {  	_ =	swait.ge [sflag:s31], $0x2000  }
0x72: {  	[sflag:s31] =	ssyncset.done $0x0  }
0x73: {  	s26 =	simm.s32 $0xB00;
	[sflag:s31] =	ssyncadd.s32 $0xFFFFE000  }
0x74: {  	[spmem:s3] =	stream.indirect.scatter.add.f32 [tilespmem:s21], [sflag:$0x8], $0x80, s26, s18, $0xb8;
	[tilespmem:$0x1FC00] =	vst v63  }
0x75: {  	_ =	swait.ge [sflag:s14], $0x2000  }
0x76: {  	[sflag:s14] =	ssyncset.done $0x0  }
0x77: {  	s30 =	simm.s32 $0x1080;
	[sflag:s14] =	ssyncadd.s32 $0xFFFFE000  }
0x78: {  	[tilespmem:s21], [sflag:$0x2] =	stream.indirect.gather [hbm4b:s0+s18], $0x80, s30, s18, $0xb8;
	[tilespmem:$0x1FC00] =	vst v63  }
0x79: {  	_ =	swait.ge [sflag:s5], $0x2000  }
0x7a: {  	[sflag:s5] =	ssyncset.done $0x0  }
0x7b: {  	s11 =	simm.s32 $0xB80;
	[sflag:s5] =	ssyncadd.s32 $0xFFFFE000  }
0x7c: {  	[spmem:s3] =	stream.indirect.scatter.add.f32 [tilespmem:s23], [sflag:$0x8], $0x80, s11, s18, $0xb8;
	[tilespmem:$0x1FC00] =	vst v63  }
0x7d: {  	_ =	swait.ge [sflag:s14], $0x2000  }
0x7e: {  	[sflag:s14] =	ssyncset.done $0x0  }
0x7f: {  	s24 =	simm.s32 $0x1100;
	[sflag:s14] =	ssyncadd.s32 $0xFFFFE000  }
0x80: {  	[tilespmem:s23], [sflag:$0x3] =	stream.indirect.gather [hbm4b:s0+s18], $0x80, s24, s18, $0xb8;
	[tilespmem:$0x1FC00] =	vst v63  }
0x81: {  	_ =	swait.ge [sflag:s9], $0x2000  }
0x82: {  	[sflag:s9] =	ssyncset.done $0x0  }
0x83: {  	s26 =	simm.s32 $0xC00;
	[sflag:s9] =	ssyncadd.s32 $0xFFFFE000  }
0x84: {  	[spmem:s3] =	stream.indirect.scatter.add.f32 [tilespmem:s25], [sflag:$0x8], $0x80, s26, s18, $0xb8;
	[tilespmem:$0x1FC00] =	vst v63  }
0x85: {  	_ =	swait.ge [sflag:s14], $0x2000  }
0x86: {  	[sflag:s14] =	ssyncset.done $0x0  }
0x87: {  	s30 =	simm.s32 $0x1180;
	[sflag:s14] =	ssyncadd.s32 $0xFFFFE000  }
0x88: {  	[tilespmem:s25], [sflag:$0x4] =	stream.indirect.gather [hbm4b:s0+s18], $0x80, s30, s18, $0xb8;
	[tilespmem:$0x1FC00] =	vst v63  }
0x89: {  	_ =	swait.ge [sflag:s12], $0x2000  }
0x8a: {  	[sflag:s12] =	ssyncset.done $0x0  }
0x8b: {  	s11 =	simm.s32 $0xC80;
	[sflag:s12] =	ssyncadd.s32 $0xFFFFE000  }
0x8c: {  	[spmem:s3] =	stream.indirect.scatter.add.f32 [tilespmem:s28], [sflag:$0x8], $0x80, s11, s18, $0xb8;
	[tilespmem:$0x1FC00] =	vst v63  }
0x8d: {  	_ =	swait.ge [sflag:s14], $0x2000  }
0x8e: {  	[sflag:s14] =	ssyncset.done $0x0  }
0x8f: {  	s30 =	simm.s32 $0x1200;
	s24 =	rddreg [dreg:$0x7];
	[sflag:s14] =	ssyncadd.s32 $0xFFFFE000  }
0x90: {  	[tilespmem:s28], [sflag:$0x5] =	stream.indirect.gather [hbm4b:s0+s18], $0x80, s30, s18, $0xb8;
	[tilespmem:$0x1FC00] =	vst v63  }
0x91: {  	s26 =	rddreg [dreg:$0x6];
	s22 =	sadd.s32 $0x0, s24  }
0x92: {  	[tilespmem:s4], [sflag:$0x6] =	stream.linear.gather [hbm4b:s22+s4], $0x500, $0x38;
	[tilespmem:$0x1FC00] =	vst v63  }
0x93: {  	s24 =	sadd.s32 $0x0, s26  }
0x94: {  	[tilespmem:s15], [sflag:$0x6] =	stream.linear.gather [hbm4b:s24+s4], $0x500, $0x38;
	[tilespmem:$0x1FC00] =	vst v63  }
0x95: {  	_ =	swait.ge [sflag:s29], $0x2000  }
0x96: {  	[sflag:s29] =	ssyncset.done $0x0  }
0x97: {  	[sflag:s29] =	ssyncadd.s32 $0xFFFFE000  }
0x98: {  	[spmem:s3] =	stream.indirect.scatter.add.f32 [tilespmem:s19], [sflag:$0x8], $0x80, s17, s18, $0xb8;
	[tilespmem:$0x1FC00] =	vst v63  }
0x99: {  	_ =	swait.ge [sflag:s14], $0x2000  }
0x9a: {  	[sflag:s14] =	ssyncset.done $0x0  }
0x9b: {  	s26 =	simm.s32 $0x1280;
	[sflag:s14] =	ssyncadd.s32 $0xFFFFE000  }
0x9c: {  	[tilespmem:s19], [sflag:$0x1] =	stream.indirect.gather [hbm4b:s0+s18], $0x80, s26, s18, $0xb8;
	[tilespmem:$0x1FC00] =	vst v63  }
0x9d: {  	_ =	swait.ge [sflag:s31], $0x2000  }
0x9e: {  	[sflag:s31] =	ssyncset.done $0x0  }
0x9f: {  	s30 =	simm.s32 $0x1880;
	[sflag:s31] =	ssyncadd.s32 $0xFFFFE000  }
0xa0: {  	[spmem:s3] =	stream.indirect.scatter.add.f32 [tilespmem:s21], [sflag:$0x8], $0x80, s30, s18, $0xb8;
	[tilespmem:$0x1FC00] =	vst v63  }
0xa1: {  	_ =	swait.ge [sflag:s14], $0x2000  }
0xa2: {  	[sflag:s14] =	ssyncset.done $0x0  }
0xa3: {  	s22 =	simm.s32 $0x1300;
	[sflag:s14] =	ssyncadd.s32 $0xFFFFE000  }
0xa4: {  	[tilespmem:s21], [sflag:$0x2] =	stream.indirect.gather [hbm4b:s0+s18], $0x80, s22, s18, $0xb8;
	[tilespmem:$0x1FC00] =	vst v63  }
0xa5: {  	_ =	swait.ge [sflag:s5], $0x2000  }
0xa6: {  	[sflag:s5] =	ssyncset.done $0x0  }
0xa7: {  	s24 =	simm.s32 $0x1900;
	[sflag:s5] =	ssyncadd.s32 $0xFFFFE000  }
0xa8: {  	[spmem:s3] =	stream.indirect.scatter.add.f32 [tilespmem:s23], [sflag:$0x8], $0x80, s24, s18, $0xb8;
	[tilespmem:$0x1FC00] =	vst v63  }
0xa9: {  	_ =	swait.ge [sflag:s14], $0x2000  }
0xaa: {  	[sflag:s14] =	ssyncset.done $0x0  }
0xab: {  	s26 =	simm.s32 $0x1380;
	[sflag:s14] =	ssyncadd.s32 $0xFFFFE000  }
0xac: {  	[tilespmem:s23], [sflag:$0x3] =	stream.indirect.gather [hbm4b:s0+s18], $0x80, s26, s18, $0xb8;
	[tilespmem:$0x1FC00] =	vst v63  }
0xad: {  	_ =	swait.ge [sflag:s9], $0x2000  }
0xae: {  	[sflag:s9] =	ssyncset.done $0x0  }
0xaf: {  	s30 =	simm.s32 $0x1980;
	[sflag:s9] =	ssyncadd.s32 $0xFFFFE000  }
0xb0: {  	[spmem:s3] =	stream.indirect.scatter.add.f32 [tilespmem:s25], [sflag:$0x8], $0x80, s30, s18, $0xb8;
	[tilespmem:$0x1FC00] =	vst v63  }
0xb1: {  	_ =	swait.ge [sflag:s14], $0x2000  }
0xb2: {  	[sflag:s14] =	ssyncset.done $0x0  }
0xb3: {  	s22 =	simm.s32 $0x1400;
	[sflag:s14] =	ssyncadd.s32 $0xFFFFE000  }
0xb4: {  	[tilespmem:s25], [sflag:$0x4] =	stream.indirect.gather [hbm4b:s0+s18], $0x80, s22, s18, $0xb8;
	[tilespmem:$0x1FC00] =	vst v63  }
0xb5: {  	_ =	swait.ge [sflag:s12], $0x2000  }
0xb6: {  	[sflag:s12] =	ssyncset.done $0x0  }
0xb7: {  	s24 =	simm.s32 $0x1A00;
	[sflag:s12] =	ssyncadd.s32 $0xFFFFE000  }
0xb8: {  	[spmem:s3] =	stream.indirect.scatter.add.f32 [tilespmem:s28], [sflag:$0x8], $0x80, s24, s18, $0xb8;
	[tilespmem:$0x1FC00] =	vst v63  }
0xb9: {  	_ =	swait.ge [sflag:s14], $0x2000  }
0xba: {  	[sflag:s14] =	ssyncset.done $0x0  }
0xbb: {  	s26 =	simm.s32 $0x1480;
	[sflag:s14] =	ssyncadd.s32 $0xFFFFE000  }
0xbc: {  	[tilespmem:s28], [sflag:$0x5] =	stream.indirect.gather [hbm4b:s0+s18], $0x80, s26, s18, $0xb8;
	[tilespmem:$0x1FC00] =	vst v63  }
0xbd: {  	_ =	swait.ge [sflag:s7], $0x500  }
0xbe: {  	[sflag:s7] =	ssyncset.done $0x0  }
0xbf: {  	[sflag:s7] =	ssyncadd.s32 $0xFFFFFB00  }
0xc0: {  	_ =	swait.ge [sflag:s7], $0x500  }
0xc1: {  	[sflag:s7] =	ssyncset.done $0x0  }
0xc2: {  	[sflag:s7] =	ssyncadd.s32 $0xFFFFFB00  }
0xc3: {  	_ =	swait.ge [sflag:s29], $0x2000  }
0xc4: {  	[sflag:s29] =	ssyncset.done $0x0  }
0xc5: {  	s30 =	simm.s32 $0x1A80;
	[sflag:s29] =	ssyncadd.s32 $0xFFFFE000  }
0xc6: {  	[spmem:s3] =	stream.indirect.scatter.add.f32 [tilespmem:s19], [sflag:$0x8], $0x80, s30, s18, $0xb8;
	[tilespmem:$0x1FC00] =	vst v63  }
0xc7: {  	_ =	swait.ge [sflag:s14], $0x2000  }
0xc8: {  	[sflag:s14] =	ssyncset.done $0x0  }
0xc9: {  	[sflag:s14] =	ssyncadd.s32 $0xFFFFE000  }
0xca: {  	[tilespmem:s19], [sflag:$0x1] =	stream.indirect.gather [hbm4b:s0+s18], $0x80, s4, s18, $0xb8;
	[tilespmem:$0x1FC00] =	vst v63  }
0xcb: {  	_ =	swait.ge [sflag:s31], $0x2000  }
0xcc: {  	[sflag:s31] =	ssyncset.done $0x0  }
0xcd: {  	s22 =	simm.s32 $0x1B00;
	[sflag:s31] =	ssyncadd.s32 $0xFFFFE000  }
0xce: {  	[spmem:s3] =	stream.indirect.scatter.add.f32 [tilespmem:s21], [sflag:$0x8], $0x80, s22, s18, $0xb8;
	[tilespmem:$0x1FC00] =	vst v63  }
0xcf: {  	_ =	swait.ge [sflag:s14], $0x2000  }
0xd0: {  	[sflag:s14] =	ssyncset.done $0x0  }
0xd1: {  	[sflag:s14] =	ssyncadd.s32 $0xFFFFE000  }
0xd2: {  	[tilespmem:s21], [sflag:$0x2] =	stream.indirect.gather [hbm4b:s0+s18], $0x80, s1, s18, $0xb8;
	[tilespmem:$0x1FC00] =	vst v63  }
0xd3: {  	_ =	swait.ge [sflag:s5], $0x2000  }
0xd4: {  	[sflag:s5] =	ssyncset.done $0x0  }
0xd5: {  	s24 =	simm.s32 $0x1B80;
	[sflag:s5] =	ssyncadd.s32 $0xFFFFE000  }
0xd6: {  	[spmem:s3] =	stream.indirect.scatter.add.f32 [tilespmem:s23], [sflag:$0x8], $0x80, s24, s18, $0xb8;
	[tilespmem:$0x1FC00] =	vst v63  }
0xd7: {  	_ =	swait.ge [sflag:s14], $0x2000  }
0xd8: {  	[sflag:s14] =	ssyncset.done $0x0  }
0xd9: {  	[sflag:s14] =	ssyncadd.s32 $0xFFFFE000  }
0xda: {  	[tilespmem:s23], [sflag:$0x3] =	stream.indirect.gather [hbm4b:s0+s18], $0x80, s2, s18, $0xb8;
	[tilespmem:$0x1FC00] =	vst v63  }
0xdb: {  	_ =	swait.ge [sflag:s9], $0x2000  }
0xdc: {  	[sflag:s9] =	ssyncset.done $0x0  }
0xdd: {  	[sflag:s9] =	ssyncadd.s32 $0xFFFFE000  }
0xde: {  	[spmem:s3] =	stream.indirect.scatter.add.f32 [tilespmem:s25], [sflag:$0x8], $0x80, s6, s18, $0xb8;
	[tilespmem:$0x1FC00] =	vst v63  }
0xdf: {  	_ =	swait.ge [sflag:s14], $0x2000  }
0xe0: {  	[sflag:s14] =	ssyncset.done $0x0  }
0xe1: {  	[sflag:s14] =	ssyncadd.s32 $0xFFFFE000  }
0xe2: {  	[tilespmem:s25], [sflag:$0x4] =	stream.indirect.gather [hbm4b:s0+s18], $0x80, s8, s18, $0xb8;
	[tilespmem:$0x1FC00] =	vst v63  }
0xe3: {  	_ =	swait.ge [sflag:s12], $0x2000  }
0xe4: {  	[sflag:s12] =	ssyncset.done $0x0  }
0xe5: {  	[sflag:s12] =	ssyncadd.s32 $0xFFFFE000  }
0xe6: {  	[spmem:s3] =	stream.indirect.scatter.add.f32 [tilespmem:s28], [sflag:$0x8], $0x80, s13, s18, $0xb8;
	[tilespmem:$0x1FC00] =	vst v63  }
0xe7: {  	_ =	swait.ge [sflag:s14], $0x2000  }
0xe8: {  	s1 =	simm.s32 $0x80;
	[sflag:s14] =	ssyncset.done $0x0  }
0xe9: {  	s2 =	simm.s32 $0x100;
	s26 =	rddreg [dreg:$0x5];
	[sflag:s14] =	ssyncadd.s32 $0xFFFFE000  }
0xea: {  	[tilespmem:s28], [sflag:$0x5] =	stream.indirect.gather [hbm4b:s0+s18], $0x80, s10, s18, $0xb8;
	[tilespmem:$0x1FC00] =	vst v63  }
0xeb: {  	s8 =	simm.s32 $0x180;
	s30 =	rddreg [dreg:$0x4];
	s22 =	sadd.s32 $0x0, s26  }
0xec: {  	[tilespmem:s16], [sflag:$0x7] =	stream.linear.gather [hbm4b:s22+s4], $0x500, $0x38;
	[tilespmem:$0x1FC00] =	vst v63  }
0xed: {  	s24 =	sadd.s32 $0x0, s30;
	s10 =	simm.s32 $0x200;
	s22 =	simm.s32 $0x200  }
.LBB2_2:
0xee: {  	[tilespmem:s17], [sflag:$0x7] =	stream.linear.gather [hbm4b:s24+s4], $0x500, $0x38;
	[tilespmem:$0x1FC00] =	vst v63  }
0xef: {  	_ =	swait.ge [sflag:s29], $0x2000  }
0xf0: {  	[sflag:s29] =	ssyncset.done $0x0  }
0xf1: {  	[sflag:s29] =	ssyncadd.s32 $0xFFFFE000  }
0xf2: {  	[spmem:s3] =	stream.indirect.scatter.add.f32 [tilespmem:s19], [sflag:$0x8], $0x80, s15, s18, $0xb8;
	[tilespmem:$0x1FC00] =	vst v63  }
0xf3: {  	_ =	swait.ge [sflag:s14], $0x2000  }
0xf4: {  	[sflag:s14] =	ssyncset.done $0x0  }
0xf5: {  	s26 =	simm.s32 $0x280;
	[sflag:s14] =	ssyncadd.s32 $0xFFFFE000  }
0xf6: {  	[tilespmem:s19], [sflag:$0x1] =	stream.indirect.gather [hbm4b:s0+s18], $0x80, s26, s18, $0xb8;
	[tilespmem:$0x1FC00] =	vst v63  }
0xf7: {  	_ =	swait.ge [sflag:s31], $0x2000  }
0xf8: {  	[sflag:s31] =	ssyncset.done $0x0  }
0xf9: {  	s11 =	simm.s32 $0x880;
	[sflag:s31] =	ssyncadd.s32 $0xFFFFE000  }
0xfa: {  	[spmem:s3] =	stream.indirect.scatter.add.f32 [tilespmem:s21], [sflag:$0x8], $0x80, s11, s18, $0xb8;
	[tilespmem:$0x1FC00] =	vst v63  }
0xfb: {  	_ =	swait.ge [sflag:s14], $0x2000  }
0xfc: {  	[sflag:s14] =	ssyncset.done $0x0  }
0xfd: {  	s30 =	simm.s32 $0x300;
	[sflag:s14] =	ssyncadd.s32 $0xFFFFE000  }
0xfe: {  	[tilespmem:s21], [sflag:$0x2] =	stream.indirect.gather [hbm4b:s0+s18], $0x80, s30, s18, $0xb8;
	[tilespmem:$0x1FC00] =	vst v63  }
0xff: {  	_ =	swait.ge [sflag:s5], $0x2000  }
0x100: {  	[sflag:s5] =	ssyncset.done $0x0  }
0x101: {  	s11 =	simm.s32 $0x900;
	[sflag:s5] =	ssyncadd.s32 $0xFFFFE000  }
0x102: {  	[spmem:s3] =	stream.indirect.scatter.add.f32 [tilespmem:s23], [sflag:$0x8], $0x80, s11, s18, $0xb8;
	[tilespmem:$0x1FC00] =	vst v63  }
0x103: {  	_ =	swait.ge [sflag:s14], $0x2000  }
0x104: {  	[sflag:s14] =	ssyncset.done $0x0  }
0x105: {  	s30 =	simm.s32 $0x380;
	[sflag:s14] =	ssyncadd.s32 $0xFFFFE000  }
0x106: {  	[tilespmem:s23], [sflag:$0x3] =	stream.indirect.gather [hbm4b:s0+s18], $0x80, s30, s18, $0xb8;
	[tilespmem:$0x1FC00] =	vst v63  }
0x107: {  	_ =	swait.ge [sflag:s9], $0x2000  }
0x108: {  	[sflag:s9] =	ssyncset.done $0x0  }
0x109: {  	s11 =	simm.s32 $0x980;
	[sflag:s9] =	ssyncadd.s32 $0xFFFFE000  }
0x10a: {  	[spmem:s3] =	stream.indirect.scatter.add.f32 [tilespmem:s25], [sflag:$0x8], $0x80, s11, s18, $0xb8;
	[tilespmem:$0x1FC00] =	vst v63  }
0x10b: {  	_ =	swait.ge [sflag:s14], $0x2000  }
0x10c: {  	[sflag:s14] =	ssyncset.done $0x0  }
0x10d: {  	s30 =	simm.s32 $0x400;
	[sflag:s14] =	ssyncadd.s32 $0xFFFFE000  }
0x10e: {  	[tilespmem:s25], [sflag:$0x4] =	stream.indirect.gather [hbm4b:s0+s18], $0x80, s30, s18, $0xb8;
	[tilespmem:$0x1FC00] =	vst v63  }
0x10f: {  	_ =	swait.ge [sflag:s12], $0x2000  }
0x110: {  	[sflag:s12] =	ssyncset.done $0x0  }
0x111: {  	s11 =	simm.s32 $0xA00;
	[sflag:s12] =	ssyncadd.s32 $0xFFFFE000  }
0x112: {  	[spmem:s3] =	stream.indirect.scatter.add.f32 [tilespmem:s28], [sflag:$0x8], $0x80, s11, s18, $0xb8;
	[tilespmem:$0x1FC00] =	vst v63  }
0x113: {  	_ =	swait.ge [sflag:s14], $0x2000  }
0x114: {  	[sflag:s14] =	ssyncset.done $0x0  }
0x115: {  	s30 =	simm.s32 $0x480;
	[sflag:s14] =	ssyncadd.s32 $0xFFFFE000  }
0x116: {  	[tilespmem:s28], [sflag:$0x5] =	stream.indirect.gather [hbm4b:s0+s18], $0x80, s30, s18, $0xb8;
	[tilespmem:$0x1FC00] =	vst v63  }
0x117: {  	_ =	swait.ge [sflag:s20], $0x500  }
0x118: {  	[sflag:s20] =	ssyncset.done $0x0  }
0x119: {  	[sflag:s20] =	ssyncadd.s32 $0xFFFFFB00  }
0x11a: {  	_ =	swait.ge [sflag:s20], $0x500  }
0x11b: {  	[sflag:s20] =	ssyncset.done $0x0  }
0x11c: {  	[sflag:s20] =	ssyncadd.s32 $0xFFFFFB00  }
0x11d: {  	_ =	swait.ge [sflag:s29], $0x2000  }
0x11e: {  	[sflag:s29] =	ssyncset.done $0x0  }
0x11f: {  	s11 =	simm.s32 $0xA80;
	[sflag:s29] =	ssyncadd.s32 $0xFFFFE000  }
0x120: {  	[spmem:s3] =	stream.indirect.scatter.add.f32 [tilespmem:s19], [sflag:$0x8], $0x80, s11, s18, $0xb8;
	[tilespmem:$0x1FC00] =	vst v63  }
0x121: {  	_ =	swait.ge [sflag:s14], $0x2000  }
0x122: {  	[sflag:s14] =	ssyncset.done $0x0  }
0x123: {  	[sflag:s14] =	ssyncadd.s32 $0xFFFFE000  }
0x124: {  	[tilespmem:s19], [sflag:$0x1] =	stream.indirect.gather [hbm4b:s0+s18], $0x80, s16, s18, $0xb8;
	[tilespmem:$0x1FC00] =	vst v63  }
0x125: {  	_ =	swait.ge [sflag:s31], $0x2000  }
0x126: {  	[sflag:s31] =	ssyncset.done $0x0  }
0x127: {  	s30 =	simm.s32 $0xB00;
	[sflag:s31] =	ssyncadd.s32 $0xFFFFE000  }
0x128: {  	[spmem:s3] =	stream.indirect.scatter.add.f32 [tilespmem:s21], [sflag:$0x8], $0x80, s30, s18, $0xb8;
	[tilespmem:$0x1FC00] =	vst v63  }
0x129: {  	_ =	swait.ge [sflag:s14], $0x2000  }
0x12a: {  	[sflag:s14] =	ssyncset.done $0x0  }
0x12b: {  	s11 =	simm.s32 $0x1080;
	[sflag:s14] =	ssyncadd.s32 $0xFFFFE000  }
0x12c: {  	[tilespmem:s21], [sflag:$0x2] =	stream.indirect.gather [hbm4b:s0+s18], $0x80, s11, s18, $0xb8;
	[tilespmem:$0x1FC00] =	vst v63  }
0x12d: {  	_ =	swait.ge [sflag:s5], $0x2000  }
0x12e: {  	[sflag:s5] =	ssyncset.done $0x0  }
0x12f: {  	s30 =	simm.s32 $0xB80;
	[sflag:s5] =	ssyncadd.s32 $0xFFFFE000  }
0x130: {  	[spmem:s3] =	stream.indirect.scatter.add.f32 [tilespmem:s23], [sflag:$0x8], $0x80, s30, s18, $0xb8;
	[tilespmem:$0x1FC00] =	vst v63  }
0x131: {  	_ =	swait.ge [sflag:s14], $0x2000  }
0x132: {  	[sflag:s14] =	ssyncset.done $0x0  }
0x133: {  	s11 =	simm.s32 $0x1100;
	[sflag:s14] =	ssyncadd.s32 $0xFFFFE000  }
0x134: {  	[tilespmem:s23], [sflag:$0x3] =	stream.indirect.gather [hbm4b:s0+s18], $0x80, s11, s18, $0xb8;
	[tilespmem:$0x1FC00] =	vst v63  }
0x135: {  	_ =	swait.ge [sflag:s9], $0x2000  }
0x136: {  	[sflag:s9] =	ssyncset.done $0x0  }
0x137: {  	s30 =	simm.s32 $0xC00;
	[sflag:s9] =	ssyncadd.s32 $0xFFFFE000  }
0x138: {  	[spmem:s3] =	stream.indirect.scatter.add.f32 [tilespmem:s25], [sflag:$0x8], $0x80, s30, s18, $0xb8;
	[tilespmem:$0x1FC00] =	vst v63  }
0x139: {  	_ =	swait.ge [sflag:s14], $0x2000  }
0x13a: {  	[sflag:s14] =	ssyncset.done $0x0  }
0x13b: {  	s11 =	simm.s32 $0x1180;
	[sflag:s14] =	ssyncadd.s32 $0xFFFFE000  }
0x13c: {  	[tilespmem:s25], [sflag:$0x4] =	stream.indirect.gather [hbm4b:s0+s18], $0x80, s11, s18, $0xb8;
	[tilespmem:$0x1FC00] =	vst v63  }
0x13d: {  	_ =	swait.ge [sflag:s12], $0x2000  }
0x13e: {  	[sflag:s12] =	ssyncset.done $0x0  }
0x13f: {  	s30 =	simm.s32 $0xC80;
	[sflag:s12] =	ssyncadd.s32 $0xFFFFE000  }
0x140: {  	[spmem:s3] =	stream.indirect.scatter.add.f32 [tilespmem:s28], [sflag:$0x8], $0x80, s30, s18, $0xb8;
	[tilespmem:$0x1FC00] =	vst v63  }
0x141: {  	_ =	swait.ge [sflag:s14], $0x2000  }
0x142: {  	s24 =	smov.u32 s22;
	[sflag:s14] =	ssyncset.done $0x0  }
0x143: {  	s11 =	simm.s32 $0x1200;
	s26 =	rddreg [dreg:$0x7];
	[sflag:s14] =	ssyncadd.s32 $0xFFFFE000  }
0x144: {  	[tilespmem:s28], [sflag:$0x5] =	stream.indirect.gather [hbm4b:s0+s18], $0x80, s11, s18, $0xb8;
	[tilespmem:$0x1FC00] =	vst v63  }
0x145: {  	s30 =	rddreg [dreg:$0x6];
	s26 =	sadd.s32 s24, s26  }
0x146: {  	[tilespmem:s4], [sflag:$0x6] =	stream.linear.gather [hbm4b:s26+s4], $0x500, $0x38;
	[tilespmem:$0x1FC00] =	vst v63  }
0x147: {  	s11 =	sadd.s32 s24, s30  }
0x148: {  	[tilespmem:s15], [sflag:$0x6] =	stream.linear.gather [hbm4b:s11+s4], $0x500, $0x38;
	[tilespmem:$0x1FC00] =	vst v63  }
0x149: {  	_ =	swait.ge [sflag:s29], $0x2000  }
0x14a: {  	[sflag:s29] =	ssyncset.done $0x0  }
0x14b: {  	[sflag:s29] =	ssyncadd.s32 $0xFFFFE000  }
0x14c: {  	[spmem:s3] =	stream.indirect.scatter.add.f32 [tilespmem:s19], [sflag:$0x8], $0x80, s17, s18, $0xb8;
	[tilespmem:$0x1FC00] =	vst v63  }
0x14d: {  	_ =	swait.ge [sflag:s14], $0x2000  }
0x14e: {  	[sflag:s14] =	ssyncset.done $0x0  }
0x14f: {  	s26 =	simm.s32 $0x1280;
	[sflag:s14] =	ssyncadd.s32 $0xFFFFE000  }
0x150: {  	[tilespmem:s19], [sflag:$0x1] =	stream.indirect.gather [hbm4b:s0+s18], $0x80, s26, s18, $0xb8;
	[tilespmem:$0x1FC00] =	vst v63  }
0x151: {  	_ =	swait.ge [sflag:s31], $0x2000  }
0x152: {  	[sflag:s31] =	ssyncset.done $0x0  }
0x153: {  	s30 =	simm.s32 $0x1880;
	[sflag:s31] =	ssyncadd.s32 $0xFFFFE000  }
0x154: {  	[spmem:s3] =	stream.indirect.scatter.add.f32 [tilespmem:s21], [sflag:$0x8], $0x80, s30, s18, $0xb8;
	[tilespmem:$0x1FC00] =	vst v63  }
0x155: {  	_ =	swait.ge [sflag:s14], $0x2000  }
0x156: {  	[sflag:s14] =	ssyncset.done $0x0  }
0x157: {  	s26 =	simm.s32 $0x1300;
	[sflag:s14] =	ssyncadd.s32 $0xFFFFE000  }
0x158: {  	[tilespmem:s21], [sflag:$0x2] =	stream.indirect.gather [hbm4b:s0+s18], $0x80, s26, s18, $0xb8;
	[tilespmem:$0x1FC00] =	vst v63  }
0x159: {  	_ =	swait.ge [sflag:s5], $0x2000  }
0x15a: {  	[sflag:s5] =	ssyncset.done $0x0  }
0x15b: {  	s30 =	simm.s32 $0x1900;
	[sflag:s5] =	ssyncadd.s32 $0xFFFFE000  }
0x15c: {  	[spmem:s3] =	stream.indirect.scatter.add.f32 [tilespmem:s23], [sflag:$0x8], $0x80, s30, s18, $0xb8;
	[tilespmem:$0x1FC00] =	vst v63  }
0x15d: {  	_ =	swait.ge [sflag:s14], $0x2000  }
0x15e: {  	[sflag:s14] =	ssyncset.done $0x0  }
0x15f: {  	s26 =	simm.s32 $0x1380;
	[sflag:s14] =	ssyncadd.s32 $0xFFFFE000  }
0x160: {  	[tilespmem:s23], [sflag:$0x3] =	stream.indirect.gather [hbm4b:s0+s18], $0x80, s26, s18, $0xb8;
	[tilespmem:$0x1FC00] =	vst v63  }
0x161: {  	_ =	swait.ge [sflag:s9], $0x2000  }
0x162: {  	[sflag:s9] =	ssyncset.done $0x0  }
0x163: {  	s30 =	simm.s32 $0x1980;
	[sflag:s9] =	ssyncadd.s32 $0xFFFFE000  }
0x164: {  	[spmem:s3] =	stream.indirect.scatter.add.f32 [tilespmem:s25], [sflag:$0x8], $0x80, s30, s18, $0xb8;
	[tilespmem:$0x1FC00] =	vst v63  }
0x165: {  	_ =	swait.ge [sflag:s14], $0x2000  }
0x166: {  	[sflag:s14] =	ssyncset.done $0x0  }
0x167: {  	s26 =	simm.s32 $0x1400;
	[sflag:s14] =	ssyncadd.s32 $0xFFFFE000  }
0x168: {  	[tilespmem:s25], [sflag:$0x4] =	stream.indirect.gather [hbm4b:s0+s18], $0x80, s26, s18, $0xb8;
	[tilespmem:$0x1FC00] =	vst v63  }
0x169: {  	_ =	swait.ge [sflag:s12], $0x2000  }
0x16a: {  	[sflag:s12] =	ssyncset.done $0x0  }
0x16b: {  	s30 =	simm.s32 $0x1A00;
	[sflag:s12] =	ssyncadd.s32 $0xFFFFE000  }
0x16c: {  	[spmem:s3] =	stream.indirect.scatter.add.f32 [tilespmem:s28], [sflag:$0x8], $0x80, s30, s18, $0xb8;
	[tilespmem:$0x1FC00] =	vst v63  }
0x16d: {  	_ =	swait.ge [sflag:s14], $0x2000  }
0x16e: {  	[sflag:s14] =	ssyncset.done $0x0  }
0x16f: {  	s26 =	simm.s32 $0x1480;
	[sflag:s14] =	ssyncadd.s32 $0xFFFFE000  }
0x170: {  	[tilespmem:s28], [sflag:$0x5] =	stream.indirect.gather [hbm4b:s0+s18], $0x80, s26, s18, $0xb8;
	[tilespmem:$0x1FC00] =	vst v63  }
0x171: {  	_ =	swait.ge [sflag:s7], $0x500  }
0x172: {  	[sflag:s7] =	ssyncset.done $0x0  }
0x173: {  	[sflag:s7] =	ssyncadd.s32 $0xFFFFFB00  }
0x174: {  	_ =	swait.ge [sflag:s7], $0x500  }
0x175: {  	[sflag:s7] =	ssyncset.done $0x0  }
0x176: {  	[sflag:s7] =	ssyncadd.s32 $0xFFFFFB00  }
0x177: {  	_ =	swait.ge [sflag:s29], $0x2000  }
0x178: {  	[sflag:s29] =	ssyncset.done $0x0  }
0x179: {  	s30 =	simm.s32 $0x1A80;
	[sflag:s29] =	ssyncadd.s32 $0xFFFFE000  }
0x17a: {  	[spmem:s3] =	stream.indirect.scatter.add.f32 [tilespmem:s19], [sflag:$0x8], $0x80, s30, s18, $0xb8;
	[tilespmem:$0x1FC00] =	vst v63  }
0x17b: {  	_ =	swait.ge [sflag:s14], $0x2000  }
0x17c: {  	[sflag:s14] =	ssyncset.done $0x0  }
0x17d: {  	[sflag:s14] =	ssyncadd.s32 $0xFFFFE000  }
0x17e: {  	[tilespmem:s19], [sflag:$0x1] =	stream.indirect.gather [hbm4b:s0+s18], $0x80, s4, s18, $0xb8;
	[tilespmem:$0x1FC00] =	vst v63  }
0x17f: {  	_ =	swait.ge [sflag:s31], $0x2000  }
0x180: {  	[sflag:s31] =	ssyncset.done $0x0  }
0x181: {  	s26 =	simm.s32 $0x1B00;
	[sflag:s31] =	ssyncadd.s32 $0xFFFFE000  }
0x182: {  	[spmem:s3] =	stream.indirect.scatter.add.f32 [tilespmem:s21], [sflag:$0x8], $0x80, s26, s18, $0xb8;
	[tilespmem:$0x1FC00] =	vst v63  }
0x183: {  	_ =	swait.ge [sflag:s14], $0x2000  }
0x184: {  	[sflag:s14] =	ssyncset.done $0x0  }
0x185: {  	[sflag:s14] =	ssyncadd.s32 $0xFFFFE000  }
0x186: {  	[tilespmem:s21], [sflag:$0x2] =	stream.indirect.gather [hbm4b:s0+s18], $0x80, s1, s18, $0xb8;
	[tilespmem:$0x1FC00] =	vst v63  }
0x187: {  	_ =	swait.ge [sflag:s5], $0x2000  }
0x188: {  	[sflag:s5] =	ssyncset.done $0x0  }
0x189: {  	s30 =	simm.s32 $0x1B80;
	[sflag:s5] =	ssyncadd.s32 $0xFFFFE000  }
0x18a: {  	[spmem:s3] =	stream.indirect.scatter.add.f32 [tilespmem:s23], [sflag:$0x8], $0x80, s30, s18, $0xb8;
	[tilespmem:$0x1FC00] =	vst v63  }
0x18b: {  	_ =	swait.ge [sflag:s14], $0x2000  }
0x18c: {  	[sflag:s14] =	ssyncset.done $0x0  }
0x18d: {  	[sflag:s14] =	ssyncadd.s32 $0xFFFFE000  }
0x18e: {  	[tilespmem:s23], [sflag:$0x3] =	stream.indirect.gather [hbm4b:s0+s18], $0x80, s2, s18, $0xb8;
	[tilespmem:$0x1FC00] =	vst v63  }
0x18f: {  	_ =	swait.ge [sflag:s9], $0x2000  }
0x190: {  	[sflag:s9] =	ssyncset.done $0x0  }
0x191: {  	[sflag:s9] =	ssyncadd.s32 $0xFFFFE000  }
0x192: {  	[spmem:s3] =	stream.indirect.scatter.add.f32 [tilespmem:s25], [sflag:$0x8], $0x80, s6, s18, $0xb8;
	[tilespmem:$0x1FC00] =	vst v63  }
0x193: {  	_ =	swait.ge [sflag:s14], $0x2000  }
0x194: {  	[sflag:s14] =	ssyncset.done $0x0  }
0x195: {  	[sflag:s14] =	ssyncadd.s32 $0xFFFFE000  }
0x196: {  	[tilespmem:s25], [sflag:$0x4] =	stream.indirect.gather [hbm4b:s0+s18], $0x80, s8, s18, $0xb8;
	[tilespmem:$0x1FC00] =	vst v63  }
0x197: {  	_ =	swait.ge [sflag:s12], $0x2000  }
0x198: {  	[sflag:s12] =	ssyncset.done $0x0  }
0x199: {  	[sflag:s12] =	ssyncadd.s32 $0xFFFFE000  }
0x19a: {  	[spmem:s3] =	stream.indirect.scatter.add.f32 [tilespmem:s28], [sflag:$0x8], $0x80, s13, s18, $0xb8;
	[tilespmem:$0x1FC00] =	vst v63  }
0x19b: {  	p0 =	sne.s32 s22, $0xC00;
	_ =	swait.ge [sflag:s14], $0x2000  }
.Ltmp0:
0x19c: {  	[sflag:s14] =	ssyncset.done $0x0;
	s26 =	rddreg [dreg:$0x5];
	(pc) =	sbr.rel @p0 .LBB2_2-.Ltmp0, $4  }
0x19d: {  	s11 =	rddreg [dreg:$0x4];
	[sflag:s14] =	ssyncadd.s32 $0xFFFFE000  }
0x19e: {  	[tilespmem:s28], [sflag:$0x5] =	stream.indirect.gather [hbm4b:s0+s18], $0x80, s10, s18, $0xb8;
	[tilespmem:$0x1FC00] =	vst v63  }
0x19f: {  	s22 =	sadd.s32 $0x200, s22;
	s26 =	sadd.s32 s24, s26;
	s24 =	sadd.s32 s24, s11  }
0x1a0: {  	[tilespmem:s16], [sflag:$0x7] =	stream.linear.gather [hbm4b:s26+s4], $0x500, $0x38;
	[tilespmem:$0x1FC00] =	vst v63  }
0x1a1: {  	[tilespmem:s17], [sflag:$0x7] =	stream.linear.gather [hbm4b:s24+s4], $0x500, $0x38;
	[tilespmem:$0x1FC00] =	vst v63  }
0x1a2: {  	_ =	swait.ge [sflag:s29], $0x2000  }
0x1a3: {  	[sflag:s29] =	ssyncset.done $0x0  }
0x1a4: {  	[sflag:s29] =	ssyncadd.s32 $0xFFFFE000  }
0x1a5: {  	[spmem:s3] =	stream.indirect.scatter.add.f32 [tilespmem:s19], [sflag:$0x8], $0x80, s15, s18, $0xb8;
	[tilespmem:$0x1FC00] =	vst v63  }
0x1a6: {  	_ =	swait.ge [sflag:s14], $0x2000  }
0x1a7: {  	[sflag:s14] =	ssyncset.done $0x0  }
0x1a8: {  	s1 =	simm.s32 $0x280;
	[sflag:s14] =	ssyncadd.s32 $0xFFFFE000  }
0x1a9: {  	[tilespmem:s19], [sflag:$0x1] =	stream.indirect.gather [hbm4b:s0+s18], $0x80, s1, s18, $0xb8;
	[tilespmem:$0x1FC00] =	vst v63  }
0x1aa: {  	_ =	swait.ge [sflag:s31], $0x2000  }
0x1ab: {  	[sflag:s31] =	ssyncset.done $0x0  }
0x1ac: {  	s10 =	simm.s32 $0x880;
	[sflag:s31] =	ssyncadd.s32 $0xFFFFE000  }
0x1ad: {  	[spmem:s3] =	stream.indirect.scatter.add.f32 [tilespmem:s21], [sflag:$0x8], $0x80, s10, s18, $0xb8;
	[tilespmem:$0x1FC00] =	vst v63  }
0x1ae: {  	_ =	swait.ge [sflag:s14], $0x2000  }
0x1af: {  	[sflag:s14] =	ssyncset.done $0x0  }
0x1b0: {  	s11 =	simm.s32 $0x300;
	[sflag:s14] =	ssyncadd.s32 $0xFFFFE000  }
0x1b1: {  	[tilespmem:s21], [sflag:$0x2] =	stream.indirect.gather [hbm4b:s0+s18], $0x80, s11, s18, $0xb8;
	[tilespmem:$0x1FC00] =	vst v63  }
0x1b2: {  	_ =	swait.ge [sflag:s5], $0x2000  }
0x1b3: {  	[sflag:s5] =	ssyncset.done $0x0  }
0x1b4: {  	s22 =	simm.s32 $0x900;
	[sflag:s5] =	ssyncadd.s32 $0xFFFFE000  }
0x1b5: {  	[spmem:s3] =	stream.indirect.scatter.add.f32 [tilespmem:s23], [sflag:$0x8], $0x80, s22, s18, $0xb8;
	[tilespmem:$0x1FC00] =	vst v63  }
0x1b6: {  	_ =	swait.ge [sflag:s14], $0x2000  }
0x1b7: {  	[sflag:s14] =	ssyncset.done $0x0  }
0x1b8: {  	s24 =	simm.s32 $0x380;
	[sflag:s14] =	ssyncadd.s32 $0xFFFFE000  }
0x1b9: {  	[tilespmem:s23], [sflag:$0x3] =	stream.indirect.gather [hbm4b:s0+s18], $0x80, s24, s18, $0xb8;
	[tilespmem:$0x1FC00] =	vst v63  }
0x1ba: {  	_ =	swait.ge [sflag:s9], $0x2000  }
0x1bb: {  	[sflag:s9] =	ssyncset.done $0x0  }
0x1bc: {  	s26 =	simm.s32 $0x980;
	[sflag:s9] =	ssyncadd.s32 $0xFFFFE000  }
0x1bd: {  	[spmem:s3] =	stream.indirect.scatter.add.f32 [tilespmem:s25], [sflag:$0x8], $0x80, s26, s18, $0xb8;
	[tilespmem:$0x1FC00] =	vst v63  }
0x1be: {  	_ =	swait.ge [sflag:s14], $0x2000  }
0x1bf: {  	[sflag:s14] =	ssyncset.done $0x0  }
0x1c0: {  	s30 =	simm.s32 $0x400;
	[sflag:s14] =	ssyncadd.s32 $0xFFFFE000  }
0x1c1: {  	[tilespmem:s25], [sflag:$0x4] =	stream.indirect.gather [hbm4b:s0+s18], $0x80, s30, s18, $0xb8;
	[tilespmem:$0x1FC00] =	vst v63  }
0x1c2: {  	_ =	swait.ge [sflag:s12], $0x2000  }
0x1c3: {  	[sflag:s12] =	ssyncset.done $0x0  }
0x1c4: {  	s2 =	simm.s32 $0xA00;
	[sflag:s12] =	ssyncadd.s32 $0xFFFFE000  }
0x1c5: {  	[spmem:s3] =	stream.indirect.scatter.add.f32 [tilespmem:s28], [sflag:$0x8], $0x80, s2, s18, $0xb8;
	[tilespmem:$0x1FC00] =	vst v63  }
0x1c6: {  	_ =	swait.ge [sflag:s14], $0x2000  }
0x1c7: {  	[sflag:s14] =	ssyncset.done $0x0  }
0x1c8: {  	s8 =	simm.s32 $0x480;
	[sflag:s14] =	ssyncadd.s32 $0xFFFFE000  }
0x1c9: {  	[tilespmem:s28], [sflag:$0x5] =	stream.indirect.gather [hbm4b:s0+s18], $0x80, s8, s18, $0xb8;
	[tilespmem:$0x1FC00] =	vst v63  }
0x1ca: {  	_ =	swait.ge [sflag:s20], $0x500  }
0x1cb: {  	[sflag:s20] =	ssyncset.done $0x0  }
0x1cc: {  	[sflag:s20] =	ssyncadd.s32 $0xFFFFFB00  }
0x1cd: {  	_ =	swait.ge [sflag:s20], $0x500  }
0x1ce: {  	[sflag:s20] =	ssyncset.done $0x0  }
0x1cf: {  	[sflag:s20] =	ssyncadd.s32 $0xFFFFFB00  }
0x1d0: {  	_ =	swait.ge [sflag:s29], $0x2000  }
0x1d1: {  	[sflag:s29] =	ssyncset.done $0x0  }
0x1d2: {  	s10 =	simm.s32 $0xA80;
	[sflag:s29] =	ssyncadd.s32 $0xFFFFE000  }
0x1d3: {  	[spmem:s3] =	stream.indirect.scatter.add.f32 [tilespmem:s19], [sflag:$0x8], $0x80, s10, s18, $0xb8;
	[tilespmem:$0x1FC00] =	vst v63  }
0x1d4: {  	_ =	swait.ge [sflag:s14], $0x2000  }
0x1d5: {  	[sflag:s14] =	ssyncset.done $0x0  }
0x1d6: {  	[sflag:s14] =	ssyncadd.s32 $0xFFFFE000  }
0x1d7: {  	[tilespmem:s19], [sflag:$0x1] =	stream.indirect.gather [hbm4b:s0+s18], $0x80, s16, s18, $0xb8;
	[tilespmem:$0x1FC00] =	vst v63  }
0x1d8: {  	_ =	swait.ge [sflag:s31], $0x2000  }
0x1d9: {  	[sflag:s31] =	ssyncset.done $0x0  }
0x1da: {  	s11 =	simm.s32 $0xB00;
	[sflag:s31] =	ssyncadd.s32 $0xFFFFE000  }
0x1db: {  	[spmem:s3] =	stream.indirect.scatter.add.f32 [tilespmem:s21], [sflag:$0x8], $0x80, s11, s18, $0xb8;
	[tilespmem:$0x1FC00] =	vst v63  }
0x1dc: {  	_ =	swait.ge [sflag:s14], $0x2000  }
0x1dd: {  	[sflag:s14] =	ssyncset.done $0x0  }
0x1de: {  	s22 =	simm.s32 $0x1080;
	[sflag:s14] =	ssyncadd.s32 $0xFFFFE000  }
0x1df: {  	[tilespmem:s21], [sflag:$0x2] =	stream.indirect.gather [hbm4b:s0+s18], $0x80, s22, s18, $0xb8;
	[tilespmem:$0x1FC00] =	vst v63  }
0x1e0: {  	_ =	swait.ge [sflag:s5], $0x2000  }
0x1e1: {  	[sflag:s5] =	ssyncset.done $0x0  }
0x1e2: {  	s24 =	simm.s32 $0xB80;
	[sflag:s5] =	ssyncadd.s32 $0xFFFFE000  }
0x1e3: {  	[spmem:s3] =	stream.indirect.scatter.add.f32 [tilespmem:s23], [sflag:$0x8], $0x80, s24, s18, $0xb8;
	[tilespmem:$0x1FC00] =	vst v63  }
0x1e4: {  	_ =	swait.ge [sflag:s14], $0x2000  }
0x1e5: {  	[sflag:s14] =	ssyncset.done $0x0  }
0x1e6: {  	s26 =	simm.s32 $0x1100;
	[sflag:s14] =	ssyncadd.s32 $0xFFFFE000  }
0x1e7: {  	[tilespmem:s23], [sflag:$0x3] =	stream.indirect.gather [hbm4b:s0+s18], $0x80, s26, s18, $0xb8;
	[tilespmem:$0x1FC00] =	vst v63  }
0x1e8: {  	_ =	swait.ge [sflag:s9], $0x2000  }
0x1e9: {  	[sflag:s9] =	ssyncset.done $0x0  }
0x1ea: {  	s30 =	simm.s32 $0xC00;
	[sflag:s9] =	ssyncadd.s32 $0xFFFFE000  }
0x1eb: {  	[spmem:s3] =	stream.indirect.scatter.add.f32 [tilespmem:s25], [sflag:$0x8], $0x80, s30, s18, $0xb8;
	[tilespmem:$0x1FC00] =	vst v63  }
0x1ec: {  	_ =	swait.ge [sflag:s14], $0x2000  }
0x1ed: {  	[sflag:s14] =	ssyncset.done $0x0  }
0x1ee: {  	s2 =	simm.s32 $0x1180;
	[sflag:s14] =	ssyncadd.s32 $0xFFFFE000  }
0x1ef: {  	[tilespmem:s25], [sflag:$0x4] =	stream.indirect.gather [hbm4b:s0+s18], $0x80, s2, s18, $0xb8;
	[tilespmem:$0x1FC00] =	vst v63  }
0x1f0: {  	_ =	swait.ge [sflag:s12], $0x2000  }
0x1f1: {  	[sflag:s12] =	ssyncset.done $0x0  }
0x1f2: {  	s8 =	simm.s32 $0xC80;
	[sflag:s12] =	ssyncadd.s32 $0xFFFFE000  }
0x1f3: {  	[spmem:s3] =	stream.indirect.scatter.add.f32 [tilespmem:s28], [sflag:$0x8], $0x80, s8, s18, $0xb8;
	[tilespmem:$0x1FC00] =	vst v63  }
0x1f4: {  	_ =	swait.ge [sflag:s14], $0x2000  }
0x1f5: {  	[sflag:s14] =	ssyncset.done $0x0  }
0x1f6: {  	s10 =	simm.s32 $0x1200;
	[sflag:s14] =	ssyncadd.s32 $0xFFFFE000  }
0x1f7: {  	[tilespmem:s28], [sflag:$0x5] =	stream.indirect.gather [hbm4b:s0+s18], $0x80, s10, s18, $0xb8;
	[tilespmem:$0x1FC00] =	vst v63  }
0x1f8: {  	_ =	swait.ge [sflag:s29], $0x2000  }
0x1f9: {  	[sflag:s29] =	ssyncset.done $0x0  }
0x1fa: {  	[sflag:s29] =	ssyncadd.s32 $0xFFFFE000  }
0x1fb: {  	[spmem:s3] =	stream.indirect.scatter.add.f32 [tilespmem:s19], [sflag:$0x8], $0x80, s17, s18, $0xb8;
	[tilespmem:$0x1FC00] =	vst v63  }
0x1fc: {  	_ =	swait.ge [sflag:s14], $0x2000  }
0x1fd: {  	[sflag:s14] =	ssyncset.done $0x0  }
0x1fe: {  	s11 =	simm.s32 $0x1280;
	[sflag:s14] =	ssyncadd.s32 $0xFFFFE000  }
0x1ff: {  	[tilespmem:s19], [sflag:$0x1] =	stream.indirect.gather [hbm4b:s0+s18], $0x80, s11, s18, $0xb8;
	[tilespmem:$0x1FC00] =	vst v63  }
0x200: {  	_ =	swait.ge [sflag:s31], $0x2000  }
0x201: {  	[sflag:s31] =	ssyncset.done $0x0  }
0x202: {  	s22 =	simm.s32 $0x1880;
	[sflag:s31] =	ssyncadd.s32 $0xFFFFE000  }
0x203: {  	[spmem:s3] =	stream.indirect.scatter.add.f32 [tilespmem:s21], [sflag:$0x8], $0x80, s22, s18, $0xb8;
	[tilespmem:$0x1FC00] =	vst v63  }
0x204: {  	_ =	swait.ge [sflag:s14], $0x2000  }
0x205: {  	[sflag:s14] =	ssyncset.done $0x0  }
0x206: {  	s24 =	simm.s32 $0x1300;
	[sflag:s14] =	ssyncadd.s32 $0xFFFFE000  }
0x207: {  	[tilespmem:s21], [sflag:$0x2] =	stream.indirect.gather [hbm4b:s0+s18], $0x80, s24, s18, $0xb8;
	[tilespmem:$0x1FC00] =	vst v63  }
0x208: {  	_ =	swait.ge [sflag:s5], $0x2000  }
0x209: {  	[sflag:s5] =	ssyncset.done $0x0  }
0x20a: {  	s26 =	simm.s32 $0x1900;
	[sflag:s5] =	ssyncadd.s32 $0xFFFFE000  }
0x20b: {  	[spmem:s3] =	stream.indirect.scatter.add.f32 [tilespmem:s23], [sflag:$0x8], $0x80, s26, s18, $0xb8;
	[tilespmem:$0x1FC00] =	vst v63  }
0x20c: {  	_ =	swait.ge [sflag:s14], $0x2000  }
0x20d: {  	[sflag:s14] =	ssyncset.done $0x0  }
0x20e: {  	s30 =	simm.s32 $0x1380;
	[sflag:s14] =	ssyncadd.s32 $0xFFFFE000  }
0x20f: {  	[tilespmem:s23], [sflag:$0x3] =	stream.indirect.gather [hbm4b:s0+s18], $0x80, s30, s18, $0xb8;
	[tilespmem:$0x1FC00] =	vst v63  }
0x210: {  	_ =	swait.ge [sflag:s9], $0x2000  }
0x211: {  	[sflag:s9] =	ssyncset.done $0x0  }
0x212: {  	s2 =	simm.s32 $0x1980;
	[sflag:s9] =	ssyncadd.s32 $0xFFFFE000  }
0x213: {  	[spmem:s3] =	stream.indirect.scatter.add.f32 [tilespmem:s25], [sflag:$0x8], $0x80, s2, s18, $0xb8;
	[tilespmem:$0x1FC00] =	vst v63  }
0x214: {  	_ =	swait.ge [sflag:s14], $0x2000  }
0x215: {  	[sflag:s14] =	ssyncset.done $0x0  }
0x216: {  	s8 =	simm.s32 $0x1400;
	[sflag:s14] =	ssyncadd.s32 $0xFFFFE000  }
0x217: {  	[tilespmem:s25], [sflag:$0x4] =	stream.indirect.gather [hbm4b:s0+s18], $0x80, s8, s18, $0xb8;
	[tilespmem:$0x1FC00] =	vst v63  }
0x218: {  	_ =	swait.ge [sflag:s12], $0x2000  }
0x219: {  	[sflag:s12] =	ssyncset.done $0x0  }
0x21a: {  	s10 =	simm.s32 $0x1A00;
	[sflag:s12] =	ssyncadd.s32 $0xFFFFE000  }
0x21b: {  	[spmem:s3] =	stream.indirect.scatter.add.f32 [tilespmem:s28], [sflag:$0x8], $0x80, s10, s18, $0xb8;
	[tilespmem:$0x1FC00] =	vst v63  }
0x21c: {  	_ =	swait.ge [sflag:s14], $0x2000  }
0x21d: {  	[sflag:s14] =	ssyncset.done $0x0  }
0x21e: {  	s11 =	simm.s32 $0x1480;
	[sflag:s14] =	ssyncadd.s32 $0xFFFFE000  }
0x21f: {  	[tilespmem:s28], [sflag:$0x5] =	stream.indirect.gather [hbm4b:s0+s18], $0x80, s11, s18, $0xb8;
	[tilespmem:$0x1FC00] =	vst v63  }
0x220: {  	_ =	swait.ge [sflag:s29], $0x2000  }
0x221: {  	[sflag:s29] =	ssyncset.done $0x0  }
0x222: {  	s22 =	simm.s32 $0x1A80;
	[sflag:s29] =	ssyncadd.s32 $0xFFFFE000  }
0x223: {  	[spmem:s3] =	stream.indirect.scatter.add.f32 [tilespmem:s19], [sflag:$0x8], $0x80, s22, s18, $0xb8;
	[tilespmem:$0x1FC00] =	vst v63  }
0x224: {  	_ =	swait.ge [sflag:s14], $0x2000  }
0x225: {  	[sflag:s14] =	ssyncset.done $0x0  }
0x226: {  	[sflag:s14] =	ssyncadd.s32 $0xFFFFE000  }
0x227: {  	_ =	swait.ge [sflag:s31], $0x2000  }
0x228: {  	[sflag:s31] =	ssyncset.done $0x0  }
0x229: {  	s24 =	simm.s32 $0x1B00;
	[sflag:s31] =	ssyncadd.s32 $0xFFFFE000  }
0x22a: {  	[spmem:s3] =	stream.indirect.scatter.add.f32 [tilespmem:s21], [sflag:$0x8], $0x80, s24, s18, $0xb8;
	[tilespmem:$0x1FC00] =	vst v63  }
0x22b: {  	_ =	swait.ge [sflag:s14], $0x2000  }
0x22c: {  	[sflag:s14] =	ssyncset.done $0x0  }
0x22d: {  	[sflag:s14] =	ssyncadd.s32 $0xFFFFE000  }
0x22e: {  	_ =	swait.ge [sflag:s5], $0x2000  }
0x22f: {  	[sflag:s5] =	ssyncset.done $0x0  }
0x230: {  	s26 =	simm.s32 $0x1B80;
	[sflag:s5] =	ssyncadd.s32 $0xFFFFE000  }
0x231: {  	[spmem:s3] =	stream.indirect.scatter.add.f32 [tilespmem:s23], [sflag:$0x8], $0x80, s26, s18, $0xb8;
	[tilespmem:$0x1FC00] =	vst v63  }
0x232: {  	_ =	swait.ge [sflag:s14], $0x2000  }
0x233: {  	[sflag:s14] =	ssyncset.done $0x0  }
0x234: {  	[sflag:s14] =	ssyncadd.s32 $0xFFFFE000  }
0x235: {  	_ =	swait.ge [sflag:s9], $0x2000  }
0x236: {  	[sflag:s9] =	ssyncset.done $0x0  }
0x237: {  	[sflag:s9] =	ssyncadd.s32 $0xFFFFE000  }
0x238: {  	[spmem:s3] =	stream.indirect.scatter.add.f32 [tilespmem:s25], [sflag:$0x8], $0x80, s6, s18, $0xb8;
	[tilespmem:$0x1FC00] =	vst v63  }
0x239: {  	_ =	swait.ge [sflag:s14], $0x2000  }
0x23a: {  	[sflag:s14] =	ssyncset.done $0x0  }
0x23b: {  	[sflag:s14] =	ssyncadd.s32 $0xFFFFE000  }
0x23c: {  	_ =	swait.ge [sflag:s12], $0x2000  }
0x23d: {  	[sflag:s12] =	ssyncset.done $0x0  }
0x23e: {  	[sflag:s12] =	ssyncadd.s32 $0xFFFFE000  }
0x23f: {  	[spmem:s3] =	stream.indirect.scatter.add.f32 [tilespmem:s28], [sflag:$0x8], $0x80, s13, s18, $0xb8;
	[tilespmem:$0x1FC00] =	vst v63  }
0x240: {  	_ =	swait.ge [sflag:s14], $0x2000  }
0x241: {  	[sflag:s14] =	ssyncset.done $0x0  }
0x242: {  	[sflag:s14] =	ssyncadd.s32 $0xFFFFE000  }
0x243: {  	[bflag:$0x0] =	sbarrier.arrive $0xFFFF  }
0x244: {  	s24 =	rddreg [dreg:$0x9]  }
0x245: {  	s22 =	rddreg [dreg:$0xe]  }
0x246: {  	s26 =	rddreg [dreg:$0x10]  }
0x247: {  	[hbm:s22], [sflag:s24] =	dma.local [spmem:s26], $0x2780  }
0x248: {  	_ =	swait.ge [sflag:s14], $0x2780  }
0x249: {  	s11 =	rddreg [dreg:$0x11]  }
0x24a: {  	s30 =	rddreg [dreg:$0xf];
	s11 =	sadd.s32 $0x1, s11  }
0x24b: {  	p0 =	sne.s32 s11, s30  }
.Ltmp1:
0x24c: {  	_ = 	snop;
	(pc) =	sbr.rel @p0 .LBB2_1-.Ltmp1, $3  }
0x24d: {  	_ =	sdelay $0x1  }
0x24e: {  	s1 =	simm.s32 $0x80;
	s2 =	simm.s32 $0x100;
	[sflag:s14] =	ssyncset.done $0x0  }
0x24f: {  	s8 =	simm.s32 $0x180;
	s10 =	simm.s32 $0x200;
	[sflag:s14] =	ssyncadd.s32 $0xFFFFD880  }
0x250: {  	_ =	sfence.sel $0x180000  }
0x251: {  	[bflag:$0x0] =	sbarrier.arrive $0xFFFF  }
0x252: {  	_ =	strace $0x9000004A  }
0x253: {  	s0 =	stileid.u32;
	[bflag:$0x2] =	sbarrier.arrive $0xFFFF  }
0x254: {  	p0 =	sne.s32 s0, $0x0;
	s0 =	rddreg [dreg:$0x3]  }
0x255: {  	s0 =	sadd.s32 @!p0 $0x100000, s0  }
0x256: {  	[sflag:s0] =	ssyncadd.tile.s32 @!p0 $0x1;
	_ =	shalt  }
.Lfunc_end2:
_tile_overlayer_lowered:
.L_overlay_start_2:
0x257: {  	(tag) =	ssettag $0x2  }
0x258: {  	s0 =	rddreg [dreg:$0x0];
	s2 =	stileid.u32  }
0x259: {  	s1 =	rddreg [dreg:$0x1];
	p0 =	sne.s32 s2, $0x0  }
0x25a: {  	s3 =	rddreg [dreg:$0x2];
	[bflag:$0x3] =	sbarrier.arrive $0xFFFF;
	s2 =	simm.s32 @!p0 $0x1C08  }
0x25b: {  	[timem:s3], [sflag:s2] =	dma.local @!p0 [hbm:s0], s1  }
0x25c: {  	s0 =	simm.s32 @!p0 $0x8  }
0x25d: {  	_ =	swait.ge @!p0 [sflag:s0], s1  }
0x25e: {  	s1 =	ssub.s32 @!p0 $0x0, s1;
	[sflag:s0] =	ssyncset.done @!p0 $0x0  }
0x25f: {  	[sflag:s0] =	ssyncadd.s32 @!p0 s1  }
0x260: {  	[bflag:$0x3] =	sbarrier.arrive $0xFFFF  }
0x261: {  	_ =	shalt  }

// kernel: kernel.7.cloned.1.call-start
scs
__scs_entry_jumppad:
0x0: {  	(pc) =	sbr.rel $0x88, $3  }
0x1: {  	(tag) =	ssettag $0x0;
	lr =	simm.s32 $0x1  }
0x2: {  	[smem:$0x3F9B] =	sst lr;
	_ =	strace $0xD0000000  }
0x3: {  	_ = 	snop  }
0x4: {  	_ = 	snop  }
0x5: {  	_ = 	snop  }
0x6: {  	_ = 	snop  }
0x7: {  	_ = 	snop  }
__scs_overlays_trampoline_lowered:
0x8: {  	[smem:$0x3FAA] =	sst s0  }
0x9: {  	[smem:$0x3FAB] =	sst s1  }
0xa: {  	[smem:$0x3FAC] =	sst s2  }
0xb: {  	[smem:$0x3FAD] =	sst s3  }
0xc: {  	[smem:$0x3FAE] =	sst s4  }
0xd: {  	[smem:$0x3FAF] =	sst s5  }
0xe: {  	[smem:$0x3FB0] =	sst s6  }
0xf: {  	[smem:$0x3FB1] =	sst s7  }
0x10: {  	[smem:$0x3FB2] =	sst s8  }
0x11: {  	[smem:$0x3FB3] =	sst s9;
	s0 =	simm.s32 @!p0 $0x0  }
0x12: {  	s1 =	sld [smem:$0x3F99];
	s0 =	simm.s32 @p0 $0x1  }
0x13: {  	[smem:$0x3FB4] =	sst s0;
	s0 =	simm.s32 @!p1 $0x0  }
0x14: {  	s2 =	sld [smem:$0x3F98];
	s0 =	simm.s32 @p1 $0x1  }
0x15: {  	[smem:$0x3FB5] =	sst s0;
	s0 =	simm.s32 @!p2 $0x0  }
0x16: {  	s3 =	sld [smem:$0x3FDB];
	s0 =	simm.s32 @p2 $0x1  }
0x17: {  	s4 =	simm.s32 $0x1BF5;
	[smem:$0x3FB7] =	sst s0  }
0x18: {  	s0 =	sld [smem:$0x3F9A];
	_ =	swait.ge [sflag:s4], $0x0  }
0x19: {  	s7 =	sld [smem:$0x3F9B]  }
0x1a: {  	s8 =	sadd.s32 $0xFFFFE003, lr  }
0x1b: {  	s9 =	sadd.s32 $0xFFFFFEF7, lr;
	s5 =	simm.s32 $0xFFFFFFFF;
	p2 =	slt.u32 s8, $0xFFFFF086  }
0x1c: {  	p1 =	slt.u32 s9, $0xF7A;
	s5 =	simm.s32 @!p2 $0x0  }
0x1d: {  	s5 =	simm.s32 @p1 $0x1;
	p0 =	seq.s32 s7, s2  }
0x1e: {  	s7 =	smul.u32 @!p0 $0xF7A, s2;
	p2 =	seq.s32 @!p0 s5, $0x0  }
0x1f: {  	s9 =	smul.u32 $0xF7A, s1;
	s8 =	simm.s32 @!p0 $0x1BF5;
	p2 =	por !p2, p0  }
0x20: {  	[sflag:s8] =	ssyncset.s32 @!p0 $0xFFFFF086;
	s6 =	sadd.s32 @!p0 s3, s7;
	s7 =	simm.s32 @!p0 $0x108  }
0x21: {  	s3 =	sadd.s32 s3, s9;
	s6 =	sadd.s32 @!p0 $0x88, s6;
	s7 =	simm.s32 @p2 $0x1082  }
0x22: {  	[simem:s7], [sflag:s8] =	dma.local @!p0 [hbm:s6], $0xF7A  }
0x23: {  	s9 =	sor.u32 $0xD0000000, s2;
	s6 =	simm.s32 $0x108;
	_ =	swait.ge @!p0 [sflag:s8], $0x0  }
0x24: {  	s3 =	sadd.s32 $0x88, s3;
	s6 =	simm.s32 @!p1 $0x1082;
	[sflag:s4] =	ssyncset.s32 $0xFFFFF086  }
0x25: {  	[simem:s6], [sflag:s4] =	dma.local [hbm:s3], $0xF7A  }
0x26: {  	[smem:$0x3F9B] =	sst s1;
	(tag) =	ssettag s2;
	_ =	strace s9  }
0x27: {  	s1 =	sld [smem:$0x3FAB]  }
0x28: {  	s2 =	sld [smem:$0x3FAC]  }
0x29: {  	s4 =	sld [smem:$0x3FAE]  }
0x2a: {  	p0 =	seq.s32 s5, $0x0;
	s5 =	sld [smem:$0x3FAF]  }
0x2b: {  	s6 =	sld [smem:$0x3FB0]  }
0x2c: {  	s7 =	sld [smem:$0x3FB1]  }
0x2d: {  	s3 =	simm.s32 $0x108;
	s8 =	sld [smem:$0x3FB2]  }
0x2e: {  	s3 =	simm.s32 @!p0 $0x1082;
	s9 =	sld [smem:$0x3FB3]  }
0x2f: {  	lr =	sadd.s32 s0, s3;
	s0 =	sld [smem:$0x3FAA]  }
0x30: {  	s3 =	sld [smem:$0x3FAD]  }
0x31: {  	[smem:$0x3FB6] =	sst s10  }
0x32: {  	s10 =	sld [smem:$0x3FB4];
	_ =	sdelay $0x3  }
0x33: {  	p0 =	seq.s32 s10, $0x1;
	s10 =	sld [smem:$0x3FB6];
	_ =	sdelay $0x3  }
0x34: {  	[smem:$0x3FB6] =	sst s10  }
0x35: {  	s10 =	sld [smem:$0x3FB5];
	_ =	sdelay $0x3  }
0x36: {  	p1 =	seq.s32 s10, $0x1;
	s10 =	sld [smem:$0x3FB6];
	_ =	sdelay $0x3  }
0x37: {  	[smem:$0x3FB6] =	sst s10  }
0x38: {  	s10 =	sld [smem:$0x3FB7]  }
0x39: {  	_ = 	snop;
	(pc) =	sbr.ind lr, $3  }
0x3a: {  	_ = 	snop  }
0x3b: {  	_ = 	snop  }
0x3c: {  	p2 =	seq.s32 s10, $0x1;
	s10 =	sld [smem:$0x3FB6]  }
0x3d: {  	_ =	shalt  }
0x3e: {  	_ =	shalt  }
0x3f: {  	_ =	shalt  }
0x40: {  	_ =	shalt  }
0x41: {  	_ =	shalt  }
0x42: {  	_ =	shalt  }
0x43: {  	_ =	shalt  }
0x44: {  	_ =	shalt  }
0x45: {  	_ =	shalt  }
0x46: {  	_ =	shalt  }
0x47: {  	_ =	shalt  }
0x48: {  	_ =	shalt  }
0x49: {  	_ =	shalt  }
0x4a: {  	_ =	shalt  }
0x4b: {  	_ =	shalt  }
0x4c: {  	_ =	shalt  }
0x4d: {  	_ =	shalt  }
0x4e: {  	_ =	shalt  }
0x4f: {  	_ =	shalt  }
0x50: {  	_ =	shalt  }
0x51: {  	_ =	shalt  }
0x52: {  	_ =	shalt  }
0x53: {  	_ =	shalt  }
0x54: {  	_ =	shalt  }
0x55: {  	_ =	shalt  }
0x56: {  	_ =	shalt  }
0x57: {  	_ =	shalt  }
0x58: {  	_ =	shalt  }
0x59: {  	_ =	shalt  }
0x5a: {  	_ =	shalt  }
0x5b: {  	_ =	shalt  }
0x5c: {  	_ =	shalt  }
0x5d: {  	_ =	shalt  }
0x5e: {  	_ =	shalt  }
0x5f: {  	_ =	shalt  }
0x60: {  	_ =	shalt  }
0x61: {  	_ =	shalt  }
0x62: {  	_ =	shalt  }
0x63: {  	_ =	shalt  }
0x64: {  	_ =	shalt  }
0x65: {  	_ =	shalt  }
0x66: {  	_ =	shalt  }
0x67: {  	_ =	shalt  }
0x68: {  	_ =	shalt  }
0x69: {  	_ =	shalt  }
0x6a: {  	_ =	shalt  }
0x6b: {  	_ =	shalt  }
0x6c: {  	_ =	shalt  }
0x6d: {  	_ =	shalt  }
0x6e: {  	_ =	shalt  }
0x6f: {  	_ =	shalt  }
0x70: {  	_ =	shalt  }
0x71: {  	_ =	shalt  }
0x72: {  	_ =	shalt  }
0x73: {  	_ =	shalt  }
0x74: {  	_ =	shalt  }
0x75: {  	_ =	shalt  }
0x76: {  	_ =	shalt  }
0x77: {  	_ =	shalt  }
0x78: {  	_ =	shalt  }
0x79: {  	_ =	shalt  }
0x7a: {  	_ =	shalt  }
0x7b: {  	_ =	shalt  }
0x7c: {  	_ =	shalt  }
0x7d: {  	_ =	shalt  }
0x7e: {  	_ =	shalt  }
0x7f: {  	_ =	shalt  }
0x80: {  	_ =	shalt  }
0x81: {  	_ =	shalt  }
0x82: {  	_ =	shalt  }
0x83: {  	_ =	shalt  }
0x84: {  	_ =	shalt  }
0x85: {  	_ =	shalt  }
0x86: {  	_ =	shalt  }
0x87: {  	_ =	shalt  }
.Lfunc_end0:
.L_simem_size_0:
called_computation_lowered:
.L_overlay_start_0:
0x88: {  	s2 =	sld [smem:$0x3FD9]  }
0x89: {  	s3 =	sld [smem:$0x3FFE];
	_ =	sdelay $0x1  }
0x8a: {  	s1 =	srdreg.scid  }
0x8b: {  	s0 =	sand.u32 $0x1, s1  }
0x8c: {  	s17 =	sshll.u32 s0, $0xA;
	s2 =	sadd.s32 s3, s2  }
0x8d: {  	s2 =	sadd.s32 s2, s17  }
0x8e: {  	[smem:$0x3FC2] =	sst s2  }
0x8f: {  	_ = 	snop  }
0x90: {  	s2 =	sld [smem:$0x3FD0];
	(tm) =	ssettm $0x1  }
0x91: {  	s18 =	sld [smem:$0x3FFB];
	_ =	sdelay $0x3  }
0x92: {  	_ =	strace s18  }
0x93: {  	s3 =	sld [smem:$0x3FFC];
	_ =	sdelay $0x3  }
0x94: {  	_ =	strace s3  }
0x95: {  	s3 =	sld [smem:$0x3FFD];
	_ =	sdelay $0x3  }
0x96: {  	_ =	strace s3  }
0x97: {  	_ =	strace $0x8FFFFFFF  }
0x98: {  	s19 =	sld [smem:$0x3FDB];
	_ =	sdelay $0x1  }
0x99: {  	s4 =	simm.s32 $_scs_section_size  }
0x9a: {  	s5 =	simm.s32 $_size__tile_overlayer_lowered;
	s6 =	simm.s32 $_tile_overlayer_lowered  }
0x9b: {  	s22 =	simm.s32 $0x1BFF;
	s21 =	sshll.u32 s6, $0x1;
	s3 =	sadd.s32 s4, s19  }
0x9c: {  	s7 =	simm.s32 $0x0;
	s20 =	sshll.u32 s5, $0x1;
	s5 =	sadd.s32 s21, s3  }
0x9d: {  	[timem:s7], [sflag:s22] =	dma.local [hbm:s5], s20  }
0x9e: {  	_ =	swait.ge [sflag:s22], s20  }
0x9f: {  	s4 =	ssub.s32 $0x0, s20;
	[sflag:s22] =	ssyncset.done $0x0  }
0xa0: {  	[sflag:s22] =	ssyncadd.s32 s4;
	_ =	sdelay $0x1  }
0xa1: {  	s23 =	simm.s32 $0x1B8B  }
0xa2: {  	_ =	swait.ge [sflag:s23], $0x1  }
0xa3: {  	[sflag:s23] =	ssyncset.done $0x0  }
0xa4: {  	s25 =	simm.s32 $0x1B8E;
	s24 =	sld [smem:$0x3FFE];
	[sflag:s23] =	ssyncadd.s32 $0xFFFFFFFF  }
0xa5: {  	s26 =	simm.s32 $execute0_lowered;
	[smem:$0x3FD2] =	sst s25  }
0xa6: {  	s5 =	sshll.u32 s26, $0x1;
	_ =	strace $0x80000046;
	[dreg:$0x1] =	wrdreg $0xFFFFFFFF  }
0xa7: {  	s28 =	simm.s32 $_size_execute0_lowered;
	s3 =	sadd.s32 s3, s5;
	[dreg:$0x0] =	wrdreg $0x0  }
0xa8: {  	s5 =	sshll.u32 s28, $0x1;
	[dreg:$0x2] =	wrdreg s3  }
0xa9: {  	[dreg:$0x3] =	wrdreg s5  }
0xaa: {  	[dreg:$0x4] =	wrdreg $0xC0  }
0xab: {  	_ =	task [dreg:s7], $0x5FFFF  }
0xac: {  	[dreg:$0x1] =	wrdreg $0xFFFFFFFF  }
0xad: {  	[dreg:$0x0] =	wrdreg $0x60  }
0xae: {  	[dreg:$0x2] =	wrdreg s2  }
0xaf: {  	[dreg:$0x3] =	wrdreg s24  }
0xb0: {  	[dreg:$0x4] =	wrdreg $0x20000  }
0xb1: {  	[dreg:$0x5] =	wrdreg $0x9  }
0xb2: {  	_ =	task.clear_ibuf [dreg:s7], $0x6FFFF;
	_ =	strace $0x90000046  }
0xb3: {  	s29 =	simm.s32 $0x9;
	_ =	strace $0x80000048  }
0xb4: {  	_ =	swait.ge [sflag:s29], $0x1  }
0xb5: {  	[sflag:s29] =	ssyncadd.s32 $0xFFFFFFFF  }
0xb6: {  	_ =	strace $0x90000048  }
0xb7: {  	_ =	sfence  }
0xb8: {  	s30 =	sld [smem:$0x0];
	_ =	sdelay $0x2  }
0xb9: {  	s31 =	sshll.u32 s1, $0xD;
	s1 =	sshrl.u32 s1, $0x2  }
0xba: {  	s3 =	sand.u32 $0x4000, s31;
	s1 =	sadd.s32 s1, s30  }
0xbb: {  	s0 =	sor.u32 s3, s0;
	s1 =	sshll.u32 s1, $0x11  }
0xbc: {  	s0 =	sor.u32 s1, s0  }
0xbd: {  	s0 =	sadd.s32 $0x8F2B, s0  }
0xbe: {  	[sflag:s0] =	ssyncadd.remote.s32 $0x1  }
0xbf: {  	_ =	sfence.sel $0xFFFF  }
0xc0: {  	[dreg:$0x0] =	wrdreg $0xFFFFFFFF;
	(pc) =	sbr.abs _section_cstart, $3  }
0xc1: {  	[dreg:$0x1] =	wrdreg $0xFFFFFFFF  }
0xc2: {  	_ =	task.clear_ibuf [dreg:s7], $0x2FFFF;
	_ =	strace $0x9FFFFFFF  }
0xc3: {  	(tm) =	ssettm $0x7FFFFFFF  }
tec
execute0_lowered:
.L_overlay_start_1:
0x0: {  	(tag) =	ssettag $0x1  }
0x1: {  	s0 =	rddreg [dreg:$0x0]  }
0x2: {  	s1 =	rddreg [dreg:$0x1]  }
0x3: {  	s2 =	srdreg.scid;
	s3 =	rddreg [dreg:$0x2]  }
0x4: {  	s11 =	stileid.u32;
	s4 =	simm.s32 $0x0;
	s14 =	simm.s32 $0x8  }
0x5: {  	s15 =	simm.s32 $0x800;
	s28 =	simm.s32 $0x1DC00;
	s29 =	simm.s32 $0x1  }
0x6: {  	s31 =	simm.s32 $0x2;
	s12 =	simm.s32 $0x5;
	s13 =	simm.s32 $0x1C80  }
0x7: {  	s2 =	sand.u32 $0x1, s2;
	s6 =	smul.u32 $0x13C00, s11;
	[smem:$0x7FF] =	sst s4  }
0x8: {  	s7 =	sadd.s32 $0x1C00, s1;
	s16 =	sadd.s32 $0x21C00, s1;
	s8 =	sadd.s32 $0x41C00, s1  }
0x9: {  	s18 =	smul.u32 $0x4F000, s11;
	s10 =	sshll.u32 s11, $0xF;
	s19 =	sshll.u32 s11, $0x6  }
0xa: {  	s11 =	simm.s32 $0x0;
	s5 =	smul.u32 $0x13C000, s2;
	_ =	strace $0x80000047  }
0xb: {  	[dreg:$0x8] =	wrdreg s8;
	s17 =	ssub.s32 $0x2, s2;
	s2 =	sshll.u32 s2, $0x13  }
0xc: {  	s24 =	sor.u32 $0x1C08, s19;
	s19 =	simm.s32 $0x15C00;
	s9 =	sshrl.u32 s17, $0x1  }
0xd: {  	s8 =	sshrl.u32 s18, $0x2;
	s2 =	sor.u32 s10, s2;
	s18 =	simm.s32 $0x40  }
0xe: {  	[dreg:$0x9] =	wrdreg s24;
	s5 =	sadd.s32 s6, s5;
	s8 =	sadd.s32 s8, s3  }
0xf: {  	s10 =	sshrl.u32 s2, $0x3;
	s21 =	sor.u32 $0x1800, s2;
	s2 =	sor.u32 $0x1000, s2  }
0x10: {  	s5 =	sshrl.u32 s5, $0x3;
	s20 =	sadd.s32 s7, s10;
	s22 =	sadd.s32 s16, s10  }
0x11: {  	s10 =	sor.u32 $0x100, s10;
	s2 =	sshrl.u32 s2, $0x3;
	[dreg:$0xa] =	wrdreg s20  }
0x12: {  	s1 =	sadd.s32 s5, s1;
	s5 =	ssub.s32 s17, s9;
	[dreg:$0xb] =	wrdreg s22  }
0x13: {  	s9 =	sshrl.u32 s21, $0x3;
	s23 =	sadd.s32 s7, s10;
	s10 =	sadd.s32 s16, s10  }
0x14: {  	s6 =	sadd.s32 s2, s16;
	s26 =	sadd.s32 s2, s7;
	s17 =	simm.s32 $0x1800  }
0x15: {  	s21 =	simm.s32 $0x17C00;
	s2 =	simm.s32 $0x100;
	[dreg:$0xc] =	wrdreg s23  }
0x16: {  	s20 =	simm.s32 $0x7;
	s25 =	sadd.s32 s9, s16;
	[dreg:$0xd] =	wrdreg s10  }
0x17: {  	s9 =	sadd.s32 s9, s7;
	s1 =	sadd.s32 $0x44400, s1;
	[dreg:$0x6] =	wrdreg s6  }
0x18: {  	s30 =	smax.u32 s5, $0x1;
	[dreg:$0x7] =	wrdreg s26;
	s26 =	sshrl.u32 s8, $0x3  }
0x19: {  	s16 =	simm.s32 $0x1000;
	s23 =	simm.s32 $0x19C00;
	[dreg:$0x4] =	wrdreg s25  }
0x1a: {  	s8 =	simm.s32 $0x180;
	s10 =	simm.s32 $0x200;
	[dreg:$0x5] =	wrdreg s9  }
0x1b: {  	s5 =	simm.s32 $0x3;
	s7 =	simm.s32 $0x6;
	[dreg:$0xe] =	wrdreg s1  }
0x1c: {  	s6 =	simm.s32 $0x1C00;
	[dreg:$0xf] =	wrdreg s30;
	s1 =	simm.s32 $0x80  }
0x1d: {  	s25 =	simm.s32 $0x1BC00;
	s9 =	simm.s32 $0x4;
	[dreg:$0x10] =	wrdreg s26  }
.LBB2_1:
0x1e: {  	[dreg:$0x11] =	wrdreg s11  }
0x1f: {  	s22 =	rddreg [dreg:$0x8]  }
0x20: {  	[spmem:s26], [sflag:s24] =	dma.local [hbm:s22], $0x2780  }
0x21: {  	_ =	swait.ge [sflag:s14], $0x2780  }
0x22: {  	[sflag:s14] =	ssyncset.done $0x0  }
0x23: {  	[sflag:s14] =	ssyncadd.s32 $0xFFFFD880  }
0x24: {  	[bflag:$0x0] =	sbarrier.arrive $0xFFFF  }
0x25: {  	s11 =	rddreg [dreg:$0xa]  }
0x26: {  	[tilespmem:s4], [sflag:$0x8] =	stream.linear.gather [hbm4b:s11+s4], $0x500, $0x38;
	[tilespmem:$0x1FC00] =	vst v63  }
0x27: {  	_ =	swait.ge [sflag:s14], $0x500  }
0x28: {  	[sflag:s14] =	ssyncset.done $0x0  }
0x29: {  	s24 =	rddreg [dreg:$0xb];
	[sflag:s14] =	ssyncadd.s32 $0xFFFFFB00  }
0x2a: {  	[tilespmem:s15], [sflag:$0x8] =	stream.linear.gather [hbm4b:s24+s4], $0x500, $0x38;
	[tilespmem:$0x1FC00] =	vst v63  }
0x2b: {  	_ =	swait.ge [sflag:s14], $0x500  }
0x2c: {  	[sflag:s14] =	ssyncset.done $0x0  }
0x2d: {  	s26 =	rddreg [dreg:$0xc];
	[sflag:s14] =	ssyncadd.s32 $0xFFFFFB00  }
0x2e: {  	[tilespmem:s16], [sflag:$0x7] =	stream.linear.gather [hbm4b:s26+s4], $0x500, $0x38;
	[tilespmem:$0x1FC00] =	vst v63  }
0x2f: {  	s30 =	rddreg [dreg:$0xd]  }
0x30: {  	[tilespmem:s17], [sflag:$0x7] =	stream.linear.gather [hbm4b:s30+s4], $0x500, $0x38;
	[tilespmem:$0x1FC00] =	vst v63  }
0x31: {  	_ = 	snop  }
0x32: {  	[tilespmem:s19], [sflag:$0x1] =	stream.indirect.gather [hbm4b:s0+s18], $0x80, s4, s18, $0xb8;
	[tilespmem:$0x1FC00] =	vst v63  }
0x33: {  	_ = 	snop  }
0x34: {  	[tilespmem:s21], [sflag:$0x2] =	stream.indirect.gather [hbm4b:s0+s18], $0x80, s1, s18, $0xb8;
	[tilespmem:$0x1FC00] =	vst v63  }
0x35: {  	_ = 	snop  }
0x36: {  	[tilespmem:s23], [sflag:$0x3] =	stream.indirect.gather [hbm4b:s0+s18], $0x80, s2, s18, $0xb8;
	[tilespmem:$0x1FC00] =	vst v63  }
0x37: {  	_ = 	snop  }
0x38: {  	[tilespmem:s25], [sflag:$0x4] =	stream.indirect.gather [hbm4b:s0+s18], $0x80, s8, s18, $0xb8;
	[tilespmem:$0x1FC00] =	vst v63  }
0x39: {  	_ = 	snop  }
0x3a: {  	[tilespmem:s28], [sflag:$0x5] =	stream.indirect.gather [hbm4b:s0+s18], $0x80, s10, s18, $0xb8;
	[tilespmem:$0x1FC00] =	vst v63  }
0x3b: {  	_ =	swait.ge [sflag:s29], $0x2000  }
0x3c: {  	[sflag:s29] =	ssyncset.done $0x0  }
0x3d: {  	[sflag:s29] =	ssyncadd.s32 $0xFFFFE000  }
0x3e: {  	[spmem:s3] =	stream.indirect.scatter.add.f32 [tilespmem:s19], [sflag:$0x8], $0x80, s15, s18, $0xb8;
	[tilespmem:$0x1FC00] =	vst v63  }
0x3f: {  	_ =	swait.ge [sflag:s14], $0x2000  }
0x40: {  	[sflag:s14] =	ssyncset.done $0x0  }
0x41: {  	s11 =	simm.s32 $0x280;
	[sflag:s14] =	ssyncadd.s32 $0xFFFFE000  }
0x42: {  	[tilespmem:s19], [sflag:$0x1] =	stream.indirect.gather [hbm4b:s0+s18], $0x80, s11, s18, $0xb8;
	[tilespmem:$0x1FC00] =	vst v63  }
0x43: {  	_ =	swait.ge [sflag:s31], $0x2000  }
0x44: {  	[sflag:s31] =	ssyncset.done $0x0  }
0x45: {  	s24 =	simm.s32 $0x880;
	[sflag:s31] =	ssyncadd.s32 $0xFFFFE000  }
0x46: {  	[spmem:s3] =	stream.indirect.scatter.add.f32 [tilespmem:s21], [sflag:$0x8], $0x80, s24, s18, $0xb8;
	[tilespmem:$0x1FC00] =	vst v63  }
0x47: {  	_ =	swait.ge [sflag:s14], $0x2000  }
0x48: {  	[sflag:s14] =	ssyncset.done $0x0  }
0x49: {  	s26 =	simm.s32 $0x300;
	[sflag:s14] =	ssyncadd.s32 $0xFFFFE000  }
0x4a: {  	[tilespmem:s21], [sflag:$0x2] =	stream.indirect.gather [hbm4b:s0+s18], $0x80, s26, s18, $0xb8;
	[tilespmem:$0x1FC00] =	vst v63  }
0x4b: {  	_ =	swait.ge [sflag:s5], $0x2000  }
0x4c: {  	[sflag:s5] =	ssyncset.done $0x0  }
0x4d: {  	s30 =	simm.s32 $0x900;
	[sflag:s5] =	ssyncadd.s32 $0xFFFFE000  }
0x4e: {  	[spmem:s3] =	stream.indirect.scatter.add.f32 [tilespmem:s23], [sflag:$0x8], $0x80, s30, s18, $0xb8;
	[tilespmem:$0x1FC00] =	vst v63  }
0x4f: {  	_ =	swait.ge [sflag:s14], $0x2000  }
0x50: {  	[sflag:s14] =	ssyncset.done $0x0  }
0x51: {  	s11 =	simm.s32 $0x380;
	[sflag:s14] =	ssyncadd.s32 $0xFFFFE000  }
0x52: {  	[tilespmem:s23], [sflag:$0x3] =	stream.indirect.gather [hbm4b:s0+s18], $0x80, s11, s18, $0xb8;
	[tilespmem:$0x1FC00] =	vst v63  }
0x53: {  	_ =	swait.ge [sflag:s9], $0x2000  }
0x54: {  	[sflag:s9] =	ssyncset.done $0x0  }
0x55: {  	s24 =	simm.s32 $0x980;
	[sflag:s9] =	ssyncadd.s32 $0xFFFFE000  }
0x56: {  	[spmem:s3] =	stream.indirect.scatter.add.f32 [tilespmem:s25], [sflag:$0x8], $0x80, s24, s18, $0xb8;
	[tilespmem:$0x1FC00] =	vst v63  }
0x57: {  	_ =	swait.ge [sflag:s14], $0x2000  }
0x58: {  	[sflag:s14] =	ssyncset.done $0x0  }
0x59: {  	s26 =	simm.s32 $0x400;
	[sflag:s14] =	ssyncadd.s32 $0xFFFFE000  }
0x5a: {  	[tilespmem:s25], [sflag:$0x4] =	stream.indirect.gather [hbm4b:s0+s18], $0x80, s26, s18, $0xb8;
	[tilespmem:$0x1FC00] =	vst v63  }
0x5b: {  	_ =	swait.ge [sflag:s12], $0x2000  }
0x5c: {  	[sflag:s12] =	ssyncset.done $0x0  }
0x5d: {  	s30 =	simm.s32 $0xA00;
	[sflag:s12] =	ssyncadd.s32 $0xFFFFE000  }
0x5e: {  	[spmem:s3] =	stream.indirect.scatter.add.f32 [tilespmem:s28], [sflag:$0x8], $0x80, s30, s18, $0xb8;
	[tilespmem:$0x1FC00] =	vst v63  }
0x5f: {  	_ =	swait.ge [sflag:s14], $0x2000  }
0x60: {  	[sflag:s14] =	ssyncset.done $0x0  }
0x61: {  	s11 =	simm.s32 $0x480;
	[sflag:s14] =	ssyncadd.s32 $0xFFFFE000  }
0x62: {  	[tilespmem:s28], [sflag:$0x5] =	stream.indirect.gather [hbm4b:s0+s18], $0x80, s11, s18, $0xb8;
	[tilespmem:$0x1FC00] =	vst v63  }
0x63: {  	_ =	swait.ge [sflag:s20], $0x500  }
0x64: {  	[sflag:s20] =	ssyncset.done $0x0  }
0x65: {  	[sflag:s20] =	ssyncadd.s32 $0xFFFFFB00  }
0x66: {  	_ =	swait.ge [sflag:s20], $0x500  }
0x67: {  	[sflag:s20] =	ssyncset.done $0x0  }
0x68: {  	[sflag:s20] =	ssyncadd.s32 $0xFFFFFB00  }
0x69: {  	_ =	swait.ge [sflag:s29], $0x2000  }
0x6a: {  	[sflag:s29] =	ssyncset.done $0x0  }
0x6b: {  	s24 =	simm.s32 $0xA80;
	[sflag:s29] =	ssyncadd.s32 $0xFFFFE000  }
0x6c: {  	[spmem:s3] =	stream.indirect.scatter.add.f32 [tilespmem:s19], [sflag:$0x8], $0x80, s24, s18, $0xb8;
	[tilespmem:$0x1FC00] =	vst v63  }
0x6d: {  	_ =	swait.ge [sflag:s14], $0x2000  }
0x6e: {  	[sflag:s14] =	ssyncset.done $0x0  }
0x6f: {  	[sflag:s14] =	ssyncadd.s32 $0xFFFFE000  }
0x70: {  	[tilespmem:s19], [sflag:$0x1] =	stream.indirect.gather [hbm4b:s0+s18], $0x80, s16, s18, $0xb8;
	[tilespmem:$0x1FC00] =	vst v63  }
0x71: {  	_ =	swait.ge [sflag:s31], $0x2000  }
0x72: {  	[sflag:s31] =	ssyncset.done $0x0  }
0x73: {  	s26 =	simm.s32 $0xB00;
	[sflag:s31] =	ssyncadd.s32 $0xFFFFE000  }
0x74: {  	[spmem:s3] =	stream.indirect.scatter.add.f32 [tilespmem:s21], [sflag:$0x8], $0x80, s26, s18, $0xb8;
	[tilespmem:$0x1FC00] =	vst v63  }
0x75: {  	_ =	swait.ge [sflag:s14], $0x2000  }
0x76: {  	[sflag:s14] =	ssyncset.done $0x0  }
0x77: {  	s30 =	simm.s32 $0x1080;
	[sflag:s14] =	ssyncadd.s32 $0xFFFFE000  }
0x78: {  	[tilespmem:s21], [sflag:$0x2] =	stream.indirect.gather [hbm4b:s0+s18], $0x80, s30, s18, $0xb8;
	[tilespmem:$0x1FC00] =	vst v63  }
0x79: {  	_ =	swait.ge [sflag:s5], $0x2000  }
0x7a: {  	[sflag:s5] =	ssyncset.done $0x0  }
0x7b: {  	s11 =	simm.s32 $0xB80;
	[sflag:s5] =	ssyncadd.s32 $0xFFFFE000  }
0x7c: {  	[spmem:s3] =	stream.indirect.scatter.add.f32 [tilespmem:s23], [sflag:$0x8], $0x80, s11, s18, $0xb8;
	[tilespmem:$0x1FC00] =	vst v63  }
0x7d: {  	_ =	swait.ge [sflag:s14], $0x2000  }
0x7e: {  	[sflag:s14] =	ssyncset.done $0x0  }
0x7f: {  	s24 =	simm.s32 $0x1100;
	[sflag:s14] =	ssyncadd.s32 $0xFFFFE000  }
0x80: {  	[tilespmem:s23], [sflag:$0x3] =	stream.indirect.gather [hbm4b:s0+s18], $0x80, s24, s18, $0xb8;
	[tilespmem:$0x1FC00] =	vst v63  }
0x81: {  	_ =	swait.ge [sflag:s9], $0x2000  }
0x82: {  	[sflag:s9] =	ssyncset.done $0x0  }
0x83: {  	s26 =	simm.s32 $0xC00;
	[sflag:s9] =	ssyncadd.s32 $0xFFFFE000  }
0x84: {  	[spmem:s3] =	stream.indirect.scatter.add.f32 [tilespmem:s25], [sflag:$0x8], $0x80, s26, s18, $0xb8;
	[tilespmem:$0x1FC00] =	vst v63  }
0x85: {  	_ =	swait.ge [sflag:s14], $0x2000  }
0x86: {  	[sflag:s14] =	ssyncset.done $0x0  }
0x87: {  	s30 =	simm.s32 $0x1180;
	[sflag:s14] =	ssyncadd.s32 $0xFFFFE000  }
0x88: {  	[tilespmem:s25], [sflag:$0x4] =	stream.indirect.gather [hbm4b:s0+s18], $0x80, s30, s18, $0xb8;
	[tilespmem:$0x1FC00] =	vst v63  }
0x89: {  	_ =	swait.ge [sflag:s12], $0x2000  }
0x8a: {  	[sflag:s12] =	ssyncset.done $0x0  }
0x8b: {  	s11 =	simm.s32 $0xC80;
	[sflag:s12] =	ssyncadd.s32 $0xFFFFE000  }
0x8c: {  	[spmem:s3] =	stream.indirect.scatter.add.f32 [tilespmem:s28], [sflag:$0x8], $0x80, s11, s18, $0xb8;
	[tilespmem:$0x1FC00] =	vst v63  }
0x8d: {  	_ =	swait.ge [sflag:s14], $0x2000  }
0x8e: {  	[sflag:s14] =	ssyncset.done $0x0  }
0x8f: {  	s30 =	simm.s32 $0x1200;
	s24 =	rddreg [dreg:$0x7];
	[sflag:s14] =	ssyncadd.s32 $0xFFFFE000  }
0x90: {  	[tilespmem:s28], [sflag:$0x5] =	stream.indirect.gather [hbm4b:s0+s18], $0x80, s30, s18, $0xb8;
	[tilespmem:$0x1FC00] =	vst v63  }
0x91: {  	s26 =	rddreg [dreg:$0x6];
	s22 =	sadd.s32 $0x0, s24  }
0x92: {  	[tilespmem:s4], [sflag:$0x6] =	stream.linear.gather [hbm4b:s22+s4], $0x500, $0x38;
	[tilespmem:$0x1FC00] =	vst v63  }
0x93: {  	s24 =	sadd.s32 $0x0, s26  }
0x94: {  	[tilespmem:s15], [sflag:$0x6] =	stream.linear.gather [hbm4b:s24+s4], $0x500, $0x38;
	[tilespmem:$0x1FC00] =	vst v63  }
0x95: {  	_ =	swait.ge [sflag:s29], $0x2000  }
0x96: {  	[sflag:s29] =	ssyncset.done $0x0  }
0x97: {  	[sflag:s29] =	ssyncadd.s32 $0xFFFFE000  }
0x98: {  	[spmem:s3] =	stream.indirect.scatter.add.f32 [tilespmem:s19], [sflag:$0x8], $0x80, s17, s18, $0xb8;
	[tilespmem:$0x1FC00] =	vst v63  }
0x99: {  	_ =	swait.ge [sflag:s14], $0x2000  }
0x9a: {  	[sflag:s14] =	ssyncset.done $0x0  }
0x9b: {  	s26 =	simm.s32 $0x1280;
	[sflag:s14] =	ssyncadd.s32 $0xFFFFE000  }
0x9c: {  	[tilespmem:s19], [sflag:$0x1] =	stream.indirect.gather [hbm4b:s0+s18], $0x80, s26, s18, $0xb8;
	[tilespmem:$0x1FC00] =	vst v63  }
0x9d: {  	_ =	swait.ge [sflag:s31], $0x2000  }
0x9e: {  	[sflag:s31] =	ssyncset.done $0x0  }
0x9f: {  	s30 =	simm.s32 $0x1880;
	[sflag:s31] =	ssyncadd.s32 $0xFFFFE000  }
0xa0: {  	[spmem:s3] =	stream.indirect.scatter.add.f32 [tilespmem:s21], [sflag:$0x8], $0x80, s30, s18, $0xb8;
	[tilespmem:$0x1FC00] =	vst v63  }
0xa1: {  	_ =	swait.ge [sflag:s14], $0x2000  }
0xa2: {  	[sflag:s14] =	ssyncset.done $0x0  }
0xa3: {  	s22 =	simm.s32 $0x1300;
	[sflag:s14] =	ssyncadd.s32 $0xFFFFE000  }
0xa4: {  	[tilespmem:s21], [sflag:$0x2] =	stream.indirect.gather [hbm4b:s0+s18], $0x80, s22, s18, $0xb8;
	[tilespmem:$0x1FC00] =	vst v63  }
0xa5: {  	_ =	swait.ge [sflag:s5], $0x2000  }
0xa6: {  	[sflag:s5] =	ssyncset.done $0x0  }
0xa7: {  	s24 =	simm.s32 $0x1900;
	[sflag:s5] =	ssyncadd.s32 $0xFFFFE000  }
0xa8: {  	[spmem:s3] =	stream.indirect.scatter.add.f32 [tilespmem:s23], [sflag:$0x8], $0x80, s24, s18, $0xb8;
	[tilespmem:$0x1FC00] =	vst v63  }
0xa9: {  	_ =	swait.ge [sflag:s14], $0x2000  }
0xaa: {  	[sflag:s14] =	ssyncset.done $0x0  }
0xab: {  	s26 =	simm.s32 $0x1380;
	[sflag:s14] =	ssyncadd.s32 $0xFFFFE000  }
0xac: {  	[tilespmem:s23], [sflag:$0x3] =	stream.indirect.gather [hbm4b:s0+s18], $0x80, s26, s18, $0xb8;
	[tilespmem:$0x1FC00] =	vst v63  }
0xad: {  	_ =	swait.ge [sflag:s9], $0x2000  }
0xae: {  	[sflag:s9] =	ssyncset.done $0x0  }
0xaf: {  	s30 =	simm.s32 $0x1980;
	[sflag:s9] =	ssyncadd.s32 $0xFFFFE000  }
0xb0: {  	[spmem:s3] =	stream.indirect.scatter.add.f32 [tilespmem:s25], [sflag:$0x8], $0x80, s30, s18, $0xb8;
	[tilespmem:$0x1FC00] =	vst v63  }
0xb1: {  	_ =	swait.ge [sflag:s14], $0x2000  }
0xb2: {  	[sflag:s14] =	ssyncset.done $0x0  }
0xb3: {  	s22 =	simm.s32 $0x1400;
	[sflag:s14] =	ssyncadd.s32 $0xFFFFE000  }
0xb4: {  	[tilespmem:s25], [sflag:$0x4] =	stream.indirect.gather [hbm4b:s0+s18], $0x80, s22, s18, $0xb8;
	[tilespmem:$0x1FC00] =	vst v63  }
0xb5: {  	_ =	swait.ge [sflag:s12], $0x2000  }
0xb6: {  	[sflag:s12] =	ssyncset.done $0x0  }
0xb7: {  	s24 =	simm.s32 $0x1A00;
	[sflag:s12] =	ssyncadd.s32 $0xFFFFE000  }
0xb8: {  	[spmem:s3] =	stream.indirect.scatter.add.f32 [tilespmem:s28], [sflag:$0x8], $0x80, s24, s18, $0xb8;
	[tilespmem:$0x1FC00] =	vst v63  }
0xb9: {  	_ =	swait.ge [sflag:s14], $0x2000  }
0xba: {  	[sflag:s14] =	ssyncset.done $0x0  }
0xbb: {  	s26 =	simm.s32 $0x1480;
	[sflag:s14] =	ssyncadd.s32 $0xFFFFE000  }
0xbc: {  	[tilespmem:s28], [sflag:$0x5] =	stream.indirect.gather [hbm4b:s0+s18], $0x80, s26, s18, $0xb8;
	[tilespmem:$0x1FC00] =	vst v63  }
0xbd: {  	_ =	swait.ge [sflag:s7], $0x500  }
0xbe: {  	[sflag:s7] =	ssyncset.done $0x0  }
0xbf: {  	[sflag:s7] =	ssyncadd.s32 $0xFFFFFB00  }
0xc0: {  	_ =	swait.ge [sflag:s7], $0x500  }
0xc1: {  	[sflag:s7] =	ssyncset.done $0x0  }
0xc2: {  	[sflag:s7] =	ssyncadd.s32 $0xFFFFFB00  }
0xc3: {  	_ =	swait.ge [sflag:s29], $0x2000  }
0xc4: {  	[sflag:s29] =	ssyncset.done $0x0  }
0xc5: {  	s30 =	simm.s32 $0x1A80;
	[sflag:s29] =	ssyncadd.s32 $0xFFFFE000  }
0xc6: {  	[spmem:s3] =	stream.indirect.scatter.add.f32 [tilespmem:s19], [sflag:$0x8], $0x80, s30, s18, $0xb8;
	[tilespmem:$0x1FC00] =	vst v63  }
0xc7: {  	_ =	swait.ge [sflag:s14], $0x2000  }
0xc8: {  	[sflag:s14] =	ssyncset.done $0x0  }
0xc9: {  	[sflag:s14] =	ssyncadd.s32 $0xFFFFE000  }
0xca: {  	[tilespmem:s19], [sflag:$0x1] =	stream.indirect.gather [hbm4b:s0+s18], $0x80, s4, s18, $0xb8;
	[tilespmem:$0x1FC00] =	vst v63  }
0xcb: {  	_ =	swait.ge [sflag:s31], $0x2000  }
0xcc: {  	[sflag:s31] =	ssyncset.done $0x0  }
0xcd: {  	s22 =	simm.s32 $0x1B00;
	[sflag:s31] =	ssyncadd.s32 $0xFFFFE000  }
0xce: {  	[spmem:s3] =	stream.indirect.scatter.add.f32 [tilespmem:s21], [sflag:$0x8], $0x80, s22, s18, $0xb8;
	[tilespmem:$0x1FC00] =	vst v63  }
0xcf: {  	_ =	swait.ge [sflag:s14], $0x2000  }
0xd0: {  	[sflag:s14] =	ssyncset.done $0x0  }
0xd1: {  	[sflag:s14] =	ssyncadd.s32 $0xFFFFE000  }
0xd2: {  	[tilespmem:s21], [sflag:$0x2] =	stream.indirect.gather [hbm4b:s0+s18], $0x80, s1, s18, $0xb8;
	[tilespmem:$0x1FC00] =	vst v63  }
0xd3: {  	_ =	swait.ge [sflag:s5], $0x2000  }
0xd4: {  	[sflag:s5] =	ssyncset.done $0x0  }
0xd5: {  	s24 =	simm.s32 $0x1B80;
	[sflag:s5] =	ssyncadd.s32 $0xFFFFE000  }
0xd6: {  	[spmem:s3] =	stream.indirect.scatter.add.f32 [tilespmem:s23], [sflag:$0x8], $0x80, s24, s18, $0xb8;
	[tilespmem:$0x1FC00] =	vst v63  }
0xd7: {  	_ =	swait.ge [sflag:s14], $0x2000  }
0xd8: {  	[sflag:s14] =	ssyncset.done $0x0  }
0xd9: {  	[sflag:s14] =	ssyncadd.s32 $0xFFFFE000  }
0xda: {  	[tilespmem:s23], [sflag:$0x3] =	stream.indirect.gather [hbm4b:s0+s18], $0x80, s2, s18, $0xb8;
	[tilespmem:$0x1FC00] =	vst v63  }
0xdb: {  	_ =	swait.ge [sflag:s9], $0x2000  }
0xdc: {  	[sflag:s9] =	ssyncset.done $0x0  }
0xdd: {  	[sflag:s9] =	ssyncadd.s32 $0xFFFFE000  }
0xde: {  	[spmem:s3] =	stream.indirect.scatter.add.f32 [tilespmem:s25], [sflag:$0x8], $0x80, s6, s18, $0xb8;
	[tilespmem:$0x1FC00] =	vst v63  }
0xdf: {  	_ =	swait.ge [sflag:s14], $0x2000  }
0xe0: {  	[sflag:s14] =	ssyncset.done $0x0  }
0xe1: {  	[sflag:s14] =	ssyncadd.s32 $0xFFFFE000  }
0xe2: {  	[tilespmem:s25], [sflag:$0x4] =	stream.indirect.gather [hbm4b:s0+s18], $0x80, s8, s18, $0xb8;
	[tilespmem:$0x1FC00] =	vst v63  }
0xe3: {  	_ =	swait.ge [sflag:s12], $0x2000  }
0xe4: {  	[sflag:s12] =	ssyncset.done $0x0  }
0xe5: {  	[sflag:s12] =	ssyncadd.s32 $0xFFFFE000  }
0xe6: {  	[spmem:s3] =	stream.indirect.scatter.add.f32 [tilespmem:s28], [sflag:$0x8], $0x80, s13, s18, $0xb8;
	[tilespmem:$0x1FC00] =	vst v63  }
0xe7: {  	_ =	swait.ge [sflag:s14], $0x2000  }
0xe8: {  	s1 =	simm.s32 $0x80;
	[sflag:s14] =	ssyncset.done $0x0  }
0xe9: {  	s2 =	simm.s32 $0x100;
	s26 =	rddreg [dreg:$0x5];
	[sflag:s14] =	ssyncadd.s32 $0xFFFFE000  }
0xea: {  	[tilespmem:s28], [sflag:$0x5] =	stream.indirect.gather [hbm4b:s0+s18], $0x80, s10, s18, $0xb8;
	[tilespmem:$0x1FC00] =	vst v63  }
0xeb: {  	s8 =	simm.s32 $0x180;
	s30 =	rddreg [dreg:$0x4];
	s22 =	sadd.s32 $0x0, s26  }
0xec: {  	[tilespmem:s16], [sflag:$0x7] =	stream.linear.gather [hbm4b:s22+s4], $0x500, $0x38;
	[tilespmem:$0x1FC00] =	vst v63  }
0xed: {  	s24 =	sadd.s32 $0x0, s30;
	s10 =	simm.s32 $0x200;
	s22 =	simm.s32 $0x200  }
.LBB2_2:
0xee: {  	[tilespmem:s17], [sflag:$0x7] =	stream.linear.gather [hbm4b:s24+s4], $0x500, $0x38;
	[tilespmem:$0x1FC00] =	vst v63  }
0xef: {  	_ =	swait.ge [sflag:s29], $0x2000  }
0xf0: {  	[sflag:s29] =	ssyncset.done $0x0  }
0xf1: {  	[sflag:s29] =	ssyncadd.s32 $0xFFFFE000  }
0xf2: {  	[spmem:s3] =	stream.indirect.scatter.add.f32 [tilespmem:s19], [sflag:$0x8], $0x80, s15, s18, $0xb8;
	[tilespmem:$0x1FC00] =	vst v63  }
0xf3: {  	_ =	swait.ge [sflag:s14], $0x2000  }
0xf4: {  	[sflag:s14] =	ssyncset.done $0x0  }
0xf5: {  	s26 =	simm.s32 $0x280;
	[sflag:s14] =	ssyncadd.s32 $0xFFFFE000  }
0xf6: {  	[tilespmem:s19], [sflag:$0x1] =	stream.indirect.gather [hbm4b:s0+s18], $0x80, s26, s18, $0xb8;
	[tilespmem:$0x1FC00] =	vst v63  }
0xf7: {  	_ =	swait.ge [sflag:s31], $0x2000  }
0xf8: {  	[sflag:s31] =	ssyncset.done $0x0  }
0xf9: {  	s11 =	simm.s32 $0x880;
	[sflag:s31] =	ssyncadd.s32 $0xFFFFE000  }
0xfa: {  	[spmem:s3] =	stream.indirect.scatter.add.f32 [tilespmem:s21], [sflag:$0x8], $0x80, s11, s18, $0xb8;
	[tilespmem:$0x1FC00] =	vst v63  }
0xfb: {  	_ =	swait.ge [sflag:s14], $0x2000  }
0xfc: {  	[sflag:s14] =	ssyncset.done $0x0  }
0xfd: {  	s30 =	simm.s32 $0x300;
	[sflag:s14] =	ssyncadd.s32 $0xFFFFE000  }
0xfe: {  	[tilespmem:s21], [sflag:$0x2] =	stream.indirect.gather [hbm4b:s0+s18], $0x80, s30, s18, $0xb8;
	[tilespmem:$0x1FC00] =	vst v63  }
0xff: {  	_ =	swait.ge [sflag:s5], $0x2000  }
0x100: {  	[sflag:s5] =	ssyncset.done $0x0  }
0x101: {  	s11 =	simm.s32 $0x900;
	[sflag:s5] =	ssyncadd.s32 $0xFFFFE000  }
0x102: {  	[spmem:s3] =	stream.indirect.scatter.add.f32 [tilespmem:s23], [sflag:$0x8], $0x80, s11, s18, $0xb8;
	[tilespmem:$0x1FC00] =	vst v63  }
0x103: {  	_ =	swait.ge [sflag:s14], $0x2000  }
0x104: {  	[sflag:s14] =	ssyncset.done $0x0  }
0x105: {  	s30 =	simm.s32 $0x380;
	[sflag:s14] =	ssyncadd.s32 $0xFFFFE000  }
0x106: {  	[tilespmem:s23], [sflag:$0x3] =	stream.indirect.gather [hbm4b:s0+s18], $0x80, s30, s18, $0xb8;
	[tilespmem:$0x1FC00] =	vst v63  }
0x107: {  	_ =	swait.ge [sflag:s9], $0x2000  }
0x108: {  	[sflag:s9] =	ssyncset.done $0x0  }
0x109: {  	s11 =	simm.s32 $0x980;
	[sflag:s9] =	ssyncadd.s32 $0xFFFFE000  }
0x10a: {  	[spmem:s3] =	stream.indirect.scatter.add.f32 [tilespmem:s25], [sflag:$0x8], $0x80, s11, s18, $0xb8;
	[tilespmem:$0x1FC00] =	vst v63  }
0x10b: {  	_ =	swait.ge [sflag:s14], $0x2000  }
0x10c: {  	[sflag:s14] =	ssyncset.done $0x0  }
0x10d: {  	s30 =	simm.s32 $0x400;
	[sflag:s14] =	ssyncadd.s32 $0xFFFFE000  }
0x10e: {  	[tilespmem:s25], [sflag:$0x4] =	stream.indirect.gather [hbm4b:s0+s18], $0x80, s30, s18, $0xb8;
	[tilespmem:$0x1FC00] =	vst v63  }
0x10f: {  	_ =	swait.ge [sflag:s12], $0x2000  }
0x110: {  	[sflag:s12] =	ssyncset.done $0x0  }
0x111: {  	s11 =	simm.s32 $0xA00;
	[sflag:s12] =	ssyncadd.s32 $0xFFFFE000  }
0x112: {  	[spmem:s3] =	stream.indirect.scatter.add.f32 [tilespmem:s28], [sflag:$0x8], $0x80, s11, s18, $0xb8;
	[tilespmem:$0x1FC00] =	vst v63  }
0x113: {  	_ =	swait.ge [sflag:s14], $0x2000  }
0x114: {  	[sflag:s14] =	ssyncset.done $0x0  }
0x115: {  	s30 =	simm.s32 $0x480;
	[sflag:s14] =	ssyncadd.s32 $0xFFFFE000  }
0x116: {  	[tilespmem:s28], [sflag:$0x5] =	stream.indirect.gather [hbm4b:s0+s18], $0x80, s30, s18, $0xb8;
	[tilespmem:$0x1FC00] =	vst v63  }
0x117: {  	_ =	swait.ge [sflag:s20], $0x500  }
0x118: {  	[sflag:s20] =	ssyncset.done $0x0  }
0x119: {  	[sflag:s20] =	ssyncadd.s32 $0xFFFFFB00  }
0x11a: {  	_ =	swait.ge [sflag:s20], $0x500  }
0x11b: {  	[sflag:s20] =	ssyncset.done $0x0  }
0x11c: {  	[sflag:s20] =	ssyncadd.s32 $0xFFFFFB00  }
0x11d: {  	_ =	swait.ge [sflag:s29], $0x2000  }
0x11e: {  	[sflag:s29] =	ssyncset.done $0x0  }
0x11f: {  	s11 =	simm.s32 $0xA80;
	[sflag:s29] =	ssyncadd.s32 $0xFFFFE000  }
0x120: {  	[spmem:s3] =	stream.indirect.scatter.add.f32 [tilespmem:s19], [sflag:$0x8], $0x80, s11, s18, $0xb8;
	[tilespmem:$0x1FC00] =	vst v63  }
0x121: {  	_ =	swait.ge [sflag:s14], $0x2000  }
0x122: {  	[sflag:s14] =	ssyncset.done $0x0  }
0x123: {  	[sflag:s14] =	ssyncadd.s32 $0xFFFFE000  }
0x124: {  	[tilespmem:s19], [sflag:$0x1] =	stream.indirect.gather [hbm4b:s0+s18], $0x80, s16, s18, $0xb8;
	[tilespmem:$0x1FC00] =	vst v63  }
0x125: {  	_ =	swait.ge [sflag:s31], $0x2000  }
0x126: {  	[sflag:s31] =	ssyncset.done $0x0  }
0x127: {  	s30 =	simm.s32 $0xB00;
	[sflag:s31] =	ssyncadd.s32 $0xFFFFE000  }
0x128: {  	[spmem:s3] =	stream.indirect.scatter.add.f32 [tilespmem:s21], [sflag:$0x8], $0x80, s30, s18, $0xb8;
	[tilespmem:$0x1FC00] =	vst v63  }
0x129: {  	_ =	swait.ge [sflag:s14], $0x2000  }
0x12a: {  	[sflag:s14] =	ssyncset.done $0x0  }
0x12b: {  	s11 =	simm.s32 $0x1080;
	[sflag:s14] =	ssyncadd.s32 $0xFFFFE000  }
0x12c: {  	[tilespmem:s21], [sflag:$0x2] =	stream.indirect.gather [hbm4b:s0+s18], $0x80, s11, s18, $0xb8;
	[tilespmem:$0x1FC00] =	vst v63  }
0x12d: {  	_ =	swait.ge [sflag:s5], $0x2000  }
0x12e: {  	[sflag:s5] =	ssyncset.done $0x0  }
0x12f: {  	s30 =	simm.s32 $0xB80;
	[sflag:s5] =	ssyncadd.s32 $0xFFFFE000  }
0x130: {  	[spmem:s3] =	stream.indirect.scatter.add.f32 [tilespmem:s23], [sflag:$0x8], $0x80, s30, s18, $0xb8;
	[tilespmem:$0x1FC00] =	vst v63  }
0x131: {  	_ =	swait.ge [sflag:s14], $0x2000  }
0x132: {  	[sflag:s14] =	ssyncset.done $0x0  }
0x133: {  	s11 =	simm.s32 $0x1100;
	[sflag:s14] =	ssyncadd.s32 $0xFFFFE000  }
0x134: {  	[tilespmem:s23], [sflag:$0x3] =	stream.indirect.gather [hbm4b:s0+s18], $0x80, s11, s18, $0xb8;
	[tilespmem:$0x1FC00] =	vst v63  }
0x135: {  	_ =	swait.ge [sflag:s9], $0x2000  }
0x136: {  	[sflag:s9] =	ssyncset.done $0x0  }
0x137: {  	s30 =	simm.s32 $0xC00;
	[sflag:s9] =	ssyncadd.s32 $0xFFFFE000  }
0x138: {  	[spmem:s3] =	stream.indirect.scatter.add.f32 [tilespmem:s25], [sflag:$0x8], $0x80, s30, s18, $0xb8;
	[tilespmem:$0x1FC00] =	vst v63  }
0x139: {  	_ =	swait.ge [sflag:s14], $0x2000  }
0x13a: {  	[sflag:s14] =	ssyncset.done $0x0  }
0x13b: {  	s11 =	simm.s32 $0x1180;
	[sflag:s14] =	ssyncadd.s32 $0xFFFFE000  }
0x13c: {  	[tilespmem:s25], [sflag:$0x4] =	stream.indirect.gather [hbm4b:s0+s18], $0x80, s11, s18, $0xb8;
	[tilespmem:$0x1FC00] =	vst v63  }
0x13d: {  	_ =	swait.ge [sflag:s12], $0x2000  }
0x13e: {  	[sflag:s12] =	ssyncset.done $0x0  }
0x13f: {  	s30 =	simm.s32 $0xC80;
	[sflag:s12] =	ssyncadd.s32 $0xFFFFE000  }
0x140: {  	[spmem:s3] =	stream.indirect.scatter.add.f32 [tilespmem:s28], [sflag:$0x8], $0x80, s30, s18, $0xb8;
	[tilespmem:$0x1FC00] =	vst v63  }
0x141: {  	_ =	swait.ge [sflag:s14], $0x2000  }
0x142: {  	s24 =	smov.u32 s22;
	[sflag:s14] =	ssyncset.done $0x0  }
0x143: {  	s11 =	simm.s32 $0x1200;
	s26 =	rddreg [dreg:$0x7];
	[sflag:s14] =	ssyncadd.s32 $0xFFFFE000  }
0x144: {  	[tilespmem:s28], [sflag:$0x5] =	stream.indirect.gather [hbm4b:s0+s18], $0x80, s11, s18, $0xb8;
	[tilespmem:$0x1FC00] =	vst v63  }
0x145: {  	s30 =	rddreg [dreg:$0x6];
	s26 =	sadd.s32 s24, s26  }
0x146: {  	[tilespmem:s4], [sflag:$0x6] =	stream.linear.gather [hbm4b:s26+s4], $0x500, $0x38;
	[tilespmem:$0x1FC00] =	vst v63  }
0x147: {  	s11 =	sadd.s32 s24, s30  }
0x148: {  	[tilespmem:s15], [sflag:$0x6] =	stream.linear.gather [hbm4b:s11+s4], $0x500, $0x38;
	[tilespmem:$0x1FC00] =	vst v63  }
0x149: {  	_ =	swait.ge [sflag:s29], $0x2000  }
0x14a: {  	[sflag:s29] =	ssyncset.done $0x0  }
0x14b: {  	[sflag:s29] =	ssyncadd.s32 $0xFFFFE000  }
0x14c: {  	[spmem:s3] =	stream.indirect.scatter.add.f32 [tilespmem:s19], [sflag:$0x8], $0x80, s17, s18, $0xb8;
	[tilespmem:$0x1FC00] =	vst v63  }
0x14d: {  	_ =	swait.ge [sflag:s14], $0x2000  }
0x14e: {  	[sflag:s14] =	ssyncset.done $0x0  }
0x14f: {  	s26 =	simm.s32 $0x1280;
	[sflag:s14] =	ssyncadd.s32 $0xFFFFE000  }
0x150: {  	[tilespmem:s19], [sflag:$0x1] =	stream.indirect.gather [hbm4b:s0+s18], $0x80, s26, s18, $0xb8;
	[tilespmem:$0x1FC00] =	vst v63  }
0x151: {  	_ =	swait.ge [sflag:s31], $0x2000  }
0x152: {  	[sflag:s31] =	ssyncset.done $0x0  }
0x153: {  	s30 =	simm.s32 $0x1880;
	[sflag:s31] =	ssyncadd.s32 $0xFFFFE000  }
0x154: {  	[spmem:s3] =	stream.indirect.scatter.add.f32 [tilespmem:s21], [sflag:$0x8], $0x80, s30, s18, $0xb8;
	[tilespmem:$0x1FC00] =	vst v63  }
0x155: {  	_ =	swait.ge [sflag:s14], $0x2000  }
0x156: {  	[sflag:s14] =	ssyncset.done $0x0  }
0x157: {  	s26 =	simm.s32 $0x1300;
	[sflag:s14] =	ssyncadd.s32 $0xFFFFE000  }
0x158: {  	[tilespmem:s21], [sflag:$0x2] =	stream.indirect.gather [hbm4b:s0+s18], $0x80, s26, s18, $0xb8;
	[tilespmem:$0x1FC00] =	vst v63  }
0x159: {  	_ =	swait.ge [sflag:s5], $0x2000  }
0x15a: {  	[sflag:s5] =	ssyncset.done $0x0  }
0x15b: {  	s30 =	simm.s32 $0x1900;
	[sflag:s5] =	ssyncadd.s32 $0xFFFFE000  }
0x15c: {  	[spmem:s3] =	stream.indirect.scatter.add.f32 [tilespmem:s23], [sflag:$0x8], $0x80, s30, s18, $0xb8;
	[tilespmem:$0x1FC00] =	vst v63  }
0x15d: {  	_ =	swait.ge [sflag:s14], $0x2000  }
0x15e: {  	[sflag:s14] =	ssyncset.done $0x0  }
0x15f: {  	s26 =	simm.s32 $0x1380;
	[sflag:s14] =	ssyncadd.s32 $0xFFFFE000  }
0x160: {  	[tilespmem:s23], [sflag:$0x3] =	stream.indirect.gather [hbm4b:s0+s18], $0x80, s26, s18, $0xb8;
	[tilespmem:$0x1FC00] =	vst v63  }
0x161: {  	_ =	swait.ge [sflag:s9], $0x2000  }
0x162: {  	[sflag:s9] =	ssyncset.done $0x0  }
0x163: {  	s30 =	simm.s32 $0x1980;
	[sflag:s9] =	ssyncadd.s32 $0xFFFFE000  }
0x164: {  	[spmem:s3] =	stream.indirect.scatter.add.f32 [tilespmem:s25], [sflag:$0x8], $0x80, s30, s18, $0xb8;
	[tilespmem:$0x1FC00] =	vst v63  }
0x165: {  	_ =	swait.ge [sflag:s14], $0x2000  }
0x166: {  	[sflag:s14] =	ssyncset.done $0x0  }
0x167: {  	s26 =	simm.s32 $0x1400;
	[sflag:s14] =	ssyncadd.s32 $0xFFFFE000  }
0x168: {  	[tilespmem:s25], [sflag:$0x4] =	stream.indirect.gather [hbm4b:s0+s18], $0x80, s26, s18, $0xb8;
	[tilespmem:$0x1FC00] =	vst v63  }
0x169: {  	_ =	swait.ge [sflag:s12], $0x2000  }
0x16a: {  	[sflag:s12] =	ssyncset.done $0x0  }
0x16b: {  	s30 =	simm.s32 $0x1A00;
	[sflag:s12] =	ssyncadd.s32 $0xFFFFE000  }
0x16c: {  	[spmem:s3] =	stream.indirect.scatter.add.f32 [tilespmem:s28], [sflag:$0x8], $0x80, s30, s18, $0xb8;
	[tilespmem:$0x1FC00] =	vst v63  }
0x16d: {  	_ =	swait.ge [sflag:s14], $0x2000  }
0x16e: {  	[sflag:s14] =	ssyncset.done $0x0  }
0x16f: {  	s26 =	simm.s32 $0x1480;
	[sflag:s14] =	ssyncadd.s32 $0xFFFFE000  }
0x170: {  	[tilespmem:s28], [sflag:$0x5] =	stream.indirect.gather [hbm4b:s0+s18], $0x80, s26, s18, $0xb8;
	[tilespmem:$0x1FC00] =	vst v63  }
0x171: {  	_ =	swait.ge [sflag:s7], $0x500  }
0x172: {  	[sflag:s7] =	ssyncset.done $0x0  }
0x173: {  	[sflag:s7] =	ssyncadd.s32 $0xFFFFFB00  }
0x174: {  	_ =	swait.ge [sflag:s7], $0x500  }
0x175: {  	[sflag:s7] =	ssyncset.done $0x0  }
0x176: {  	[sflag:s7] =	ssyncadd.s32 $0xFFFFFB00  }
0x177: {  	_ =	swait.ge [sflag:s29], $0x2000  }
0x178: {  	[sflag:s29] =	ssyncset.done $0x0  }
0x179: {  	s30 =	simm.s32 $0x1A80;
	[sflag:s29] =	ssyncadd.s32 $0xFFFFE000  }
0x17a: {  	[spmem:s3] =	stream.indirect.scatter.add.f32 [tilespmem:s19], [sflag:$0x8], $0x80, s30, s18, $0xb8;
	[tilespmem:$0x1FC00] =	vst v63  }
0x17b: {  	_ =	swait.ge [sflag:s14], $0x2000  }
0x17c: {  	[sflag:s14] =	ssyncset.done $0x0  }
0x17d: {  	[sflag:s14] =	ssyncadd.s32 $0xFFFFE000  }
0x17e: {  	[tilespmem:s19], [sflag:$0x1] =	stream.indirect.gather [hbm4b:s0+s18], $0x80, s4, s18, $0xb8;
	[tilespmem:$0x1FC00] =	vst v63  }
0x17f: {  	_ =	swait.ge [sflag:s31], $0x2000  }
0x180: {  	[sflag:s31] =	ssyncset.done $0x0  }
0x181: {  	s26 =	simm.s32 $0x1B00;
	[sflag:s31] =	ssyncadd.s32 $0xFFFFE000  }
0x182: {  	[spmem:s3] =	stream.indirect.scatter.add.f32 [tilespmem:s21], [sflag:$0x8], $0x80, s26, s18, $0xb8;
	[tilespmem:$0x1FC00] =	vst v63  }
0x183: {  	_ =	swait.ge [sflag:s14], $0x2000  }
0x184: {  	[sflag:s14] =	ssyncset.done $0x0  }
0x185: {  	[sflag:s14] =	ssyncadd.s32 $0xFFFFE000  }
0x186: {  	[tilespmem:s21], [sflag:$0x2] =	stream.indirect.gather [hbm4b:s0+s18], $0x80, s1, s18, $0xb8;
	[tilespmem:$0x1FC00] =	vst v63  }
0x187: {  	_ =	swait.ge [sflag:s5], $0x2000  }
0x188: {  	[sflag:s5] =	ssyncset.done $0x0  }
0x189: {  	s30 =	simm.s32 $0x1B80;
	[sflag:s5] =	ssyncadd.s32 $0xFFFFE000  }
0x18a: {  	[spmem:s3] =	stream.indirect.scatter.add.f32 [tilespmem:s23], [sflag:$0x8], $0x80, s30, s18, $0xb8;
	[tilespmem:$0x1FC00] =	vst v63  }
0x18b: {  	_ =	swait.ge [sflag:s14], $0x2000  }
0x18c: {  	[sflag:s14] =	ssyncset.done $0x0  }
0x18d: {  	[sflag:s14] =	ssyncadd.s32 $0xFFFFE000  }
0x18e: {  	[tilespmem:s23], [sflag:$0x3] =	stream.indirect.gather [hbm4b:s0+s18], $0x80, s2, s18, $0xb8;
	[tilespmem:$0x1FC00] =	vst v63  }
0x18f: {  	_ =	swait.ge [sflag:s9], $0x2000  }
0x190: {  	[sflag:s9] =	ssyncset.done $0x0  }
0x191: {  	[sflag:s9] =	ssyncadd.s32 $0xFFFFE000  }
0x192: {  	[spmem:s3] =	stream.indirect.scatter.add.f32 [tilespmem:s25], [sflag:$0x8], $0x80, s6, s18, $0xb8;
	[tilespmem:$0x1FC00] =	vst v63  }
0x193: {  	_ =	swait.ge [sflag:s14], $0x2000  }
0x194: {  	[sflag:s14] =	ssyncset.done $0x0  }
0x195: {  	[sflag:s14] =	ssyncadd.s32 $0xFFFFE000  }
0x196: {  	[tilespmem:s25], [sflag:$0x4] =	stream.indirect.gather [hbm4b:s0+s18], $0x80, s8, s18, $0xb8;
	[tilespmem:$0x1FC00] =	vst v63  }
0x197: {  	_ =	swait.ge [sflag:s12], $0x2000  }
0x198: {  	[sflag:s12] =	ssyncset.done $0x0  }
0x199: {  	[sflag:s12] =	ssyncadd.s32 $0xFFFFE000  }
0x19a: {  	[spmem:s3] =	stream.indirect.scatter.add.f32 [tilespmem:s28], [sflag:$0x8], $0x80, s13, s18, $0xb8;
	[tilespmem:$0x1FC00] =	vst v63  }
0x19b: {  	p0 =	sne.s32 s22, $0xC00;
	_ =	swait.ge [sflag:s14], $0x2000  }
.Ltmp0:
0x19c: {  	[sflag:s14] =	ssyncset.done $0x0;
	s26 =	rddreg [dreg:$0x5];
	(pc) =	sbr.rel @p0 .LBB2_2-.Ltmp0, $4  }
0x19d: {  	s11 =	rddreg [dreg:$0x4];
	[sflag:s14] =	ssyncadd.s32 $0xFFFFE000  }
0x19e: {  	[tilespmem:s28], [sflag:$0x5] =	stream.indirect.gather [hbm4b:s0+s18], $0x80, s10, s18, $0xb8;
	[tilespmem:$0x1FC00] =	vst v63  }
0x19f: {  	s22 =	sadd.s32 $0x200, s22;
	s26 =	sadd.s32 s24, s26;
	s24 =	sadd.s32 s24, s11  }
0x1a0: {  	[tilespmem:s16], [sflag:$0x7] =	stream.linear.gather [hbm4b:s26+s4], $0x500, $0x38;
	[tilespmem:$0x1FC00] =	vst v63  }
0x1a1: {  	[tilespmem:s17], [sflag:$0x7] =	stream.linear.gather [hbm4b:s24+s4], $0x500, $0x38;
	[tilespmem:$0x1FC00] =	vst v63  }
0x1a2: {  	_ =	swait.ge [sflag:s29], $0x2000  }
0x1a3: {  	[sflag:s29] =	ssyncset.done $0x0  }
0x1a4: {  	[sflag:s29] =	ssyncadd.s32 $0xFFFFE000  }
0x1a5: {  	[spmem:s3] =	stream.indirect.scatter.add.f32 [tilespmem:s19], [sflag:$0x8], $0x80, s15, s18, $0xb8;
	[tilespmem:$0x1FC00] =	vst v63  }
0x1a6: {  	_ =	swait.ge [sflag:s14], $0x2000  }
0x1a7: {  	[sflag:s14] =	ssyncset.done $0x0  }
0x1a8: {  	s1 =	simm.s32 $0x280;
	[sflag:s14] =	ssyncadd.s32 $0xFFFFE000  }
0x1a9: {  	[tilespmem:s19], [sflag:$0x1] =	stream.indirect.gather [hbm4b:s0+s18], $0x80, s1, s18, $0xb8;
	[tilespmem:$0x1FC00] =	vst v63  }
0x1aa: {  	_ =	swait.ge [sflag:s31], $0x2000  }
0x1ab: {  	[sflag:s31] =	ssyncset.done $0x0  }
0x1ac: {  	s10 =	simm.s32 $0x880;
	[sflag:s31] =	ssyncadd.s32 $0xFFFFE000  }
0x1ad: {  	[spmem:s3] =	stream.indirect.scatter.add.f32 [tilespmem:s21], [sflag:$0x8], $0x80, s10, s18, $0xb8;
	[tilespmem:$0x1FC00] =	vst v63  }
0x1ae: {  	_ =	swait.ge [sflag:s14], $0x2000  }
0x1af: {  	[sflag:s14] =	ssyncset.done $0x0  }
0x1b0: {  	s11 =	simm.s32 $0x300;
	[sflag:s14] =	ssyncadd.s32 $0xFFFFE000  }
0x1b1: {  	[tilespmem:s21], [sflag:$0x2] =	stream.indirect.gather [hbm4b:s0+s18], $0x80, s11, s18, $0xb8;
	[tilespmem:$0x1FC00] =	vst v63  }
0x1b2: {  	_ =	swait.ge [sflag:s5], $0x2000  }
0x1b3: {  	[sflag:s5] =	ssyncset.done $0x0  }
0x1b4: {  	s22 =	simm.s32 $0x900;
	[sflag:s5] =	ssyncadd.s32 $0xFFFFE000  }
0x1b5: {  	[spmem:s3] =	stream.indirect.scatter.add.f32 [tilespmem:s23], [sflag:$0x8], $0x80, s22, s18, $0xb8;
	[tilespmem:$0x1FC00] =	vst v63  }
0x1b6: {  	_ =	swait.ge [sflag:s14], $0x2000  }
0x1b7: {  	[sflag:s14] =	ssyncset.done $0x0  }
0x1b8: {  	s24 =	simm.s32 $0x380;
	[sflag:s14] =	ssyncadd.s32 $0xFFFFE000  }
0x1b9: {  	[tilespmem:s23], [sflag:$0x3] =	stream.indirect.gather [hbm4b:s0+s18], $0x80, s24, s18, $0xb8;
	[tilespmem:$0x1FC00] =	vst v63  }
0x1ba: {  	_ =	swait.ge [sflag:s9], $0x2000  }
0x1bb: {  	[sflag:s9] =	ssyncset.done $0x0  }
0x1bc: {  	s26 =	simm.s32 $0x980;
	[sflag:s9] =	ssyncadd.s32 $0xFFFFE000  }
0x1bd: {  	[spmem:s3] =	stream.indirect.scatter.add.f32 [tilespmem:s25], [sflag:$0x8], $0x80, s26, s18, $0xb8;
	[tilespmem:$0x1FC00] =	vst v63  }
0x1be: {  	_ =	swait.ge [sflag:s14], $0x2000  }
0x1bf: {  	[sflag:s14] =	ssyncset.done $0x0  }
0x1c0: {  	s30 =	simm.s32 $0x400;
	[sflag:s14] =	ssyncadd.s32 $0xFFFFE000  }
0x1c1: {  	[tilespmem:s25], [sflag:$0x4] =	stream.indirect.gather [hbm4b:s0+s18], $0x80, s30, s18, $0xb8;
	[tilespmem:$0x1FC00] =	vst v63  }
0x1c2: {  	_ =	swait.ge [sflag:s12], $0x2000  }
0x1c3: {  	[sflag:s12] =	ssyncset.done $0x0  }
0x1c4: {  	s2 =	simm.s32 $0xA00;
	[sflag:s12] =	ssyncadd.s32 $0xFFFFE000  }
0x1c5: {  	[spmem:s3] =	stream.indirect.scatter.add.f32 [tilespmem:s28], [sflag:$0x8], $0x80, s2, s18, $0xb8;
	[tilespmem:$0x1FC00] =	vst v63  }
0x1c6: {  	_ =	swait.ge [sflag:s14], $0x2000  }
0x1c7: {  	[sflag:s14] =	ssyncset.done $0x0  }
0x1c8: {  	s8 =	simm.s32 $0x480;
	[sflag:s14] =	ssyncadd.s32 $0xFFFFE000  }
0x1c9: {  	[tilespmem:s28], [sflag:$0x5] =	stream.indirect.gather [hbm4b:s0+s18], $0x80, s8, s18, $0xb8;
	[tilespmem:$0x1FC00] =	vst v63  }
0x1ca: {  	_ =	swait.ge [sflag:s20], $0x500  }
0x1cb: {  	[sflag:s20] =	ssyncset.done $0x0  }
0x1cc: {  	[sflag:s20] =	ssyncadd.s32 $0xFFFFFB00  }
0x1cd: {  	_ =	swait.ge [sflag:s20], $0x500  }
0x1ce: {  	[sflag:s20] =	ssyncset.done $0x0  }
0x1cf: {  	[sflag:s20] =	ssyncadd.s32 $0xFFFFFB00  }
0x1d0: {  	_ =	swait.ge [sflag:s29], $0x2000  }
0x1d1: {  	[sflag:s29] =	ssyncset.done $0x0  }
0x1d2: {  	s10 =	simm.s32 $0xA80;
	[sflag:s29] =	ssyncadd.s32 $0xFFFFE000  }
0x1d3: {  	[spmem:s3] =	stream.indirect.scatter.add.f32 [tilespmem:s19], [sflag:$0x8], $0x80, s10, s18, $0xb8;
	[tilespmem:$0x1FC00] =	vst v63  }
0x1d4: {  	_ =	swait.ge [sflag:s14], $0x2000  }
0x1d5: {  	[sflag:s14] =	ssyncset.done $0x0  }
0x1d6: {  	[sflag:s14] =	ssyncadd.s32 $0xFFFFE000  }
0x1d7: {  	[tilespmem:s19], [sflag:$0x1] =	stream.indirect.gather [hbm4b:s0+s18], $0x80, s16, s18, $0xb8;
	[tilespmem:$0x1FC00] =	vst v63  }
0x1d8: {  	_ =	swait.ge [sflag:s31], $0x2000  }
0x1d9: {  	[sflag:s31] =	ssyncset.done $0x0  }
0x1da: {  	s11 =	simm.s32 $0xB00;
	[sflag:s31] =	ssyncadd.s32 $0xFFFFE000  }
0x1db: {  	[spmem:s3] =	stream.indirect.scatter.add.f32 [tilespmem:s21], [sflag:$0x8], $0x80, s11, s18, $0xb8;
	[tilespmem:$0x1FC00] =	vst v63  }
0x1dc: {  	_ =	swait.ge [sflag:s14], $0x2000  }
0x1dd: {  	[sflag:s14] =	ssyncset.done $0x0  }
0x1de: {  	s22 =	simm.s32 $0x1080;
	[sflag:s14] =	ssyncadd.s32 $0xFFFFE000  }
0x1df: {  	[tilespmem:s21], [sflag:$0x2] =	stream.indirect.gather [hbm4b:s0+s18], $0x80, s22, s18, $0xb8;
	[tilespmem:$0x1FC00] =	vst v63  }
0x1e0: {  	_ =	swait.ge [sflag:s5], $0x2000  }
0x1e1: {  	[sflag:s5] =	ssyncset.done $0x0  }
0x1e2: {  	s24 =	simm.s32 $0xB80;
	[sflag:s5] =	ssyncadd.s32 $0xFFFFE000  }
0x1e3: {  	[spmem:s3] =	stream.indirect.scatter.add.f32 [tilespmem:s23], [sflag:$0x8], $0x80, s24, s18, $0xb8;
	[tilespmem:$0x1FC00] =	vst v63  }
0x1e4: {  	_ =	swait.ge [sflag:s14], $0x2000  }
0x1e5: {  	[sflag:s14] =	ssyncset.done $0x0  }
0x1e6: {  	s26 =	simm.s32 $0x1100;
	[sflag:s14] =	ssyncadd.s32 $0xFFFFE000  }
0x1e7: {  	[tilespmem:s23], [sflag:$0x3] =	stream.indirect.gather [hbm4b:s0+s18], $0x80, s26, s18, $0xb8;
	[tilespmem:$0x1FC00] =	vst v63  }
0x1e8: {  	_ =	swait.ge [sflag:s9], $0x2000  }
0x1e9: {  	[sflag:s9] =	ssyncset.done $0x0  }
0x1ea: {  	s30 =	simm.s32 $0xC00;
	[sflag:s9] =	ssyncadd.s32 $0xFFFFE000  }
0x1eb: {  	[spmem:s3] =	stream.indirect.scatter.add.f32 [tilespmem:s25], [sflag:$0x8], $0x80, s30, s18, $0xb8;
	[tilespmem:$0x1FC00] =	vst v63  }
0x1ec: {  	_ =	swait.ge [sflag:s14], $0x2000  }
0x1ed: {  	[sflag:s14] =	ssyncset.done $0x0  }
0x1ee: {  	s2 =	simm.s32 $0x1180;
	[sflag:s14] =	ssyncadd.s32 $0xFFFFE000  }
0x1ef: {  	[tilespmem:s25], [sflag:$0x4] =	stream.indirect.gather [hbm4b:s0+s18], $0x80, s2, s18, $0xb8;
	[tilespmem:$0x1FC00] =	vst v63  }
0x1f0: {  	_ =	swait.ge [sflag:s12], $0x2000  }
0x1f1: {  	[sflag:s12] =	ssyncset.done $0x0  }
0x1f2: {  	s8 =	simm.s32 $0xC80;
	[sflag:s12] =	ssyncadd.s32 $0xFFFFE000  }
0x1f3: {  	[spmem:s3] =	stream.indirect.scatter.add.f32 [tilespmem:s28], [sflag:$0x8], $0x80, s8, s18, $0xb8;
	[tilespmem:$0x1FC00] =	vst v63  }
0x1f4: {  	_ =	swait.ge [sflag:s14], $0x2000  }
0x1f5: {  	[sflag:s14] =	ssyncset.done $0x0  }
0x1f6: {  	s10 =	simm.s32 $0x1200;
	[sflag:s14] =	ssyncadd.s32 $0xFFFFE000  }
0x1f7: {  	[tilespmem:s28], [sflag:$0x5] =	stream.indirect.gather [hbm4b:s0+s18], $0x80, s10, s18, $0xb8;
	[tilespmem:$0x1FC00] =	vst v63  }
0x1f8: {  	_ =	swait.ge [sflag:s29], $0x2000  }
0x1f9: {  	[sflag:s29] =	ssyncset.done $0x0  }
0x1fa: {  	[sflag:s29] =	ssyncadd.s32 $0xFFFFE000  }
0x1fb: {  	[spmem:s3] =	stream.indirect.scatter.add.f32 [tilespmem:s19], [sflag:$0x8], $0x80, s17, s18, $0xb8;
	[tilespmem:$0x1FC00] =	vst v63  }
0x1fc: {  	_ =	swait.ge [sflag:s14], $0x2000  }
0x1fd: {  	[sflag:s14] =	ssyncset.done $0x0  }
0x1fe: {  	s11 =	simm.s32 $0x1280;
	[sflag:s14] =	ssyncadd.s32 $0xFFFFE000  }
0x1ff: {  	[tilespmem:s19], [sflag:$0x1] =	stream.indirect.gather [hbm4b:s0+s18], $0x80, s11, s18, $0xb8;
	[tilespmem:$0x1FC00] =	vst v63  }
0x200: {  	_ =	swait.ge [sflag:s31], $0x2000  }
0x201: {  	[sflag:s31] =	ssyncset.done $0x0  }
0x202: {  	s22 =	simm.s32 $0x1880;
	[sflag:s31] =	ssyncadd.s32 $0xFFFFE000  }
0x203: {  	[spmem:s3] =	stream.indirect.scatter.add.f32 [tilespmem:s21], [sflag:$0x8], $0x80, s22, s18, $0xb8;
	[tilespmem:$0x1FC00] =	vst v63  }
0x204: {  	_ =	swait.ge [sflag:s14], $0x2000  }
0x205: {  	[sflag:s14] =	ssyncset.done $0x0  }
0x206: {  	s24 =	simm.s32 $0x1300;
	[sflag:s14] =	ssyncadd.s32 $0xFFFFE000  }
0x207: {  	[tilespmem:s21], [sflag:$0x2] =	stream.indirect.gather [hbm4b:s0+s18], $0x80, s24, s18, $0xb8;
	[tilespmem:$0x1FC00] =	vst v63  }
0x208: {  	_ =	swait.ge [sflag:s5], $0x2000  }
0x209: {  	[sflag:s5] =	ssyncset.done $0x0  }
0x20a: {  	s26 =	simm.s32 $0x1900;
	[sflag:s5] =	ssyncadd.s32 $0xFFFFE000  }
0x20b: {  	[spmem:s3] =	stream.indirect.scatter.add.f32 [tilespmem:s23], [sflag:$0x8], $0x80, s26, s18, $0xb8;
	[tilespmem:$0x1FC00] =	vst v63  }
0x20c: {  	_ =	swait.ge [sflag:s14], $0x2000  }
0x20d: {  	[sflag:s14] =	ssyncset.done $0x0  }
0x20e: {  	s30 =	simm.s32 $0x1380;
	[sflag:s14] =	ssyncadd.s32 $0xFFFFE000  }
0x20f: {  	[tilespmem:s23], [sflag:$0x3] =	stream.indirect.gather [hbm4b:s0+s18], $0x80, s30, s18, $0xb8;
	[tilespmem:$0x1FC00] =	vst v63  }
0x210: {  	_ =	swait.ge [sflag:s9], $0x2000  }
0x211: {  	[sflag:s9] =	ssyncset.done $0x0  }
0x212: {  	s2 =	simm.s32 $0x1980;
	[sflag:s9] =	ssyncadd.s32 $0xFFFFE000  }
0x213: {  	[spmem:s3] =	stream.indirect.scatter.add.f32 [tilespmem:s25], [sflag:$0x8], $0x80, s2, s18, $0xb8;
	[tilespmem:$0x1FC00] =	vst v63  }
0x214: {  	_ =	swait.ge [sflag:s14], $0x2000  }
0x215: {  	[sflag:s14] =	ssyncset.done $0x0  }
0x216: {  	s8 =	simm.s32 $0x1400;
	[sflag:s14] =	ssyncadd.s32 $0xFFFFE000  }
0x217: {  	[tilespmem:s25], [sflag:$0x4] =	stream.indirect.gather [hbm4b:s0+s18], $0x80, s8, s18, $0xb8;
	[tilespmem:$0x1FC00] =	vst v63  }
0x218: {  	_ =	swait.ge [sflag:s12], $0x2000  }
0x219: {  	[sflag:s12] =	ssyncset.done $0x0  }
0x21a: {  	s10 =	simm.s32 $0x1A00;
	[sflag:s12] =	ssyncadd.s32 $0xFFFFE000  }
0x21b: {  	[spmem:s3] =	stream.indirect.scatter.add.f32 [tilespmem:s28], [sflag:$0x8], $0x80, s10, s18, $0xb8;
	[tilespmem:$0x1FC00] =	vst v63  }
0x21c: {  	_ =	swait.ge [sflag:s14], $0x2000  }
0x21d: {  	[sflag:s14] =	ssyncset.done $0x0  }
0x21e: {  	s11 =	simm.s32 $0x1480;
	[sflag:s14] =	ssyncadd.s32 $0xFFFFE000  }
0x21f: {  	[tilespmem:s28], [sflag:$0x5] =	stream.indirect.gather [hbm4b:s0+s18], $0x80, s11, s18, $0xb8;
	[tilespmem:$0x1FC00] =	vst v63  }
0x220: {  	_ =	swait.ge [sflag:s29], $0x2000  }
0x221: {  	[sflag:s29] =	ssyncset.done $0x0  }
0x222: {  	s22 =	simm.s32 $0x1A80;
	[sflag:s29] =	ssyncadd.s32 $0xFFFFE000  }
0x223: {  	[spmem:s3] =	stream.indirect.scatter.add.f32 [tilespmem:s19], [sflag:$0x8], $0x80, s22, s18, $0xb8;
	[tilespmem:$0x1FC00] =	vst v63  }
0x224: {  	_ =	swait.ge [sflag:s14], $0x2000  }
0x225: {  	[sflag:s14] =	ssyncset.done $0x0  }
0x226: {  	[sflag:s14] =	ssyncadd.s32 $0xFFFFE000  }
0x227: {  	_ =	swait.ge [sflag:s31], $0x2000  }
0x228: {  	[sflag:s31] =	ssyncset.done $0x0  }
0x229: {  	s24 =	simm.s32 $0x1B00;
	[sflag:s31] =	ssyncadd.s32 $0xFFFFE000  }
0x22a: {  	[spmem:s3] =	stream.indirect.scatter.add.f32 [tilespmem:s21], [sflag:$0x8], $0x80, s24, s18, $0xb8;
	[tilespmem:$0x1FC00] =	vst v63  }
0x22b: {  	_ =	swait.ge [sflag:s14], $0x2000  }
0x22c: {  	[sflag:s14] =	ssyncset.done $0x0  }
0x22d: {  	[sflag:s14] =	ssyncadd.s32 $0xFFFFE000  }
0x22e: {  	_ =	swait.ge [sflag:s5], $0x2000  }
0x22f: {  	[sflag:s5] =	ssyncset.done $0x0  }
0x230: {  	s26 =	simm.s32 $0x1B80;
	[sflag:s5] =	ssyncadd.s32 $0xFFFFE000  }
0x231: {  	[spmem:s3] =	stream.indirect.scatter.add.f32 [tilespmem:s23], [sflag:$0x8], $0x80, s26, s18, $0xb8;
	[tilespmem:$0x1FC00] =	vst v63  }
0x232: {  	_ =	swait.ge [sflag:s14], $0x2000  }
0x233: {  	[sflag:s14] =	ssyncset.done $0x0  }
0x234: {  	[sflag:s14] =	ssyncadd.s32 $0xFFFFE000  }
0x235: {  	_ =	swait.ge [sflag:s9], $0x2000  }
0x236: {  	[sflag:s9] =	ssyncset.done $0x0  }
0x237: {  	[sflag:s9] =	ssyncadd.s32 $0xFFFFE000  }
0x238: {  	[spmem:s3] =	stream.indirect.scatter.add.f32 [tilespmem:s25], [sflag:$0x8], $0x80, s6, s18, $0xb8;
	[tilespmem:$0x1FC00] =	vst v63  }
0x239: {  	_ =	swait.ge [sflag:s14], $0x2000  }
0x23a: {  	[sflag:s14] =	ssyncset.done $0x0  }
0x23b: {  	[sflag:s14] =	ssyncadd.s32 $0xFFFFE000  }
0x23c: {  	_ =	swait.ge [sflag:s12], $0x2000  }
0x23d: {  	[sflag:s12] =	ssyncset.done $0x0  }
0x23e: {  	[sflag:s12] =	ssyncadd.s32 $0xFFFFE000  }
0x23f: {  	[spmem:s3] =	stream.indirect.scatter.add.f32 [tilespmem:s28], [sflag:$0x8], $0x80, s13, s18, $0xb8;
	[tilespmem:$0x1FC00] =	vst v63  }
0x240: {  	_ =	swait.ge [sflag:s14], $0x2000  }
0x241: {  	[sflag:s14] =	ssyncset.done $0x0  }
0x242: {  	[sflag:s14] =	ssyncadd.s32 $0xFFFFE000  }
0x243: {  	[bflag:$0x0] =	sbarrier.arrive $0xFFFF  }
0x244: {  	s24 =	rddreg [dreg:$0x9]  }
0x245: {  	s22 =	rddreg [dreg:$0xe]  }
0x246: {  	s26 =	rddreg [dreg:$0x10]  }
0x247: {  	[hbm:s22], [sflag:s24] =	dma.local [spmem:s26], $0x2780  }
0x248: {  	_ =	swait.ge [sflag:s14], $0x2780  }
0x249: {  	s11 =	rddreg [dreg:$0x11]  }
0x24a: {  	s30 =	rddreg [dreg:$0xf];
	s11 =	sadd.s32 $0x1, s11  }
0x24b: {  	p0 =	sne.s32 s11, s30  }
.Ltmp1:
0x24c: {  	_ = 	snop;
	(pc) =	sbr.rel @p0 .LBB2_1-.Ltmp1, $3  }
0x24d: {  	_ =	sdelay $0x1  }
0x24e: {  	s1 =	simm.s32 $0x80;
	s2 =	simm.s32 $0x100;
	[sflag:s14] =	ssyncset.done $0x0  }
0x24f: {  	s8 =	simm.s32 $0x180;
	s10 =	simm.s32 $0x200;
	[sflag:s14] =	ssyncadd.s32 $0xFFFFD880  }
0x250: {  	_ =	sfence.sel $0x180000  }
0x251: {  	[bflag:$0x0] =	sbarrier.arrive $0xFFFF  }
0x252: {  	_ =	strace $0x90000047  }
0x253: {  	s0 =	stileid.u32;
	[bflag:$0x2] =	sbarrier.arrive $0xFFFF  }
0x254: {  	p0 =	sne.s32 s0, $0x0;
	s0 =	rddreg [dreg:$0x3]  }
0x255: {  	s0 =	sadd.s32 @!p0 $0x100000, s0  }
0x256: {  	[sflag:s0] =	ssyncadd.tile.s32 @!p0 $0x1;
	_ =	shalt  }
.Lfunc_end2:
_tile_overlayer_lowered:
.L_overlay_start_2:
0x257: {  	(tag) =	ssettag $0x2  }
0x258: {  	s0 =	rddreg [dreg:$0x0];
	s2 =	stileid.u32  }
0x259: {  	s1 =	rddreg [dreg:$0x1];
	p0 =	sne.s32 s2, $0x0  }
0x25a: {  	s3 =	rddreg [dreg:$0x2];
	[bflag:$0x3] =	sbarrier.arrive $0xFFFF;
	s2 =	simm.s32 @!p0 $0x1C08  }
0x25b: {  	[timem:s3], [sflag:s2] =	dma.local @!p0 [hbm:s0], s1  }
0x25c: {  	s0 =	simm.s32 @!p0 $0x8  }
0x25d: {  	_ =	swait.ge @!p0 [sflag:s0], s1  }
0x25e: {  	s1 =	ssub.s32 @!p0 $0x0, s1;
	[sflag:s0] =	ssyncset.done @!p0 $0x0  }
0x25f: {  	[sflag:s0] =	ssyncadd.s32 @!p0 s1  }
0x260: {  	[bflag:$0x3] =	sbarrier.arrive $0xFFFF  }
0x261: {  	_ =	shalt  }

</sc_bundles>
